<compile_context>
chip_gen: v7x
topology: tpu7x:2x2x1
jax: 0.10.2.dev20260603
libtpu: 0.0.44.dev20260713+nightly
codegen_flags: <defaults>
</compile_context>

<pallas_src>
import functools

import jax
import jax.numpy as jnp
from jax import lax
from jax.experimental import pallas as pl
from jax.experimental.pallas import tpu as pltpu
from jax.experimental.pallas import tpu_sc as plsc

N = 10000
E = 320000
D_IN = 128
D_H = 128
D_OUT = 64

NC = 2
NS = 16

CHUNK = 128
CPT = 160
CPT2 = CPT // 2
EPAD = NS * CPT * CHUNK
NROW = 10112
RPT = NROW // NS
RCH = (128, 128, 128, 128, 120)

BS = 400
NB = N // BS
GRID = 2 * NB



def _zero_acc(z_hbm, stage_v, acc_sh, s, sem=None):
    pltpu.sync_copy(z_hbm, stage_v)
    off = 0
    cps = []
    for sz in RCH:
        dst = acc_sh.at[pl.ds(s * RPT + off, sz)]
        if sem is None:
            pltpu.sync_copy(stage_v.at[pl.ds(0, sz)], dst)
        else:
            cps.append(pltpu.async_copy(stage_v.at[pl.ds(0, sz)], dst, sem))
        off += sz
    for cp in cps:
        cp.wait()


def _copy_out(acc_sh, stage_v, o_hbm, c, s, bufs=None):
    if bufs is None:
        off = 0
        for sz in RCH:
            pltpu.sync_copy(acc_sh.at[pl.ds(s * RPT + off, sz)],
                            stage_v.at[pl.ds(0, sz)])
            pltpu.sync_copy(stage_v.at[pl.ds(0, sz)],
                            o_hbm.at[c, pl.ds(s * RPT + off, sz)])
            off += sz
        return
    rows = bufs[:2]
    sems = bufs[2:]
    hs = {}
    off = 0
    for k, sz in enumerate(RCH):
        b = k & 1
        if k >= 2:
            hs[k - 2].wait()
        pltpu.sync_copy(acc_sh.at[pl.ds(s * RPT + off, sz)],
                        rows[b].at[pl.ds(0, sz)])
        hs[k] = pltpu.async_copy(rows[b].at[pl.ds(0, sz)],
                                 o_hbm.at[c, pl.ds(s * RPT + off, sz)],
                                 sems[b])
        off += sz
    hs[len(RCH) - 2].wait()
    hs[len(RCH) - 1].wait()


IB = 8


def _make_agg(chunks, d):
    mesh = plsc.VectorSubcoreMesh(core_axis_name="c", subcore_axis_name="s")
    scratch = [
        pltpu.VMEM((IB, CHUNK), jnp.int32),
        pltpu.VMEM((IB, CHUNK), jnp.int32),
        pltpu.VMEM((CHUNK, d), jnp.float32),
        pltpu.VMEM((CHUNK, d), jnp.float32),
        pltpu.VMEM_SHARED((NROW, d), jnp.float32),
        pltpu.SemaphoreType.DMA,
        pltpu.SemaphoreType.DMA,
    ]

    @functools.partial(pl.kernel,
                       out_type=jax.ShapeDtypeStruct((NC, NROW, d),
                                                     jnp.float32),
                       mesh=mesh, scratch_types=scratch)
    def agg(p_hbm, src_hbm, dst_hbm, zrow_hbm, s_hbm,
            src_blk, dst_blk, rows0, rows1, acc_sh, sem0, sem1):
        c = lax.axis_index("c")
        s = lax.axis_index("s")
        rows = (rows0, rows1)
        sems = (sem0, sem1)

        _zero_acc(zrow_hbm, rows0, acc_sh, s, sem0)
        plsc.subcore_barrier()

        def outer(ob, carry):
            pltpu.sync_copy(src_hbm.at[c, s, ob], src_blk)
            pltpu.sync_copy(dst_hbm.at[c, s, ob], dst_blk)
            cps = [pltpu.async_copy(p_hbm.at[src_blk.at[0]], rows[0],
                                    sems[0])]
            for j in range(1, IB):
                b = j & 1
                cps.append(pltpu.async_copy(p_hbm.at[src_blk.at[j]],
                                            rows[b], sems[b]))
                cps[j - 1].wait()
                pltpu.sync_copy(rows[(j - 1) & 1],
                                acc_sh.at[dst_blk.at[j - 1]], add=True)
            cps[IB - 1].wait()
            pltpu.sync_copy(rows[(IB - 1) & 1],
                            acc_sh.at[dst_blk.at[IB - 1]], add=True)
            return carry

        lax.fori_loop(0, chunks // IB, outer, 0)
        plsc.subcore_barrier()

        _copy_out(acc_sh, rows0, s_hbm, c, s, (rows0, rows1, sem0, sem1))

    return agg


def _make_cnt():
    mesh = plsc.VectorSubcoreMesh(core_axis_name="c", subcore_axis_name="s")
    scratch = [
        pltpu.VMEM((IB, CHUNK), jnp.int32),
        pltpu.VMEM((CHUNK, D_H), jnp.float32),
        pltpu.VMEM_SHARED((NROW, D_H), jnp.float32),
        pltpu.SemaphoreType.DMA,
    ]

    @functools.partial(pl.kernel,
                       out_type=jax.ShapeDtypeStruct((NC, NROW, D_H),
                                                     jnp.float32),
                       mesh=mesh, scratch_types=scratch)
    def cntk(dst_hbm, zrow_hbm, one_hbm, cnt_hbm, dst_blk, ones_v, acc_sh,
             sem):
        c = lax.axis_index("c")
        s = lax.axis_index("s")

        _zero_acc(zrow_hbm, ones_v, acc_sh, s, sem)
        pltpu.sync_copy(one_hbm, ones_v)
        plsc.subcore_barrier()

        def outer(ob, carry):
            pltpu.sync_copy(dst_hbm.at[c, s, ob], dst_blk)
            cps = [pltpu.async_copy(ones_v, acc_sh.at[dst_blk.at[j]], sem,
                                    add=True)
                   for j in range(IB)]
            for cp in cps:
                cp.wait()
            return carry

        lax.fori_loop(0, CPT2 // IB, outer, 0)
        plsc.subcore_barrier()

        _copy_out(acc_sh, ones_v, cnt_hbm, c, s)

    return cntk


_agg01 = _make_agg(CPT, D_H)
_agg2 = _make_agg(CPT2, D_H)
_cnt = _make_cnt()



def _pre_body(x_ref, n_ref, wl_ref, wr_ref, bl_ref, p_ref, q_ref):
    b = pl.program_id(0)
    xb = x_ref[...]
    nb = n_ref[...]
    nn = jnp.sqrt(jnp.sum(nb * nb, axis=1, keepdims=True))
    noisy = xb + jnp.sign(xb) * (nb / jnp.maximum(nn, 1e-12)) * 0.3
    xx = jnp.where(b >= NB, noisy, xb)
    p_ref[...] = jnp.dot(xx, wl_ref[...], preferred_element_type=jnp.float32)
    q_ref[...] = (jnp.dot(xx, wr_ref[...], preferred_element_type=jnp.float32)
                  + bl_ref[...])


def _tc_pre(x, noise, wlt, wrt, bl):
    return pl.pallas_call(
        _pre_body,
        grid=(GRID,),
        in_specs=[
            pl.BlockSpec((BS, D_IN), lambda b: (b % NB, 0)),
            pl.BlockSpec((BS, D_IN), lambda b: (b % NB, 0)),
            pl.BlockSpec((D_IN, D_H), lambda b: (0, 0)),
            pl.BlockSpec((D_IN, D_H), lambda b: (0, 0)),
            pl.BlockSpec((1, D_H), lambda b: (0, 0)),
        ],
        out_specs=[
            pl.BlockSpec((BS, D_H), lambda b: (b, 0)),
            pl.BlockSpec((BS, D_H), lambda b: (b, 0)),
        ],
        out_shape=[
            jax.ShapeDtypeStruct((2 * N, D_H), jnp.float32),
            jax.ShapeDtypeStruct((2 * N, D_H), jnp.float32),
        ],
    )(x, noise, wlt, wrt, bl)


def _mid_body(s_ref, c0_ref, c1_ref, q_ref, wl_ref, wr_ref, bl_ref,
              h_ref, p_ref, q2_ref):
    cnt = c0_ref[0][:, :1] + c1_ref[0][:, :1]
    recip = 1.0 / jnp.maximum(cnt, 1.0)
    h = jnp.maximum(s_ref[0] * recip + q_ref[...], 0.0)
    h_ref[...] = h
    p_ref[...] = jnp.dot(h, wl_ref[...], preferred_element_type=jnp.float32)
    q2_ref[...] = (jnp.dot(h, wr_ref[...], preferred_element_type=jnp.float32)
                   + bl_ref[...])


def _tc_mid(seg, cnt, q, wlt, wrt, bl):
    return pl.pallas_call(
        _mid_body,
        grid=(GRID,),
        in_specs=[
            pl.BlockSpec((1, BS, D_H), lambda b: (b // NB, b % NB, 0)),
            pl.BlockSpec((1, BS, D_H), lambda b: (0, b % NB, 0)),
            pl.BlockSpec((1, BS, D_H), lambda b: (1, b % NB, 0)),
            pl.BlockSpec((BS, D_H), lambda b: (b, 0)),
            pl.BlockSpec((D_H, D_H), lambda b: (0, 0)),
            pl.BlockSpec((D_H, D_H), lambda b: (0, 0)),
            pl.BlockSpec((1, D_H), lambda b: (0, 0)),
        ],
        out_specs=[
            pl.BlockSpec((BS, D_H), lambda b: (b, 0)),
            pl.BlockSpec((BS, D_H), lambda b: (b, 0)),
            pl.BlockSpec((BS, D_H), lambda b: (b, 0)),
        ],
        out_shape=[
            jax.ShapeDtypeStruct((2 * N, D_H), jnp.float32),
            jax.ShapeDtypeStruct((2 * N, D_H), jnp.float32),
            jax.ShapeDtypeStruct((2 * N, D_H), jnp.float32),
        ],
    )(seg, cnt, cnt, q, wlt, wrt, bl)


def _mid2_body(s_ref, c0_ref, c1_ref, q_ref, wl_ref, wr_ref, bl_ref,
               h_ref, p_ref, q2_ref):
    cnt = c0_ref[0][:, :1] + c1_ref[0][:, :1]
    recip = 1.0 / jnp.maximum(cnt, 1.0)
    hp = jnp.maximum(s_ref[0] * recip + q_ref[0], 0.0)
    hn = jnp.maximum(s_ref[1] * recip + q_ref[1], 0.0)
    h_ref[0] = hp
    h_ref[1] = hn
    wl = wl_ref[...]
    p_ref[...] = jnp.concatenate(
        [jnp.dot(hp, wl, preferred_element_type=jnp.float32),
         jnp.dot(hn, wl, preferred_element_type=jnp.float32)], axis=1)
    wr = wr_ref[...]
    q2_ref[0] = (jnp.dot(hp, wr, preferred_element_type=jnp.float32)
                 + bl_ref[...])
    q2_ref[1] = (jnp.dot(hn, wr, preferred_element_type=jnp.float32)
                 + bl_ref[...])


def _tc_mid2(seg, cnt, q2d, wlt, wrt, bl):
    return pl.pallas_call(
        _mid2_body,
        grid=(NB,),
        in_specs=[
            pl.BlockSpec((NC, BS, D_H), lambda b: (0, b, 0)),
            pl.BlockSpec((1, BS, D_H), lambda b: (0, b, 0)),
            pl.BlockSpec((1, BS, D_H), lambda b: (1, b, 0)),
            pl.BlockSpec((NC, BS, D_H), lambda b: (0, b, 0)),
            pl.BlockSpec((D_H, D_OUT), lambda b: (0, 0)),
            pl.BlockSpec((D_H, D_OUT), lambda b: (0, 0)),
            pl.BlockSpec((1, D_OUT), lambda b: (0, 0)),
        ],
        out_specs=[
            pl.BlockSpec((NC, BS, D_H), lambda b: (0, b, 0)),
            pl.BlockSpec((BS, 2 * D_OUT), lambda b: (b, 0)),
            pl.BlockSpec((NC, BS, D_OUT), lambda b: (0, b, 0)),
        ],
        out_shape=[
            jax.ShapeDtypeStruct((NC, N, D_H), jnp.float32),
            jax.ShapeDtypeStruct((N, 2 * D_OUT), jnp.float32),
            jax.ShapeDtypeStruct((NC, N, D_OUT), jnp.float32),
        ],
    )(seg, cnt, cnt, q2d, wlt, wrt, bl)


def _fin_body(s_ref, c0_ref, c1_ref, q_ref, z_ref, y_ref):
    cnt = c0_ref[0][:, :1] + c1_ref[0][:, :1]
    recip = 1.0 / jnp.maximum(cnt, 1.0)
    stot = s_ref[0] + s_ref[1]
    for br in range(NC):
        z = stot[:, br * D_OUT:(br + 1) * D_OUT] * recip + q_ref[br]
        z_ref[br] = z
        m = jnp.max(z, axis=1, keepdims=True)
        e = jnp.exp(z - m)
        y_ref[br] = (z - m) - jnp.log(jnp.sum(e, axis=1, keepdims=True))


def _tc_fin(seg, cnt, q):
    return pl.pallas_call(
        _fin_body,
        grid=(NB,),
        in_specs=[
            pl.BlockSpec((NC, BS, 2 * D_OUT), lambda b: (0, b, 0)),
            pl.BlockSpec((1, BS, D_H), lambda b: (0, b, 0)),
            pl.BlockSpec((1, BS, D_H), lambda b: (1, b, 0)),
            pl.BlockSpec((NC, BS, D_OUT), lambda b: (0, b, 0)),
        ],
        out_specs=[
            pl.BlockSpec((NC, BS, D_OUT), lambda b: (0, b, 0)),
            pl.BlockSpec((NC, BS, D_OUT), lambda b: (0, b, 0)),
        ],
        out_shape=[
            jax.ShapeDtypeStruct((NC, N, D_OUT), jnp.float32),
            jax.ShapeDtypeStruct((NC, N, D_OUT), jnp.float32),
        ],
    )(seg, cnt, cnt, q)



def kernel(x, noise, Wl0, bl0, Wr0, Wl1, bl1, Wr1, Wl2, bl2, Wr2, edge_index):
    src = edge_index[0]
    dst = edge_index[1]

    pad = EPAD - E
    src_p = jnp.concatenate([src, jnp.zeros((pad,), jnp.int32)])
    dst_p = jnp.concatenate(
        [dst, N + (jnp.arange(pad, dtype=jnp.int32) % NS)])
    src2 = jnp.stack([src_p, src_p + N]).reshape(NC, NS, CPT // IB, IB, CHUNK)
    dst_t = jnp.broadcast_to(dst_p.reshape(1, NS, CPT // IB, IB, CHUNK),
                             (NC, NS, CPT // IB, IB, CHUNK))
    src_s = src_p.reshape(NC, NS, CPT2 // IB, IB, CHUNK)
    dst_s = dst_p.reshape(NC, NS, CPT2 // IB, IB, CHUNK)

    zrow = jnp.zeros((CHUNK, D_H), jnp.float32)
    ones = jnp.ones((CHUNK, D_H), jnp.float32)

    cnt = _cnt(dst_s, zrow, ones)
    p0, q0 = _tc_pre(x, noise, Wl0.T, Wr0.T, bl0.reshape(1, -1))
    s0 = _agg01(p0, src2, dst_t, zrow)
    h1, p1, q1 = _tc_mid(s0, cnt, q0, Wl1.T, Wr1.T, bl1.reshape(1, -1))
    s1 = _agg01(p1, src2, dst_t, zrow)
    h2, p2, q2 = _tc_mid2(s1, cnt, q1.reshape(NC, N, D_H),
                          Wl2.T, Wr2.T, bl2.reshape(1, -1))
    s2 = _agg2(p2, src_s, dst_s, zrow)
    z, y = _tc_fin(s2, cnt, q2)

    return (h2[0], y[0], z[0], h2[1], y[1], z[1])

# --- scband reference (transcript-rebuilt; emitter-appended) ---
"""Pipeline reference for scband-sagepl-40003325394971 (READ-ONLY COPY).

The authoritative reference and input builder live on the scoring server;
editing this copy changes nothing except your own understanding.
"""

import jax, jax.numpy as jnp
import numpy as np

N = 10000
E = 320000
D_IN = 128
D_H = 128
D_OUT = 64


def _l2norm(v):
    n = jnp.sqrt(jnp.sum(v * v, axis=1, keepdims=True))
    return v / jnp.maximum(n, 1e-12)


def _sage(x, src, dst, Wl, bl, Wr):
    # PyG SAGEConv (mean aggregation): lin_l(mean_{j in N(i)} x_j) + lin_r(x_i)
    msg = x[src]
    s = jax.ops.segment_sum(msg, dst, num_segments=N)
    cnt = jax.ops.segment_sum(jnp.ones((src.shape[0], 1), x.dtype), dst, num_segments=N)
    mean = s / jnp.maximum(cnt, 1.0)
    return mean @ Wl.T + bl + x @ Wr.T


def setup_inputs(seed: int = 0) -> dict:
    key = jax.random.key(seed)
    ks = jax.random.split(key, 12)

    def w(k, o, i):
        return jax.random.normal(k, (o, i), jnp.float32) / np.sqrt(i)

    return {
        "x": jax.random.normal(ks[0], (N, D_IN), jnp.float32),
        "noise": jax.random.normal(ks[1], (N, D_IN), jnp.float32),
        "Wl0": w(ks[2], D_H, D_IN), "bl0": jnp.zeros((D_H,), jnp.float32), "Wr0": w(ks[3], D_H, D_IN),
        "Wl1": w(ks[4], D_H, D_H), "bl1": jnp.zeros((D_H,), jnp.float32), "Wr1": w(ks[5], D_H, D_H),
        "Wl2": w(ks[6], D_OUT, D_H), "bl2": jnp.zeros((D_OUT,), jnp.float32), "Wr2": w(ks[7], D_OUT, D_H),
        "edge_index": jax.random.randint(ks[8], (2, E), 0, N, jnp.int32),
    }


def reference(x, noise, Wl0, bl0, Wr0, Wl1, bl1, Wr1, Wl2, bl2, Wr2, edge_index):
    src, dst = edge_index[0], edge_index[1]

    def branch(xx):
        out = _sage(xx, src, dst, Wl0, bl0, Wr0)
        out = jax.nn.relu(out)  # dropout is identity in eval mode
        out = _sage(out, src, dst, Wl1, bl1, Wr1)
        out = jax.nn.relu(out)
        h = out
        out = _sage(out, src, dst, Wl2, bl2, Wr2)
        return (h, jax.nn.log_softmax(out, axis=1), out)

    h_pure, y_pure, z_pure = branch(x)
    noisy_x = x + jnp.sign(x) * _l2norm(noise) * 0.3
    h_noisy, y_noisy, z_noisy = branch(noisy_x)
    return (h_pure, y_pure, z_pure, h_noisy, y_noisy, z_noisy)

if __name__ == "__main__":
    import jax
    _d = setup_inputs()
    print(jax.jit(kernel)(*tuple(_d.values())))

</pallas_src>

<mosaic_0001>
#map = affine_map<(d0, d1) -> (0, 0)>
#map1 = affine_map<(d0, d1) -> (0, 0, 0, 0, 0)>
#map2 = affine_map<(d0, d1) -> (0, 0, 0)>
module attributes {stable_mosaic.version = 14 : i64} {
  func.func @agg(%arg0: i32, %arg1: i32, %arg2: memref<20000x128xf32, #tpu.memory_space<hbm>>, %arg3: memref<2x16x20x8x128xi32, #tpu.memory_space<hbm>>, %arg4: memref<2x16x20x8x128xi32, #tpu.memory_space<hbm>>, %arg5: memref<128x128xf32, #tpu.memory_space<hbm>>, %arg6: memref<2x10112x128xf32, #tpu.memory_space<hbm>>, %arg7: memref<8x128xi32, #tpu.memory_space<vmem>>, %arg8: memref<8x128xi32, #tpu.memory_space<vmem>>, %arg9: memref<128x128xf32, #tpu.memory_space<vmem>>, %arg10: memref<128x128xf32, #tpu.memory_space<vmem>>, %arg11: memref<10112x128xf32, #tpu.memory_space<vmem_shared>>, %arg12: memref<!tpu.dma_semaphore, #tpu.memory_space<semaphore_mem>>, %arg13: memref<!tpu.dma_semaphore, #tpu.memory_space<semaphore_mem>>) attributes {dimension_semantics = [#tpu.dimension_semantics<core_parallel>, #tpu.dimension_semantics<subcore_parallel>], iteration_bounds = array<i64: 2, 16>, scalar_prefetch = 0 : i64, scratch_operands = 7 : i64, tpu.core_type = #tpu.core_type<sc_vector_subcore>, window_params = [{transform_indices = #map}, {transform_indices = #map1}, {transform_indices = #map1}, {transform_indices = #map}, {transform_indices = #map2}]} {
    "tpu.region"() ({
      %run_scoped3A = tpu.sem_alloc : memref<!tpu.dma_semaphore, #tpu.memory_space<semaphore_mem>>
      tpu.enqueue_dma source(%arg5 : memref<128x128xf32, #tpu.memory_space<hbm>>) target(%arg9 : memref<128x128xf32, #tpu.memory_space<vmem>>) target_semaphore(%run_scoped3A : memref<!tpu.dma_semaphore, #tpu.memory_space<semaphore_mem>>)
      tpu.wait_dma2 semaphore(%run_scoped3A : memref<!tpu.dma_semaphore, #tpu.memory_space<semaphore_mem>>) src(%arg5 : memref<128x128xf32, #tpu.memory_space<hbm>>) dst(%arg9 : memref<128x128xf32, #tpu.memory_space<vmem>>)
      tpu.yield
    }) : () -> ()
    %mul3A = arith.constant 632 : i32
    %mul3A_0 = arith.muli %arg1, %mul3A : i32
    %add3A = arith.constant 0 : i32
    %add3A_1 = arith.addi %mul3A_0, %add3A : i32
    %dma_start3A = arith.constant 0 : i32
    %dma_start3A_2 = arith.constant 0 : i32
    %dma_start3A_3 = tpu.memref_slice %arg9[%dma_start3A, %dma_start3A_2] : memref<128x128xf32, #tpu.memory_space<vmem>> -> memref<128x128xf32, #tpu.memory_space<vmem>>
    %dma_start3A_4 = arith.constant 0 : i32
    %dma_start3A_5 = tpu.memref_slice %arg11[%add3A_1, %dma_start3A_4] : memref<10112x128xf32, #tpu.memory_space<vmem_shared>> -> memref<128x128xf32, #tpu.memory_space<vmem_shared>>
    %dma_start3A_6 = arith.constant 0 : i32
    %dma_start3A_7 = tpu.memref_slice %arg11[%add3A_1, %dma_start3A_6] : memref<10112x128xf32, #tpu.memory_space<vmem_shared>> -> memref<128x128xf32, #tpu.memory_space<vmem_shared>>
    %dma_start3A_8 = arith.constant 0 : i32
    %dma_start3A_9 = arith.constant 0 : i32
    %dma_start3A_10 = tpu.memref_slice %arg9[%dma_start3A_8, %dma_start3A_9] : memref<128x128xf32, #tpu.memory_space<vmem>> -> memref<128x128xf32, #tpu.memory_space<vmem>>
    tpu.enqueue_dma source(%dma_start3A_10 : memref<128x128xf32, #tpu.memory_space<vmem>>) target(%dma_start3A_7 : memref<128x128xf32, #tpu.memory_space<vmem_shared>>) target_semaphore(%arg12 : memref<!tpu.dma_semaphore, #tpu.memory_space<semaphore_mem>>)
    %mul3A_11 = arith.constant 632 : i32
    %mul3A_12 = arith.muli %arg1, %mul3A_11 : i32
    %add3A_13 = arith.constant 128 : i32
    %add3A_14 = arith.addi %mul3A_12, %add3A_13 : i32
    %dma_start3A_15 = arith.constant 0 : i32
    %dma_start3A_16 = arith.constant 0 : i32
    %dma_start3A_17 = tpu.memref_slice %arg9[%dma_start3A_15, %dma_start3A_16] : memref<128x128xf32, #tpu.memory_space<vmem>> -> memref<128x128xf32, #tpu.memory_space<vmem>>
    %dma_start3A_18 = arith.constant 0 : i32
    %dma_start3A_19 = tpu.memref_slice %arg11[%add3A_14, %dma_start3A_18] : memref<10112x128xf32, #tpu.memory_space<vmem_shared>> -> memref<128x128xf32, #tpu.memory_space<vmem_shared>>
    %dma_start3A_20 = arith.constant 0 : i32
    %dma_start3A_21 = tpu.memref_slice %arg11[%add3A_14, %dma_start3A_20] : memref<10112x128xf32, #tpu.memory_space<vmem_shared>> -> memref<128x128xf32, #tpu.memory_space<vmem_shared>>
    %dma_start3A_22 = arith.constant 0 : i32
    %dma_start3A_23 = arith.constant 0 : i32
    %dma_start3A_24 = tpu.memref_slice %arg9[%dma_start3A_22, %dma_start3A_23] : memref<128x128xf32, #tpu.memory_space<vmem>> -> memref<128x128xf32, #tpu.memory_space<vmem>>
    tpu.enqueue_dma source(%dma_start3A_24 : memref<128x128xf32, #tpu.memory_space<vmem>>) target(%dma_start3A_21 : memref<128x128xf32, #tpu.memory_space<vmem_shared>>) target_semaphore(%arg12 : memref<!tpu.dma_semaphore, #tpu.memory_space<semaphore_mem>>)
    %mul3A_25 = arith.constant 632 : i32
    %mul3A_26 = arith.muli %arg1, %mul3A_25 : i32
    %add3A_27 = arith.constant 256 : i32
    %add3A_28 = arith.addi %mul3A_26, %add3A_27 : i32
    %dma_start3A_29 = arith.constant 0 : i32
    %dma_start3A_30 = arith.constant 0 : i32
    %dma_start3A_31 = tpu.memref_slice %arg9[%dma_start3A_29, %dma_start3A_30] : memref<128x128xf32, #tpu.memory_space<vmem>> -> memref<128x128xf32, #tpu.memory_space<vmem>>
    %dma_start3A_32 = arith.constant 0 : i32
    %dma_start3A_33 = tpu.memref_slice %arg11[%add3A_28, %dma_start3A_32] : memref<10112x128xf32, #tpu.memory_space<vmem_shared>> -> memref<128x128xf32, #tpu.memory_space<vmem_shared>>
    %dma_start3A_34 = arith.constant 0 : i32
    %dma_start3A_35 = tpu.memref_slice %arg11[%add3A_28, %dma_start3A_34] : memref<10112x128xf32, #tpu.memory_space<vmem_shared>> -> memref<128x128xf32, #tpu.memory_space<vmem_shared>>
    %dma_start3A_36 = arith.constant 0 : i32
    %dma_start3A_37 = arith.constant 0 : i32
    %dma_start3A_38 = tpu.memref_slice %arg9[%dma_start3A_36, %dma_start3A_37] : memref<128x128xf32, #tpu.memory_space<vmem>> -> memref<128x128xf32, #tpu.memory_space<vmem>>
    tpu.enqueue_dma source(%dma_start3A_38 : memref<128x128xf32, #tpu.memory_space<vmem>>) target(%dma_start3A_35 : memref<128x128xf32, #tpu.memory_space<vmem_shared>>) target_semaphore(%arg12 : memref<!tpu.dma_semaphore, #tpu.memory_space<semaphore_mem>>)
    %mul3A_39 = arith.constant 632 : i32
    %mul3A_40 = arith.muli %arg1, %mul3A_39 : i32
    %add3A_41 = arith.constant 384 : i32
    %add3A_42 = arith.addi %mul3A_40, %add3A_41 : i32
    %dma_start3A_43 = arith.constant 0 : i32
    %dma_start3A_44 = arith.constant 0 : i32
    %dma_start3A_45 = tpu.memref_slice %arg9[%dma_start3A_43, %dma_start3A_44] : memref<128x128xf32, #tpu.memory_space<vmem>> -> memref<128x128xf32, #tpu.memory_space<vmem>>
    %dma_start3A_46 = arith.constant 0 : i32
    %dma_start3A_47 = tpu.memref_slice %arg11[%add3A_42, %dma_start3A_46] : memref<10112x128xf32, #tpu.memory_space<vmem_shared>> -> memref<128x128xf32, #tpu.memory_space<vmem_shared>>
    %dma_start3A_48 = arith.constant 0 : i32
    %dma_start3A_49 = tpu.memref_slice %arg11[%add3A_42, %dma_start3A_48] : memref<10112x128xf32, #tpu.memory_space<vmem_shared>> -> memref<128x128xf32, #tpu.memory_space<vmem_shared>>
    %dma_start3A_50 = arith.constant 0 : i32
    %dma_start3A_51 = arith.constant 0 : i32
    %dma_start3A_52 = tpu.memref_slice %arg9[%dma_start3A_50, %dma_start3A_51] : memref<128x128xf32, #tpu.memory_space<vmem>> -> memref<128x128xf32, #tpu.memory_space<vmem>>
    tpu.enqueue_dma source(%dma_start3A_52 : memref<128x128xf32, #tpu.memory_space<vmem>>) target(%dma_start3A_49 : memref<128x128xf32, #tpu.memory_space<vmem_shared>>) target_semaphore(%arg12 : memref<!tpu.dma_semaphore, #tpu.memory_space<semaphore_mem>>)
    %mul3A_53 = arith.constant 632 : i32
    %mul3A_54 = arith.muli %arg1, %mul3A_53 : i32
    %add3A_55 = arith.constant 512 : i32
    %add3A_56 = arith.addi %mul3A_54, %add3A_55 : i32
    %dma_start3A_57 = arith.constant 0 : i32
    %dma_start3A_58 = arith.constant 0 : i32
    %dma_start3A_59 = tpu.memref_slice %arg9[%dma_start3A_57, %dma_start3A_58] : memref<128x128xf32, #tpu.memory_space<vmem>> -> memref<120x128xf32, #tpu.memory_space<vmem>>
    %dma_start3A_60 = arith.constant 0 : i32
    %dma_start3A_61 = tpu.memref_slice %arg11[%add3A_56, %dma_start3A_60] : memref<10112x128xf32, #tpu.memory_space<vmem_shared>> -> memref<120x128xf32, #tpu.memory_space<vmem_shared>>
    %dma_start3A_62 = arith.constant 0 : i32
    %dma_start3A_63 = tpu.memref_slice %arg11[%add3A_56, %dma_start3A_62] : memref<10112x128xf32, #tpu.memory_space<vmem_shared>> -> memref<120x128xf32, #tpu.memory_space<vmem_shared>>
    %dma_start3A_64 = arith.constant 0 : i32
    %dma_start3A_65 = arith.constant 0 : i32
    %dma_start3A_66 = tpu.memref_slice %arg9[%dma_start3A_64, %dma_start3A_65] : memref<128x128xf32, #tpu.memory_space<vmem>> -> memref<120x128xf32, #tpu.memory_space<vmem>>
    tpu.enqueue_dma source(%dma_start3A_66 : memref<120x128xf32, #tpu.memory_space<vmem>>) target(%dma_start3A_63 : memref<120x128xf32, #tpu.memory_space<vmem_shared>>) target_semaphore(%arg12 : memref<!tpu.dma_semaphore, #tpu.memory_space<semaphore_mem>>)
    %dma_wait3A = arith.constant 0 : i32
    %dma_wait3A_67 = arith.constant 0 : i32
    %dma_wait3A_68 = tpu.memref_slice %arg9[%dma_wait3A, %dma_wait3A_67] : memref<128x128xf32, #tpu.memory_space<vmem>> -> memref<128x128xf32, #tpu.memory_space<vmem>>
    %dma_wait3A_69 = arith.constant 0 : i32
    %dma_wait3A_70 = tpu.memref_slice %arg11[%add3A_1, %dma_wait3A_69] : memref<10112x128xf32, #tpu.memory_space<vmem_shared>> -> memref<128x128xf32, #tpu.memory_space<vmem_shared>>
    %dma_wait3A_71 = arith.constant 0 : i32
    %dma_wait3A_72 = tpu.memref_slice %arg11[%add3A_1, %dma_wait3A_71] : memref<10112x128xf32, #tpu.memory_space<vmem_shared>> -> memref<128x128xf32, #tpu.memory_space<vmem_shared>>
    %dma_wait3A_73 = arith.constant 0 : i32
    %dma_wait3A_74 = arith.constant 0 : i32
    %dma_wait3A_75 = tpu.memref_slice %arg9[%dma_wait3A_73, %dma_wait3A_74] : memref<128x128xf32, #tpu.memory_space<vmem>> -> memref<128x128xf32, #tpu.memory_space<vmem>>
    tpu.wait_dma2 semaphore(%arg12 : memref<!tpu.dma_semaphore, #tpu.memory_space<semaphore_mem>>) src(%dma_wait3A_75 : memref<128x128xf32, #tpu.memory_space<vmem>>) dst(%dma_wait3A_72 : memref<128x128xf32, #tpu.memory_space<vmem_shared>>)
    %dma_wait3A_76 = arith.constant 0 : i32
    %dma_wait3A_77 = arith.constant 0 : i32
    %dma_wait3A_78 = tpu.memref_slice %arg9[%dma_wait3A_76, %dma_wait3A_77] : memref<128x128xf32, #tpu.memory_space<vmem>> -> memref<128x128xf32, #tpu.memory_space<vmem>>
    %dma_wait3A_79 = arith.constant 0 : i32
    %dma_wait3A_80 = tpu.memref_slice %arg11[%add3A_14, %dma_wait3A_79] : memref<10112x128xf32, #tpu.memory_space<vmem_shared>> -> memref<128x128xf32, #tpu.memory_space<vmem_shared>>
    %dma_wait3A_81 = arith.constant 0 : i32
    %dma_wait3A_82 = tpu.memref_slice %arg11[%add3A_14, %dma_wait3A_81] : memref<10112x128xf32, #tpu.memory_space<vmem_shared>> -> memref<128x128xf32, #tpu.memory_space<vmem_shared>>
    %dma_wait3A_83 = arith.constant 0 : i32
    %dma_wait3A_84 = arith.constant 0 : i32
    %dma_wait3A_85 = tpu.memref_slice %arg9[%dma_wait3A_83, %dma_wait3A_84] : memref<128x128xf32, #tpu.memory_space<vmem>> -> memref<128x128xf32, #tpu.memory_space<vmem>>
    tpu.wait_dma2 semaphore(%arg12 : memref<!tpu.dma_semaphore, #tpu.memory_space<semaphore_mem>>) src(%dma_wait3A_85 : memref<128x128xf32, #tpu.memory_space<vmem>>) dst(%dma_wait3A_82 : memref<128x128xf32, #tpu.memory_space<vmem_shared>>)
    %dma_wait3A_86 = arith.constant 0 : i32
    %dma_wait3A_87 = arith.constant 0 : i32
    %dma_wait3A_88 = tpu.memref_slice %arg9[%dma_wait3A_86, %dma_wait3A_87] : memref<128x128xf32, #tpu.memory_space<vmem>> -> memref<128x128xf32, #tpu.memory_space<vmem>>
    %dma_wait3A_89 = arith.constant 0 : i32
    %dma_wait3A_90 = tpu.memref_slice %arg11[%add3A_28, %dma_wait3A_89] : memref<10112x128xf32, #tpu.memory_space<vmem_shared>> -> memref<128x128xf32, #tpu.memory_space<vmem_shared>>
    %dma_wait3A_91 = arith.constant 0 : i32
    %dma_wait3A_92 = tpu.memref_slice %arg11[%add3A_28, %dma_wait3A_91] : memref<10112x128xf32, #tpu.memory_space<vmem_shared>> -> memref<128x128xf32, #tpu.memory_space<vmem_shared>>
    %dma_wait3A_93 = arith.constant 0 : i32
    %dma_wait3A_94 = arith.constant 0 : i32
    %dma_wait3A_95 = tpu.memref_slice %arg9[%dma_wait3A_93, %dma_wait3A_94] : memref<128x128xf32, #tpu.memory_space<vmem>> -> memref<128x128xf32, #tpu.memory_space<vmem>>
    tpu.wait_dma2 semaphore(%arg12 : memref<!tpu.dma_semaphore, #tpu.memory_space<semaphore_mem>>) src(%dma_wait3A_95 : memref<128x128xf32, #tpu.memory_space<vmem>>) dst(%dma_wait3A_92 : memref<128x128xf32, #tpu.memory_space<vmem_shared>>)
    %dma_wait3A_96 = arith.constant 0 : i32
    %dma_wait3A_97 = arith.constant 0 : i32
    %dma_wait3A_98 = tpu.memref_slice %arg9[%dma_wait3A_96, %dma_wait3A_97] : memref<128x128xf32, #tpu.memory_space<vmem>> -> memref<128x128xf32, #tpu.memory_space<vmem>>
    %dma_wait3A_99 = arith.constant 0 : i32
    %dma_wait3A_100 = tpu.memref_slice %arg11[%add3A_42, %dma_wait3A_99] : memref<10112x128xf32, #tpu.memory_space<vmem_shared>> -> memref<128x128xf32, #tpu.memory_space<vmem_shared>>
    %dma_wait3A_101 = arith.constant 0 : i32
    %dma_wait3A_102 = tpu.memref_slice %arg11[%add3A_42, %dma_wait3A_101] : memref<10112x128xf32, #tpu.memory_space<vmem_shared>> -> memref<128x128xf32, #tpu.memory_space<vmem_shared>>
    %dma_wait3A_103 = arith.constant 0 : i32
    %dma_wait3A_104 = arith.constant 0 : i32
    %dma_wait3A_105 = tpu.memref_slice %arg9[%dma_wait3A_103, %dma_wait3A_104] : memref<128x128xf32, #tpu.memory_space<vmem>> -> memref<128x128xf32, #tpu.memory_space<vmem>>
    tpu.wait_dma2 semaphore(%arg12 : memref<!tpu.dma_semaphore, #tpu.memory_space<semaphore_mem>>) src(%dma_wait3A_105 : memref<128x128xf32, #tpu.memory_space<vmem>>) dst(%dma_wait3A_102 : memref<128x128xf32, #tpu.memory_space<vmem_shared>>)
    %dma_wait3A_106 = arith.constant 0 : i32
    %dma_wait3A_107 = arith.constant 0 : i32
    %dma_wait3A_108 = tpu.memref_slice %arg9[%dma_wait3A_106, %dma_wait3A_107] : memref<128x128xf32, #tpu.memory_space<vmem>> -> memref<120x128xf32, #tpu.memory_space<vmem>>
    %dma_wait3A_109 = arith.constant 0 : i32
    %dma_wait3A_110 = tpu.memref_slice %arg11[%add3A_56, %dma_wait3A_109] : memref<10112x128xf32, #tpu.memory_space<vmem_shared>> -> memref<120x128xf32, #tpu.memory_space<vmem_shared>>
    %dma_wait3A_111 = arith.constant 0 : i32
    %dma_wait3A_112 = tpu.memref_slice %arg11[%add3A_56, %dma_wait3A_111] : memref<10112x128xf32, #tpu.memory_space<vmem_shared>> -> memref<120x128xf32, #tpu.memory_space<vmem_shared>>
    %dma_wait3A_113 = arith.constant 0 : i32
    %dma_wait3A_114 = arith.constant 0 : i32
    %dma_wait3A_115 = tpu.memref_slice %arg9[%dma_wait3A_113, %dma_wait3A_114] : memref<128x128xf32, #tpu.memory_space<vmem>> -> memref<120x128xf32, #tpu.memory_space<vmem>>
    tpu.wait_dma2 semaphore(%arg12 : memref<!tpu.dma_semaphore, #tpu.memory_space<semaphore_mem>>) src(%dma_wait3A_115 : memref<120x128xf32, #tpu.memory_space<vmem>>) dst(%dma_wait3A_112 : memref<120x128xf32, #tpu.memory_space<vmem_shared>>)
    %barrier3A = arith.constant 0 : index
    tpu.barrier barrier_id(%barrier3A)
    %scan3A = arith.constant 0 : i32
    %scan3A_116 = arith.constant 0 : i32
    %scan3A_117 = arith.constant 20 : i32
    %scan3A_118 = arith.addi %scan3A_116, %scan3A_117 : i32
    %scan3A_119 = arith.constant 1 : i32
    scf.for %scan3A_282 = %scan3A_116 to %scan3A_118 step %scan3A_119  : i32 {
      "tpu.region"() ({
        %run_scoped3A_402 = tpu.sem_alloc : memref<!tpu.dma_semaphore, #tpu.memory_space<semaphore_mem>>
        %dma_start3A_403 = arith.constant 0 : i32
        %dma_start3A_404 = arith.constant 0 : i32
        %dma_start3A_405 = tpu.memref_slice %arg3[%arg0, %arg1, %scan3A_282, %dma_start3A_403, %dma_start3A_404] : memref<2x16x20x8x128xi32, #tpu.memory_space<hbm>> -> memref<1x1x1x8x128xi32, #tpu.memory_space<hbm>>
        %dma_start3A_406 = tpu.memref_squeeze %dma_start3A_405 : memref<1x1x1x8x128xi32, #tpu.memory_space<hbm>> -> memref<8x128xi32, #tpu.memory_space<hbm>>
        %dma_start3A_407 = arith.constant 0 : i32
        %dma_start3A_408 = arith.constant 0 : i32
        %dma_start3A_409 = tpu.memref_slice %arg3[%arg0, %arg1, %scan3A_282, %dma_start3A_407, %dma_start3A_408] : memref<2x16x20x8x128xi32, #tpu.memory_space<hbm>> -> memref<1x1x1x8x128xi32, #tpu.memory_space<hbm>>
        %dma_start3A_410 = tpu.memref_squeeze %dma_start3A_409 : memref<1x1x1x8x128xi32, #tpu.memory_space<hbm>> -> memref<8x128xi32, #tpu.memory_space<hbm>>
        tpu.enqueue_dma source(%dma_start3A_410 : memref<8x128xi32, #tpu.memory_space<hbm>>) target(%arg7 : memref<8x128xi32, #tpu.memory_space<vmem>>) target_semaphore(%run_scoped3A_402 : memref<!tpu.dma_semaphore, #tpu.memory_space<semaphore_mem>>)
        %dma_wait3A_411 = arith.constant 0 : i32
        %dma_wait3A_412 = arith.constant 0 : i32
        %dma_wait3A_413 = tpu.memref_slice %arg3[%arg0, %arg1, %scan3A_282, %dma_wait3A_411, %dma_wait3A_412] : memref<2x16x20x8x128xi32, #tpu.memory_space<hbm>> -> memref<1x1x1x8x128xi32, #tpu.memory_space<hbm>>
        %dma_wait3A_414 = tpu.memref_squeeze %dma_wait3A_413 : memref<1x1x1x8x128xi32, #tpu.memory_space<hbm>> -> memref<8x128xi32, #tpu.memory_space<hbm>>
        %dma_wait3A_415 = arith.constant 0 : i32
        %dma_wait3A_416 = arith.constant 0 : i32
        %dma_wait3A_417 = tpu.memref_slice %arg3[%arg0, %arg1, %scan3A_282, %dma_wait3A_415, %dma_wait3A_416] : memref<2x16x20x8x128xi32, #tpu.memory_space<hbm>> -> memref<1x1x1x8x128xi32, #tpu.memory_space<hbm>>
        %dma_wait3A_418 = tpu.memref_squeeze %dma_wait3A_417 : memref<1x1x1x8x128xi32, #tpu.memory_space<hbm>> -> memref<8x128xi32, #tpu.memory_space<hbm>>
        tpu.wait_dma2 semaphore(%run_scoped3A_402 : memref<!tpu.dma_semaphore, #tpu.memory_space<semaphore_mem>>) src(%dma_wait3A_418 : memref<8x128xi32, #tpu.memory_space<hbm>>) dst(%arg7 : memref<8x128xi32, #tpu.memory_space<vmem>>)
        tpu.yield
      }) : () -> ()
      "tpu.region"() ({
        %run_scoped3A_402 = tpu.sem_alloc : memref<!tpu.dma_semaphore, #tpu.memory_space<semaphore_mem>>
        %dma_start3A_403 = arith.constant 0 : i32
        %dma_start3A_404 = arith.constant 0 : i32
        %dma_start3A_405 = tpu.memref_slice %arg4[%arg0, %arg1, %scan3A_282, %dma_start3A_403, %dma_start3A_404] : memref<2x16x20x8x128xi32, #tpu.memory_space<hbm>> -> memref<1x1x1x8x128xi32, #tpu.memory_space<hbm>>
        %dma_start3A_406 = tpu.memref_squeeze %dma_start3A_405 : memref<1x1x1x8x128xi32, #tpu.memory_space<hbm>> -> memref<8x128xi32, #tpu.memory_space<hbm>>
        %dma_start3A_407 = arith.constant 0 : i32
        %dma_start3A_408 = arith.constant 0 : i32
        %dma_start3A_409 = tpu.memref_slice %arg4[%arg0, %arg1, %scan3A_282, %dma_start3A_407, %dma_start3A_408] : memref<2x16x20x8x128xi32, #tpu.memory_space<hbm>> -> memref<1x1x1x8x128xi32, #tpu.memory_space<hbm>>
        %dma_start3A_410 = tpu.memref_squeeze %dma_start3A_409 : memref<1x1x1x8x128xi32, #tpu.memory_space<hbm>> -> memref<8x128xi32, #tpu.memory_space<hbm>>
        tpu.enqueue_dma source(%dma_start3A_410 : memref<8x128xi32, #tpu.memory_space<hbm>>) target(%arg8 : memref<8x128xi32, #tpu.memory_space<vmem>>) target_semaphore(%run_scoped3A_402 : memref<!tpu.dma_semaphore, #tpu.memory_space<semaphore_mem>>)
        %dma_wait3A_411 = arith.constant 0 : i32
        %dma_wait3A_412 = arith.constant 0 : i32
        %dma_wait3A_413 = tpu.memref_slice %arg4[%arg0, %arg1, %scan3A_282, %dma_wait3A_411, %dma_wait3A_412] : memref<2x16x20x8x128xi32, #tpu.memory_space<hbm>> -> memref<1x1x1x8x128xi32, #tpu.memory_space<hbm>>
        %dma_wait3A_414 = tpu.memref_squeeze %dma_wait3A_413 : memref<1x1x1x8x128xi32, #tpu.memory_space<hbm>> -> memref<8x128xi32, #tpu.memory_space<hbm>>
        %dma_wait3A_415 = arith.constant 0 : i32
        %dma_wait3A_416 = arith.constant 0 : i32
        %dma_wait3A_417 = tpu.memref_slice %arg4[%arg0, %arg1, %scan3A_282, %dma_wait3A_415, %dma_wait3A_416] : memref<2x16x20x8x128xi32, #tpu.memory_space<hbm>> -> memref<1x1x1x8x128xi32, #tpu.memory_space<hbm>>
        %dma_wait3A_418 = tpu.memref_squeeze %dma_wait3A_417 : memref<1x1x1x8x128xi32, #tpu.memory_space<hbm>> -> memref<8x128xi32, #tpu.memory_space<hbm>>
        tpu.wait_dma2 semaphore(%run_scoped3A_402 : memref<!tpu.dma_semaphore, #tpu.memory_space<semaphore_mem>>) src(%dma_wait3A_418 : memref<8x128xi32, #tpu.memory_space<hbm>>) dst(%arg8 : memref<8x128xi32, #tpu.memory_space<vmem>>)
        tpu.yield
      }) : () -> ()
      %dma_start3A_283 = arith.constant 0 : i32
      %dma_start3A_284 = arith.constant 0 : i32
      %dma_start3A_285 = tpu.memref_slice %arg7[%dma_start3A_283, %dma_start3A_284] : memref<8x128xi32, #tpu.memory_space<vmem>> -> memref<1x128xi32, #tpu.memory_space<vmem>>
      %dma_start3A_286 = tpu.memref_squeeze %dma_start3A_285 : memref<1x128xi32, #tpu.memory_space<vmem>> -> memref<128xi32, #tpu.memory_space<vmem>>
      %dma_start3A_287 = arith.constant 0 : i32
      %dma_start3A_288 = arith.constant 0 : i32
      %dma_start3A_289 = tpu.memref_slice %arg2[%dma_start3A_287, %dma_start3A_288] : memref<20000x128xf32, #tpu.memory_space<hbm>> -> memref<20000x128xf32, #tpu.memory_space<hbm>>
      tpu.enqueue_indirect_dma source(%dma_start3A_289 : memref<20000x128xf32, #tpu.memory_space<hbm>>) target(%arg9 : memref<128x128xf32, #tpu.memory_space<vmem>>) offsets(%dma_start3A_286 : memref<128xi32, #tpu.memory_space<vmem>>) semaphore(%arg12 : memref<!tpu.dma_semaphore, #tpu.memory_space<semaphore_mem>>)
      %dma_start3A_290 = arith.constant 1 : i32
      %dma_start3A_291 = arith.constant 0 : i32
      %dma_start3A_292 = tpu.memref_slice %arg7[%dma_start3A_290, %dma_start3A_291] : memref<8x128xi32, #tpu.memory_space<vmem>> -> memref<1x128xi32, #tpu.memory_space<vmem>>
      %dma_start3A_293 = tpu.memref_squeeze %dma_start3A_292 : memref<1x128xi32, #tpu.memory_space<vmem>> -> memref<128xi32, #tpu.memory_space<vmem>>
      %dma_start3A_294 = arith.constant 0 : i32
      %dma_start3A_295 = arith.constant 0 : i32
      %dma_start3A_296 = tpu.memref_slice %arg2[%dma_start3A_294, %dma_start3A_295] : memref<20000x128xf32, #tpu.memory_space<hbm>> -> memref<20000x128xf32, #tpu.memory_space<hbm>>
      tpu.enqueue_indirect_dma source(%dma_start3A_296 : memref<20000x128xf32, #tpu.memory_space<hbm>>) target(%arg10 : memref<128x128xf32, #tpu.memory_space<vmem>>) offsets(%dma_start3A_293 : memref<128xi32, #tpu.memory_space<vmem>>) semaphore(%arg13 : memref<!tpu.dma_semaphore, #tpu.memory_space<semaphore_mem>>)
      %dma_wait3A_297 = arith.constant 0 : i32
      %dma_wait3A_298 = arith.constant 0 : i32
      %dma_wait3A_299 = tpu.memref_slice %arg7[%dma_wait3A_297, %dma_wait3A_298] : memref<8x128xi32, #tpu.memory_space<vmem>> -> memref<1x128xi32, #tpu.memory_space<vmem>>
      %dma_wait3A_300 = tpu.memref_squeeze %dma_wait3A_299 : memref<1x128xi32, #tpu.memory_space<vmem>> -> memref<128xi32, #tpu.memory_space<vmem>>
      %dma_wait3A_301 = arith.constant 0 : i32
      %dma_wait3A_302 = arith.constant 0 : i32
      %dma_wait3A_303 = tpu.memref_slice %arg2[%dma_wait3A_301, %dma_wait3A_302] : memref<20000x128xf32, #tpu.memory_space<hbm>> -> memref<20000x128xf32, #tpu.memory_space<hbm>>
      tpu.wait_indirect_dma semaphore(%arg12 : memref<!tpu.dma_semaphore, #tpu.memory_space<semaphore_mem>>) src(%dma_wait3A_303 : memref<20000x128xf32, #tpu.memory_space<hbm>>) dst(%arg9 : memref<128x128xf32, #tpu.memory_space<vmem>>)
      %run_scoped3A = arith.constant 0 : i32
      "tpu.region"() ({
        %run_scoped3A_402 = tpu.sem_alloc : memref<!tpu.dma_semaphore, #tpu.memory_space<semaphore_mem>>
        %dma_start3A_403 = arith.constant 0 : i32
        %dma_start3A_404 = tpu.memref_slice %arg8[%run_scoped3A, %dma_start3A_403] : memref<8x128xi32, #tpu.memory_space<vmem>> -> memref<1x128xi32, #tpu.memory_space<vmem>>
        %dma_start3A_405 = tpu.memref_squeeze %dma_start3A_404 : memref<1x128xi32, #tpu.memory_space<vmem>> -> memref<128xi32, #tpu.memory_space<vmem>>
        %dma_start3A_406 = arith.constant 0 : i32
        %dma_start3A_407 = arith.constant 0 : i32
        %dma_start3A_408 = tpu.memref_slice %arg11[%dma_start3A_406, %dma_start3A_407] : memref<10112x128xf32, #tpu.memory_space<vmem_shared>> -> memref<10112x128xf32, #tpu.memory_space<vmem_shared>>
        tpu.enqueue_indirect_dma source(%arg9 : memref<128x128xf32, #tpu.memory_space<vmem>>) target(%dma_start3A_408 : memref<10112x128xf32, #tpu.memory_space<vmem_shared>>) offsets(%dma_start3A_405 : memref<128xi32, #tpu.memory_space<vmem>>) semaphore(%run_scoped3A_402 : memref<!tpu.dma_semaphore, #tpu.memory_space<semaphore_mem>>) {add = true}
        %dma_wait3A_409 = arith.constant 0 : i32
        %dma_wait3A_410 = tpu.memref_slice %arg8[%run_scoped3A, %dma_wait3A_409] : memref<8x128xi32, #tpu.memory_space<vmem>> -> memref<1x128xi32, #tpu.memory_space<vmem>>
        %dma_wait3A_411 = tpu.memref_squeeze %dma_wait3A_410 : memref<1x128xi32, #tpu.memory_space<vmem>> -> memref<128xi32, #tpu.memory_space<vmem>>
        %dma_wait3A_412 = arith.constant 0 : i32
        %dma_wait3A_413 = arith.constant 0 : i32
        %dma_wait3A_414 = tpu.memref_slice %arg11[%dma_wait3A_412, %dma_wait3A_413] : memref<10112x128xf32, #tpu.memory_space<vmem_shared>> -> memref<10112x128xf32, #tpu.memory_space<vmem_shared>>
        tpu.wait_indirect_dma semaphore(%run_scoped3A_402 : memref<!tpu.dma_semaphore, #tpu.memory_space<semaphore_mem>>) src(%arg9 : memref<128x128xf32, #tpu.memory_space<vmem>>) dst(%dma_wait3A_414 : memref<10112x128xf32, #tpu.memory_space<vmem_shared>>)
        tpu.yield
      }) : () -> ()
      %dma_start3A_304 = arith.constant 2 : i32
      %dma_start3A_305 = arith.constant 0 : i32
      %dma_start3A_306 = tpu.memref_slice %arg7[%dma_start3A_304, %dma_start3A_305] : memref<8x128xi32, #tpu.memory_space<vmem>> -> memref<1x128xi32, #tpu.memory_space<vmem>>
      %dma_start3A_307 = tpu.memref_squeeze %dma_start3A_306 : memref<1x128xi32, #tpu.memory_space<vmem>> -> memref<128xi32, #tpu.memory_space<vmem>>
      %dma_start3A_308 = arith.constant 0 : i32
      %dma_start3A_309 = arith.constant 0 : i32
      %dma_start3A_310 = tpu.memref_slice %arg2[%dma_start3A_308, %dma_start3A_309] : memref<20000x128xf32, #tpu.memory_space<hbm>> -> memref<20000x128xf32, #tpu.memory_space<hbm>>
      tpu.enqueue_indirect_dma source(%dma_start3A_310 : memref<20000x128xf32, #tpu.memory_space<hbm>>) target(%arg9 : memref<128x128xf32, #tpu.memory_space<vmem>>) offsets(%dma_start3A_307 : memref<128xi32, #tpu.memory_space<vmem>>) semaphore(%arg12 : memref<!tpu.dma_semaphore, #tpu.memory_space<semaphore_mem>>)
      %dma_wait3A_311 = arith.constant 1 : i32
      %dma_wait3A_312 = arith.constant 0 : i32
      %dma_wait3A_313 = tpu.memref_slice %arg7[%dma_wait3A_311, %dma_wait3A_312] : memref<8x128xi32, #tpu.memory_space<vmem>> -> memref<1x128xi32, #tpu.memory_space<vmem>>
      %dma_wait3A_314 = tpu.memref_squeeze %dma_wait3A_313 : memref<1x128xi32, #tpu.memory_space<vmem>> -> memref<128xi32, #tpu.memory_space<vmem>>
      %dma_wait3A_315 = arith.constant 0 : i32
      %dma_wait3A_316 = arith.constant 0 : i32
      %dma_wait3A_317 = tpu.memref_slice %arg2[%dma_wait3A_315, %dma_wait3A_316] : memref<20000x128xf32, #tpu.memory_space<hbm>> -> memref<20000x128xf32, #tpu.memory_space<hbm>>
      tpu.wait_indirect_dma semaphore(%arg13 : memref<!tpu.dma_semaphore, #tpu.memory_space<semaphore_mem>>) src(%dma_wait3A_317 : memref<20000x128xf32, #tpu.memory_space<hbm>>) dst(%arg10 : memref<128x128xf32, #tpu.memory_space<vmem>>)
      %run_scoped3A_318 = arith.constant 1 : i32
      "tpu.region"() ({
        %run_scoped3A_402 = tpu.sem_alloc : memref<!tpu.dma_semaphore, #tpu.memory_space<semaphore_mem>>
        %dma_start3A_403 = arith.constant 0 : i32
        %dma_start3A_404 = tpu.memref_slice %arg8[%run_scoped3A_318, %dma_start3A_403] : memref<8x128xi32, #tpu.memory_space<vmem>> -> memref<1x128xi32, #tpu.memory_space<vmem>>
        %dma_start3A_405 = tpu.memref_squeeze %dma_start3A_404 : memref<1x128xi32, #tpu.memory_space<vmem>> -> memref<128xi32, #tpu.memory_space<vmem>>
        %dma_start3A_406 = arith.constant 0 : i32
        %dma_start3A_407 = arith.constant 0 : i32
        %dma_start3A_408 = tpu.memref_slice %arg11[%dma_start3A_406, %dma_start3A_407] : memref<10112x128xf32, #tpu.memory_space<vmem_shared>> -> memref<10112x128xf32, #tpu.memory_space<vmem_shared>>
        tpu.enqueue_indirect_dma source(%arg10 : memref<128x128xf32, #tpu.memory_space<vmem>>) target(%dma_start3A_408 : memref<10112x128xf32, #tpu.memory_space<vmem_shared>>) offsets(%dma_start3A_405 : memref<128xi32, #tpu.memory_space<vmem>>) semaphore(%run_scoped3A_402 : memref<!tpu.dma_semaphore, #tpu.memory_space<semaphore_mem>>) {add = true}
        %dma_wait3A_409 = arith.constant 0 : i32
        %dma_wait3A_410 = tpu.memref_slice %arg8[%run_scoped3A_318, %dma_wait3A_409] : memref<8x128xi32, #tpu.memory_space<vmem>> -> memref<1x128xi32, #tpu.memory_space<vmem>>
        %dma_wait3A_411 = tpu.memref_squeeze %dma_wait3A_410 : memref<1x128xi32, #tpu.memory_space<vmem>> -> memref<128xi32, #tpu.memory_space<vmem>>
        %dma_wait3A_412 = arith.constant 0 : i32
        %dma_wait3A_413 = arith.constant 0 : i32
        %dma_wait3A_414 = tpu.memref_slice %arg11[%dma_wait3A_412, %dma_wait3A_413] : memref<10112x128xf32, #tpu.memory_space<vmem_shared>> -> memref<10112x128xf32, #tpu.memory_space<vmem_shared>>
        tpu.wait_indirect_dma semaphore(%run_scoped3A_402 : memref<!tpu.dma_semaphore, #tpu.memory_space<semaphore_mem>>) src(%arg10 : memref<128x128xf32, #tpu.memory_space<vmem>>) dst(%dma_wait3A_414 : memref<10112x128xf32, #tpu.memory_space<vmem_shared>>)
        tpu.yield
      }) : () -> ()
      %dma_start3A_319 = arith.constant 3 : i32
      %dma_start3A_320 = arith.constant 0 : i32
      %dma_start3A_321 = tpu.memref_slice %arg7[%dma_start3A_319, %dma_start3A_320] : memref<8x128xi32, #tpu.memory_space<vmem>> -> memref<1x128xi32, #tpu.memory_space<vmem>>
      %dma_start3A_322 = tpu.memref_squeeze %dma_start3A_321 : memref<1x128xi32, #tpu.memory_space<vmem>> -> memref<128xi32, #tpu.memory_space<vmem>>
      %dma_start3A_323 = arith.constant 0 : i32
      %dma_start3A_324 = arith.constant 0 : i32
      %dma_start3A_325 = tpu.memref_slice %arg2[%dma_start3A_323, %dma_start3A_324] : memref<20000x128xf32, #tpu.memory_space<hbm>> -> memref<20000x128xf32, #tpu.memory_space<hbm>>
      tpu.enqueue_indirect_dma source(%dma_start3A_325 : memref<20000x128xf32, #tpu.memory_space<hbm>>) target(%arg10 : memref<128x128xf32, #tpu.memory_space<vmem>>) offsets(%dma_start3A_322 : memref<128xi32, #tpu.memory_space<vmem>>) semaphore(%arg13 : memref<!tpu.dma_semaphore, #tpu.memory_space<semaphore_mem>>)
      %dma_wait3A_326 = arith.constant 2 : i32
      %dma_wait3A_327 = arith.constant 0 : i32
      %dma_wait3A_328 = tpu.memref_slice %arg7[%dma_wait3A_326, %dma_wait3A_327] : memref<8x128xi32, #tpu.memory_space<vmem>> -> memref<1x128xi32, #tpu.memory_space<vmem>>
      %dma_wait3A_329 = tpu.memref_squeeze %dma_wait3A_328 : memref<1x128xi32, #tpu.memory_space<vmem>> -> memref<128xi32, #tpu.memory_space<vmem>>
      %dma_wait3A_330 = arith.constant 0 : i32
      %dma_wait3A_331 = arith.constant 0 : i32
      %dma_wait3A_332 = tpu.memref_slice %arg2[%dma_wait3A_330, %dma_wait3A_331] : memref<20000x128xf32, #tpu.memory_space<hbm>> -> memref<20000x128xf32, #tpu.memory_space<hbm>>
      tpu.wait_indirect_dma semaphore(%arg12 : memref<!tpu.dma_semaphore, #tpu.memory_space<semaphore_mem>>) src(%dma_wait3A_332 : memref<20000x128xf32, #tpu.memory_space<hbm>>) dst(%arg9 : memref<128x128xf32, #tpu.memory_space<vmem>>)
      %run_scoped3A_333 = arith.constant 2 : i32
      "tpu.region"() ({
        %run_scoped3A_402 = tpu.sem_alloc : memref<!tpu.dma_semaphore, #tpu.memory_space<semaphore_mem>>
        %dma_start3A_403 = arith.constant 0 : i32
        %dma_start3A_404 = tpu.memref_slice %arg8[%run_scoped3A_333, %dma_start3A_403] : memref<8x128xi32, #tpu.memory_space<vmem>> -> memref<1x128xi32, #tpu.memory_space<vmem>>
        %dma_start3A_405 = tpu.memref_squeeze %dma_start3A_404 : memref<1x128xi32, #tpu.memory_space<vmem>> -> memref<128xi32, #tpu.memory_space<vmem>>
        %dma_start3A_406 = arith.constant 0 : i32
        %dma_start3A_407 = arith.constant 0 : i32
        %dma_start3A_408 = tpu.memref_slice %arg11[%dma_start3A_406, %dma_start3A_407] : memref<10112x128xf32, #tpu.memory_space<vmem_shared>> -> memref<10112x128xf32, #tpu.memory_space<vmem_shared>>
        tpu.enqueue_indirect_dma source(%arg9 : memref<128x128xf32, #tpu.memory_space<vmem>>) target(%dma_start3A_408 : memref<10112x128xf32, #tpu.memory_space<vmem_shared>>) offsets(%dma_start3A_405 : memref<128xi32, #tpu.memory_space<vmem>>) semaphore(%run_scoped3A_402 : memref<!tpu.dma_semaphore, #tpu.memory_space<semaphore_mem>>) {add = true}
        %dma_wait3A_409 = arith.constant 0 : i32
        %dma_wait3A_410 = tpu.memref_slice %arg8[%run_scoped3A_333, %dma_wait3A_409] : memref<8x128xi32, #tpu.memory_space<vmem>> -> memref<1x128xi32, #tpu.memory_space<vmem>>
        %dma_wait3A_411 = tpu.memref_squeeze %dma_wait3A_410 : memref<1x128xi32, #tpu.memory_space<vmem>> -> memref<128xi32, #tpu.memory_space<vmem>>
        %dma_wait3A_412 = arith.constant 0 : i32
        %dma_wait3A_413 = arith.constant 0 : i32
        %dma_wait3A_414 = tpu.memref_slice %arg11[%dma_wait3A_412, %dma_wait3A_413] : memref<10112x128xf32, #tpu.memory_space<vmem_shared>> -> memref<10112x128xf32, #tpu.memory_space<vmem_shared>>
        tpu.wait_indirect_dma semaphore(%run_scoped3A_402 : memref<!tpu.dma_semaphore, #tpu.memory_space<semaphore_mem>>) src(%arg9 : memref<128x128xf32, #tpu.memory_space<vmem>>) dst(%dma_wait3A_414 : memref<10112x128xf32, #tpu.memory_space<vmem_shared>>)
        tpu.yield
      }) : () -> ()
      %dma_start3A_334 = arith.constant 4 : i32
      %dma_start3A_335 = arith.constant 0 : i32
      %dma_start3A_336 = tpu.memref_slice %arg7[%dma_start3A_334, %dma_start3A_335] : memref<8x128xi32, #tpu.memory_space<vmem>> -> memref<1x128xi32, #tpu.memory_space<vmem>>
      %dma_start3A_337 = tpu.memref_squeeze %dma_start3A_336 : memref<1x128xi32, #tpu.memory_space<vmem>> -> memref<128xi32, #tpu.memory_space<vmem>>
      %dma_start3A_338 = arith.constant 0 : i32
      %dma_start3A_339 = arith.constant 0 : i32
      %dma_start3A_340 = tpu.memref_slice %arg2[%dma_start3A_338, %dma_start3A_339] : memref<20000x128xf32, #tpu.memory_space<hbm>> -> memref<20000x128xf32, #tpu.memory_space<hbm>>
      tpu.enqueue_indirect_dma source(%dma_start3A_340 : memref<20000x128xf32, #tpu.memory_space<hbm>>) target(%arg9 : memref<128x128xf32, #tpu.memory_space<vmem>>) offsets(%dma_start3A_337 : memref<128xi32, #tpu.memory_space<vmem>>) semaphore(%arg12 : memref<!tpu.dma_semaphore, #tpu.memory_space<semaphore_mem>>)
      %dma_wait3A_341 = arith.constant 3 : i32
      %dma_wait3A_342 = arith.constant 0 : i32
      %dma_wait3A_343 = tpu.memref_slice %arg7[%dma_wait3A_341, %dma_wait3A_342] : memref<8x128xi32, #tpu.memory_space<vmem>> -> memref<1x128xi32, #tpu.memory_space<vmem>>
      %dma_wait3A_344 = tpu.memref_squeeze %dma_wait3A_343 : memref<1x128xi32, #tpu.memory_space<vmem>> -> memref<128xi32, #tpu.memory_space<vmem>>
      %dma_wait3A_345 = arith.constant 0 : i32
      %dma_wait3A_346 = arith.constant 0 : i32
      %dma_wait3A_347 = tpu.memref_slice %arg2[%dma_wait3A_345, %dma_wait3A_346] : memref<20000x128xf32, #tpu.memory_space<hbm>> -> memref<20000x128xf32, #tpu.memory_space<hbm>>
      tpu.wait_indirect_dma semaphore(%arg13 : memref<!tpu.dma_semaphore, #tpu.memory_space<semaphore_mem>>) src(%dma_wait3A_347 : memref<20000x128xf32, #tpu.memory_space<hbm>>) dst(%arg10 : memref<128x128xf32, #tpu.memory_space<vmem>>)
      %run_scoped3A_348 = arith.constant 3 : i32
      "tpu.region"() ({
        %run_scoped3A_402 = tpu.sem_alloc : memref<!tpu.dma_semaphore, #tpu.memory_space<semaphore_mem>>
        %dma_start3A_403 = arith.constant 0 : i32
        %dma_start3A_404 = tpu.memref_slice %arg8[%run_scoped3A_348, %dma_start3A_403] : memref<8x128xi32, #tpu.memory_space<vmem>> -> memref<1x128xi32, #tpu.memory_space<vmem>>
        %dma_start3A_405 = tpu.memref_squeeze %dma_start3A_404 : memref<1x128xi32, #tpu.memory_space<vmem>> -> memref<128xi32, #tpu.memory_space<vmem>>
        %dma_start3A_406 = arith.constant 0 : i32
        %dma_start3A_407 = arith.constant 0 : i32
        %dma_start3A_408 = tpu.memref_slice %arg11[%dma_start3A_406, %dma_start3A_407] : memref<10112x128xf32, #tpu.memory_space<vmem_shared>> -> memref<10112x128xf32, #tpu.memory_space<vmem_shared>>
        tpu.enqueue_indirect_dma source(%arg10 : memref<128x128xf32, #tpu.memory_space<vmem>>) target(%dma_start3A_408 : memref<10112x128xf32, #tpu.memory_space<vmem_shared>>) offsets(%dma_start3A_405 : memref<128xi32, #tpu.memory_space<vmem>>) semaphore(%run_scoped3A_402 : memref<!tpu.dma_semaphore, #tpu.memory_space<semaphore_mem>>) {add = true}
        %dma_wait3A_409 = arith.constant 0 : i32
        %dma_wait3A_410 = tpu.memref_slice %arg8[%run_scoped3A_348, %dma_wait3A_409] : memref<8x128xi32, #tpu.memory_space<vmem>> -> memref<1x128xi32, #tpu.memory_space<vmem>>
        %dma_wait3A_411 = tpu.memref_squeeze %dma_wait3A_410 : memref<1x128xi32, #tpu.memory_space<vmem>> -> memref<128xi32, #tpu.memory_space<vmem>>
        %dma_wait3A_412 = arith.constant 0 : i32
        %dma_wait3A_413 = arith.constant 0 : i32
        %dma_wait3A_414 = tpu.memref_slice %arg11[%dma_wait3A_412, %dma_wait3A_413] : memref<10112x128xf32, #tpu.memory_space<vmem_shared>> -> memref<10112x128xf32, #tpu.memory_space<vmem_shared>>
        tpu.wait_indirect_dma semaphore(%run_scoped3A_402 : memref<!tpu.dma_semaphore, #tpu.memory_space<semaphore_mem>>) src(%arg10 : memref<128x128xf32, #tpu.memory_space<vmem>>) dst(%dma_wait3A_414 : memref<10112x128xf32, #tpu.memory_space<vmem_shared>>)
        tpu.yield
      }) : () -> ()
      %dma_start3A_349 = arith.constant 5 : i32
      %dma_start3A_350 = arith.constant 0 : i32
      %dma_start3A_351 = tpu.memref_slice %arg7[%dma_start3A_349, %dma_start3A_350] : memref<8x128xi32, #tpu.memory_space<vmem>> -> memref<1x128xi32, #tpu.memory_space<vmem>>
      %dma_start3A_352 = tpu.memref_squeeze %dma_start3A_351 : memref<1x128xi32, #tpu.memory_space<vmem>> -> memref<128xi32, #tpu.memory_space<vmem>>
      %dma_start3A_353 = arith.constant 0 : i32
      %dma_start3A_354 = arith.constant 0 : i32
      %dma_start3A_355 = tpu.memref_slice %arg2[%dma_start3A_353, %dma_start3A_354] : memref<20000x128xf32, #tpu.memory_space<hbm>> -> memref<20000x128xf32, #tpu.memory_space<hbm>>
      tpu.enqueue_indirect_dma source(%dma_start3A_355 : memref<20000x128xf32, #tpu.memory_space<hbm>>) target(%arg10 : memref<128x128xf32, #tpu.memory_space<vmem>>) offsets(%dma_start3A_352 : memref<128xi32, #tpu.memory_space<vmem>>) semaphore(%arg13 : memref<!tpu.dma_semaphore, #tpu.memory_space<semaphore_mem>>)
      %dma_wait3A_356 = arith.constant 4 : i32
      %dma_wait3A_357 = arith.constant 0 : i32
      %dma_wait3A_358 = tpu.memref_slice %arg7[%dma_wait3A_356, %dma_wait3A_357] : memref<8x128xi32, #tpu.memory_space<vmem>> -> memref<1x128xi32, #tpu.memory_space<vmem>>
      %dma_wait3A_359 = tpu.memref_squeeze %dma_wait3A_358 : memref<1x128xi32, #tpu.memory_space<vmem>> -> memref<128xi32, #tpu.memory_space<vmem>>
      %dma_wait3A_360 = arith.constant 0 : i32
      %dma_wait3A_361 = arith.constant 0 : i32
      %dma_wait3A_362 = tpu.memref_slice %arg2[%dma_wait3A_360, %dma_wait3A_361] : memref<20000x128xf32, #tpu.memory_space<hbm>> -> memref<20000x128xf32, #tpu.memory_space<hbm>>
      tpu.wait_indirect_dma semaphore(%arg12 : memref<!tpu.dma_semaphore, #tpu.memory_space<semaphore_mem>>) src(%dma_wait3A_362 : memref<20000x128xf32, #tpu.memory_space<hbm>>) dst(%arg9 : memref<128x128xf32, #tpu.memory_space<vmem>>)
      %run_scoped3A_363 = arith.constant 4 : i32
      "tpu.region"() ({
        %run_scoped3A_402 = tpu.sem_alloc : memref<!tpu.dma_semaphore, #tpu.memory_space<semaphore_mem>>
        %dma_start3A_403 = arith.constant 0 : i32
        %dma_start3A_404 = tpu.memref_slice %arg8[%run_scoped3A_363, %dma_start3A_403] : memref<8x128xi32, #tpu.memory_space<vmem>> -> memref<1x128xi32, #tpu.memory_space<vmem>>
        %dma_start3A_405 = tpu.memref_squeeze %dma_start3A_404 : memref<1x128xi32, #tpu.memory_space<vmem>> -> memref<128xi32, #tpu.memory_space<vmem>>
        %dma_start3A_406 = arith.constant 0 : i32
        %dma_start3A_407 = arith.constant 0 : i32
        %dma_start3A_408 = tpu.memref_slice %arg11[%dma_start3A_406, %dma_start3A_407] : memref<10112x128xf32, #tpu.memory_space<vmem_shared>> -> memref<10112x128xf32, #tpu.memory_space<vmem_shared>>
        tpu.enqueue_indirect_dma source(%arg9 : memref<128x128xf32, #tpu.memory_space<vmem>>) target(%dma_start3A_408 : memref<10112x128xf32, #tpu.memory_space<vmem_shared>>) offsets(%dma_start3A_405 : memref<128xi32, #tpu.memory_space<vmem>>) semaphore(%run_scoped3A_402 : memref<!tpu.dma_semaphore, #tpu.memory_space<semaphore_mem>>) {add = true}
        %dma_wait3A_409 = arith.constant 0 : i32
        %dma_wait3A_410 = tpu.memref_slice %arg8[%run_scoped3A_363, %dma_wait3A_409] : memref<8x128xi32, #tpu.memory_space<vmem>> -> memref<1x128xi32, #tpu.memory_space<vmem>>
        %dma_wait3A_411 = tpu.memref_squeeze %dma_wait3A_410 : memref<1x128xi32, #tpu.memory_space<vmem>> -> memref<128xi32, #tpu.memory_space<vmem>>
        %dma_wait3A_412 = arith.constant 0 : i32
        %dma_wait3A_413 = arith.constant 0 : i32
        %dma_wait3A_414 = tpu.memref_slice %arg11[%dma_wait3A_412, %dma_wait3A_413] : memref<10112x128xf32, #tpu.memory_space<vmem_shared>> -> memref<10112x128xf32, #tpu.memory_space<vmem_shared>>
        tpu.wait_indirect_dma semaphore(%run_scoped3A_402 : memref<!tpu.dma_semaphore, #tpu.memory_space<semaphore_mem>>) src(%arg9 : memref<128x128xf32, #tpu.memory_space<vmem>>) dst(%dma_wait3A_414 : memref<10112x128xf32, #tpu.memory_space<vmem_shared>>)
        tpu.yield
      }) : () -> ()
      %dma_start3A_364 = arith.constant 6 : i32
      %dma_start3A_365 = arith.constant 0 : i32
      %dma_start3A_366 = tpu.memref_slice %arg7[%dma_start3A_364, %dma_start3A_365] : memref<8x128xi32, #tpu.memory_space<vmem>> -> memref<1x128xi32, #tpu.memory_space<vmem>>
      %dma_start3A_367 = tpu.memref_squeeze %dma_start3A_366 : memref<1x128xi32, #tpu.memory_space<vmem>> -> memref<128xi32, #tpu.memory_space<vmem>>
      %dma_start3A_368 = arith.constant 0 : i32
      %dma_start3A_369 = arith.constant 0 : i32
      %dma_start3A_370 = tpu.memref_slice %arg2[%dma_start3A_368, %dma_start3A_369] : memref<20000x128xf32, #tpu.memory_space<hbm>> -> memref<20000x128xf32, #tpu.memory_space<hbm>>
      tpu.enqueue_indirect_dma source(%dma_start3A_370 : memref<20000x128xf32, #tpu.memory_space<hbm>>) target(%arg9 : memref<128x128xf32, #tpu.memory_space<vmem>>) offsets(%dma_start3A_367 : memref<128xi32, #tpu.memory_space<vmem>>) semaphore(%arg12 : memref<!tpu.dma_semaphore, #tpu.memory_space<semaphore_mem>>)
      %dma_wait3A_371 = arith.constant 5 : i32
      %dma_wait3A_372 = arith.constant 0 : i32
      %dma_wait3A_373 = tpu.memref_slice %arg7[%dma_wait3A_371, %dma_wait3A_372] : memref<8x128xi32, #tpu.memory_space<vmem>> -> memref<1x128xi32, #tpu.memory_space<vmem>>
      %dma_wait3A_374 = tpu.memref_squeeze %dma_wait3A_373 : memref<1x128xi32, #tpu.memory_space<vmem>> -> memref<128xi32, #tpu.memory_space<vmem>>
      %dma_wait3A_375 = arith.constant 0 : i32
      %dma_wait3A_376 = arith.constant 0 : i32
      %dma_wait3A_377 = tpu.memref_slice %arg2[%dma_wait3A_375, %dma_wait3A_376] : memref<20000x128xf32, #tpu.memory_space<hbm>> -> memref<20000x128xf32, #tpu.memory_space<hbm>>
      tpu.wait_indirect_dma semaphore(%arg13 : memref<!tpu.dma_semaphore, #tpu.memory_space<semaphore_mem>>) src(%dma_wait3A_377 : memref<20000x128xf32, #tpu.memory_space<hbm>>) dst(%arg10 : memref<128x128xf32, #tpu.memory_space<vmem>>)
      %run_scoped3A_378 = arith.constant 5 : i32
      "tpu.region"() ({
        %run_scoped3A_402 = tpu.sem_alloc : memref<!tpu.dma_semaphore, #tpu.memory_space<semaphore_mem>>
        %dma_start3A_403 = arith.constant 0 : i32
        %dma_start3A_404 = tpu.memref_slice %arg8[%run_scoped3A_378, %dma_start3A_403] : memref<8x128xi32, #tpu.memory_space<vmem>> -> memref<1x128xi32, #tpu.memory_space<vmem>>
        %dma_start3A_405 = tpu.memref_squeeze %dma_start3A_404 : memref<1x128xi32, #tpu.memory_space<vmem>> -> memref<128xi32, #tpu.memory_space<vmem>>
        %dma_start3A_406 = arith.constant 0 : i32
        %dma_start3A_407 = arith.constant 0 : i32
        %dma_start3A_408 = tpu.memref_slice %arg11[%dma_start3A_406, %dma_start3A_407] : memref<10112x128xf32, #tpu.memory_space<vmem_shared>> -> memref<10112x128xf32, #tpu.memory_space<vmem_shared>>
        tpu.enqueue_indirect_dma source(%arg10 : memref<128x128xf32, #tpu.memory_space<vmem>>) target(%dma_start3A_408 : memref<10112x128xf32, #tpu.memory_space<vmem_shared>>) offsets(%dma_start3A_405 : memref<128xi32, #tpu.memory_space<vmem>>) semaphore(%run_scoped3A_402 : memref<!tpu.dma_semaphore, #tpu.memory_space<semaphore_mem>>) {add = true}
        %dma_wait3A_409 = arith.constant 0 : i32
        %dma_wait3A_410 = tpu.memref_slice %arg8[%run_scoped3A_378, %dma_wait3A_409] : memref<8x128xi32, #tpu.memory_space<vmem>> -> memref<1x128xi32, #tpu.memory_space<vmem>>
        %dma_wait3A_411 = tpu.memref_squeeze %dma_wait3A_410 : memref<1x128xi32, #tpu.memory_space<vmem>> -> memref<128xi32, #tpu.memory_space<vmem>>
        %dma_wait3A_412 = arith.constant 0 : i32
        %dma_wait3A_413 = arith.constant 0 : i32
        %dma_wait3A_414 = tpu.memref_slice %arg11[%dma_wait3A_412, %dma_wait3A_413] : memref<10112x128xf32, #tpu.memory_space<vmem_shared>> -> memref<10112x128xf32, #tpu.memory_space<vmem_shared>>
        tpu.wait_indirect_dma semaphore(%run_scoped3A_402 : memref<!tpu.dma_semaphore, #tpu.memory_space<semaphore_mem>>) src(%arg10 : memref<128x128xf32, #tpu.memory_space<vmem>>) dst(%dma_wait3A_414 : memref<10112x128xf32, #tpu.memory_space<vmem_shared>>)
        tpu.yield
      }) : () -> ()
      %dma_start3A_379 = arith.constant 7 : i32
      %dma_start3A_380 = arith.constant 0 : i32
      %dma_start3A_381 = tpu.memref_slice %arg7[%dma_start3A_379, %dma_start3A_380] : memref<8x128xi32, #tpu.memory_space<vmem>> -> memref<1x128xi32, #tpu.memory_space<vmem>>
      %dma_start3A_382 = tpu.memref_squeeze %dma_start3A_381 : memref<1x128xi32, #tpu.memory_space<vmem>> -> memref<128xi32, #tpu.memory_space<vmem>>
      %dma_start3A_383 = arith.constant 0 : i32
      %dma_start3A_384 = arith.constant 0 : i32
      %dma_start3A_385 = tpu.memref_slice %arg2[%dma_start3A_383, %dma_start3A_384] : memref<20000x128xf32, #tpu.memory_space<hbm>> -> memref<20000x128xf32, #tpu.memory_space<hbm>>
      tpu.enqueue_indirect_dma source(%dma_start3A_385 : memref<20000x128xf32, #tpu.memory_space<hbm>>) target(%arg10 : memref<128x128xf32, #tpu.memory_space<vmem>>) offsets(%dma_start3A_382 : memref<128xi32, #tpu.memory_space<vmem>>) semaphore(%arg13 : memref<!tpu.dma_semaphore, #tpu.memory_space<semaphore_mem>>)
      %dma_wait3A_386 = arith.constant 6 : i32
      %dma_wait3A_387 = arith.constant 0 : i32
      %dma_wait3A_388 = tpu.memref_slice %arg7[%dma_wait3A_386, %dma_wait3A_387] : memref<8x128xi32, #tpu.memory_space<vmem>> -> memref<1x128xi32, #tpu.memory_space<vmem>>
      %dma_wait3A_389 = tpu.memref_squeeze %dma_wait3A_388 : memref<1x128xi32, #tpu.memory_space<vmem>> -> memref<128xi32, #tpu.memory_space<vmem>>
      %dma_wait3A_390 = arith.constant 0 : i32
      %dma_wait3A_391 = arith.constant 0 : i32
      %dma_wait3A_392 = tpu.memref_slice %arg2[%dma_wait3A_390, %dma_wait3A_391] : memref<20000x128xf32, #tpu.memory_space<hbm>> -> memref<20000x128xf32, #tpu.memory_space<hbm>>
      tpu.wait_indirect_dma semaphore(%arg12 : memref<!tpu.dma_semaphore, #tpu.memory_space<semaphore_mem>>) src(%dma_wait3A_392 : memref<20000x128xf32, #tpu.memory_space<hbm>>) dst(%arg9 : memref<128x128xf32, #tpu.memory_space<vmem>>)
      %run_scoped3A_393 = arith.constant 6 : i32
      "tpu.region"() ({
        %run_scoped3A_402 = tpu.sem_alloc : memref<!tpu.dma_semaphore, #tpu.memory_space<semaphore_mem>>
        %dma_start3A_403 = arith.constant 0 : i32
        %dma_start3A_404 = tpu.memref_slice %arg8[%run_scoped3A_393, %dma_start3A_403] : memref<8x128xi32, #tpu.memory_space<vmem>> -> memref<1x128xi32, #tpu.memory_space<vmem>>
        %dma_start3A_405 = tpu.memref_squeeze %dma_start3A_404 : memref<1x128xi32, #tpu.memory_space<vmem>> -> memref<128xi32, #tpu.memory_space<vmem>>
        %dma_start3A_406 = arith.constant 0 : i32
        %dma_start3A_407 = arith.constant 0 : i32
        %dma_start3A_408 = tpu.memref_slice %arg11[%dma_start3A_406, %dma_start3A_407] : memref<10112x128xf32, #tpu.memory_space<vmem_shared>> -> memref<10112x128xf32, #tpu.memory_space<vmem_shared>>
        tpu.enqueue_indirect_dma source(%arg9 : memref<128x128xf32, #tpu.memory_space<vmem>>) target(%dma_start3A_408 : memref<10112x128xf32, #tpu.memory_space<vmem_shared>>) offsets(%dma_start3A_405 : memref<128xi32, #tpu.memory_space<vmem>>) semaphore(%run_scoped3A_402 : memref<!tpu.dma_semaphore, #tpu.memory_space<semaphore_mem>>) {add = true}
        %dma_wait3A_409 = arith.constant 0 : i32
        %dma_wait3A_410 = tpu.memref_slice %arg8[%run_scoped3A_393, %dma_wait3A_409] : memref<8x128xi32, #tpu.memory_space<vmem>> -> memref<1x128xi32, #tpu.memory_space<vmem>>
        %dma_wait3A_411 = tpu.memref_squeeze %dma_wait3A_410 : memref<1x128xi32, #tpu.memory_space<vmem>> -> memref<128xi32, #tpu.memory_space<vmem>>
        %dma_wait3A_412 = arith.constant 0 : i32
        %dma_wait3A_413 = arith.constant 0 : i32
        %dma_wait3A_414 = tpu.memref_slice %arg11[%dma_wait3A_412, %dma_wait3A_413] : memref<10112x128xf32, #tpu.memory_space<vmem_shared>> -> memref<10112x128xf32, #tpu.memory_space<vmem_shared>>
        tpu.wait_indirect_dma semaphore(%run_scoped3A_402 : memref<!tpu.dma_semaphore, #tpu.memory_space<semaphore_mem>>) src(%arg9 : memref<128x128xf32, #tpu.memory_space<vmem>>) dst(%dma_wait3A_414 : memref<10112x128xf32, #tpu.memory_space<vmem_shared>>)
        tpu.yield
      }) : () -> ()
      %dma_wait3A_394 = arith.constant 7 : i32
      %dma_wait3A_395 = arith.constant 0 : i32
      %dma_wait3A_396 = tpu.memref_slice %arg7[%dma_wait3A_394, %dma_wait3A_395] : memref<8x128xi32, #tpu.memory_space<vmem>> -> memref<1x128xi32, #tpu.memory_space<vmem>>
      %dma_wait3A_397 = tpu.memref_squeeze %dma_wait3A_396 : memref<1x128xi32, #tpu.memory_space<vmem>> -> memref<128xi32, #tpu.memory_space<vmem>>
      %dma_wait3A_398 = arith.constant 0 : i32
      %dma_wait3A_399 = arith.constant 0 : i32
      %dma_wait3A_400 = tpu.memref_slice %arg2[%dma_wait3A_398, %dma_wait3A_399] : memref<20000x128xf32, #tpu.memory_space<hbm>> -> memref<20000x128xf32, #tpu.memory_space<hbm>>
      tpu.wait_indirect_dma semaphore(%arg13 : memref<!tpu.dma_semaphore, #tpu.memory_space<semaphore_mem>>) src(%dma_wait3A_400 : memref<20000x128xf32, #tpu.memory_space<hbm>>) dst(%arg10 : memref<128x128xf32, #tpu.memory_space<vmem>>)
      %run_scoped3A_401 = arith.constant 7 : i32
      "tpu.region"() ({
        %run_scoped3A_402 = tpu.sem_alloc : memref<!tpu.dma_semaphore, #tpu.memory_space<semaphore_mem>>
        %dma_start3A_403 = arith.constant 0 : i32
        %dma_start3A_404 = tpu.memref_slice %arg8[%run_scoped3A_401, %dma_start3A_403] : memref<8x128xi32, #tpu.memory_space<vmem>> -> memref<1x128xi32, #tpu.memory_space<vmem>>
        %dma_start3A_405 = tpu.memref_squeeze %dma_start3A_404 : memref<1x128xi32, #tpu.memory_space<vmem>> -> memref<128xi32, #tpu.memory_space<vmem>>
        %dma_start3A_406 = arith.constant 0 : i32
        %dma_start3A_407 = arith.constant 0 : i32
        %dma_start3A_408 = tpu.memref_slice %arg11[%dma_start3A_406, %dma_start3A_407] : memref<10112x128xf32, #tpu.memory_space<vmem_shared>> -> memref<10112x128xf32, #tpu.memory_space<vmem_shared>>
        tpu.enqueue_indirect_dma source(%arg10 : memref<128x128xf32, #tpu.memory_space<vmem>>) target(%dma_start3A_408 : memref<10112x128xf32, #tpu.memory_space<vmem_shared>>) offsets(%dma_start3A_405 : memref<128xi32, #tpu.memory_space<vmem>>) semaphore(%run_scoped3A_402 : memref<!tpu.dma_semaphore, #tpu.memory_space<semaphore_mem>>) {add = true}
        %dma_wait3A_409 = arith.constant 0 : i32
        %dma_wait3A_410 = tpu.memref_slice %arg8[%run_scoped3A_401, %dma_wait3A_409] : memref<8x128xi32, #tpu.memory_space<vmem>> -> memref<1x128xi32, #tpu.memory_space<vmem>>
        %dma_wait3A_411 = tpu.memref_squeeze %dma_wait3A_410 : memref<1x128xi32, #tpu.memory_space<vmem>> -> memref<128xi32, #tpu.memory_space<vmem>>
        %dma_wait3A_412 = arith.constant 0 : i32
        %dma_wait3A_413 = arith.constant 0 : i32
        %dma_wait3A_414 = tpu.memref_slice %arg11[%dma_wait3A_412, %dma_wait3A_413] : memref<10112x128xf32, #tpu.memory_space<vmem_shared>> -> memref<10112x128xf32, #tpu.memory_space<vmem_shared>>
        tpu.wait_indirect_dma semaphore(%run_scoped3A_402 : memref<!tpu.dma_semaphore, #tpu.memory_space<semaphore_mem>>) src(%arg10 : memref<128x128xf32, #tpu.memory_space<vmem>>) dst(%dma_wait3A_414 : memref<10112x128xf32, #tpu.memory_space<vmem_shared>>)
        tpu.yield
      }) : () -> ()
    }
    %scan3A_120 = arith.constant 20 : i32
    %barrier3A_121 = arith.constant 0 : index
    tpu.barrier barrier_id(%barrier3A_121)
    %mul3A_122 = arith.constant 632 : i32
    %mul3A_123 = arith.muli %arg1, %mul3A_122 : i32
    %add3A_124 = arith.constant 0 : i32
    %add3A_125 = arith.addi %mul3A_123, %add3A_124 : i32
    "tpu.region"() ({
      %run_scoped3A = tpu.sem_alloc : memref<!tpu.dma_semaphore, #tpu.memory_space<semaphore_mem>>
      %dma_start3A_282 = arith.constant 0 : i32
      %dma_start3A_283 = arith.constant 0 : i32
      %dma_start3A_284 = tpu.memref_slice %arg9[%dma_start3A_282, %dma_start3A_283] : memref<128x128xf32, #tpu.memory_space<vmem>> -> memref<128x128xf32, #tpu.memory_space<vmem>>
      %dma_start3A_285 = arith.constant 0 : i32
      %dma_start3A_286 = tpu.memref_slice %arg11[%add3A_125, %dma_start3A_285] : memref<10112x128xf32, #tpu.memory_space<vmem_shared>> -> memref<128x128xf32, #tpu.memory_space<vmem_shared>>
      %dma_start3A_287 = arith.constant 0 : i32
      %dma_start3A_288 = arith.constant 0 : i32
      %dma_start3A_289 = tpu.memref_slice %arg9[%dma_start3A_287, %dma_start3A_288] : memref<128x128xf32, #tpu.memory_space<vmem>> -> memref<128x128xf32, #tpu.memory_space<vmem>>
      %dma_start3A_290 = arith.constant 0 : i32
      %dma_start3A_291 = tpu.memref_slice %arg11[%add3A_125, %dma_start3A_290] : memref<10112x128xf32, #tpu.memory_space<vmem_shared>> -> memref<128x128xf32, #tpu.memory_space<vmem_shared>>
      tpu.enqueue_dma source(%dma_start3A_291 : memref<128x128xf32, #tpu.memory_space<vmem_shared>>) target(%dma_start3A_289 : memref<128x128xf32, #tpu.memory_space<vmem>>) target_semaphore(%run_scoped3A : memref<!tpu.dma_semaphore, #tpu.memory_space<semaphore_mem>>)
      %dma_wait3A_292 = arith.constant 0 : i32
      %dma_wait3A_293 = arith.constant 0 : i32
      %dma_wait3A_294 = tpu.memref_slice %arg9[%dma_wait3A_292, %dma_wait3A_293] : memref<128x128xf32, #tpu.memory_space<vmem>> -> memref<128x128xf32, #tpu.memory_space<vmem>>
      %dma_wait3A_295 = arith.constant 0 : i32
      %dma_wait3A_296 = tpu.memref_slice %arg11[%add3A_125, %dma_wait3A_295] : memref<10112x128xf32, #tpu.memory_space<vmem_shared>> -> memref<128x128xf32, #tpu.memory_space<vmem_shared>>
      %dma_wait3A_297 = arith.constant 0 : i32
      %dma_wait3A_298 = arith.constant 0 : i32
      %dma_wait3A_299 = tpu.memref_slice %arg9[%dma_wait3A_297, %dma_wait3A_298] : memref<128x128xf32, #tpu.memory_space<vmem>> -> memref<128x128xf32, #tpu.memory_space<vmem>>
      %dma_wait3A_300 = arith.constant 0 : i32
      %dma_wait3A_301 = tpu.memref_slice %arg11[%add3A_125, %dma_wait3A_300] : memref<10112x128xf32, #tpu.memory_space<vmem_shared>> -> memref<128x128xf32, #tpu.memory_space<vmem_shared>>
      tpu.wait_dma2 semaphore(%run_scoped3A : memref<!tpu.dma_semaphore, #tpu.memory_space<semaphore_mem>>) src(%dma_wait3A_301 : memref<128x128xf32, #tpu.memory_space<vmem_shared>>) dst(%dma_wait3A_299 : memref<128x128xf32, #tpu.memory_space<vmem>>)
      tpu.yield
    }) : () -> ()
    %mul3A_126 = arith.constant 632 : i32
    %mul3A_127 = arith.muli %arg1, %mul3A_126 : i32
    %add3A_128 = arith.constant 0 : i32
    %add3A_129 = arith.addi %mul3A_127, %add3A_128 : i32
    %dma_start3A_130 = arith.constant 0 : i32
    %dma_start3A_131 = arith.constant 0 : i32
    %dma_start3A_132 = tpu.memref_slice %arg9[%dma_start3A_130, %dma_start3A_131] : memref<128x128xf32, #tpu.memory_space<vmem>> -> memref<128x128xf32, #tpu.memory_space<vmem>>
    %dma_start3A_133 = arith.constant 0 : i32
    %dma_start3A_134 = tpu.memref_slice %arg6[%arg0, %add3A_129, %dma_start3A_133] : memref<2x10112x128xf32, #tpu.memory_space<hbm>> -> memref<1x128x128xf32, #tpu.memory_space<hbm>>
    %dma_start3A_135 = tpu.memref_squeeze %dma_start3A_134 : memref<1x128x128xf32, #tpu.memory_space<hbm>> -> memref<128x128xf32, #tpu.memory_space<hbm>>
    %dma_start3A_136 = arith.constant 0 : i32
    %dma_start3A_137 = tpu.memref_slice %arg6[%arg0, %add3A_129, %dma_start3A_136] : memref<2x10112x128xf32, #tpu.memory_space<hbm>> -> memref<1x128x128xf32, #tpu.memory_space<hbm>>
    %dma_start3A_138 = tpu.memref_squeeze %dma_start3A_137 : memref<1x128x128xf32, #tpu.memory_space<hbm>> -> memref<128x128xf32, #tpu.memory_space<hbm>>
    %dma_start3A_139 = arith.constant 0 : i32
    %dma_start3A_140 = arith.constant 0 : i32
    %dma_start3A_141 = tpu.memref_slice %arg9[%dma_start3A_139, %dma_start3A_140] : memref<128x128xf32, #tpu.memory_space<vmem>> -> memref<128x128xf32, #tpu.memory_space<vmem>>
    tpu.enqueue_dma source(%dma_start3A_141 : memref<128x128xf32, #tpu.memory_space<vmem>>) target(%dma_start3A_138 : memref<128x128xf32, #tpu.memory_space<hbm>>) target_semaphore(%arg12 : memref<!tpu.dma_semaphore, #tpu.memory_space<semaphore_mem>>)
    %mul3A_142 = arith.constant 632 : i32
    %mul3A_143 = arith.muli %arg1, %mul3A_142 : i32
    %add3A_144 = arith.constant 128 : i32
    %add3A_145 = arith.addi %mul3A_143, %add3A_144 : i32
    "tpu.region"() ({
      %run_scoped3A = tpu.sem_alloc : memref<!tpu.dma_semaphore, #tpu.memory_space<semaphore_mem>>
      %dma_start3A_282 = arith.constant 0 : i32
      %dma_start3A_283 = arith.constant 0 : i32
      %dma_start3A_284 = tpu.memref_slice %arg10[%dma_start3A_282, %dma_start3A_283] : memref<128x128xf32, #tpu.memory_space<vmem>> -> memref<128x128xf32, #tpu.memory_space<vmem>>
      %dma_start3A_285 = arith.constant 0 : i32
      %dma_start3A_286 = tpu.memref_slice %arg11[%add3A_145, %dma_start3A_285] : memref<10112x128xf32, #tpu.memory_space<vmem_shared>> -> memref<128x128xf32, #tpu.memory_space<vmem_shared>>
      %dma_start3A_287 = arith.constant 0 : i32
      %dma_start3A_288 = arith.constant 0 : i32
      %dma_start3A_289 = tpu.memref_slice %arg10[%dma_start3A_287, %dma_start3A_288] : memref<128x128xf32, #tpu.memory_space<vmem>> -> memref<128x128xf32, #tpu.memory_space<vmem>>
      %dma_start3A_290 = arith.constant 0 : i32
      %dma_start3A_291 = tpu.memref_slice %arg11[%add3A_145, %dma_start3A_290] : memref<10112x128xf32, #tpu.memory_space<vmem_shared>> -> memref<128x128xf32, #tpu.memory_space<vmem_shared>>
      tpu.enqueue_dma source(%dma_start3A_291 : memref<128x128xf32, #tpu.memory_space<vmem_shared>>) target(%dma_start3A_289 : memref<128x128xf32, #tpu.memory_space<vmem>>) target_semaphore(%run_scoped3A : memref<!tpu.dma_semaphore, #tpu.memory_space<semaphore_mem>>)
      %dma_wait3A_292 = arith.constant 0 : i32
      %dma_wait3A_293 = arith.constant 0 : i32
      %dma_wait3A_294 = tpu.memref_slice %arg10[%dma_wait3A_292, %dma_wait3A_293] : memref<128x128xf32, #tpu.memory_space<vmem>> -> memref<128x128xf32, #tpu.memory_space<vmem>>
      %dma_wait3A_295 = arith.constant 0 : i32
      %dma_wait3A_296 = tpu.memref_slice %arg11[%add3A_145, %dma_wait3A_295] : memref<10112x128xf32, #tpu.memory_space<vmem_shared>> -> memref<128x128xf32, #tpu.memory_space<vmem_shared>>
      %dma_wait3A_297 = arith.constant 0 : i32
      %dma_wait3A_298 = arith.constant 0 : i32
      %dma_wait3A_299 = tpu.memref_slice %arg10[%dma_wait3A_297, %dma_wait3A_298] : memref<128x128xf32, #tpu.memory_space<vmem>> -> memref<128x128xf32, #tpu.memory_space<vmem>>
      %dma_wait3A_300 = arith.constant 0 : i32
      %dma_wait3A_301 = tpu.memref_slice %arg11[%add3A_145, %dma_wait3A_300] : memref<10112x128xf32, #tpu.memory_space<vmem_shared>> -> memref<128x128xf32, #tpu.memory_space<vmem_shared>>
      tpu.wait_dma2 semaphore(%run_scoped3A : memref<!tpu.dma_semaphore, #tpu.memory_space<semaphore_mem>>) src(%dma_wait3A_301 : memref<128x128xf32, #tpu.memory_space<vmem_shared>>) dst(%dma_wait3A_299 : memref<128x128xf32, #tpu.memory_space<vmem>>)
      tpu.yield
    }) : () -> ()
    %mul3A_146 = arith.constant 632 : i32
    %mul3A_147 = arith.muli %arg1, %mul3A_146 : i32
    %add3A_148 = arith.constant 128 : i32
    %add3A_149 = arith.addi %mul3A_147, %add3A_148 : i32
    %dma_start3A_150 = arith.constant 0 : i32
    %dma_start3A_151 = arith.constant 0 : i32
    %dma_start3A_152 = tpu.memref_slice %arg10[%dma_start3A_150, %dma_start3A_151] : memref<128x128xf32, #tpu.memory_space<vmem>> -> memref<128x128xf32, #tpu.memory_space<vmem>>
    %dma_start3A_153 = arith.constant 0 : i32
    %dma_start3A_154 = tpu.memref_slice %arg6[%arg0, %add3A_149, %dma_start3A_153] : memref<2x10112x128xf32, #tpu.memory_space<hbm>> -> memref<1x128x128xf32, #tpu.memory_space<hbm>>
    %dma_start3A_155 = tpu.memref_squeeze %dma_start3A_154 : memref<1x128x128xf32, #tpu.memory_space<hbm>> -> memref<128x128xf32, #tpu.memory_space<hbm>>
    %dma_start3A_156 = arith.constant 0 : i32
    %dma_start3A_157 = tpu.memref_slice %arg6[%arg0, %add3A_149, %dma_start3A_156] : memref<2x10112x128xf32, #tpu.memory_space<hbm>> -> memref<1x128x128xf32, #tpu.memory_space<hbm>>
    %dma_start3A_158 = tpu.memref_squeeze %dma_start3A_157 : memref<1x128x128xf32, #tpu.memory_space<hbm>> -> memref<128x128xf32, #tpu.memory_space<hbm>>
    %dma_start3A_159 = arith.constant 0 : i32
    %dma_start3A_160 = arith.constant 0 : i32
    %dma_start3A_161 = tpu.memref_slice %arg10[%dma_start3A_159, %dma_start3A_160] : memref<128x128xf32, #tpu.memory_space<vmem>> -> memref<128x128xf32, #tpu.memory_space<vmem>>
    tpu.enqueue_dma source(%dma_start3A_161 : memref<128x128xf32, #tpu.memory_space<vmem>>) target(%dma_start3A_158 : memref<128x128xf32, #tpu.memory_space<hbm>>) target_semaphore(%arg13 : memref<!tpu.dma_semaphore, #tpu.memory_space<semaphore_mem>>)
    %dma_wait3A_162 = arith.constant 0 : i32
    %dma_wait3A_163 = arith.constant 0 : i32
    %dma_wait3A_164 = tpu.memref_slice %arg9[%dma_wait3A_162, %dma_wait3A_163] : memref<128x128xf32, #tpu.memory_space<vmem>> -> memref<128x128xf32, #tpu.memory_space<vmem>>
    %dma_wait3A_165 = arith.constant 0 : i32
    %dma_wait3A_166 = tpu.memref_slice %arg6[%arg0, %add3A_129, %dma_wait3A_165] : memref<2x10112x128xf32, #tpu.memory_space<hbm>> -> memref<1x128x128xf32, #tpu.memory_space<hbm>>
    %dma_wait3A_167 = tpu.memref_squeeze %dma_wait3A_166 : memref<1x128x128xf32, #tpu.memory_space<hbm>> -> memref<128x128xf32, #tpu.memory_space<hbm>>
    %dma_wait3A_168 = arith.constant 0 : i32
    %dma_wait3A_169 = tpu.memref_slice %arg6[%arg0, %add3A_129, %dma_wait3A_168] : memref<2x10112x128xf32, #tpu.memory_space<hbm>> -> memref<1x128x128xf32, #tpu.memory_space<hbm>>
    %dma_wait3A_170 = tpu.memref_squeeze %dma_wait3A_169 : memref<1x128x128xf32, #tpu.memory_space<hbm>> -> memref<128x128xf32, #tpu.memory_space<hbm>>
    %dma_wait3A_171 = arith.constant 0 : i32
    %dma_wait3A_172 = arith.constant 0 : i32
    %dma_wait3A_173 = tpu.memref_slice %arg9[%dma_wait3A_171, %dma_wait3A_172] : memref<128x128xf32, #tpu.memory_space<vmem>> -> memref<128x128xf32, #tpu.memory_space<vmem>>
    tpu.wait_dma2 semaphore(%arg12 : memref<!tpu.dma_semaphore, #tpu.memory_space<semaphore_mem>>) src(%dma_wait3A_173 : memref<128x128xf32, #tpu.memory_space<vmem>>) dst(%dma_wait3A_170 : memref<128x128xf32, #tpu.memory_space<hbm>>)
    %mul3A_174 = arith.constant 632 : i32
    %mul3A_175 = arith.muli %arg1, %mul3A_174 : i32
    %add3A_176 = arith.constant 256 : i32
    %add3A_177 = arith.addi %mul3A_175, %add3A_176 : i32
    "tpu.region"() ({
      %run_scoped3A = tpu.sem_alloc : memref<!tpu.dma_semaphore, #tpu.memory_space<semaphore_mem>>
      %dma_start3A_282 = arith.constant 0 : i32
      %dma_start3A_283 = arith.constant 0 : i32
      %dma_start3A_284 = tpu.memref_slice %arg9[%dma_start3A_282, %dma_start3A_283] : memref<128x128xf32, #tpu.memory_space<vmem>> -> memref<128x128xf32, #tpu.memory_space<vmem>>
      %dma_start3A_285 = arith.constant 0 : i32
      %dma_start3A_286 = tpu.memref_slice %arg11[%add3A_177, %dma_start3A_285] : memref<10112x128xf32, #tpu.memory_space<vmem_shared>> -> memref<128x128xf32, #tpu.memory_space<vmem_shared>>
      %dma_start3A_287 = arith.constant 0 : i32
      %dma_start3A_288 = arith.constant 0 : i32
      %dma_start3A_289 = tpu.memref_slice %arg9[%dma_start3A_287, %dma_start3A_288] : memref<128x128xf32, #tpu.memory_space<vmem>> -> memref<128x128xf32, #tpu.memory_space<vmem>>
      %dma_start3A_290 = arith.constant 0 : i32
      %dma_start3A_291 = tpu.memref_slice %arg11[%add3A_177, %dma_start3A_290] : memref<10112x128xf32, #tpu.memory_space<vmem_shared>> -> memref<128x128xf32, #tpu.memory_space<vmem_shared>>
      tpu.enqueue_dma source(%dma_start3A_291 : memref<128x128xf32, #tpu.memory_space<vmem_shared>>) target(%dma_start3A_289 : memref<128x128xf32, #tpu.memory_space<vmem>>) target_semaphore(%run_scoped3A : memref<!tpu.dma_semaphore, #tpu.memory_space<semaphore_mem>>)
      %dma_wait3A_292 = arith.constant 0 : i32
      %dma_wait3A_293 = arith.constant 0 : i32
      %dma_wait3A_294 = tpu.memref_slice %arg9[%dma_wait3A_292, %dma_wait3A_293] : memref<128x128xf32, #tpu.memory_space<vmem>> -> memref<128x128xf32, #tpu.memory_space<vmem>>
      %dma_wait3A_295 = arith.constant 0 : i32
      %dma_wait3A_296 = tpu.memref_slice %arg11[%add3A_177, %dma_wait3A_295] : memref<10112x128xf32, #tpu.memory_space<vmem_shared>> -> memref<128x128xf32, #tpu.memory_space<vmem_shared>>
      %dma_wait3A_297 = arith.constant 0 : i32
      %dma_wait3A_298 = arith.constant 0 : i32
      %dma_wait3A_299 = tpu.memref_slice %arg9[%dma_wait3A_297, %dma_wait3A_298] : memref<128x128xf32, #tpu.memory_space<vmem>> -> memref<128x128xf32, #tpu.memory_space<vmem>>
      %dma_wait3A_300 = arith.constant 0 : i32
      %dma_wait3A_301 = tpu.memref_slice %arg11[%add3A_177, %dma_wait3A_300] : memref<10112x128xf32, #tpu.memory_space<vmem_shared>> -> memref<128x128xf32, #tpu.memory_space<vmem_shared>>
      tpu.wait_dma2 semaphore(%run_scoped3A : memref<!tpu.dma_semaphore, #tpu.memory_space<semaphore_mem>>) src(%dma_wait3A_301 : memref<128x128xf32, #tpu.memory_space<vmem_shared>>) dst(%dma_wait3A_299 : memref<128x128xf32, #tpu.memory_space<vmem>>)
      tpu.yield
    }) : () -> ()
    %mul3A_178 = arith.constant 632 : i32
    %mul3A_179 = arith.muli %arg1, %mul3A_178 : i32
    %add3A_180 = arith.constant 256 : i32
    %add3A_181 = arith.addi %mul3A_179, %add3A_180 : i32
    %dma_start3A_182 = arith.constant 0 : i32
    %dma_start3A_183 = arith.constant 0 : i32
    %dma_start3A_184 = tpu.memref_slice %arg9[%dma_start3A_182, %dma_start3A_183] : memref<128x128xf32, #tpu.memory_space<vmem>> -> memref<128x128xf32, #tpu.memory_space<vmem>>
    %dma_start3A_185 = arith.constant 0 : i32
    %dma_start3A_186 = tpu.memref_slice %arg6[%arg0, %add3A_181, %dma_start3A_185] : memref<2x10112x128xf32, #tpu.memory_space<hbm>> -> memref<1x128x128xf32, #tpu.memory_space<hbm>>
    %dma_start3A_187 = tpu.memref_squeeze %dma_start3A_186 : memref<1x128x128xf32, #tpu.memory_space<hbm>> -> memref<128x128xf32, #tpu.memory_space<hbm>>
    %dma_start3A_188 = arith.constant 0 : i32
    %dma_start3A_189 = tpu.memref_slice %arg6[%arg0, %add3A_181, %dma_start3A_188] : memref<2x10112x128xf32, #tpu.memory_space<hbm>> -> memref<1x128x128xf32, #tpu.memory_space<hbm>>
    %dma_start3A_190 = tpu.memref_squeeze %dma_start3A_189 : memref<1x128x128xf32, #tpu.memory_space<hbm>> -> memref<128x128xf32, #tpu.memory_space<hbm>>
    %dma_start3A_191 = arith.constant 0 : i32
    %dma_start3A_192 = arith.constant 0 : i32
    %dma_start3A_193 = tpu.memref_slice %arg9[%dma_start3A_191, %dma_start3A_192] : memref<128x128xf32, #tpu.memory_space<vmem>> -> memref<128x128xf32, #tpu.memory_space<vmem>>
    tpu.enqueue_dma source(%dma_start3A_193 : memref<128x128xf32, #tpu.memory_space<vmem>>) target(%dma_start3A_190 : memref<128x128xf32, #tpu.memory_space<hbm>>) target_semaphore(%arg12 : memref<!tpu.dma_semaphore, #tpu.memory_space<semaphore_mem>>)
    %dma_wait3A_194 = arith.constant 0 : i32
    %dma_wait3A_195 = arith.constant 0 : i32
    %dma_wait3A_196 = tpu.memref_slice %arg10[%dma_wait3A_194, %dma_wait3A_195] : memref<128x128xf32, #tpu.memory_space<vmem>> -> memref<128x128xf32, #tpu.memory_space<vmem>>
    %dma_wait3A_197 = arith.constant 0 : i32
    %dma_wait3A_198 = tpu.memref_slice %arg6[%arg0, %add3A_149, %dma_wait3A_197] : memref<2x10112x128xf32, #tpu.memory_space<hbm>> -> memref<1x128x128xf32, #tpu.memory_space<hbm>>
    %dma_wait3A_199 = tpu.memref_squeeze %dma_wait3A_198 : memref<1x128x128xf32, #tpu.memory_space<hbm>> -> memref<128x128xf32, #tpu.memory_space<hbm>>
    %dma_wait3A_200 = arith.constant 0 : i32
    %dma_wait3A_201 = tpu.memref_slice %arg6[%arg0, %add3A_149, %dma_wait3A_200] : memref<2x10112x128xf32, #tpu.memory_space<hbm>> -> memref<1x128x128xf32, #tpu.memory_space<hbm>>
    %dma_wait3A_202 = tpu.memref_squeeze %dma_wait3A_201 : memref<1x128x128xf32, #tpu.memory_space<hbm>> -> memref<128x128xf32, #tpu.memory_space<hbm>>
    %dma_wait3A_203 = arith.constant 0 : i32
    %dma_wait3A_204 = arith.constant 0 : i32
    %dma_wait3A_205 = tpu.memref_slice %arg10[%dma_wait3A_203, %dma_wait3A_204] : memref<128x128xf32, #tpu.memory_space<vmem>> -> memref<128x128xf32, #tpu.memory_space<vmem>>
    tpu.wait_dma2 semaphore(%arg13 : memref<!tpu.dma_semaphore, #tpu.memory_space<semaphore_mem>>) src(%dma_wait3A_205 : memref<128x128xf32, #tpu.memory_space<vmem>>) dst(%dma_wait3A_202 : memref<128x128xf32, #tpu.memory_space<hbm>>)
    %mul3A_206 = arith.constant 632 : i32
    %mul3A_207 = arith.muli %arg1, %mul3A_206 : i32
    %add3A_208 = arith.constant 384 : i32
    %add3A_209 = arith.addi %mul3A_207, %add3A_208 : i32
    "tpu.region"() ({
      %run_scoped3A = tpu.sem_alloc : memref<!tpu.dma_semaphore, #tpu.memory_space<semaphore_mem>>
      %dma_start3A_282 = arith.constant 0 : i32
      %dma_start3A_283 = arith.constant 0 : i32
      %dma_start3A_284 = tpu.memref_slice %arg10[%dma_start3A_282, %dma_start3A_283] : memref<128x128xf32, #tpu.memory_space<vmem>> -> memref<128x128xf32, #tpu.memory_space<vmem>>
      %dma_start3A_285 = arith.constant 0 : i32
      %dma_start3A_286 = tpu.memref_slice %arg11[%add3A_209, %dma_start3A_285] : memref<10112x128xf32, #tpu.memory_space<vmem_shared>> -> memref<128x128xf32, #tpu.memory_space<vmem_shared>>
      %dma_start3A_287 = arith.constant 0 : i32
      %dma_start3A_288 = arith.constant 0 : i32
      %dma_start3A_289 = tpu.memref_slice %arg10[%dma_start3A_287, %dma_start3A_288] : memref<128x128xf32, #tpu.memory_space<vmem>> -> memref<128x128xf32, #tpu.memory_space<vmem>>
      %dma_start3A_290 = arith.constant 0 : i32
      %dma_start3A_291 = tpu.memref_slice %arg11[%add3A_209, %dma_start3A_290] : memref<10112x128xf32, #tpu.memory_space<vmem_shared>> -> memref<128x128xf32, #tpu.memory_space<vmem_shared>>
      tpu.enqueue_dma source(%dma_start3A_291 : memref<128x128xf32, #tpu.memory_space<vmem_shared>>) target(%dma_start3A_289 : memref<128x128xf32, #tpu.memory_space<vmem>>) target_semaphore(%run_scoped3A : memref<!tpu.dma_semaphore, #tpu.memory_space<semaphore_mem>>)
      %dma_wait3A_292 = arith.constant 0 : i32
      %dma_wait3A_293 = arith.constant 0 : i32
      %dma_wait3A_294 = tpu.memref_slice %arg10[%dma_wait3A_292, %dma_wait3A_293] : memref<128x128xf32, #tpu.memory_space<vmem>> -> memref<128x128xf32, #tpu.memory_space<vmem>>
      %dma_wait3A_295 = arith.constant 0 : i32
      %dma_wait3A_296 = tpu.memref_slice %arg11[%add3A_209, %dma_wait3A_295] : memref<10112x128xf32, #tpu.memory_space<vmem_shared>> -> memref<128x128xf32, #tpu.memory_space<vmem_shared>>
      %dma_wait3A_297 = arith.constant 0 : i32
      %dma_wait3A_298 = arith.constant 0 : i32
      %dma_wait3A_299 = tpu.memref_slice %arg10[%dma_wait3A_297, %dma_wait3A_298] : memref<128x128xf32, #tpu.memory_space<vmem>> -> memref<128x128xf32, #tpu.memory_space<vmem>>
      %dma_wait3A_300 = arith.constant 0 : i32
      %dma_wait3A_301 = tpu.memref_slice %arg11[%add3A_209, %dma_wait3A_300] : memref<10112x128xf32, #tpu.memory_space<vmem_shared>> -> memref<128x128xf32, #tpu.memory_space<vmem_shared>>
      tpu.wait_dma2 semaphore(%run_scoped3A : memref<!tpu.dma_semaphore, #tpu.memory_space<semaphore_mem>>) src(%dma_wait3A_301 : memref<128x128xf32, #tpu.memory_space<vmem_shared>>) dst(%dma_wait3A_299 : memref<128x128xf32, #tpu.memory_space<vmem>>)
      tpu.yield
    }) : () -> ()
    %mul3A_210 = arith.constant 632 : i32
    %mul3A_211 = arith.muli %arg1, %mul3A_210 : i32
    %add3A_212 = arith.constant 384 : i32
    %add3A_213 = arith.addi %mul3A_211, %add3A_212 : i32
    %dma_start3A_214 = arith.constant 0 : i32
    %dma_start3A_215 = arith.constant 0 : i32
    %dma_start3A_216 = tpu.memref_slice %arg10[%dma_start3A_214, %dma_start3A_215] : memref<128x128xf32, #tpu.memory_space<vmem>> -> memref<128x128xf32, #tpu.memory_space<vmem>>
    %dma_start3A_217 = arith.constant 0 : i32
    %dma_start3A_218 = tpu.memref_slice %arg6[%arg0, %add3A_213, %dma_start3A_217] : memref<2x10112x128xf32, #tpu.memory_space<hbm>> -> memref<1x128x128xf32, #tpu.memory_space<hbm>>
    %dma_start3A_219 = tpu.memref_squeeze %dma_start3A_218 : memref<1x128x128xf32, #tpu.memory_space<hbm>> -> memref<128x128xf32, #tpu.memory_space<hbm>>
    %dma_start3A_220 = arith.constant 0 : i32
    %dma_start3A_221 = tpu.memref_slice %arg6[%arg0, %add3A_213, %dma_start3A_220] : memref<2x10112x128xf32, #tpu.memory_space<hbm>> -> memref<1x128x128xf32, #tpu.memory_space<hbm>>
    %dma_start3A_222 = tpu.memref_squeeze %dma_start3A_221 : memref<1x128x128xf32, #tpu.memory_space<hbm>> -> memref<128x128xf32, #tpu.memory_space<hbm>>
    %dma_start3A_223 = arith.constant 0 : i32
    %dma_start3A_224 = arith.constant 0 : i32
    %dma_start3A_225 = tpu.memref_slice %arg10[%dma_start3A_223, %dma_start3A_224] : memref<128x128xf32, #tpu.memory_space<vmem>> -> memref<128x128xf32, #tpu.memory_space<vmem>>
    tpu.enqueue_dma source(%dma_start3A_225 : memref<128x128xf32, #tpu.memory_space<vmem>>) target(%dma_start3A_222 : memref<128x128xf32, #tpu.memory_space<hbm>>) target_semaphore(%arg13 : memref<!tpu.dma_semaphore, #tpu.memory_space<semaphore_mem>>)
    %dma_wait3A_226 = arith.constant 0 : i32
    %dma_wait3A_227 = arith.constant 0 : i32
    %dma_wait3A_228 = tpu.memref_slice %arg9[%dma_wait3A_226, %dma_wait3A_227] : memref<128x128xf32, #tpu.memory_space<vmem>> -> memref<128x128xf32, #tpu.memory_space<vmem>>
    %dma_wait3A_229 = arith.constant 0 : i32
    %dma_wait3A_230 = tpu.memref_slice %arg6[%arg0, %add3A_181, %dma_wait3A_229] : memref<2x10112x128xf32, #tpu.memory_space<hbm>> -> memref<1x128x128xf32, #tpu.memory_space<hbm>>
    %dma_wait3A_231 = tpu.memref_squeeze %dma_wait3A_230 : memref<1x128x128xf32, #tpu.memory_space<hbm>> -> memref<128x128xf32, #tpu.memory_space<hbm>>
    %dma_wait3A_232 = arith.constant 0 : i32
    %dma_wait3A_233 = tpu.memref_slice %arg6[%arg0, %add3A_181, %dma_wait3A_232] : memref<2x10112x128xf32, #tpu.memory_space<hbm>> -> memref<1x128x128xf32, #tpu.memory_space<hbm>>
    %dma_wait3A_234 = tpu.memref_squeeze %dma_wait3A_233 : memref<1x128x128xf32, #tpu.memory_space<hbm>> -> memref<128x128xf32, #tpu.memory_space<hbm>>
    %dma_wait3A_235 = arith.constant 0 : i32
    %dma_wait3A_236 = arith.constant 0 : i32
    %dma_wait3A_237 = tpu.memref_slice %arg9[%dma_wait3A_235, %dma_wait3A_236] : memref<128x128xf32, #tpu.memory_space<vmem>> -> memref<128x128xf32, #tpu.memory_space<vmem>>
    tpu.wait_dma2 semaphore(%arg12 : memref<!tpu.dma_semaphore, #tpu.memory_space<semaphore_mem>>) src(%dma_wait3A_237 : memref<128x128xf32, #tpu.memory_space<vmem>>) dst(%dma_wait3A_234 : memref<128x128xf32, #tpu.memory_space<hbm>>)
    %mul3A_238 = arith.constant 632 : i32
    %mul3A_239 = arith.muli %arg1, %mul3A_238 : i32
    %add3A_240 = arith.constant 512 : i32
    %add3A_241 = arith.addi %mul3A_239, %add3A_240 : i32
    "tpu.region"() ({
      %run_scoped3A = tpu.sem_alloc : memref<!tpu.dma_semaphore, #tpu.memory_space<semaphore_mem>>
      %dma_start3A_282 = arith.constant 0 : i32
      %dma_start3A_283 = arith.constant 0 : i32
      %dma_start3A_284 = tpu.memref_slice %arg9[%dma_start3A_282, %dma_start3A_283] : memref<128x128xf32, #tpu.memory_space<vmem>> -> memref<120x128xf32, #tpu.memory_space<vmem>>
      %dma_start3A_285 = arith.constant 0 : i32
      %dma_start3A_286 = tpu.memref_slice %arg11[%add3A_241, %dma_start3A_285] : memref<10112x128xf32, #tpu.memory_space<vmem_shared>> -> memref<120x128xf32, #tpu.memory_space<vmem_shared>>
      %dma_start3A_287 = arith.constant 0 : i32
      %dma_start3A_288 = arith.constant 0 : i32
      %dma_start3A_289 = tpu.memref_slice %arg9[%dma_start3A_287, %dma_start3A_288] : memref<128x128xf32, #tpu.memory_space<vmem>> -> memref<120x128xf32, #tpu.memory_space<vmem>>
      %dma_start3A_290 = arith.constant 0 : i32
      %dma_start3A_291 = tpu.memref_slice %arg11[%add3A_241, %dma_start3A_290] : memref<10112x128xf32, #tpu.memory_space<vmem_shared>> -> memref<120x128xf32, #tpu.memory_space<vmem_shared>>
      tpu.enqueue_dma source(%dma_start3A_291 : memref<120x128xf32, #tpu.memory_space<vmem_shared>>) target(%dma_start3A_289 : memref<120x128xf32, #tpu.memory_space<vmem>>) target_semaphore(%run_scoped3A : memref<!tpu.dma_semaphore, #tpu.memory_space<semaphore_mem>>)
      %dma_wait3A_292 = arith.constant 0 : i32
      %dma_wait3A_293 = arith.constant 0 : i32
      %dma_wait3A_294 = tpu.memref_slice %arg9[%dma_wait3A_292, %dma_wait3A_293] : memref<128x128xf32, #tpu.memory_space<vmem>> -> memref<120x128xf32, #tpu.memory_space<vmem>>
      %dma_wait3A_295 = arith.constant 0 : i32
      %dma_wait3A_296 = tpu.memref_slice %arg11[%add3A_241, %dma_wait3A_295] : memref<10112x128xf32, #tpu.memory_space<vmem_shared>> -> memref<120x128xf32, #tpu.memory_space<vmem_shared>>
      %dma_wait3A_297 = arith.constant 0 : i32
      %dma_wait3A_298 = arith.constant 0 : i32
      %dma_wait3A_299 = tpu.memref_slice %arg9[%dma_wait3A_297, %dma_wait3A_298] : memref<128x128xf32, #tpu.memory_space<vmem>> -> memref<120x128xf32, #tpu.memory_space<vmem>>
      %dma_wait3A_300 = arith.constant 0 : i32
      %dma_wait3A_301 = tpu.memref_slice %arg11[%add3A_241, %dma_wait3A_300] : memref<10112x128xf32, #tpu.memory_space<vmem_shared>> -> memref<120x128xf32, #tpu.memory_space<vmem_shared>>
      tpu.wait_dma2 semaphore(%run_scoped3A : memref<!tpu.dma_semaphore, #tpu.memory_space<semaphore_mem>>) src(%dma_wait3A_301 : memref<120x128xf32, #tpu.memory_space<vmem_shared>>) dst(%dma_wait3A_299 : memref<120x128xf32, #tpu.memory_space<vmem>>)
      tpu.yield
    }) : () -> ()
    %mul3A_242 = arith.constant 632 : i32
    %mul3A_243 = arith.muli %arg1, %mul3A_242 : i32
    %add3A_244 = arith.constant 512 : i32
    %add3A_245 = arith.addi %mul3A_243, %add3A_244 : i32
    %dma_start3A_246 = arith.constant 0 : i32
    %dma_start3A_247 = arith.constant 0 : i32
    %dma_start3A_248 = tpu.memref_slice %arg9[%dma_start3A_246, %dma_start3A_247] : memref<128x128xf32, #tpu.memory_space<vmem>> -> memref<120x128xf32, #tpu.memory_space<vmem>>
    %dma_start3A_249 = arith.constant 0 : i32
    %dma_start3A_250 = tpu.memref_slice %arg6[%arg0, %add3A_245, %dma_start3A_249] : memref<2x10112x128xf32, #tpu.memory_space<hbm>> -> memref<1x120x128xf32, #tpu.memory_space<hbm>>
    %dma_start3A_251 = tpu.memref_squeeze %dma_start3A_250 : memref<1x120x128xf32, #tpu.memory_space<hbm>> -> memref<120x128xf32, #tpu.memory_space<hbm>>
    %dma_start3A_252 = arith.constant 0 : i32
    %dma_start3A_253 = tpu.memref_slice %arg6[%arg0, %add3A_245, %dma_start3A_252] : memref<2x10112x128xf32, #tpu.memory_space<hbm>> -> memref<1x120x128xf32, #tpu.memory_space<hbm>>
    %dma_start3A_254 = tpu.memref_squeeze %dma_start3A_253 : memref<1x120x128xf32, #tpu.memory_space<hbm>> -> memref<120x128xf32, #tpu.memory_space<hbm>>
    %dma_start3A_255 = arith.constant 0 : i32
    %dma_start3A_256 = arith.constant 0 : i32
    %dma_start3A_257 = tpu.memref_slice %arg9[%dma_start3A_255, %dma_start3A_256] : memref<128x128xf32, #tpu.memory_space<vmem>> -> memref<120x128xf32, #tpu.memory_space<vmem>>
    tpu.enqueue_dma source(%dma_start3A_257 : memref<120x128xf32, #tpu.memory_space<vmem>>) target(%dma_start3A_254 : memref<120x128xf32, #tpu.memory_space<hbm>>) target_semaphore(%arg12 : memref<!tpu.dma_semaphore, #tpu.memory_space<semaphore_mem>>)
    %dma_wait3A_258 = arith.constant 0 : i32
    %dma_wait3A_259 = arith.constant 0 : i32
    %dma_wait3A_260 = tpu.memref_slice %arg10[%dma_wait3A_258, %dma_wait3A_259] : memref<128x128xf32, #tpu.memory_space<vmem>> -> memref<128x128xf32, #tpu.memory_space<vmem>>
    %dma_wait3A_261 = arith.constant 0 : i32
    %dma_wait3A_262 = tpu.memref_slice %arg6[%arg0, %add3A_213, %dma_wait3A_261] : memref<2x10112x128xf32, #tpu.memory_space<hbm>> -> memref<1x128x128xf32, #tpu.memory_space<hbm>>
    %dma_wait3A_263 = tpu.memref_squeeze %dma_wait3A_262 : memref<1x128x128xf32, #tpu.memory_space<hbm>> -> memref<128x128xf32, #tpu.memory_space<hbm>>
    %dma_wait3A_264 = arith.constant 0 : i32
    %dma_wait3A_265 = tpu.memref_slice %arg6[%arg0, %add3A_213, %dma_wait3A_264] : memref<2x10112x128xf32, #tpu.memory_space<hbm>> -> memref<1x128x128xf32, #tpu.memory_space<hbm>>
    %dma_wait3A_266 = tpu.memref_squeeze %dma_wait3A_265 : memref<1x128x128xf32, #tpu.memory_space<hbm>> -> memref<128x128xf32, #tpu.memory_space<hbm>>
    %dma_wait3A_267 = arith.constant 0 : i32
    %dma_wait3A_268 = arith.constant 0 : i32
    %dma_wait3A_269 = tpu.memref_slice %arg10[%dma_wait3A_267, %dma_wait3A_268] : memref<128x128xf32, #tpu.memory_space<vmem>> -> memref<128x128xf32, #tpu.memory_space<vmem>>
    tpu.wait_dma2 semaphore(%arg13 : memref<!tpu.dma_semaphore, #tpu.memory_space<semaphore_mem>>) src(%dma_wait3A_269 : memref<128x128xf32, #tpu.memory_space<vmem>>) dst(%dma_wait3A_266 : memref<128x128xf32, #tpu.memory_space<hbm>>)
    %dma_wait3A_270 = arith.constant 0 : i32
    %dma_wait3A_271 = arith.constant 0 : i32
    %dma_wait3A_272 = tpu.memref_slice %arg9[%dma_wait3A_270, %dma_wait3A_271] : memref<128x128xf32, #tpu.memory_space<vmem>> -> memref<120x128xf32, #tpu.memory_space<vmem>>
    %dma_wait3A_273 = arith.constant 0 : i32
    %dma_wait3A_274 = tpu.memref_slice %arg6[%arg0, %add3A_245, %dma_wait3A_273] : memref<2x10112x128xf32, #tpu.memory_space<hbm>> -> memref<1x120x128xf32, #tpu.memory_space<hbm>>
    %dma_wait3A_275 = tpu.memref_squeeze %dma_wait3A_274 : memref<1x120x128xf32, #tpu.memory_space<hbm>> -> memref<120x128xf32, #tpu.memory_space<hbm>>
    %dma_wait3A_276 = arith.constant 0 : i32
    %dma_wait3A_277 = tpu.memref_slice %arg6[%arg0, %add3A_245, %dma_wait3A_276] : memref<2x10112x128xf32, #tpu.memory_space<hbm>> -> memref<1x120x128xf32, #tpu.memory_space<hbm>>
    %dma_wait3A_278 = tpu.memref_squeeze %dma_wait3A_277 : memref<1x120x128xf32, #tpu.memory_space<hbm>> -> memref<120x128xf32, #tpu.memory_space<hbm>>
    %dma_wait3A_279 = arith.constant 0 : i32
    %dma_wait3A_280 = arith.constant 0 : i32
    %dma_wait3A_281 = tpu.memref_slice %arg9[%dma_wait3A_279, %dma_wait3A_280] : memref<128x128xf32, #tpu.memory_space<vmem>> -> memref<120x128xf32, #tpu.memory_space<vmem>>
    tpu.wait_dma2 semaphore(%arg12 : memref<!tpu.dma_semaphore, #tpu.memory_space<semaphore_mem>>) src(%dma_wait3A_281 : memref<120x128xf32, #tpu.memory_space<vmem>>) dst(%dma_wait3A_278 : memref<120x128xf32, #tpu.memory_space<hbm>>)
    return
  }
}

#map = affine_map<(d0, d1) -> (0, 0)>
#map1 = affine_map<(d0, d1) -> (0, 0, 0, 0, 0)>
#map2 = affine_map<(d0, d1) -> (0, 0, 0)>
module attributes {stable_mosaic.version = 14 : i64} {
  func.func @agg(%arg0: i32, %arg1: i32, %arg2: memref<20000x128xf32, #tpu.memory_space<hbm>>, %arg3: memref<2x16x20x8x128xi32, #tpu.memory_space<hbm>>, %arg4: memref<2x16x20x8x128xi32, #tpu.memory_space<hbm>>, %arg5: memref<128x128xf32, #tpu.memory_space<hbm>>, %arg6: memref<2x10112x128xf32, #tpu.memory_space<hbm>>, %arg7: memref<8x128xi32, #tpu.memory_space<vmem>>, %arg8: memref<8x128xi32, #tpu.memory_space<vmem>>, %arg9: memref<128x128xf32, #tpu.memory_space<vmem>>, %arg10: memref<128x128xf32, #tpu.memory_space<vmem>>, %arg11: memref<10112x128xf32, #tpu.memory_space<vmem_shared>>, %arg12: memref<!tpu.dma_semaphore, #tpu.memory_space<semaphore_mem>>, %arg13: memref<!tpu.dma_semaphore, #tpu.memory_space<semaphore_mem>>) attributes {dimension_semantics = [#tpu.dimension_semantics<core_parallel>, #tpu.dimension_semantics<subcore_parallel>], iteration_bounds = array<i64: 2, 16>, scalar_prefetch = 0 : i64, scratch_operands = 7 : i64, tpu.core_type = #tpu.core_type<sc_vector_subcore>, window_params = [{transform_indices = #map}, {transform_indices = #map1}, {transform_indices = #map1}, {transform_indices = #map}, {transform_indices = #map2}]} {
    "tpu.region"() ({
      %run_scoped3A = tpu.sem_alloc : memref<!tpu.dma_semaphore, #tpu.memory_space<semaphore_mem>>
      tpu.enqueue_dma source(%arg5 : memref<128x128xf32, #tpu.memory_space<hbm>>) target(%arg9 : memref<128x128xf32, #tpu.memory_space<vmem>>) target_semaphore(%run_scoped3A : memref<!tpu.dma_semaphore, #tpu.memory_space<semaphore_mem>>)
      tpu.wait_dma2 semaphore(%run_scoped3A : memref<!tpu.dma_semaphore, #tpu.memory_space<semaphore_mem>>) src(%arg5 : memref<128x128xf32, #tpu.memory_space<hbm>>) dst(%arg9 : memref<128x128xf32, #tpu.memory_space<vmem>>)
      tpu.yield
    }) : () -> ()
    %mul3A = arith.constant 632 : i32
    %mul3A_0 = arith.muli %arg1, %mul3A : i32
    %add3A = arith.constant 0 : i32
    %add3A_1 = arith.addi %mul3A_0, %add3A : i32
    %dma_start3A = arith.constant 0 : i32
    %dma_start3A_2 = arith.constant 0 : i32
    %dma_start3A_3 = tpu.memref_slice %arg9[%dma_start3A, %dma_start3A_2] : memref<128x128xf32, #tpu.memory_space<vmem>> -> memref<128x128xf32, #tpu.memory_space<vmem>>
    %dma_start3A_4 = arith.constant 0 : i32
    %dma_start3A_5 = tpu.memref_slice %arg11[%add3A_1, %dma_start3A_4] : memref<10112x128xf32, #tpu.memory_space<vmem_shared>> -> memref<128x128xf32, #tpu.memory_space<vmem_shared>>
    %dma_start3A_6 = arith.constant 0 : i32
    %dma_start3A_7 = tpu.memref_slice %arg11[%add3A_1, %dma_start3A_6] : memref<10112x128xf32, #tpu.memory_space<vmem_shared>> -> memref<128x128xf32, #tpu.memory_space<vmem_shared>>
    %dma_start3A_8 = arith.constant 0 : i32
    %dma_start3A_9 = arith.constant 0 : i32
    %dma_start3A_10 = tpu.memref_slice %arg9[%dma_start3A_8, %dma_start3A_9] : memref<128x128xf32, #tpu.memory_space<vmem>> -> memref<128x128xf32, #tpu.memory_space<vmem>>
    tpu.enqueue_dma source(%dma_start3A_10 : memref<128x128xf32, #tpu.memory_space<vmem>>) target(%dma_start3A_7 : memref<128x128xf32, #tpu.memory_space<vmem_shared>>) target_semaphore(%arg12 : memref<!tpu.dma_semaphore, #tpu.memory_space<semaphore_mem>>)
    %mul3A_11 = arith.constant 632 : i32
    %mul3A_12 = arith.muli %arg1, %mul3A_11 : i32
    %add3A_13 = arith.constant 128 : i32
    %add3A_14 = arith.addi %mul3A_12, %add3A_13 : i32
    %dma_start3A_15 = arith.constant 0 : i32
    %dma_start3A_16 = arith.constant 0 : i32
    %dma_start3A_17 = tpu.memref_slice %arg9[%dma_start3A_15, %dma_start3A_16] : memref<128x128xf32, #tpu.memory_space<vmem>> -> memref<128x128xf32, #tpu.memory_space<vmem>>
    %dma_start3A_18 = arith.constant 0 : i32
    %dma_start3A_19 = tpu.memref_slice %arg11[%add3A_14, %dma_start3A_18] : memref<10112x128xf32, #tpu.memory_space<vmem_shared>> -> memref<128x128xf32, #tpu.memory_space<vmem_shared>>
    %dma_start3A_20 = arith.constant 0 : i32
    %dma_start3A_21 = tpu.memref_slice %arg11[%add3A_14, %dma_start3A_20] : memref<10112x128xf32, #tpu.memory_space<vmem_shared>> -> memref<128x128xf32, #tpu.memory_space<vmem_shared>>
    %dma_start3A_22 = arith.constant 0 : i32
    %dma_start3A_23 = arith.constant 0 : i32
    %dma_start3A_24 = tpu.memref_slice %arg9[%dma_start3A_22, %dma_start3A_23] : memref<128x128xf32, #tpu.memory_space<vmem>> -> memref<128x128xf32, #tpu.memory_space<vmem>>
    tpu.enqueue_dma source(%dma_start3A_24 : memref<128x128xf32, #tpu.memory_space<vmem>>) target(%dma_start3A_21 : memref<128x128xf32, #tpu.memory_space<vmem_shared>>) target_semaphore(%arg12 : memref<!tpu.dma_semaphore, #tpu.memory_space<semaphore_mem>>)
    %mul3A_25 = arith.constant 632 : i32
    %mul3A_26 = arith.muli %arg1, %mul3A_25 : i32
    %add3A_27 = arith.constant 256 : i32
    %add3A_28 = arith.addi %mul3A_26, %add3A_27 : i32
    %dma_start3A_29 = arith.constant 0 : i32
    %dma_start3A_30 = arith.constant 0 : i32
    %dma_start3A_31 = tpu.memref_slice %arg9[%dma_start3A_29, %dma_start3A_30] : memref<128x128xf32, #tpu.memory_space<vmem>> -> memref<128x128xf32, #tpu.memory_space<vmem>>
    %dma_start3A_32 = arith.constant 0 : i32
    %dma_start3A_33 = tpu.memref_slice %arg11[%add3A_28, %dma_start3A_32] : memref<10112x128xf32, #tpu.memory_space<vmem_shared>> -> memref<128x128xf32, #tpu.memory_space<vmem_shared>>
    %dma_start3A_34 = arith.constant 0 : i32
    %dma_start3A_35 = tpu.memref_slice %arg11[%add3A_28, %dma_start3A_34] : memref<10112x128xf32, #tpu.memory_space<vmem_shared>> -> memref<128x128xf32, #tpu.memory_space<vmem_shared>>
    %dma_start3A_36 = arith.constant 0 : i32
    %dma_start3A_37 = arith.constant 0 : i32
    %dma_start3A_38 = tpu.memref_slice %arg9[%dma_start3A_36, %dma_start3A_37] : memref<128x128xf32, #tpu.memory_space<vmem>> -> memref<128x128xf32, #tpu.memory_space<vmem>>
    tpu.enqueue_dma source(%dma_start3A_38 : memref<128x128xf32, #tpu.memory_space<vmem>>) target(%dma_start3A_35 : memref<128x128xf32, #tpu.memory_space<vmem_shared>>) target_semaphore(%arg12 : memref<!tpu.dma_semaphore, #tpu.memory_space<semaphore_mem>>)
    %mul3A_39 = arith.constant 632 : i32
    %mul3A_40 = arith.muli %arg1, %mul3A_39 : i32
    %add3A_41 = arith.constant 384 : i32
    %add3A_42 = arith.addi %mul3A_40, %add3A_41 : i32
    %dma_start3A_43 = arith.constant 0 : i32
    %dma_start3A_44 = arith.constant 0 : i32
    %dma_start3A_45 = tpu.memref_slice %arg9[%dma_start3A_43, %dma_start3A_44] : memref<128x128xf32, #tpu.memory_space<vmem>> -> memref<128x128xf32, #tpu.memory_space<vmem>>
    %dma_start3A_46 = arith.constant 0 : i32
    %dma_start3A_47 = tpu.memref_slice %arg11[%add3A_42, %dma_start3A_46] : memref<10112x128xf32, #tpu.memory_space<vmem_shared>> -> memref<128x128xf32, #tpu.memory_space<vmem_shared>>
    %dma_start3A_48 = arith.constant 0 : i32
    %dma_start3A_49 = tpu.memref_slice %arg11[%add3A_42, %dma_start3A_48] : memref<10112x128xf32, #tpu.memory_space<vmem_shared>> -> memref<128x128xf32, #tpu.memory_space<vmem_shared>>
    %dma_start3A_50 = arith.constant 0 : i32
    %dma_start3A_51 = arith.constant 0 : i32
    %dma_start3A_52 = tpu.memref_slice %arg9[%dma_start3A_50, %dma_start3A_51] : memref<128x128xf32, #tpu.memory_space<vmem>> -> memref<128x128xf32, #tpu.memory_space<vmem>>
    tpu.enqueue_dma source(%dma_start3A_52 : memref<128x128xf32, #tpu.memory_space<vmem>>) target(%dma_start3A_49 : memref<128x128xf32, #tpu.memory_space<vmem_shared>>) target_semaphore(%arg12 : memref<!tpu.dma_semaphore, #tpu.memory_space<semaphore_mem>>)
    %mul3A_53 = arith.constant 632 : i32
    %mul3A_54 = arith.muli %arg1, %mul3A_53 : i32
    %add3A_55 = arith.constant 512 : i32
    %add3A_56 = arith.addi %mul3A_54, %add3A_55 : i32
    %dma_start3A_57 = arith.constant 0 : i32
    %dma_start3A_58 = arith.constant 0 : i32
    %dma_start3A_59 = tpu.memref_slice %arg9[%dma_start3A_57, %dma_start3A_58] : memref<128x128xf32, #tpu.memory_space<vmem>> -> memref<120x128xf32, #tpu.memory_space<vmem>>
    %dma_start3A_60 = arith.constant 0 : i32
    %dma_start3A_61 = tpu.memref_slice %arg11[%add3A_56, %dma_start3A_60] : memref<10112x128xf32, #tpu.memory_space<vmem_shared>> -> memref<120x128xf32, #tpu.memory_space<vmem_shared>>
    %dma_start3A_62 = arith.constant 0 : i32
    %dma_start3A_63 = tpu.memref_slice %arg11[%add3A_56, %dma_start3A_62] : memref<10112x128xf32, #tpu.memory_space<vmem_shared>> -> memref<120x128xf32, #tpu.memory_space<vmem_shared>>
    %dma_start3A_64 = arith.constant 0 : i32
    %dma_start3A_65 = arith.constant 0 : i32
    %dma_start3A_66 = tpu.memref_slice %arg9[%dma_start3A_64, %dma_start3A_65] : memref<128x128xf32, #tpu.memory_space<vmem>> -> memref<120x128xf32, #tpu.memory_space<vmem>>
    tpu.enqueue_dma source(%dma_start3A_66 : memref<120x128xf32, #tpu.memory_space<vmem>>) target(%dma_start3A_63 : memref<120x128xf32, #tpu.memory_space<vmem_shared>>) target_semaphore(%arg12 : memref<!tpu.dma_semaphore, #tpu.memory_space<semaphore_mem>>)
    %dma_wait3A = arith.constant 0 : i32
    %dma_wait3A_67 = arith.constant 0 : i32
    %dma_wait3A_68 = tpu.memref_slice %arg9[%dma_wait3A, %dma_wait3A_67] : memref<128x128xf32, #tpu.memory_space<vmem>> -> memref<128x128xf32, #tpu.memory_space<vmem>>
    %dma_wait3A_69 = arith.constant 0 : i32
    %dma_wait3A_70 = tpu.memref_slice %arg11[%add3A_1, %dma_wait3A_69] : memref<10112x128xf32, #tpu.memory_space<vmem_shared>> -> memref<128x128xf32, #tpu.memory_space<vmem_shared>>
    %dma_wait3A_71 = arith.constant 0 : i32
    %dma_wait3A_72 = tpu.memref_slice %arg11[%add3A_1, %dma_wait3A_71] : memref<10112x128xf32, #tpu.memory_space<vmem_shared>> -> memref<128x128xf32, #tpu.memory_space<vmem_shared>>
    %dma_wait3A_73 = arith.constant 0 : i32
    %dma_wait3A_74 = arith.constant 0 : i32
    %dma_wait3A_75 = tpu.memref_slice %arg9[%dma_wait3A_73, %dma_wait3A_74] : memref<128x128xf32, #tpu.memory_space<vmem>> -> memref<128x128xf32, #tpu.memory_space<vmem>>
    tpu.wait_dma2 semaphore(%arg12 : memref<!tpu.dma_semaphore, #tpu.memory_space<semaphore_mem>>) src(%dma_wait3A_75 : memref<128x128xf32, #tpu.memory_space<vmem>>) dst(%dma_wait3A_72 : memref<128x128xf32, #tpu.memory_space<vmem_shared>>)
    %dma_wait3A_76 = arith.constant 0 : i32
    %dma_wait3A_77 = arith.constant 0 : i32
    %dma_wait3A_78 = tpu.memref_slice %arg9[%dma_wait3A_76, %dma_wait3A_77] : memref<128x128xf32, #tpu.memory_space<vmem>> -> memref<128x128xf32, #tpu.memory_space<vmem>>
    %dma_wait3A_79 = arith.constant 0 : i32
    %dma_wait3A_80 = tpu.memref_slice %arg11[%add3A_14, %dma_wait3A_79] : memref<10112x128xf32, #tpu.memory_space<vmem_shared>> -> memref<128x128xf32, #tpu.memory_space<vmem_shared>>
    %dma_wait3A_81 = arith.constant 0 : i32
    %dma_wait3A_82 = tpu.memref_slice %arg11[%add3A_14, %dma_wait3A_81] : memref<10112x128xf32, #tpu.memory_space<vmem_shared>> -> memref<128x128xf32, #tpu.memory_space<vmem_shared>>
    %dma_wait3A_83 = arith.constant 0 : i32
    %dma_wait3A_84 = arith.constant 0 : i32
    %dma_wait3A_85 = tpu.memref_slice %arg9[%dma_wait3A_83, %dma_wait3A_84] : memref<128x128xf32, #tpu.memory_space<vmem>> -> memref<128x128xf32, #tpu.memory_space<vmem>>
    tpu.wait_dma2 semaphore(%arg12 : memref<!tpu.dma_semaphore, #tpu.memory_space<semaphore_mem>>) src(%dma_wait3A_85 : memref<128x128xf32, #tpu.memory_space<vmem>>) dst(%dma_wait3A_82 : memref<128x128xf32, #tpu.memory_space<vmem_shared>>)
    %dma_wait3A_86 = arith.constant 0 : i32
    %dma_wait3A_87 = arith.constant 0 : i32
    %dma_wait3A_88 = tpu.memref_slice %arg9[%dma_wait3A_86, %dma_wait3A_87] : memref<128x128xf32, #tpu.memory_space<vmem>> -> memref<128x128xf32, #tpu.memory_space<vmem>>
    %dma_wait3A_89 = arith.constant 0 : i32
    %dma_wait3A_90 = tpu.memref_slice %arg11[%add3A_28, %dma_wait3A_89] : memref<10112x128xf32, #tpu.memory_space<vmem_shared>> -> memref<128x128xf32, #tpu.memory_space<vmem_shared>>
    %dma_wait3A_91 = arith.constant 0 : i32
    %dma_wait3A_92 = tpu.memref_slice %arg11[%add3A_28, %dma_wait3A_91] : memref<10112x128xf32, #tpu.memory_space<vmem_shared>> -> memref<128x128xf32, #tpu.memory_space<vmem_shared>>
    %dma_wait3A_93 = arith.constant 0 : i32
    %dma_wait3A_94 = arith.constant 0 : i32
    %dma_wait3A_95 = tpu.memref_slice %arg9[%dma_wait3A_93, %dma_wait3A_94] : memref<128x128xf32, #tpu.memory_space<vmem>> -> memref<128x128xf32, #tpu.memory_space<vmem>>
    tpu.wait_dma2 semaphore(%arg12 : memref<!tpu.dma_semaphore, #tpu.memory_space<semaphore_mem>>) src(%dma_wait3A_95 : memref<128x128xf32, #tpu.memory_space<vmem>>) dst(%dma_wait3A_92 : memref<128x128xf32, #tpu.memory_space<vmem_shared>>)
    %dma_wait3A_96 = arith.constant 0 : i32
    %dma_wait3A_97 = arith.constant 0 : i32
    %dma_wait3A_98 = tpu.memref_slice %arg9[%dma_wait3A_96, %dma_wait3A_97] : memref<128x128xf32, #tpu.memory_space<vmem>> -> memref<128x128xf32, #tpu.memory_space<vmem>>
    %dma_wait3A_99 = arith.constant 0 : i32
    %dma_wait3A_100 = tpu.memref_slice %arg11[%add3A_42, %dma_wait3A_99] : memref<10112x128xf32, #tpu.memory_space<vmem_shared>> -> memref<128x128xf32, #tpu.memory_space<vmem_shared>>
    %dma_wait3A_101 = arith.constant 0 : i32
    %dma_wait3A_102 = tpu.memref_slice %arg11[%add3A_42, %dma_wait3A_101] : memref<10112x128xf32, #tpu.memory_space<vmem_shared>> -> memref<128x128xf32, #tpu.memory_space<vmem_shared>>
    %dma_wait3A_103 = arith.constant 0 : i32
    %dma_wait3A_104 = arith.constant 0 : i32
    %dma_wait3A_105 = tpu.memref_slice %arg9[%dma_wait3A_103, %dma_wait3A_104] : memref<128x128xf32, #tpu.memory_space<vmem>> -> memref<128x128xf32, #tpu.memory_space<vmem>>
    tpu.wait_dma2 semaphore(%arg12 : memref<!tpu.dma_semaphore, #tpu.memory_space<semaphore_mem>>) src(%dma_wait3A_105 : memref<128x128xf32, #tpu.memory_space<vmem>>) dst(%dma_wait3A_102 : memref<128x128xf32, #tpu.memory_space<vmem_shared>>)
    %dma_wait3A_106 = arith.constant 0 : i32
    %dma_wait3A_107 = arith.constant 0 : i32
    %dma_wait3A_108 = tpu.memref_slice %arg9[%dma_wait3A_106, %dma_wait3A_107] : memref<128x128xf32, #tpu.memory_space<vmem>> -> memref<120x128xf32, #tpu.memory_space<vmem>>
    %dma_wait3A_109 = arith.constant 0 : i32
    %dma_wait3A_110 = tpu.memref_slice %arg11[%add3A_56, %dma_wait3A_109] : memref<10112x128xf32, #tpu.memory_space<vmem_shared>> -> memref<120x128xf32, #tpu.memory_space<vmem_shared>>
    %dma_wait3A_111 = arith.constant 0 : i32
    %dma_wait3A_112 = tpu.memref_slice %arg11[%add3A_56, %dma_wait3A_111] : memref<10112x128xf32, #tpu.memory_space<vmem_shared>> -> memref<120x128xf32, #tpu.memory_space<vmem_shared>>
    %dma_wait3A_113 = arith.constant 0 : i32
    %dma_wait3A_114 = arith.constant 0 : i32
    %dma_wait3A_115 = tpu.memref_slice %arg9[%dma_wait3A_113, %dma_wait3A_114] : memref<128x128xf32, #tpu.memory_space<vmem>> -> memref<120x128xf32, #tpu.memory_space<vmem>>
    tpu.wait_dma2 semaphore(%arg12 : memref<!tpu.dma_semaphore, #tpu.memory_space<semaphore_mem>>) src(%dma_wait3A_115 : memref<120x128xf32, #tpu.memory_space<vmem>>) dst(%dma_wait3A_112 : memref<120x128xf32, #tpu.memory_space<vmem_shared>>)
    %barrier3A = arith.constant 0 : index
    tpu.barrier barrier_id(%barrier3A)
    %scan3A = arith.constant 0 : i32
    %scan3A_116 = arith.constant 0 : i32
    %scan3A_117 = arith.constant 20 : i32
    %scan3A_118 = arith.addi %scan3A_116, %scan3A_117 : i32
    %scan3A_119 = arith.constant 1 : i32
    scf.for %scan3A_282 = %scan3A_116 to %scan3A_118 step %scan3A_119  : i32 {
      "tpu.region"() ({
        %run_scoped3A_402 = tpu.sem_alloc : memref<!tpu.dma_semaphore, #tpu.memory_space<semaphore_mem>>
        %dma_start3A_403 = arith.constant 0 : i32
        %dma_start3A_404 = arith.constant 0 : i32
        %dma_start3A_405 = tpu.memref_slice %arg3[%arg0, %arg1, %scan3A_282, %dma_start3A_403, %dma_start3A_404] : memref<2x16x20x8x128xi32, #tpu.memory_space<hbm>> -> memref<1x1x1x8x128xi32, #tpu.memory_space<hbm>>
        %dma_start3A_406 = tpu.memref_squeeze %dma_start3A_405 : memref<1x1x1x8x128xi32, #tpu.memory_space<hbm>> -> memref<8x128xi32, #tpu.memory_space<hbm>>
        %dma_start3A_407 = arith.constant 0 : i32
        %dma_start3A_408 = arith.constant 0 : i32
        %dma_start3A_409 = tpu.memref_slice %arg3[%arg0, %arg1, %scan3A_282, %dma_start3A_407, %dma_start3A_408] : memref<2x16x20x8x128xi32, #tpu.memory_space<hbm>> -> memref<1x1x1x8x128xi32, #tpu.memory_space<hbm>>
        %dma_start3A_410 = tpu.memref_squeeze %dma_start3A_409 : memref<1x1x1x8x128xi32, #tpu.memory_space<hbm>> -> memref<8x128xi32, #tpu.memory_space<hbm>>
        tpu.enqueue_dma source(%dma_start3A_410 : memref<8x128xi32, #tpu.memory_space<hbm>>) target(%arg7 : memref<8x128xi32, #tpu.memory_space<vmem>>) target_semaphore(%run_scoped3A_402 : memref<!tpu.dma_semaphore, #tpu.memory_space<semaphore_mem>>)
        %dma_wait3A_411 = arith.constant 0 : i32
        %dma_wait3A_412 = arith.constant 0 : i32
        %dma_wait3A_413 = tpu.memref_slice %arg3[%arg0, %arg1, %scan3A_282, %dma_wait3A_411, %dma_wait3A_412] : memref<2x16x20x8x128xi32, #tpu.memory_space<hbm>> -> memref<1x1x1x8x128xi32, #tpu.memory_space<hbm>>
        %dma_wait3A_414 = tpu.memref_squeeze %dma_wait3A_413 : memref<1x1x1x8x128xi32, #tpu.memory_space<hbm>> -> memref<8x128xi32, #tpu.memory_space<hbm>>
        %dma_wait3A_415 = arith.constant 0 : i32
        %dma_wait3A_416 = arith.constant 0 : i32
        %dma_wait3A_417 = tpu.memref_slice %arg3[%arg0, %arg1, %scan3A_282, %dma_wait3A_415, %dma_wait3A_416] : memref<2x16x20x8x128xi32, #tpu.memory_space<hbm>> -> memref<1x1x1x8x128xi32, #tpu.memory_space<hbm>>
        %dma_wait3A_418 = tpu.memref_squeeze %dma_wait3A_417 : memref<1x1x1x8x128xi32, #tpu.memory_space<hbm>> -> memref<8x128xi32, #tpu.memory_space<hbm>>
        tpu.wait_dma2 semaphore(%run_scoped3A_402 : memref<!tpu.dma_semaphore, #tpu.memory_space<semaphore_mem>>) src(%dma_wait3A_418 : memref<8x128xi32, #tpu.memory_space<hbm>>) dst(%arg7 : memref<8x128xi32, #tpu.memory_space<vmem>>)
        tpu.yield
      }) : () -> ()
      "tpu.region"() ({
        %run_scoped3A_402 = tpu.sem_alloc : memref<!tpu.dma_semaphore, #tpu.memory_space<semaphore_mem>>
        %dma_start3A_403 = arith.constant 0 : i32
        %dma_start3A_404 = arith.constant 0 : i32
        %dma_start3A_405 = tpu.memref_slice %arg4[%arg0, %arg1, %scan3A_282, %dma_start3A_403, %dma_start3A_404] : memref<2x16x20x8x128xi32, #tpu.memory_space<hbm>> -> memref<1x1x1x8x128xi32, #tpu.memory_space<hbm>>
        %dma_start3A_406 = tpu.memref_squeeze %dma_start3A_405 : memref<1x1x1x8x128xi32, #tpu.memory_space<hbm>> -> memref<8x128xi32, #tpu.memory_space<hbm>>
        %dma_start3A_407 = arith.constant 0 : i32
        %dma_start3A_408 = arith.constant 0 : i32
        %dma_start3A_409 = tpu.memref_slice %arg4[%arg0, %arg1, %scan3A_282, %dma_start3A_407, %dma_start3A_408] : memref<2x16x20x8x128xi32, #tpu.memory_space<hbm>> -> memref<1x1x1x8x128xi32, #tpu.memory_space<hbm>>
        %dma_start3A_410 = tpu.memref_squeeze %dma_start3A_409 : memref<1x1x1x8x128xi32, #tpu.memory_space<hbm>> -> memref<8x128xi32, #tpu.memory_space<hbm>>
        tpu.enqueue_dma source(%dma_start3A_410 : memref<8x128xi32, #tpu.memory_space<hbm>>) target(%arg8 : memref<8x128xi32, #tpu.memory_space<vmem>>) target_semaphore(%run_scoped3A_402 : memref<!tpu.dma_semaphore, #tpu.memory_space<semaphore_mem>>)
        %dma_wait3A_411 = arith.constant 0 : i32
        %dma_wait3A_412 = arith.constant 0 : i32
        %dma_wait3A_413 = tpu.memref_slice %arg4[%arg0, %arg1, %scan3A_282, %dma_wait3A_411, %dma_wait3A_412] : memref<2x16x20x8x128xi32, #tpu.memory_space<hbm>> -> memref<1x1x1x8x128xi32, #tpu.memory_space<hbm>>
        %dma_wait3A_414 = tpu.memref_squeeze %dma_wait3A_413 : memref<1x1x1x8x128xi32, #tpu.memory_space<hbm>> -> memref<8x128xi32, #tpu.memory_space<hbm>>
        %dma_wait3A_415 = arith.constant 0 : i32
        %dma_wait3A_416 = arith.constant 0 : i32
        %dma_wait3A_417 = tpu.memref_slice %arg4[%arg0, %arg1, %scan3A_282, %dma_wait3A_415, %dma_wait3A_416] : memref<2x16x20x8x128xi32, #tpu.memory_space<hbm>> -> memref<1x1x1x8x128xi32, #tpu.memory_space<hbm>>
        %dma_wait3A_418 = tpu.memref_squeeze %dma_wait3A_417 : memref<1x1x1x8x128xi32, #tpu.memory_space<hbm>> -> memref<8x128xi32, #tpu.memory_space<hbm>>
        tpu.wait_dma2 semaphore(%run_scoped3A_402 : memref<!tpu.dma_semaphore, #tpu.memory_space<semaphore_mem>>) src(%dma_wait3A_418 : memref<8x128xi32, #tpu.memory_space<hbm>>) dst(%arg8 : memref<8x128xi32, #tpu.memory_space<vmem>>)
        tpu.yield
      }) : () -> ()
      %dma_start3A_283 = arith.constant 0 : i32
      %dma_start3A_284 = arith.constant 0 : i32
      %dma_start3A_285 = tpu.memref_slice %arg7[%dma_start3A_283, %dma_start3A_284] : memref<8x128xi32, #tpu.memory_space<vmem>> -> memref<1x128xi32, #tpu.memory_space<vmem>>
      %dma_start3A_286 = tpu.memref_squeeze %dma_start3A_285 : memref<1x128xi32, #tpu.memory_space<vmem>> -> memref<128xi32, #tpu.memory_space<vmem>>
      %dma_start3A_287 = arith.constant 0 : i32
      %dma_start3A_288 = arith.constant 0 : i32
      %dma_start3A_289 = tpu.memref_slice %arg2[%dma_start3A_287, %dma_start3A_288] : memref<20000x128xf32, #tpu.memory_space<hbm>> -> memref<20000x128xf32, #tpu.memory_space<hbm>>
      tpu.enqueue_indirect_dma source(%dma_start3A_289 : memref<20000x128xf32, #tpu.memory_space<hbm>>) target(%arg9 : memref<128x128xf32, #tpu.memory_space<vmem>>) offsets(%dma_start3A_286 : memref<128xi32, #tpu.memory_space<vmem>>) semaphore(%arg12 : memref<!tpu.dma_semaphore, #tpu.memory_space<semaphore_mem>>)
      %dma_start3A_290 = arith.constant 1 : i32
      %dma_start3A_291 = arith.constant 0 : i32
      %dma_start3A_292 = tpu.memref_slice %arg7[%dma_start3A_290, %dma_start3A_291] : memref<8x128xi32, #tpu.memory_space<vmem>> -> memref<1x128xi32, #tpu.memory_space<vmem>>
      %dma_start3A_293 = tpu.memref_squeeze %dma_start3A_292 : memref<1x128xi32, #tpu.memory_space<vmem>> -> memref<128xi32, #tpu.memory_space<vmem>>
      %dma_start3A_294 = arith.constant 0 : i32
      %dma_start3A_295 = arith.constant 0 : i32
      %dma_start3A_296 = tpu.memref_slice %arg2[%dma_start3A_294, %dma_start3A_295] : memref<20000x128xf32, #tpu.memory_space<hbm>> -> memref<20000x128xf32, #tpu.memory_space<hbm>>
      tpu.enqueue_indirect_dma source(%dma_start3A_296 : memref<20000x128xf32, #tpu.memory_space<hbm>>) target(%arg10 : memref<128x128xf32, #tpu.memory_space<vmem>>) offsets(%dma_start3A_293 : memref<128xi32, #tpu.memory_space<vmem>>) semaphore(%arg13 : memref<!tpu.dma_semaphore, #tpu.memory_space<semaphore_mem>>)
      %dma_wait3A_297 = arith.constant 0 : i32
      %dma_wait3A_298 = arith.constant 0 : i32
      %dma_wait3A_299 = tpu.memref_slice %arg7[%dma_wait3A_297, %dma_wait3A_298] : memref<8x128xi32, #tpu.memory_space<vmem>> -> memref<1x128xi32, #tpu.memory_space<vmem>>
      %dma_wait3A_300 = tpu.memref_squeeze %dma_wait3A_299 : memref<1x128xi32, #tpu.memory_space<vmem>> -> memref<128xi32, #tpu.memory_space<vmem>>
      %dma_wait3A_301 = arith.constant 0 : i32
      %dma_wait3A_302 = arith.constant 0 : i32
      %dma_wait3A_303 = tpu.memref_slice %arg2[%dma_wait3A_301, %dma_wait3A_302] : memref<20000x128xf32, #tpu.memory_space<hbm>> -> memref<20000x128xf32, #tpu.memory_space<hbm>>
      tpu.wait_indirect_dma semaphore(%arg12 : memref<!tpu.dma_semaphore, #tpu.memory_space<semaphore_mem>>) src(%dma_wait3A_303 : memref<20000x128xf32, #tpu.memory_space<hbm>>) dst(%arg9 : memref<128x128xf32, #tpu.memory_space<vmem>>)
      %run_scoped3A = arith.constant 0 : i32
      "tpu.region"() ({
        %run_scoped3A_402 = tpu.sem_alloc : memref<!tpu.dma_semaphore, #tpu.memory_space<semaphore_mem>>
        %dma_start3A_403 = arith.constant 0 : i32
        %dma_start3A_404 = tpu.memref_slice %arg8[%run_scoped3A, %dma_start3A_403] : memref<8x128xi32, #tpu.memory_space<vmem>> -> memref<1x128xi32, #tpu.memory_space<vmem>>
        %dma_start3A_405 = tpu.memref_squeeze %dma_start3A_404 : memref<1x128xi32, #tpu.memory_space<vmem>> -> memref<128xi32, #tpu.memory_space<vmem>>
        %dma_start3A_406 = arith.constant 0 : i32
        %dma_start3A_407 = arith.constant 0 : i32
        %dma_start3A_408 = tpu.memref_slice %arg11[%dma_start3A_406, %dma_start3A_407] : memref<10112x128xf32, #tpu.memory_space<vmem_shared>> -> memref<10112x128xf32, #tpu.memory_space<vmem_shared>>
        tpu.enqueue_indirect_dma source(%arg9 : memref<128x128xf32, #tpu.memory_space<vmem>>) target(%dma_start3A_408 : memref<10112x128xf32, #tpu.memory_space<vmem_shared>>) offsets(%dma_start3A_405 : memref<128xi32, #tpu.memory_space<vmem>>) semaphore(%run_scoped3A_402 : memref<!tpu.dma_semaphore, #tpu.memory_space<semaphore_mem>>) {add = true}
        %dma_wait3A_409 = arith.constant 0 : i32
        %dma_wait3A_410 = tpu.memref_slice %arg8[%run_scoped3A, %dma_wait3A_409] : memref<8x128xi32, #tpu.memory_space<vmem>> -> memref<1x128xi32, #tpu.memory_space<vmem>>
        %dma_wait3A_411 = tpu.memref_squeeze %dma_wait3A_410 : memref<1x128xi32, #tpu.memory_space<vmem>> -> memref<128xi32, #tpu.memory_space<vmem>>
        %dma_wait3A_412 = arith.constant 0 : i32
        %dma_wait3A_413 = arith.constant 0 : i32
        %dma_wait3A_414 = tpu.memref_slice %arg11[%dma_wait3A_412, %dma_wait3A_413] : memref<10112x128xf32, #tpu.memory_space<vmem_shared>> -> memref<10112x128xf32, #tpu.memory_space<vmem_shared>>
        tpu.wait_indirect_dma semaphore(%run_scoped3A_402 : memref<!tpu.dma_semaphore, #tpu.memory_space<semaphore_mem>>) src(%arg9 : memref<128x128xf32, #tpu.memory_space<vmem>>) dst(%dma_wait3A_414 : memref<10112x128xf32, #tpu.memory_space<vmem_shared>>)
        tpu.yield
      }) : () -> ()
      %dma_start3A_304 = arith.constant 2 : i32
      %dma_start3A_305 = arith.constant 0 : i32
      %dma_start3A_306 = tpu.memref_slice %arg7[%dma_start3A_304, %dma_start3A_305] : memref<8x128xi32, #tpu.memory_space<vmem>> -> memref<1x128xi32, #tpu.memory_space<vmem>>
      %dma_start3A_307 = tpu.memref_squeeze %dma_start3A_306 : memref<1x128xi32, #tpu.memory_space<vmem>> -> memref<128xi32, #tpu.memory_space<vmem>>
      %dma_start3A_308 = arith.constant 0 : i32
      %dma_start3A_309 = arith.constant 0 : i32
      %dma_start3A_310 = tpu.memref_slice %arg2[%dma_start3A_308, %dma_start3A_309] : memref<20000x128xf32, #tpu.memory_space<hbm>> -> memref<20000x128xf32, #tpu.memory_space<hbm>>
      tpu.enqueue_indirect_dma source(%dma_start3A_310 : memref<20000x128xf32, #tpu.memory_space<hbm>>) target(%arg9 : memref<128x128xf32, #tpu.memory_space<vmem>>) offsets(%dma_start3A_307 : memref<128xi32, #tpu.memory_space<vmem>>) semaphore(%arg12 : memref<!tpu.dma_semaphore, #tpu.memory_space<semaphore_mem>>)
      %dma_wait3A_311 = arith.constant 1 : i32
      %dma_wait3A_312 = arith.constant 0 : i32
      %dma_wait3A_313 = tpu.memref_slice %arg7[%dma_wait3A_311, %dma_wait3A_312] : memref<8x128xi32, #tpu.memory_space<vmem>> -> memref<1x128xi32, #tpu.memory_space<vmem>>
      %dma_wait3A_314 = tpu.memref_squeeze %dma_wait3A_313 : memref<1x128xi32, #tpu.memory_space<vmem>> -> memref<128xi32, #tpu.memory_space<vmem>>
      %dma_wait3A_315 = arith.constant 0 : i32
      %dma_wait3A_316 = arith.constant 0 : i32
      %dma_wait3A_317 = tpu.memref_slice %arg2[%dma_wait3A_315, %dma_wait3A_316] : memref<20000x128xf32, #tpu.memory_space<hbm>> -> memref<20000x128xf32, #tpu.memory_space<hbm>>
      tpu.wait_indirect_dma semaphore(%arg13 : memref<!tpu.dma_semaphore, #tpu.memory_space<semaphore_mem>>) src(%dma_wait3A_317 : memref<20000x128xf32, #tpu.memory_space<hbm>>) dst(%arg10 : memref<128x128xf32, #tpu.memory_space<vmem>>)
      %run_scoped3A_318 = arith.constant 1 : i32
      "tpu.region"() ({
        %run_scoped3A_402 = tpu.sem_alloc : memref<!tpu.dma_semaphore, #tpu.memory_space<semaphore_mem>>
        %dma_start3A_403 = arith.constant 0 : i32
        %dma_start3A_404 = tpu.memref_slice %arg8[%run_scoped3A_318, %dma_start3A_403] : memref<8x128xi32, #tpu.memory_space<vmem>> -> memref<1x128xi32, #tpu.memory_space<vmem>>
        %dma_start3A_405 = tpu.memref_squeeze %dma_start3A_404 : memref<1x128xi32, #tpu.memory_space<vmem>> -> memref<128xi32, #tpu.memory_space<vmem>>
        %dma_start3A_406 = arith.constant 0 : i32
        %dma_start3A_407 = arith.constant 0 : i32
        %dma_start3A_408 = tpu.memref_slice %arg11[%dma_start3A_406, %dma_start3A_407] : memref<10112x128xf32, #tpu.memory_space<vmem_shared>> -> memref<10112x128xf32, #tpu.memory_space<vmem_shared>>
        tpu.enqueue_indirect_dma source(%arg10 : memref<128x128xf32, #tpu.memory_space<vmem>>) target(%dma_start3A_408 : memref<10112x128xf32, #tpu.memory_space<vmem_shared>>) offsets(%dma_start3A_405 : memref<128xi32, #tpu.memory_space<vmem>>) semaphore(%run_scoped3A_402 : memref<!tpu.dma_semaphore, #tpu.memory_space<semaphore_mem>>) {add = true}
        %dma_wait3A_409 = arith.constant 0 : i32
        %dma_wait3A_410 = tpu.memref_slice %arg8[%run_scoped3A_318, %dma_wait3A_409] : memref<8x128xi32, #tpu.memory_space<vmem>> -> memref<1x128xi32, #tpu.memory_space<vmem>>
        %dma_wait3A_411 = tpu.memref_squeeze %dma_wait3A_410 : memref<1x128xi32, #tpu.memory_space<vmem>> -> memref<128xi32, #tpu.memory_space<vmem>>
        %dma_wait3A_412 = arith.constant 0 : i32
        %dma_wait3A_413 = arith.constant 0 : i32
        %dma_wait3A_414 = tpu.memref_slice %arg11[%dma_wait3A_412, %dma_wait3A_413] : memref<10112x128xf32, #tpu.memory_space<vmem_shared>> -> memref<10112x128xf32, #tpu.memory_space<vmem_shared>>
        tpu.wait_indirect_dma semaphore(%run_scoped3A_402 : memref<!tpu.dma_semaphore, #tpu.memory_space<semaphore_mem>>) src(%arg10 : memref<128x128xf32, #tpu.memory_space<vmem>>) dst(%dma_wait3A_414 : memref<10112x128xf32, #tpu.memory_space<vmem_shared>>)
        tpu.yield
      }) : () -> ()
      %dma_start3A_319 = arith.constant 3 : i32
      %dma_start3A_320 = arith.constant 0 : i32
      %dma_start3A_321 = tpu.memref_slice %arg7[%dma_start3A_319, %dma_start3A_320] : memref<8x128xi32, #tpu.memory_space<vmem>> -> memref<1x128xi32, #tpu.memory_space<vmem>>
      %dma_start3A_322 = tpu.memref_squeeze %dma_start3A_321 : memref<1x128xi32, #tpu.memory_space<vmem>> -> memref<128xi32, #tpu.memory_space<vmem>>
      %dma_start3A_323 = arith.constant 0 : i32
      %dma_start3A_324 = arith.constant 0 : i32
      %dma_start3A_325 = tpu.memref_slice %arg2[%dma_start3A_323, %dma_start3A_324] : memref<20000x128xf32, #tpu.memory_space<hbm>> -> memref<20000x128xf32, #tpu.memory_space<hbm>>
      tpu.enqueue_indirect_dma source(%dma_start3A_325 : memref<20000x128xf32, #tpu.memory_space<hbm>>) target(%arg10 : memref<128x128xf32, #tpu.memory_space<vmem>>) offsets(%dma_start3A_322 : memref<128xi32, #tpu.memory_space<vmem>>) semaphore(%arg13 : memref<!tpu.dma_semaphore, #tpu.memory_space<semaphore_mem>>)
      %dma_wait3A_326 = arith.constant 2 : i32
      %dma_wait3A_327 = arith.constant 0 : i32
      %dma_wait3A_328 = tpu.memref_slice %arg7[%dma_wait3A_326, %dma_wait3A_327] : memref<8x128xi32, #tpu.memory_space<vmem>> -> memref<1x128xi32, #tpu.memory_space<vmem>>
      %dma_wait3A_329 = tpu.memref_squeeze %dma_wait3A_328 : memref<1x128xi32, #tpu.memory_space<vmem>> -> memref<128xi32, #tpu.memory_space<vmem>>
      %dma_wait3A_330 = arith.constant 0 : i32
      %dma_wait3A_331 = arith.constant 0 : i32
      %dma_wait3A_332 = tpu.memref_slice %arg2[%dma_wait3A_330, %dma_wait3A_331] : memref<20000x128xf32, #tpu.memory_space<hbm>> -> memref<20000x128xf32, #tpu.memory_space<hbm>>
      tpu.wait_indirect_dma semaphore(%arg12 : memref<!tpu.dma_semaphore, #tpu.memory_space<semaphore_mem>>) src(%dma_wait3A_332 : memref<20000x128xf32, #tpu.memory_space<hbm>>) dst(%arg9 : memref<128x128xf32, #tpu.memory_space<vmem>>)
      %run_scoped3A_333 = arith.constant 2 : i32
      "tpu.region"() ({
        %run_scoped3A_402 = tpu.sem_alloc : memref<!tpu.dma_semaphore, #tpu.memory_space<semaphore_mem>>
        %dma_start3A_403 = arith.constant 0 : i32
        %dma_start3A_404 = tpu.memref_slice %arg8[%run_scoped3A_333, %dma_start3A_403] : memref<8x128xi32, #tpu.memory_space<vmem>> -> memref<1x128xi32, #tpu.memory_space<vmem>>
        %dma_start3A_405 = tpu.memref_squeeze %dma_start3A_404 : memref<1x128xi32, #tpu.memory_space<vmem>> -> memref<128xi32, #tpu.memory_space<vmem>>
        %dma_start3A_406 = arith.constant 0 : i32
        %dma_start3A_407 = arith.constant 0 : i32
        %dma_start3A_408 = tpu.memref_slice %arg11[%dma_start3A_406, %dma_start3A_407] : memref<10112x128xf32, #tpu.memory_space<vmem_shared>> -> memref<10112x128xf32, #tpu.memory_space<vmem_shared>>
        tpu.enqueue_indirect_dma source(%arg9 : memref<128x128xf32, #tpu.memory_space<vmem>>) target(%dma_start3A_408 : memref<10112x128xf32, #tpu.memory_space<vmem_shared>>) offsets(%dma_start3A_405 : memref<128xi32, #tpu.memory_space<vmem>>) semaphore(%run_scoped3A_402 : memref<!tpu.dma_semaphore, #tpu.memory_space<semaphore_mem>>) {add = true}
        %dma_wait3A_409 = arith.constant 0 : i32
        %dma_wait3A_410 = tpu.memref_slice %arg8[%run_scoped3A_333, %dma_wait3A_409] : memref<8x128xi32, #tpu.memory_space<vmem>> -> memref<1x128xi32, #tpu.memory_space<vmem>>
        %dma_wait3A_411 = tpu.memref_squeeze %dma_wait3A_410 : memref<1x128xi32, #tpu.memory_space<vmem>> -> memref<128xi32, #tpu.memory_space<vmem>>
        %dma_wait3A_412 = arith.constant 0 : i32
        %dma_wait3A_413 = arith.constant 0 : i32
        %dma_wait3A_414 = tpu.memref_slice %arg11[%dma_wait3A_412, %dma_wait3A_413] : memref<10112x128xf32, #tpu.memory_space<vmem_shared>> -> memref<10112x128xf32, #tpu.memory_space<vmem_shared>>
        tpu.wait_indirect_dma semaphore(%run_scoped3A_402 : memref<!tpu.dma_semaphore, #tpu.memory_space<semaphore_mem>>) src(%arg9 : memref<128x128xf32, #tpu.memory_space<vmem>>) dst(%dma_wait3A_414 : memref<10112x128xf32, #tpu.memory_space<vmem_shared>>)
        tpu.yield
      }) : () -> ()
      %dma_start3A_334 = arith.constant 4 : i32
      %dma_start3A_335 = arith.constant 0 : i32
      %dma_start3A_336 = tpu.memref_slice %arg7[%dma_start3A_334, %dma_start3A_335] : memref<8x128xi32, #tpu.memory_space<vmem>> -> memref<1x128xi32, #tpu.memory_space<vmem>>
      %dma_start3A_337 = tpu.memref_squeeze %dma_start3A_336 : memref<1x128xi32, #tpu.memory_space<vmem>> -> memref<128xi32, #tpu.memory_space<vmem>>
      %dma_start3A_338 = arith.constant 0 : i32
      %dma_start3A_339 = arith.constant 0 : i32
      %dma_start3A_340 = tpu.memref_slice %arg2[%dma_start3A_338, %dma_start3A_339] : memref<20000x128xf32, #tpu.memory_space<hbm>> -> memref<20000x128xf32, #tpu.memory_space<hbm>>
      tpu.enqueue_indirect_dma source(%dma_start3A_340 : memref<20000x128xf32, #tpu.memory_space<hbm>>) target(%arg9 : memref<128x128xf32, #tpu.memory_space<vmem>>) offsets(%dma_start3A_337 : memref<128xi32, #tpu.memory_space<vmem>>) semaphore(%arg12 : memref<!tpu.dma_semaphore, #tpu.memory_space<semaphore_mem>>)
      %dma_wait3A_341 = arith.constant 3 : i32
      %dma_wait3A_342 = arith.constant 0 : i32
      %dma_wait3A_343 = tpu.memref_slice %arg7[%dma_wait3A_341, %dma_wait3A_342] : memref<8x128xi32, #tpu.memory_space<vmem>> -> memref<1x128xi32, #tpu.memory_space<vmem>>
      %dma_wait3A_344 = tpu.memref_squeeze %dma_wait3A_343 : memref<1x128xi32, #tpu.memory_space<vmem>> -> memref<128xi32, #tpu.memory_space<vmem>>
      %dma_wait3A_345 = arith.constant 0 : i32
      %dma_wait3A_346 = arith.constant 0 : i32
      %dma_wait3A_347 = tpu.memref_slice %arg2[%dma_wait3A_345, %dma_wait3A_346] : memref<20000x128xf32, #tpu.memory_space<hbm>> -> memref<20000x128xf32, #tpu.memory_space<hbm>>
      tpu.wait_indirect_dma semaphore(%arg13 : memref<!tpu.dma_semaphore, #tpu.memory_space<semaphore_mem>>) src(%dma_wait3A_347 : memref<20000x128xf32, #tpu.memory_space<hbm>>) dst(%arg10 : memref<128x128xf32, #tpu.memory_space<vmem>>)
      %run_scoped3A_348 = arith.constant 3 : i32
      "tpu.region"() ({
        %run_scoped3A_402 = tpu.sem_alloc : memref<!tpu.dma_semaphore, #tpu.memory_space<semaphore_mem>>
        %dma_start3A_403 = arith.constant 0 : i32
        %dma_start3A_404 = tpu.memref_slice %arg8[%run_scoped3A_348, %dma_start3A_403] : memref<8x128xi32, #tpu.memory_space<vmem>> -> memref<1x128xi32, #tpu.memory_space<vmem>>
        %dma_start3A_405 = tpu.memref_squeeze %dma_start3A_404 : memref<1x128xi32, #tpu.memory_space<vmem>> -> memref<128xi32, #tpu.memory_space<vmem>>
        %dma_start3A_406 = arith.constant 0 : i32
        %dma_start3A_407 = arith.constant 0 : i32
        %dma_start3A_408 = tpu.memref_slice %arg11[%dma_start3A_406, %dma_start3A_407] : memref<10112x128xf32, #tpu.memory_space<vmem_shared>> -> memref<10112x128xf32, #tpu.memory_space<vmem_shared>>
        tpu.enqueue_indirect_dma source(%arg10 : memref<128x128xf32, #tpu.memory_space<vmem>>) target(%dma_start3A_408 : memref<10112x128xf32, #tpu.memory_space<vmem_shared>>) offsets(%dma_start3A_405 : memref<128xi32, #tpu.memory_space<vmem>>) semaphore(%run_scoped3A_402 : memref<!tpu.dma_semaphore, #tpu.memory_space<semaphore_mem>>) {add = true}
        %dma_wait3A_409 = arith.constant 0 : i32
        %dma_wait3A_410 = tpu.memref_slice %arg8[%run_scoped3A_348, %dma_wait3A_409] : memref<8x128xi32, #tpu.memory_space<vmem>> -> memref<1x128xi32, #tpu.memory_space<vmem>>
        %dma_wait3A_411 = tpu.memref_squeeze %dma_wait3A_410 : memref<1x128xi32, #tpu.memory_space<vmem>> -> memref<128xi32, #tpu.memory_space<vmem>>
        %dma_wait3A_412 = arith.constant 0 : i32
        %dma_wait3A_413 = arith.constant 0 : i32
        %dma_wait3A_414 = tpu.memref_slice %arg11[%dma_wait3A_412, %dma_wait3A_413] : memref<10112x128xf32, #tpu.memory_space<vmem_shared>> -> memref<10112x128xf32, #tpu.memory_space<vmem_shared>>
        tpu.wait_indirect_dma semaphore(%run_scoped3A_402 : memref<!tpu.dma_semaphore, #tpu.memory_space<semaphore_mem>>) src(%arg10 : memref<128x128xf32, #tpu.memory_space<vmem>>) dst(%dma_wait3A_414 : memref<10112x128xf32, #tpu.memory_space<vmem_shared>>)
        tpu.yield
      }) : () -> ()
      %dma_start3A_349 = arith.constant 5 : i32
      %dma_start3A_350 = arith.constant 0 : i32
      %dma_start3A_351 = tpu.memref_slice %arg7[%dma_start3A_349, %dma_start3A_350] : memref<8x128xi32, #tpu.memory_space<vmem>> -> memref<1x128xi32, #tpu.memory_space<vmem>>
      %dma_start3A_352 = tpu.memref_squeeze %dma_start3A_351 : memref<1x128xi32, #tpu.memory_space<vmem>> -> memref<128xi32, #tpu.memory_space<vmem>>
      %dma_start3A_353 = arith.constant 0 : i32
      %dma_start3A_354 = arith.constant 0 : i32
      %dma_start3A_355 = tpu.memref_slice %arg2[%dma_start3A_353, %dma_start3A_354] : memref<20000x128xf32, #tpu.memory_space<hbm>> -> memref<20000x128xf32, #tpu.memory_space<hbm>>
      tpu.enqueue_indirect_dma source(%dma_start3A_355 : memref<20000x128xf32, #tpu.memory_space<hbm>>) target(%arg10 : memref<128x128xf32, #tpu.memory_space<vmem>>) offsets(%dma_start3A_352 : memref<128xi32, #tpu.memory_space<vmem>>) semaphore(%arg13 : memref<!tpu.dma_semaphore, #tpu.memory_space<semaphore_mem>>)
      %dma_wait3A_356 = arith.constant 4 : i32
      %dma_wait3A_357 = arith.constant 0 : i32
      %dma_wait3A_358 = tpu.memref_slice %arg7[%dma_wait3A_356, %dma_wait3A_357] : memref<8x128xi32, #tpu.memory_space<vmem>> -> memref<1x128xi32, #tpu.memory_space<vmem>>
      %dma_wait3A_359 = tpu.memref_squeeze %dma_wait3A_358 : memref<1x128xi32, #tpu.memory_space<vmem>> -> memref<128xi32, #tpu.memory_space<vmem>>
      %dma_wait3A_360 = arith.constant 0 : i32
      %dma_wait3A_361 = arith.constant 0 : i32
      %dma_wait3A_362 = tpu.memref_slice %arg2[%dma_wait3A_360, %dma_wait3A_361] : memref<20000x128xf32, #tpu.memory_space<hbm>> -> memref<20000x128xf32, #tpu.memory_space<hbm>>
      tpu.wait_indirect_dma semaphore(%arg12 : memref<!tpu.dma_semaphore, #tpu.memory_space<semaphore_mem>>) src(%dma_wait3A_362 : memref<20000x128xf32, #tpu.memory_space<hbm>>) dst(%arg9 : memref<128x128xf32, #tpu.memory_space<vmem>>)
      %run_scoped3A_363 = arith.constant 4 : i32
      "tpu.region"() ({
        %run_scoped3A_402 = tpu.sem_alloc : memref<!tpu.dma_semaphore, #tpu.memory_space<semaphore_mem>>
        %dma_start3A_403 = arith.constant 0 : i32
        %dma_start3A_404 = tpu.memref_slice %arg8[%run_scoped3A_363, %dma_start3A_403] : memref<8x128xi32, #tpu.memory_space<vmem>> -> memref<1x128xi32, #tpu.memory_space<vmem>>
        %dma_start3A_405 = tpu.memref_squeeze %dma_start3A_404 : memref<1x128xi32, #tpu.memory_space<vmem>> -> memref<128xi32, #tpu.memory_space<vmem>>
        %dma_start3A_406 = arith.constant 0 : i32
        %dma_start3A_407 = arith.constant 0 : i32
        %dma_start3A_408 = tpu.memref_slice %arg11[%dma_start3A_406, %dma_start3A_407] : memref<10112x128xf32, #tpu.memory_space<vmem_shared>> -> memref<10112x128xf32, #tpu.memory_space<vmem_shared>>
        tpu.enqueue_indirect_dma source(%arg9 : memref<128x128xf32, #tpu.memory_space<vmem>>) target(%dma_start3A_408 : memref<10112x128xf32, #tpu.memory_space<vmem_shared>>) offsets(%dma_start3A_405 : memref<128xi32, #tpu.memory_space<vmem>>) semaphore(%run_scoped3A_402 : memref<!tpu.dma_semaphore, #tpu.memory_space<semaphore_mem>>) {add = true}
        %dma_wait3A_409 = arith.constant 0 : i32
        %dma_wait3A_410 = tpu.memref_slice %arg8[%run_scoped3A_363, %dma_wait3A_409] : memref<8x128xi32, #tpu.memory_space<vmem>> -> memref<1x128xi32, #tpu.memory_space<vmem>>
        %dma_wait3A_411 = tpu.memref_squeeze %dma_wait3A_410 : memref<1x128xi32, #tpu.memory_space<vmem>> -> memref<128xi32, #tpu.memory_space<vmem>>
        %dma_wait3A_412 = arith.constant 0 : i32
        %dma_wait3A_413 = arith.constant 0 : i32
        %dma_wait3A_414 = tpu.memref_slice %arg11[%dma_wait3A_412, %dma_wait3A_413] : memref<10112x128xf32, #tpu.memory_space<vmem_shared>> -> memref<10112x128xf32, #tpu.memory_space<vmem_shared>>
        tpu.wait_indirect_dma semaphore(%run_scoped3A_402 : memref<!tpu.dma_semaphore, #tpu.memory_space<semaphore_mem>>) src(%arg9 : memref<128x128xf32, #tpu.memory_space<vmem>>) dst(%dma_wait3A_414 : memref<10112x128xf32, #tpu.memory_space<vmem_shared>>)
        tpu.yield
      }) : () -> ()
      %dma_start3A_364 = arith.constant 6 : i32
      %dma_start3A_365 = arith.constant 0 : i32
      %dma_start3A_366 = tpu.memref_slice %arg7[%dma_start3A_364, %dma_start3A_365] : memref<8x128xi32, #tpu.memory_space<vmem>> -> memref<1x128xi32, #tpu.memory_space<vmem>>
      %dma_start3A_367 = tpu.memref_squeeze %dma_start3A_366 : memref<1x128xi32, #tpu.memory_space<vmem>> -> memref<128xi32, #tpu.memory_space<vmem>>
      %dma_start3A_368 = arith.constant 0 : i32
      %dma_start3A_369 = arith.constant 0 : i32
      %dma_start3A_370 = tpu.memref_slice %arg2[%dma_start3A_368, %dma_start3A_369] : memref<20000x128xf32, #tpu.memory_space<hbm>> -> memref<20000x128xf32, #tpu.memory_space<hbm>>
      tpu.enqueue_indirect_dma source(%dma_start3A_370 : memref<20000x128xf32, #tpu.memory_space<hbm>>) target(%arg9 : memref<128x128xf32, #tpu.memory_space<vmem>>) offsets(%dma_start3A_367 : memref<128xi32, #tpu.memory_space<vmem>>) semaphore(%arg12 : memref<!tpu.dma_semaphore, #tpu.memory_space<semaphore_mem>>)
      %dma_wait3A_371 = arith.constant 5 : i32
      %dma_wait3A_372 = arith.constant 0 : i32
      %dma_wait3A_373 = tpu.memref_slice %arg7[%dma_wait3A_371, %dma_wait3A_372] : memref<8x128xi32, #tpu.memory_space<vmem>> -> memref<1x128xi32, #tpu.memory_space<vmem>>
      %dma_wait3A_374 = tpu.memref_squeeze %dma_wait3A_373 : memref<1x128xi32, #tpu.memory_space<vmem>> -> memref<128xi32, #tpu.memory_space<vmem>>
      %dma_wait3A_375 = arith.constant 0 : i32
      %dma_wait3A_376 = arith.constant 0 : i32
      %dma_wait3A_377 = tpu.memref_slice %arg2[%dma_wait3A_375, %dma_wait3A_376] : memref<20000x128xf32, #tpu.memory_space<hbm>> -> memref<20000x128xf32, #tpu.memory_space<hbm>>
      tpu.wait_indirect_dma semaphore(%arg13 : memref<!tpu.dma_semaphore, #tpu.memory_space<semaphore_mem>>) src(%dma_wait3A_377 : memref<20000x128xf32, #tpu.memory_space<hbm>>) dst(%arg10 : memref<128x128xf32, #tpu.memory_space<vmem>>)
      %run_scoped3A_378 = arith.constant 5 : i32
      "tpu.region"() ({
        %run_scoped3A_402 = tpu.sem_alloc : memref<!tpu.dma_semaphore, #tpu.memory_space<semaphore_mem>>
        %dma_start3A_403 = arith.constant 0 : i32
        %dma_start3A_404 = tpu.memref_slice %arg8[%run_scoped3A_378, %dma_start3A_403] : memref<8x128xi32, #tpu.memory_space<vmem>> -> memref<1x128xi32, #tpu.memory_space<vmem>>
        %dma_start3A_405 = tpu.memref_squeeze %dma_start3A_404 : memref<1x128xi32, #tpu.memory_space<vmem>> -> memref<128xi32, #tpu.memory_space<vmem>>
        %dma_start3A_406 = arith.constant 0 : i32
        %dma_start3A_407 = arith.constant 0 : i32
        %dma_start3A_408 = tpu.memref_slice %arg11[%dma_start3A_406, %dma_start3A_407] : memref<10112x128xf32, #tpu.memory_space<vmem_shared>> -> memref<10112x128xf32, #tpu.memory_space<vmem_shared>>
        tpu.enqueue_indirect_dma source(%arg10 : memref<128x128xf32, #tpu.memory_space<vmem>>) target(%dma_start3A_408 : memref<10112x128xf32, #tpu.memory_space<vmem_shared>>) offsets(%dma_start3A_405 : memref<128xi32, #tpu.memory_space<vmem>>) semaphore(%run_scoped3A_402 : memref<!tpu.dma_semaphore, #tpu.memory_space<semaphore_mem>>) {add = true}
        %dma_wait3A_409 = arith.constant 0 : i32
        %dma_wait3A_410 = tpu.memref_slice %arg8[%run_scoped3A_378, %dma_wait3A_409] : memref<8x128xi32, #tpu.memory_space<vmem>> -> memref<1x128xi32, #tpu.memory_space<vmem>>
        %dma_wait3A_411 = tpu.memref_squeeze %dma_wait3A_410 : memref<1x128xi32, #tpu.memory_space<vmem>> -> memref<128xi32, #tpu.memory_space<vmem>>
        %dma_wait3A_412 = arith.constant 0 : i32
        %dma_wait3A_413 = arith.constant 0 : i32
        %dma_wait3A_414 = tpu.memref_slice %arg11[%dma_wait3A_412, %dma_wait3A_413] : memref<10112x128xf32, #tpu.memory_space<vmem_shared>> -> memref<10112x128xf32, #tpu.memory_space<vmem_shared>>
        tpu.wait_indirect_dma semaphore(%run_scoped3A_402 : memref<!tpu.dma_semaphore, #tpu.memory_space<semaphore_mem>>) src(%arg10 : memref<128x128xf32, #tpu.memory_space<vmem>>) dst(%dma_wait3A_414 : memref<10112x128xf32, #tpu.memory_space<vmem_shared>>)
        tpu.yield
      }) : () -> ()
      %dma_start3A_379 = arith.constant 7 : i32
      %dma_start3A_380 = arith.constant 0 : i32
      %dma_start3A_381 = tpu.memref_slice %arg7[%dma_start3A_379, %dma_start3A_380] : memref<8x128xi32, #tpu.memory_space<vmem>> -> memref<1x128xi32, #tpu.memory_space<vmem>>
      %dma_start3A_382 = tpu.memref_squeeze %dma_start3A_381 : memref<1x128xi32, #tpu.memory_space<vmem>> -> memref<128xi32, #tpu.memory_space<vmem>>
      %dma_start3A_383 = arith.constant 0 : i32
      %dma_start3A_384 = arith.constant 0 : i32
      %dma_start3A_385 = tpu.memref_slice %arg2[%dma_start3A_383, %dma_start3A_384] : memref<20000x128xf32, #tpu.memory_space<hbm>> -> memref<20000x128xf32, #tpu.memory_space<hbm>>
      tpu.enqueue_indirect_dma source(%dma_start3A_385 : memref<20000x128xf32, #tpu.memory_space<hbm>>) target(%arg10 : memref<128x128xf32, #tpu.memory_space<vmem>>) offsets(%dma_start3A_382 : memref<128xi32, #tpu.memory_space<vmem>>) semaphore(%arg13 : memref<!tpu.dma_semaphore, #tpu.memory_space<semaphore_mem>>)
      %dma_wait3A_386 = arith.constant 6 : i32
      %dma_wait3A_387 = arith.constant 0 : i32
      %dma_wait3A_388 = tpu.memref_slice %arg7[%dma_wait3A_386, %dma_wait3A_387] : memref<8x128xi32, #tpu.memory_space<vmem>> -> memref<1x128xi32, #tpu.memory_space<vmem>>
      %dma_wait3A_389 = tpu.memref_squeeze %dma_wait3A_388 : memref<1x128xi32, #tpu.memory_space<vmem>> -> memref<128xi32, #tpu.memory_space<vmem>>
      %dma_wait3A_390 = arith.constant 0 : i32
      %dma_wait3A_391 = arith.constant 0 : i32
      %dma_wait3A_392 = tpu.memref_slice %arg2[%dma_wait3A_390, %dma_wait3A_391] : memref<20000x128xf32, #tpu.memory_space<hbm>> -> memref<20000x128xf32, #tpu.memory_space<hbm>>
      tpu.wait_indirect_dma semaphore(%arg12 : memref<!tpu.dma_semaphore, #tpu.memory_space<semaphore_mem>>) src(%dma_wait3A_392 : memref<20000x128xf32, #tpu.memory_space<hbm>>) dst(%arg9 : memref<128x128xf32, #tpu.memory_space<vmem>>)
      %run_scoped3A_393 = arith.constant 6 : i32
      "tpu.region"() ({
        %run_scoped3A_402 = tpu.sem_alloc : memref<!tpu.dma_semaphore, #tpu.memory_space<semaphore_mem>>
        %dma_start3A_403 = arith.constant 0 : i32
        %dma_start3A_404 = tpu.memref_slice %arg8[%run_scoped3A_393, %dma_start3A_403] : memref<8x128xi32, #tpu.memory_space<vmem>> -> memref<1x128xi32, #tpu.memory_space<vmem>>
        %dma_start3A_405 = tpu.memref_squeeze %dma_start3A_404 : memref<1x128xi32, #tpu.memory_space<vmem>> -> memref<128xi32, #tpu.memory_space<vmem>>
        %dma_start3A_406 = arith.constant 0 : i32
        %dma_start3A_407 = arith.constant 0 : i32
        %dma_start3A_408 = tpu.memref_slice %arg11[%dma_start3A_406, %dma_start3A_407] : memref<10112x128xf32, #tpu.memory_space<vmem_shared>> -> memref<10112x128xf32, #tpu.memory_space<vmem_shared>>
        tpu.enqueue_indirect_dma source(%arg9 : memref<128x128xf32, #tpu.memory_space<vmem>>) target(%dma_start3A_408 : memref<10112x128xf32, #tpu.memory_space<vmem_shared>>) offsets(%dma_start3A_405 : memref<128xi32, #tpu.memory_space<vmem>>) semaphore(%run_scoped3A_402 : memref<!tpu.dma_semaphore, #tpu.memory_space<semaphore_mem>>) {add = true}
        %dma_wait3A_409 = arith.constant 0 : i32
        %dma_wait3A_410 = tpu.memref_slice %arg8[%run_scoped3A_393, %dma_wait3A_409] : memref<8x128xi32, #tpu.memory_space<vmem>> -> memref<1x128xi32, #tpu.memory_space<vmem>>
        %dma_wait3A_411 = tpu.memref_squeeze %dma_wait3A_410 : memref<1x128xi32, #tpu.memory_space<vmem>> -> memref<128xi32, #tpu.memory_space<vmem>>
        %dma_wait3A_412 = arith.constant 0 : i32
        %dma_wait3A_413 = arith.constant 0 : i32
        %dma_wait3A_414 = tpu.memref_slice %arg11[%dma_wait3A_412, %dma_wait3A_413] : memref<10112x128xf32, #tpu.memory_space<vmem_shared>> -> memref<10112x128xf32, #tpu.memory_space<vmem_shared>>
        tpu.wait_indirect_dma semaphore(%run_scoped3A_402 : memref<!tpu.dma_semaphore, #tpu.memory_space<semaphore_mem>>) src(%arg9 : memref<128x128xf32, #tpu.memory_space<vmem>>) dst(%dma_wait3A_414 : memref<10112x128xf32, #tpu.memory_space<vmem_shared>>)
        tpu.yield
      }) : () -> ()
      %dma_wait3A_394 = arith.constant 7 : i32
      %dma_wait3A_395 = arith.constant 0 : i32
      %dma_wait3A_396 = tpu.memref_slice %arg7[%dma_wait3A_394, %dma_wait3A_395] : memref<8x128xi32, #tpu.memory_space<vmem>> -> memref<1x128xi32, #tpu.memory_space<vmem>>
      %dma_wait3A_397 = tpu.memref_squeeze %dma_wait3A_396 : memref<1x128xi32, #tpu.memory_space<vmem>> -> memref<128xi32, #tpu.memory_space<vmem>>
      %dma_wait3A_398 = arith.constant 0 : i32
      %dma_wait3A_399 = arith.constant 0 : i32
      %dma_wait3A_400 = tpu.memref_slice %arg2[%dma_wait3A_398, %dma_wait3A_399] : memref<20000x128xf32, #tpu.memory_space<hbm>> -> memref<20000x128xf32, #tpu.memory_space<hbm>>
      tpu.wait_indirect_dma semaphore(%arg13 : memref<!tpu.dma_semaphore, #tpu.memory_space<semaphore_mem>>) src(%dma_wait3A_400 : memref<20000x128xf32, #tpu.memory_space<hbm>>) dst(%arg10 : memref<128x128xf32, #tpu.memory_space<vmem>>)
      %run_scoped3A_401 = arith.constant 7 : i32
      "tpu.region"() ({
        %run_scoped3A_402 = tpu.sem_alloc : memref<!tpu.dma_semaphore, #tpu.memory_space<semaphore_mem>>
        %dma_start3A_403 = arith.constant 0 : i32
        %dma_start3A_404 = tpu.memref_slice %arg8[%run_scoped3A_401, %dma_start3A_403] : memref<8x128xi32, #tpu.memory_space<vmem>> -> memref<1x128xi32, #tpu.memory_space<vmem>>
        %dma_start3A_405 = tpu.memref_squeeze %dma_start3A_404 : memref<1x128xi32, #tpu.memory_space<vmem>> -> memref<128xi32, #tpu.memory_space<vmem>>
        %dma_start3A_406 = arith.constant 0 : i32
        %dma_start3A_407 = arith.constant 0 : i32
        %dma_start3A_408 = tpu.memref_slice %arg11[%dma_start3A_406, %dma_start3A_407] : memref<10112x128xf32, #tpu.memory_space<vmem_shared>> -> memref<10112x128xf32, #tpu.memory_space<vmem_shared>>
        tpu.enqueue_indirect_dma source(%arg10 : memref<128x128xf32, #tpu.memory_space<vmem>>) target(%dma_start3A_408 : memref<10112x128xf32, #tpu.memory_space<vmem_shared>>) offsets(%dma_start3A_405 : memref<128xi32, #tpu.memory_space<vmem>>) semaphore(%run_scoped3A_402 : memref<!tpu.dma_semaphore, #tpu.memory_space<semaphore_mem>>) {add = true}
        %dma_wait3A_409 = arith.constant 0 : i32
        %dma_wait3A_410 = tpu.memref_slice %arg8[%run_scoped3A_401, %dma_wait3A_409] : memref<8x128xi32, #tpu.memory_space<vmem>> -> memref<1x128xi32, #tpu.memory_space<vmem>>
        %dma_wait3A_411 = tpu.memref_squeeze %dma_wait3A_410 : memref<1x128xi32, #tpu.memory_space<vmem>> -> memref<128xi32, #tpu.memory_space<vmem>>
        %dma_wait3A_412 = arith.constant 0 : i32
        %dma_wait3A_413 = arith.constant 0 : i32
        %dma_wait3A_414 = tpu.memref_slice %arg11[%dma_wait3A_412, %dma_wait3A_413] : memref<10112x128xf32, #tpu.memory_space<vmem_shared>> -> memref<10112x128xf32, #tpu.memory_space<vmem_shared>>
        tpu.wait_indirect_dma semaphore(%run_scoped3A_402 : memref<!tpu.dma_semaphore, #tpu.memory_space<semaphore_mem>>) src(%arg10 : memref<128x128xf32, #tpu.memory_space<vmem>>) dst(%dma_wait3A_414 : memref<10112x128xf32, #tpu.memory_space<vmem_shared>>)
        tpu.yield
      }) : () -> ()
    }
    %scan3A_120 = arith.constant 20 : i32
    %barrier3A_121 = arith.constant 0 : index
    tpu.barrier barrier_id(%barrier3A_121)
    %mul3A_122 = arith.constant 632 : i32
    %mul3A_123 = arith.muli %arg1, %mul3A_122 : i32
    %add3A_124 = arith.constant 0 : i32
    %add3A_125 = arith.addi %mul3A_123, %add3A_124 : i32
    "tpu.region"() ({
      %run_scoped3A = tpu.sem_alloc : memref<!tpu.dma_semaphore, #tpu.memory_space<semaphore_mem>>
      %dma_start3A_282 = arith.constant 0 : i32
      %dma_start3A_283 = arith.constant 0 : i32
      %dma_start3A_284 = tpu.memref_slice %arg9[%dma_start3A_282, %dma_start3A_283] : memref<128x128xf32, #tpu.memory_space<vmem>> -> memref<128x128xf32, #tpu.memory_space<vmem>>
      %dma_start3A_285 = arith.constant 0 : i32
      %dma_start3A_286 = tpu.memref_slice %arg11[%add3A_125, %dma_start3A_285] : memref<10112x128xf32, #tpu.memory_space<vmem_shared>> -> memref<128x128xf32, #tpu.memory_space<vmem_shared>>
      %dma_start3A_287 = arith.constant 0 : i32
      %dma_start3A_288 = arith.constant 0 : i32
      %dma_start3A_289 = tpu.memref_slice %arg9[%dma_start3A_287, %dma_start3A_288] : memref<128x128xf32, #tpu.memory_space<vmem>> -> memref<128x128xf32, #tpu.memory_space<vmem>>
      %dma_start3A_290 = arith.constant 0 : i32
      %dma_start3A_291 = tpu.memref_slice %arg11[%add3A_125, %dma_start3A_290] : memref<10112x128xf32, #tpu.memory_space<vmem_shared>> -> memref<128x128xf32, #tpu.memory_space<vmem_shared>>
      tpu.enqueue_dma source(%dma_start3A_291 : memref<128x128xf32, #tpu.memory_space<vmem_shared>>) target(%dma_start3A_289 : memref<128x128xf32, #tpu.memory_space<vmem>>) target_semaphore(%run_scoped3A : memref<!tpu.dma_semaphore, #tpu.memory_space<semaphore_mem>>)
      %dma_wait3A_292 = arith.constant 0 : i32
      %dma_wait3A_293 = arith.constant 0 : i32
      %dma_wait3A_294 = tpu.memref_slice %arg9[%dma_wait3A_292, %dma_wait3A_293] : memref<128x128xf32, #tpu.memory_space<vmem>> -> memref<128x128xf32, #tpu.memory_space<vmem>>
      %dma_wait3A_295 = arith.constant 0 : i32
      %dma_wait3A_296 = tpu.memref_slice %arg11[%add3A_125, %dma_wait3A_295] : memref<10112x128xf32, #tpu.memory_space<vmem_shared>> -> memref<128x128xf32, #tpu.memory_space<vmem_shared>>
      %dma_wait3A_297 = arith.constant 0 : i32
      %dma_wait3A_298 = arith.constant 0 : i32
      %dma_wait3A_299 = tpu.memref_slice %arg9[%dma_wait3A_297, %dma_wait3A_298] : memref<128x128xf32, #tpu.memory_space<vmem>> -> memref<128x128xf32, #tpu.memory_space<vmem>>
      %dma_wait3A_300 = arith.constant 0 : i32
      %dma_wait3A_301 = tpu.memref_slice %arg11[%add3A_125, %dma_wait3A_300] : memref<10112x128xf32, #tpu.memory_space<vmem_shared>> -> memref<128x128xf32, #tpu.memory_space<vmem_shared>>
      tpu.wait_dma2 semaphore(%run_scoped3A : memref<!tpu.dma_semaphore, #tpu.memory_space<semaphore_mem>>) src(%dma_wait3A_301 : memref<128x128xf32, #tpu.memory_space<vmem_shared>>) dst(%dma_wait3A_299 : memref<128x128xf32, #tpu.memory_space<vmem>>)
      tpu.yield
    }) : () -> ()
    %mul3A_126 = arith.constant 632 : i32
    %mul3A_127 = arith.muli %arg1, %mul3A_126 : i32
    %add3A_128 = arith.constant 0 : i32
    %add3A_129 = arith.addi %mul3A_127, %add3A_128 : i32
    %dma_start3A_130 = arith.constant 0 : i32
    %dma_start3A_131 = arith.constant 0 : i32
    %dma_start3A_132 = tpu.memref_slice %arg9[%dma_start3A_130, %dma_start3A_131] : memref<128x128xf32, #tpu.memory_space<vmem>> -> memref<128x128xf32, #tpu.memory_space<vmem>>
    %dma_start3A_133 = arith.constant 0 : i32
    %dma_start3A_134 = tpu.memref_slice %arg6[%arg0, %add3A_129, %dma_start3A_133] : memref<2x10112x128xf32, #tpu.memory_space<hbm>> -> memref<1x128x128xf32, #tpu.memory_space<hbm>>
    %dma_start3A_135 = tpu.memref_squeeze %dma_start3A_134 : memref<1x128x128xf32, #tpu.memory_space<hbm>> -> memref<128x128xf32, #tpu.memory_space<hbm>>
    %dma_start3A_136 = arith.constant 0 : i32
    %dma_start3A_137 = tpu.memref_slice %arg6[%arg0, %add3A_129, %dma_start3A_136] : memref<2x10112x128xf32, #tpu.memory_space<hbm>> -> memref<1x128x128xf32, #tpu.memory_space<hbm>>
    %dma_start3A_138 = tpu.memref_squeeze %dma_start3A_137 : memref<1x128x128xf32, #tpu.memory_space<hbm>> -> memref<128x128xf32, #tpu.memory_space<hbm>>
    %dma_start3A_139 = arith.constant 0 : i32
    %dma_start3A_140 = arith.constant 0 : i32
    %dma_start3A_141 = tpu.memref_slice %arg9[%dma_start3A_139, %dma_start3A_140] : memref<128x128xf32, #tpu.memory_space<vmem>> -> memref<128x128xf32, #tpu.memory_space<vmem>>
    tpu.enqueue_dma source(%dma_start3A_141 : memref<128x128xf32, #tpu.memory_space<vmem>>) target(%dma_start3A_138 : memref<128x128xf32, #tpu.memory_space<hbm>>) target_semaphore(%arg12 : memref<!tpu.dma_semaphore, #tpu.memory_space<semaphore_mem>>)
    %mul3A_142 = arith.constant 632 : i32
    %mul3A_143 = arith.muli %arg1, %mul3A_142 : i32
    %add3A_144 = arith.constant 128 : i32
    %add3A_145 = arith.addi %mul3A_143, %add3A_144 : i32
    "tpu.region"() ({
      %run_scoped3A = tpu.sem_alloc : memref<!tpu.dma_semaphore, #tpu.memory_space<semaphore_mem>>
      %dma_start3A_282 = arith.constant 0 : i32
      %dma_start3A_283 = arith.constant 0 : i32
      %dma_start3A_284 = tpu.memref_slice %arg10[%dma_start3A_282, %dma_start3A_283] : memref<128x128xf32, #tpu.memory_space<vmem>> -> memref<128x128xf32, #tpu.memory_space<vmem>>
      %dma_start3A_285 = arith.constant 0 : i32
      %dma_start3A_286 = tpu.memref_slice %arg11[%add3A_145, %dma_start3A_285] : memref<10112x128xf32, #tpu.memory_space<vmem_shared>> -> memref<128x128xf32, #tpu.memory_space<vmem_shared>>
      %dma_start3A_287 = arith.constant 0 : i32
      %dma_start3A_288 = arith.constant 0 : i32
      %dma_start3A_289 = tpu.memref_slice %arg10[%dma_start3A_287, %dma_start3A_288] : memref<128x128xf32, #tpu.memory_space<vmem>> -> memref<128x128xf32, #tpu.memory_space<vmem>>
      %dma_start3A_290 = arith.constant 0 : i32
      %dma_start3A_291 = tpu.memref_slice %arg11[%add3A_145, %dma_start3A_290] : memref<10112x128xf32, #tpu.memory_space<vmem_shared>> -> memref<128x128xf32, #tpu.memory_space<vmem_shared>>
      tpu.enqueue_dma source(%dma_start3A_291 : memref<128x128xf32, #tpu.memory_space<vmem_shared>>) target(%dma_start3A_289 : memref<128x128xf32, #tpu.memory_space<vmem>>) target_semaphore(%run_scoped3A : memref<!tpu.dma_semaphore, #tpu.memory_space<semaphore_mem>>)
      %dma_wait3A_292 = arith.constant 0 : i32
      %dma_wait3A_293 = arith.constant 0 : i32
      %dma_wait3A_294 = tpu.memref_slice %arg10[%dma_wait3A_292, %dma_wait3A_293] : memref<128x128xf32, #tpu.memory_space<vmem>> -> memref<128x128xf32, #tpu.memory_space<vmem>>
      %dma_wait3A_295 = arith.constant 0 : i32
      %dma_wait3A_296 = tpu.memref_slice %arg11[%add3A_145, %dma_wait3A_295] : memref<10112x128xf32, #tpu.memory_space<vmem_shared>> -> memref<128x128xf32, #tpu.memory_space<vmem_shared>>
      %dma_wait3A_297 = arith.constant 0 : i32
      %dma_wait3A_298 = arith.constant 0 : i32
      %dma_wait3A_299 = tpu.memref_slice %arg10[%dma_wait3A_297, %dma_wait3A_298] : memref<128x128xf32, #tpu.memory_space<vmem>> -> memref<128x128xf32, #tpu.memory_space<vmem>>
      %dma_wait3A_300 = arith.constant 0 : i32
      %dma_wait3A_301 = tpu.memref_slice %arg11[%add3A_145, %dma_wait3A_300] : memref<10112x128xf32, #tpu.memory_space<vmem_shared>> -> memref<128x128xf32, #tpu.memory_space<vmem_shared>>
      tpu.wait_dma2 semaphore(%run_scoped3A : memref<!tpu.dma_semaphore, #tpu.memory_space<semaphore_mem>>) src(%dma_wait3A_301 : memref<128x128xf32, #tpu.memory_space<vmem_shared>>) dst(%dma_wait3A_299 : memref<128x128xf32, #tpu.memory_space<vmem>>)
      tpu.yield
    }) : () -> ()
    %mul3A_146 = arith.constant 632 : i32
    %mul3A_147 = arith.muli %arg1, %mul3A_146 : i32
    %add3A_148 = arith.constant 128 : i32
    %add3A_149 = arith.addi %mul3A_147, %add3A_148 : i32
    %dma_start3A_150 = arith.constant 0 : i32
    %dma_start3A_151 = arith.constant 0 : i32
    %dma_start3A_152 = tpu.memref_slice %arg10[%dma_start3A_150, %dma_start3A_151] : memref<128x128xf32, #tpu.memory_space<vmem>> -> memref<128x128xf32, #tpu.memory_space<vmem>>
    %dma_start3A_153 = arith.constant 0 : i32
    %dma_start3A_154 = tpu.memref_slice %arg6[%arg0, %add3A_149, %dma_start3A_153] : memref<2x10112x128xf32, #tpu.memory_space<hbm>> -> memref<1x128x128xf32, #tpu.memory_space<hbm>>
    %dma_start3A_155 = tpu.memref_squeeze %dma_start3A_154 : memref<1x128x128xf32, #tpu.memory_space<hbm>> -> memref<128x128xf32, #tpu.memory_space<hbm>>
    %dma_start3A_156 = arith.constant 0 : i32
    %dma_start3A_157 = tpu.memref_slice %arg6[%arg0, %add3A_149, %dma_start3A_156] : memref<2x10112x128xf32, #tpu.memory_space<hbm>> -> memref<1x128x128xf32, #tpu.memory_space<hbm>>
    %dma_start3A_158 = tpu.memref_squeeze %dma_start3A_157 : memref<1x128x128xf32, #tpu.memory_space<hbm>> -> memref<128x128xf32, #tpu.memory_space<hbm>>
    %dma_start3A_159 = arith.constant 0 : i32
    %dma_start3A_160 = arith.constant 0 : i32
    %dma_start3A_161 = tpu.memref_slice %arg10[%dma_start3A_159, %dma_start3A_160] : memref<128x128xf32, #tpu.memory_space<vmem>> -> memref<128x128xf32, #tpu.memory_space<vmem>>
    tpu.enqueue_dma source(%dma_start3A_161 : memref<128x128xf32, #tpu.memory_space<vmem>>) target(%dma_start3A_158 : memref<128x128xf32, #tpu.memory_space<hbm>>) target_semaphore(%arg13 : memref<!tpu.dma_semaphore, #tpu.memory_space<semaphore_mem>>)
    %dma_wait3A_162 = arith.constant 0 : i32
    %dma_wait3A_163 = arith.constant 0 : i32
    %dma_wait3A_164 = tpu.memref_slice %arg9[%dma_wait3A_162, %dma_wait3A_163] : memref<128x128xf32, #tpu.memory_space<vmem>> -> memref<128x128xf32, #tpu.memory_space<vmem>>
    %dma_wait3A_165 = arith.constant 0 : i32
    %dma_wait3A_166 = tpu.memref_slice %arg6[%arg0, %add3A_129, %dma_wait3A_165] : memref<2x10112x128xf32, #tpu.memory_space<hbm>> -> memref<1x128x128xf32, #tpu.memory_space<hbm>>
    %dma_wait3A_167 = tpu.memref_squeeze %dma_wait3A_166 : memref<1x128x128xf32, #tpu.memory_space<hbm>> -> memref<128x128xf32, #tpu.memory_space<hbm>>
    %dma_wait3A_168 = arith.constant 0 : i32
    %dma_wait3A_169 = tpu.memref_slice %arg6[%arg0, %add3A_129, %dma_wait3A_168] : memref<2x10112x128xf32, #tpu.memory_space<hbm>> -> memref<1x128x128xf32, #tpu.memory_space<hbm>>
    %dma_wait3A_170 = tpu.memref_squeeze %dma_wait3A_169 : memref<1x128x128xf32, #tpu.memory_space<hbm>> -> memref<128x128xf32, #tpu.memory_space<hbm>>
    %dma_wait3A_171 = arith.constant 0 : i32
    %dma_wait3A_172 = arith.constant 0 : i32
    %dma_wait3A_173 = tpu.memref_slice %arg9[%dma_wait3A_171, %dma_wait3A_172] : memref<128x128xf32, #tpu.memory_space<vmem>> -> memref<128x128xf32, #tpu.memory_space<vmem>>
    tpu.wait_dma2 semaphore(%arg12 : memref<!tpu.dma_semaphore, #tpu.memory_space<semaphore_mem>>) src(%dma_wait3A_173 : memref<128x128xf32, #tpu.memory_space<vmem>>) dst(%dma_wait3A_170 : memref<128x128xf32, #tpu.memory_space<hbm>>)
    %mul3A_174 = arith.constant 632 : i32
    %mul3A_175 = arith.muli %arg1, %mul3A_174 : i32
    %add3A_176 = arith.constant 256 : i32
    %add3A_177 = arith.addi %mul3A_175, %add3A_176 : i32
    "tpu.region"() ({
      %run_scoped3A = tpu.sem_alloc : memref<!tpu.dma_semaphore, #tpu.memory_space<semaphore_mem>>
      %dma_start3A_282 = arith.constant 0 : i32
      %dma_start3A_283 = arith.constant 0 : i32
      %dma_start3A_284 = tpu.memref_slice %arg9[%dma_start3A_282, %dma_start3A_283] : memref<128x128xf32, #tpu.memory_space<vmem>> -> memref<128x128xf32, #tpu.memory_space<vmem>>
      %dma_start3A_285 = arith.constant 0 : i32
      %dma_start3A_286 = tpu.memref_slice %arg11[%add3A_177, %dma_start3A_285] : memref<10112x128xf32, #tpu.memory_space<vmem_shared>> -> memref<128x128xf32, #tpu.memory_space<vmem_shared>>
      %dma_start3A_287 = arith.constant 0 : i32
      %dma_start3A_288 = arith.constant 0 : i32
      %dma_start3A_289 = tpu.memref_slice %arg9[%dma_start3A_287, %dma_start3A_288] : memref<128x128xf32, #tpu.memory_space<vmem>> -> memref<128x128xf32, #tpu.memory_space<vmem>>
      %dma_start3A_290 = arith.constant 0 : i32
      %dma_start3A_291 = tpu.memref_slice %arg11[%add3A_177, %dma_start3A_290] : memref<10112x128xf32, #tpu.memory_space<vmem_shared>> -> memref<128x128xf32, #tpu.memory_space<vmem_shared>>
      tpu.enqueue_dma source(%dma_start3A_291 : memref<128x128xf32, #tpu.memory_space<vmem_shared>>) target(%dma_start3A_289 : memref<128x128xf32, #tpu.memory_space<vmem>>) target_semaphore(%run_scoped3A : memref<!tpu.dma_semaphore, #tpu.memory_space<semaphore_mem>>)
      %dma_wait3A_292 = arith.constant 0 : i32
      %dma_wait3A_293 = arith.constant 0 : i32
      %dma_wait3A_294 = tpu.memref_slice %arg9[%dma_wait3A_292, %dma_wait3A_293] : memref<128x128xf32, #tpu.memory_space<vmem>> -> memref<128x128xf32, #tpu.memory_space<vmem>>
      %dma_wait3A_295 = arith.constant 0 : i32
      %dma_wait3A_296 = tpu.memref_slice %arg11[%add3A_177, %dma_wait3A_295] : memref<10112x128xf32, #tpu.memory_space<vmem_shared>> -> memref<128x128xf32, #tpu.memory_space<vmem_shared>>
      %dma_wait3A_297 = arith.constant 0 : i32
      %dma_wait3A_298 = arith.constant 0 : i32
      %dma_wait3A_299 = tpu.memref_slice %arg9[%dma_wait3A_297, %dma_wait3A_298] : memref<128x128xf32, #tpu.memory_space<vmem>> -> memref<128x128xf32, #tpu.memory_space<vmem>>
      %dma_wait3A_300 = arith.constant 0 : i32
      %dma_wait3A_301 = tpu.memref_slice %arg11[%add3A_177, %dma_wait3A_300] : memref<10112x128xf32, #tpu.memory_space<vmem_shared>> -> memref<128x128xf32, #tpu.memory_space<vmem_shared>>
      tpu.wait_dma2 semaphore(%run_scoped3A : memref<!tpu.dma_semaphore, #tpu.memory_space<semaphore_mem>>) src(%dma_wait3A_301 : memref<128x128xf32, #tpu.memory_space<vmem_shared>>) dst(%dma_wait3A_299 : memref<128x128xf32, #tpu.memory_space<vmem>>)
      tpu.yield
    }) : () -> ()
    %mul3A_178 = arith.constant 632 : i32
    %mul3A_179 = arith.muli %arg1, %mul3A_178 : i32
    %add3A_180 = arith.constant 256 : i32
    %add3A_181 = arith.addi %mul3A_179, %add3A_180 : i32
    %dma_start3A_182 = arith.constant 0 : i32
    %dma_start3A_183 = arith.constant 0 : i32
    %dma_start3A_184 = tpu.memref_slice %arg9[%dma_start3A_182, %dma_start3A_183] : memref<128x128xf32, #tpu.memory_space<vmem>> -> memref<128x128xf32, #tpu.memory_space<vmem>>
    %dma_start3A_185 = arith.constant 0 : i32
    %dma_start3A_186 = tpu.memref_slice %arg6[%arg0, %add3A_181, %dma_start3A_185] : memref<2x10112x128xf32, #tpu.memory_space<hbm>> -> memref<1x128x128xf32, #tpu.memory_space<hbm>>
    %dma_start3A_187 = tpu.memref_squeeze %dma_start3A_186 : memref<1x128x128xf32, #tpu.memory_space<hbm>> -> memref<128x128xf32, #tpu.memory_space<hbm>>
    %dma_start3A_188 = arith.constant 0 : i32
    %dma_start3A_189 = tpu.memref_slice %arg6[%arg0, %add3A_181, %dma_start3A_188] : memref<2x10112x128xf32, #tpu.memory_space<hbm>> -> memref<1x128x128xf32, #tpu.memory_space<hbm>>
    %dma_start3A_190 = tpu.memref_squeeze %dma_start3A_189 : memref<1x128x128xf32, #tpu.memory_space<hbm>> -> memref<128x128xf32, #tpu.memory_space<hbm>>
    %dma_start3A_191 = arith.constant 0 : i32
    %dma_start3A_192 = arith.constant 0 : i32
    %dma_start3A_193 = tpu.memref_slice %arg9[%dma_start3A_191, %dma_start3A_192] : memref<128x128xf32, #tpu.memory_space<vmem>> -> memref<128x128xf32, #tpu.memory_space<vmem>>
    tpu.enqueue_dma source(%dma_start3A_193 : memref<128x128xf32, #tpu.memory_space<vmem>>) target(%dma_start3A_190 : memref<128x128xf32, #tpu.memory_space<hbm>>) target_semaphore(%arg12 : memref<!tpu.dma_semaphore, #tpu.memory_space<semaphore_mem>>)
    %dma_wait3A_194 = arith.constant 0 : i32
    %dma_wait3A_195 = arith.constant 0 : i32
    %dma_wait3A_196 = tpu.memref_slice %arg10[%dma_wait3A_194, %dma_wait3A_195] : memref<128x128xf32, #tpu.memory_space<vmem>> -> memref<128x128xf32, #tpu.memory_space<vmem>>
    %dma_wait3A_197 = arith.constant 0 : i32
    %dma_wait3A_198 = tpu.memref_slice %arg6[%arg0, %add3A_149, %dma_wait3A_197] : memref<2x10112x128xf32, #tpu.memory_space<hbm>> -> memref<1x128x128xf32, #tpu.memory_space<hbm>>
    %dma_wait3A_199 = tpu.memref_squeeze %dma_wait3A_198 : memref<1x128x128xf32, #tpu.memory_space<hbm>> -> memref<128x128xf32, #tpu.memory_space<hbm>>
    %dma_wait3A_200 = arith.constant 0 : i32
    %dma_wait3A_201 = tpu.memref_slice %arg6[%arg0, %add3A_149, %dma_wait3A_200] : memref<2x10112x128xf32, #tpu.memory_space<hbm>> -> memref<1x128x128xf32, #tpu.memory_space<hbm>>
    %dma_wait3A_202 = tpu.memref_squeeze %dma_wait3A_201 : memref<1x128x128xf32, #tpu.memory_space<hbm>> -> memref<128x128xf32, #tpu.memory_space<hbm>>
    %dma_wait3A_203 = arith.constant 0 : i32
    %dma_wait3A_204 = arith.constant 0 : i32
    %dma_wait3A_205 = tpu.memref_slice %arg10[%dma_wait3A_203, %dma_wait3A_204] : memref<128x128xf32, #tpu.memory_space<vmem>> -> memref<128x128xf32, #tpu.memory_space<vmem>>
    tpu.wait_dma2 semaphore(%arg13 : memref<!tpu.dma_semaphore, #tpu.memory_space<semaphore_mem>>) src(%dma_wait3A_205 : memref<128x128xf32, #tpu.memory_space<vmem>>) dst(%dma_wait3A_202 : memref<128x128xf32, #tpu.memory_space<hbm>>)
    %mul3A_206 = arith.constant 632 : i32
    %mul3A_207 = arith.muli %arg1, %mul3A_206 : i32
    %add3A_208 = arith.constant 384 : i32
    %add3A_209 = arith.addi %mul3A_207, %add3A_208 : i32
    "tpu.region"() ({
      %run_scoped3A = tpu.sem_alloc : memref<!tpu.dma_semaphore, #tpu.memory_space<semaphore_mem>>
      %dma_start3A_282 = arith.constant 0 : i32
      %dma_start3A_283 = arith.constant 0 : i32
      %dma_start3A_284 = tpu.memref_slice %arg10[%dma_start3A_282, %dma_start3A_283] : memref<128x128xf32, #tpu.memory_space<vmem>> -> memref<128x128xf32, #tpu.memory_space<vmem>>
      %dma_start3A_285 = arith.constant 0 : i32
      %dma_start3A_286 = tpu.memref_slice %arg11[%add3A_209, %dma_start3A_285] : memref<10112x128xf32, #tpu.memory_space<vmem_shared>> -> memref<128x128xf32, #tpu.memory_space<vmem_shared>>
      %dma_start3A_287 = arith.constant 0 : i32
      %dma_start3A_288 = arith.constant 0 : i32
      %dma_start3A_289 = tpu.memref_slice %arg10[%dma_start3A_287, %dma_start3A_288] : memref<128x128xf32, #tpu.memory_space<vmem>> -> memref<128x128xf32, #tpu.memory_space<vmem>>
      %dma_start3A_290 = arith.constant 0 : i32
      %dma_start3A_291 = tpu.memref_slice %arg11[%add3A_209, %dma_start3A_290] : memref<10112x128xf32, #tpu.memory_space<vmem_shared>> -> memref<128x128xf32, #tpu.memory_space<vmem_shared>>
      tpu.enqueue_dma source(%dma_start3A_291 : memref<128x128xf32, #tpu.memory_space<vmem_shared>>) target(%dma_start3A_289 : memref<128x128xf32, #tpu.memory_space<vmem>>) target_semaphore(%run_scoped3A : memref<!tpu.dma_semaphore, #tpu.memory_space<semaphore_mem>>)
      %dma_wait3A_292 = arith.constant 0 : i32
      %dma_wait3A_293 = arith.constant 0 : i32
      %dma_wait3A_294 = tpu.memref_slice %arg10[%dma_wait3A_292, %dma_wait3A_293] : memref<128x128xf32, #tpu.memory_space<vmem>> -> memref<128x128xf32, #tpu.memory_space<vmem>>
      %dma_wait3A_295 = arith.constant 0 : i32
      %dma_wait3A_296 = tpu.memref_slice %arg11[%add3A_209, %dma_wait3A_295] : memref<10112x128xf32, #tpu.memory_space<vmem_shared>> -> memref<128x128xf32, #tpu.memory_space<vmem_shared>>
      %dma_wait3A_297 = arith.constant 0 : i32
      %dma_wait3A_298 = arith.constant 0 : i32
      %dma_wait3A_299 = tpu.memref_slice %arg10[%dma_wait3A_297, %dma_wait3A_298] : memref<128x128xf32, #tpu.memory_space<vmem>> -> memref<128x128xf32, #tpu.memory_space<vmem>>
      %dma_wait3A_300 = arith.constant 0 : i32
      %dma_wait3A_301 = tpu.memref_slice %arg11[%add3A_209, %dma_wait3A_300] : memref<10112x128xf32, #tpu.memory_space<vmem_shared>> -> memref<128x128xf32, #tpu.memory_space<vmem_shared>>
      tpu.wait_dma2 semaphore(%run_scoped3A : memref<!tpu.dma_semaphore, #tpu.memory_space<semaphore_mem>>) src(%dma_wait3A_301 : memref<128x128xf32, #tpu.memory_space<vmem_shared>>) dst(%dma_wait3A_299 : memref<128x128xf32, #tpu.memory_space<vmem>>)
      tpu.yield
    }) : () -> ()
    %mul3A_210 = arith.constant 632 : i32
    %mul3A_211 = arith.muli %arg1, %mul3A_210 : i32
    %add3A_212 = arith.constant 384 : i32
    %add3A_213 = arith.addi %mul3A_211, %add3A_212 : i32
    %dma_start3A_214 = arith.constant 0 : i32
    %dma_start3A_215 = arith.constant 0 : i32
    %dma_start3A_216 = tpu.memref_slice %arg10[%dma_start3A_214, %dma_start3A_215] : memref<128x128xf32, #tpu.memory_space<vmem>> -> memref<128x128xf32, #tpu.memory_space<vmem>>
    %dma_start3A_217 = arith.constant 0 : i32
    %dma_start3A_218 = tpu.memref_slice %arg6[%arg0, %add3A_213, %dma_start3A_217] : memref<2x10112x128xf32, #tpu.memory_space<hbm>> -> memref<1x128x128xf32, #tpu.memory_space<hbm>>
    %dma_start3A_219 = tpu.memref_squeeze %dma_start3A_218 : memref<1x128x128xf32, #tpu.memory_space<hbm>> -> memref<128x128xf32, #tpu.memory_space<hbm>>
    %dma_start3A_220 = arith.constant 0 : i32
    %dma_start3A_221 = tpu.memref_slice %arg6[%arg0, %add3A_213, %dma_start3A_220] : memref<2x10112x128xf32, #tpu.memory_space<hbm>> -> memref<1x128x128xf32, #tpu.memory_space<hbm>>
    %dma_start3A_222 = tpu.memref_squeeze %dma_start3A_221 : memref<1x128x128xf32, #tpu.memory_space<hbm>> -> memref<128x128xf32, #tpu.memory_space<hbm>>
    %dma_start3A_223 = arith.constant 0 : i32
    %dma_start3A_224 = arith.constant 0 : i32
    %dma_start3A_225 = tpu.memref_slice %arg10[%dma_start3A_223, %dma_start3A_224] : memref<128x128xf32, #tpu.memory_space<vmem>> -> memref<128x128xf32, #tpu.memory_space<vmem>>
    tpu.enqueue_dma source(%dma_start3A_225 : memref<128x128xf32, #tpu.memory_space<vmem>>) target(%dma_start3A_222 : memref<128x128xf32, #tpu.memory_space<hbm>>) target_semaphore(%arg13 : memref<!tpu.dma_semaphore, #tpu.memory_space<semaphore_mem>>)
    %dma_wait3A_226 = arith.constant 0 : i32
    %dma_wait3A_227 = arith.constant 0 : i32
    %dma_wait3A_228 = tpu.memref_slice %arg9[%dma_wait3A_226, %dma_wait3A_227] : memref<128x128xf32, #tpu.memory_space<vmem>> -> memref<128x128xf32, #tpu.memory_space<vmem>>
    %dma_wait3A_229 = arith.constant 0 : i32
    %dma_wait3A_230 = tpu.memref_slice %arg6[%arg0, %add3A_181, %dma_wait3A_229] : memref<2x10112x128xf32, #tpu.memory_space<hbm>> -> memref<1x128x128xf32, #tpu.memory_space<hbm>>
    %dma_wait3A_231 = tpu.memref_squeeze %dma_wait3A_230 : memref<1x128x128xf32, #tpu.memory_space<hbm>> -> memref<128x128xf32, #tpu.memory_space<hbm>>
    %dma_wait3A_232 = arith.constant 0 : i32
    %dma_wait3A_233 = tpu.memref_slice %arg6[%arg0, %add3A_181, %dma_wait3A_232] : memref<2x10112x128xf32, #tpu.memory_space<hbm>> -> memref<1x128x128xf32, #tpu.memory_space<hbm>>
    %dma_wait3A_234 = tpu.memref_squeeze %dma_wait3A_233 : memref<1x128x128xf32, #tpu.memory_space<hbm>> -> memref<128x128xf32, #tpu.memory_space<hbm>>
    %dma_wait3A_235 = arith.constant 0 : i32
    %dma_wait3A_236 = arith.constant 0 : i32
    %dma_wait3A_237 = tpu.memref_slice %arg9[%dma_wait3A_235, %dma_wait3A_236] : memref<128x128xf32, #tpu.memory_space<vmem>> -> memref<128x128xf32, #tpu.memory_space<vmem>>
    tpu.wait_dma2 semaphore(%arg12 : memref<!tpu.dma_semaphore, #tpu.memory_space<semaphore_mem>>) src(%dma_wait3A_237 : memref<128x128xf32, #tpu.memory_space<vmem>>) dst(%dma_wait3A_234 : memref<128x128xf32, #tpu.memory_space<hbm>>)
    %mul3A_238 = arith.constant 632 : i32
    %mul3A_239 = arith.muli %arg1, %mul3A_238 : i32
    %add3A_240 = arith.constant 512 : i32
    %add3A_241 = arith.addi %mul3A_239, %add3A_240 : i32
    "tpu.region"() ({
      %run_scoped3A = tpu.sem_alloc : memref<!tpu.dma_semaphore, #tpu.memory_space<semaphore_mem>>
      %dma_start3A_282 = arith.constant 0 : i32
      %dma_start3A_283 = arith.constant 0 : i32
      %dma_start3A_284 = tpu.memref_slice %arg9[%dma_start3A_282, %dma_start3A_283] : memref<128x128xf32, #tpu.memory_space<vmem>> -> memref<120x128xf32, #tpu.memory_space<vmem>>
      %dma_start3A_285 = arith.constant 0 : i32
      %dma_start3A_286 = tpu.memref_slice %arg11[%add3A_241, %dma_start3A_285] : memref<10112x128xf32, #tpu.memory_space<vmem_shared>> -> memref<120x128xf32, #tpu.memory_space<vmem_shared>>
      %dma_start3A_287 = arith.constant 0 : i32
      %dma_start3A_288 = arith.constant 0 : i32
      %dma_start3A_289 = tpu.memref_slice %arg9[%dma_start3A_287, %dma_start3A_288] : memref<128x128xf32, #tpu.memory_space<vmem>> -> memref<120x128xf32, #tpu.memory_space<vmem>>
      %dma_start3A_290 = arith.constant 0 : i32
      %dma_start3A_291 = tpu.memref_slice %arg11[%add3A_241, %dma_start3A_290] : memref<10112x128xf32, #tpu.memory_space<vmem_shared>> -> memref<120x128xf32, #tpu.memory_space<vmem_shared>>
      tpu.enqueue_dma source(%dma_start3A_291 : memref<120x128xf32, #tpu.memory_space<vmem_shared>>) target(%dma_start3A_289 : memref<120x128xf32, #tpu.memory_space<vmem>>) target_semaphore(%run_scoped3A : memref<!tpu.dma_semaphore, #tpu.memory_space<semaphore_mem>>)
      %dma_wait3A_292 = arith.constant 0 : i32
      %dma_wait3A_293 = arith.constant 0 : i32
      %dma_wait3A_294 = tpu.memref_slice %arg9[%dma_wait3A_292, %dma_wait3A_293] : memref<128x128xf32, #tpu.memory_space<vmem>> -> memref<120x128xf32, #tpu.memory_space<vmem>>
      %dma_wait3A_295 = arith.constant 0 : i32
      %dma_wait3A_296 = tpu.memref_slice %arg11[%add3A_241, %dma_wait3A_295] : memref<10112x128xf32, #tpu.memory_space<vmem_shared>> -> memref<120x128xf32, #tpu.memory_space<vmem_shared>>
      %dma_wait3A_297 = arith.constant 0 : i32
      %dma_wait3A_298 = arith.constant 0 : i32
      %dma_wait3A_299 = tpu.memref_slice %arg9[%dma_wait3A_297, %dma_wait3A_298] : memref<128x128xf32, #tpu.memory_space<vmem>> -> memref<120x128xf32, #tpu.memory_space<vmem>>
      %dma_wait3A_300 = arith.constant 0 : i32
      %dma_wait3A_301 = tpu.memref_slice %arg11[%add3A_241, %dma_wait3A_300] : memref<10112x128xf32, #tpu.memory_space<vmem_shared>> -> memref<120x128xf32, #tpu.memory_space<vmem_shared>>
      tpu.wait_dma2 semaphore(%run_scoped3A : memref<!tpu.dma_semaphore, #tpu.memory_space<semaphore_mem>>) src(%dma_wait3A_301 : memref<120x128xf32, #tpu.memory_space<vmem_shared>>) dst(%dma_wait3A_299 : memref<120x128xf32, #tpu.memory_space<vmem>>)
      tpu.yield
    }) : () -> ()
    %mul3A_242 = arith.constant 632 : i32
    %mul3A_243 = arith.muli %arg1, %mul3A_242 : i32
    %add3A_244 = arith.constant 512 : i32
    %add3A_245 = arith.addi %mul3A_243, %add3A_244 : i32
    %dma_start3A_246 = arith.constant 0 : i32
    %dma_start3A_247 = arith.constant 0 : i32
    %dma_start3A_248 = tpu.memref_slice %arg9[%dma_start3A_246, %dma_start3A_247] : memref<128x128xf32, #tpu.memory_space<vmem>> -> memref<120x128xf32, #tpu.memory_space<vmem>>
    %dma_start3A_249 = arith.constant 0 : i32
    %dma_start3A_250 = tpu.memref_slice %arg6[%arg0, %add3A_245, %dma_start3A_249] : memref<2x10112x128xf32, #tpu.memory_space<hbm>> -> memref<1x120x128xf32, #tpu.memory_space<hbm>>
    %dma_start3A_251 = tpu.memref_squeeze %dma_start3A_250 : memref<1x120x128xf32, #tpu.memory_space<hbm>> -> memref<120x128xf32, #tpu.memory_space<hbm>>
    %dma_start3A_252 = arith.constant 0 : i32
    %dma_start3A_253 = tpu.memref_slice %arg6[%arg0, %add3A_245, %dma_start3A_252] : memref<2x10112x128xf32, #tpu.memory_space<hbm>> -> memref<1x120x128xf32, #tpu.memory_space<hbm>>
    %dma_start3A_254 = tpu.memref_squeeze %dma_start3A_253 : memref<1x120x128xf32, #tpu.memory_space<hbm>> -> memref<120x128xf32, #tpu.memory_space<hbm>>
    %dma_start3A_255 = arith.constant 0 : i32
    %dma_start3A_256 = arith.constant 0 : i32
    %dma_start3A_257 = tpu.memref_slice %arg9[%dma_start3A_255, %dma_start3A_256] : memref<128x128xf32, #tpu.memory_space<vmem>> -> memref<120x128xf32, #tpu.memory_space<vmem>>
    tpu.enqueue_dma source(%dma_start3A_257 : memref<120x128xf32, #tpu.memory_space<vmem>>) target(%dma_start3A_254 : memref<120x128xf32, #tpu.memory_space<hbm>>) target_semaphore(%arg12 : memref<!tpu.dma_semaphore, #tpu.memory_space<semaphore_mem>>)
    %dma_wait3A_258 = arith.constant 0 : i32
    %dma_wait3A_259 = arith.constant 0 : i32
    %dma_wait3A_260 = tpu.memref_slice %arg10[%dma_wait3A_258, %dma_wait3A_259] : memref<128x128xf32, #tpu.memory_space<vmem>> -> memref<128x128xf32, #tpu.memory_space<vmem>>
    %dma_wait3A_261 = arith.constant 0 : i32
    %dma_wait3A_262 = tpu.memref_slice %arg6[%arg0, %add3A_213, %dma_wait3A_261] : memref<2x10112x128xf32, #tpu.memory_space<hbm>> -> memref<1x128x128xf32, #tpu.memory_space<hbm>>
    %dma_wait3A_263 = tpu.memref_squeeze %dma_wait3A_262 : memref<1x128x128xf32, #tpu.memory_space<hbm>> -> memref<128x128xf32, #tpu.memory_space<hbm>>
    %dma_wait3A_264 = arith.constant 0 : i32
    %dma_wait3A_265 = tpu.memref_slice %arg6[%arg0, %add3A_213, %dma_wait3A_264] : memref<2x10112x128xf32, #tpu.memory_space<hbm>> -> memref<1x128x128xf32, #tpu.memory_space<hbm>>
    %dma_wait3A_266 = tpu.memref_squeeze %dma_wait3A_265 : memref<1x128x128xf32, #tpu.memory_space<hbm>> -> memref<128x128xf32, #tpu.memory_space<hbm>>
    %dma_wait3A_267 = arith.constant 0 : i32
    %dma_wait3A_268 = arith.constant 0 : i32
    %dma_wait3A_269 = tpu.memref_slice %arg10[%dma_wait3A_267, %dma_wait3A_268] : memref<128x128xf32, #tpu.memory_space<vmem>> -> memref<128x128xf32, #tpu.memory_space<vmem>>
    tpu.wait_dma2 semaphore(%arg13 : memref<!tpu.dma_semaphore, #tpu.memory_space<semaphore_mem>>) src(%dma_wait3A_269 : memref<128x128xf32, #tpu.memory_space<vmem>>) dst(%dma_wait3A_266 : memref<128x128xf32, #tpu.memory_space<hbm>>)
    %dma_wait3A_270 = arith.constant 0 : i32
    %dma_wait3A_271 = arith.constant 0 : i32
    %dma_wait3A_272 = tpu.memref_slice %arg9[%dma_wait3A_270, %dma_wait3A_271] : memref<128x128xf32, #tpu.memory_space<vmem>> -> memref<120x128xf32, #tpu.memory_space<vmem>>
    %dma_wait3A_273 = arith.constant 0 : i32
    %dma_wait3A_274 = tpu.memref_slice %arg6[%arg0, %add3A_245, %dma_wait3A_273] : memref<2x10112x128xf32, #tpu.memory_space<hbm>> -> memref<1x120x128xf32, #tpu.memory_space<hbm>>
    %dma_wait3A_275 = tpu.memref_squeeze %dma_wait3A_274 : memref<1x120x128xf32, #tpu.memory_space<hbm>> -> memref<120x128xf32, #tpu.memory_space<hbm>>
    %dma_wait3A_276 = arith.constant 0 : i32
    %dma_wait3A_277 = tpu.memref_slice %arg6[%arg0, %add3A_245, %dma_wait3A_276] : memref<2x10112x128xf32, #tpu.memory_space<hbm>> -> memref<1x120x128xf32, #tpu.memory_space<hbm>>
    %dma_wait3A_278 = tpu.memref_squeeze %dma_wait3A_277 : memref<1x120x128xf32, #tpu.memory_space<hbm>> -> memref<120x128xf32, #tpu.memory_space<hbm>>
    %dma_wait3A_279 = arith.constant 0 : i32
    %dma_wait3A_280 = arith.constant 0 : i32
    %dma_wait3A_281 = tpu.memref_slice %arg9[%dma_wait3A_279, %dma_wait3A_280] : memref<128x128xf32, #tpu.memory_space<vmem>> -> memref<120x128xf32, #tpu.memory_space<vmem>>
    tpu.wait_dma2 semaphore(%arg12 : memref<!tpu.dma_semaphore, #tpu.memory_space<semaphore_mem>>) src(%dma_wait3A_281 : memref<120x128xf32, #tpu.memory_space<vmem>>) dst(%dma_wait3A_278 : memref<120x128xf32, #tpu.memory_space<hbm>>)
    return
  }
}

#map = affine_map<(d0, d1) -> (0, 0)>
#map1 = affine_map<(d0, d1) -> (0, 0, 0, 0, 0)>
#map2 = affine_map<(d0, d1) -> (0, 0, 0)>
module attributes {stable_mosaic.version = 14 : i64} {
  func.func @agg(%arg0: i32, %arg1: i32, %arg2: memref<10000x128xf32, #tpu.memory_space<hbm>>, %arg3: memref<2x16x10x8x128xi32, #tpu.memory_space<hbm>>, %arg4: memref<2x16x10x8x128xi32, #tpu.memory_space<hbm>>, %arg5: memref<128x128xf32, #tpu.memory_space<hbm>>, %arg6: memref<2x10112x128xf32, #tpu.memory_space<hbm>>, %arg7: memref<8x128xi32, #tpu.memory_space<vmem>>, %arg8: memref<8x128xi32, #tpu.memory_space<vmem>>, %arg9: memref<128x128xf32, #tpu.memory_space<vmem>>, %arg10: memref<128x128xf32, #tpu.memory_space<vmem>>, %arg11: memref<10112x128xf32, #tpu.memory_space<vmem_shared>>, %arg12: memref<!tpu.dma_semaphore, #tpu.memory_space<semaphore_mem>>, %arg13: memref<!tpu.dma_semaphore, #tpu.memory_space<semaphore_mem>>) attributes {dimension_semantics = [#tpu.dimension_semantics<core_parallel>, #tpu.dimension_semantics<subcore_parallel>], iteration_bounds = array<i64: 2, 16>, scalar_prefetch = 0 : i64, scratch_operands = 7 : i64, tpu.core_type = #tpu.core_type<sc_vector_subcore>, window_params = [{transform_indices = #map}, {transform_indices = #map1}, {transform_indices = #map1}, {transform_indices = #map}, {transform_indices = #map2}]} {
    "tpu.region"() ({
      %run_scoped3A = tpu.sem_alloc : memref<!tpu.dma_semaphore, #tpu.memory_space<semaphore_mem>>
      tpu.enqueue_dma source(%arg5 : memref<128x128xf32, #tpu.memory_space<hbm>>) target(%arg9 : memref<128x128xf32, #tpu.memory_space<vmem>>) target_semaphore(%run_scoped3A : memref<!tpu.dma_semaphore, #tpu.memory_space<semaphore_mem>>)
      tpu.wait_dma2 semaphore(%run_scoped3A : memref<!tpu.dma_semaphore, #tpu.memory_space<semaphore_mem>>) src(%arg5 : memref<128x128xf32, #tpu.memory_space<hbm>>) dst(%arg9 : memref<128x128xf32, #tpu.memory_space<vmem>>)
      tpu.yield
    }) : () -> ()
    %mul3A = arith.constant 632 : i32
    %mul3A_0 = arith.muli %arg1, %mul3A : i32
    %add3A = arith.constant 0 : i32
    %add3A_1 = arith.addi %mul3A_0, %add3A : i32
    %dma_start3A = arith.constant 0 : i32
    %dma_start3A_2 = arith.constant 0 : i32
    %dma_start3A_3 = tpu.memref_slice %arg9[%dma_start3A, %dma_start3A_2] : memref<128x128xf32, #tpu.memory_space<vmem>> -> memref<128x128xf32, #tpu.memory_space<vmem>>
    %dma_start3A_4 = arith.constant 0 : i32
    %dma_start3A_5 = tpu.memref_slice %arg11[%add3A_1, %dma_start3A_4] : memref<10112x128xf32, #tpu.memory_space<vmem_shared>> -> memref<128x128xf32, #tpu.memory_space<vmem_shared>>
    %dma_start3A_6 = arith.constant 0 : i32
    %dma_start3A_7 = tpu.memref_slice %arg11[%add3A_1, %dma_start3A_6] : memref<10112x128xf32, #tpu.memory_space<vmem_shared>> -> memref<128x128xf32, #tpu.memory_space<vmem_shared>>
    %dma_start3A_8 = arith.constant 0 : i32
    %dma_start3A_9 = arith.constant 0 : i32
    %dma_start3A_10 = tpu.memref_slice %arg9[%dma_start3A_8, %dma_start3A_9] : memref<128x128xf32, #tpu.memory_space<vmem>> -> memref<128x128xf32, #tpu.memory_space<vmem>>
    tpu.enqueue_dma source(%dma_start3A_10 : memref<128x128xf32, #tpu.memory_space<vmem>>) target(%dma_start3A_7 : memref<128x128xf32, #tpu.memory_space<vmem_shared>>) target_semaphore(%arg12 : memref<!tpu.dma_semaphore, #tpu.memory_space<semaphore_mem>>)
    %mul3A_11 = arith.constant 632 : i32
    %mul3A_12 = arith.muli %arg1, %mul3A_11 : i32
    %add3A_13 = arith.constant 128 : i32
    %add3A_14 = arith.addi %mul3A_12, %add3A_13 : i32
    %dma_start3A_15 = arith.constant 0 : i32
    %dma_start3A_16 = arith.constant 0 : i32
    %dma_start3A_17 = tpu.memref_slice %arg9[%dma_start3A_15, %dma_start3A_16] : memref<128x128xf32, #tpu.memory_space<vmem>> -> memref<128x128xf32, #tpu.memory_space<vmem>>
    %dma_start3A_18 = arith.constant 0 : i32
    %dma_start3A_19 = tpu.memref_slice %arg11[%add3A_14, %dma_start3A_18] : memref<10112x128xf32, #tpu.memory_space<vmem_shared>> -> memref<128x128xf32, #tpu.memory_space<vmem_shared>>
    %dma_start3A_20 = arith.constant 0 : i32
    %dma_start3A_21 = tpu.memref_slice %arg11[%add3A_14, %dma_start3A_20] : memref<10112x128xf32, #tpu.memory_space<vmem_shared>> -> memref<128x128xf32, #tpu.memory_space<vmem_shared>>
    %dma_start3A_22 = arith.constant 0 : i32
    %dma_start3A_23 = arith.constant 0 : i32
    %dma_start3A_24 = tpu.memref_slice %arg9[%dma_start3A_22, %dma_start3A_23] : memref<128x128xf32, #tpu.memory_space<vmem>> -> memref<128x128xf32, #tpu.memory_space<vmem>>
    tpu.enqueue_dma source(%dma_start3A_24 : memref<128x128xf32, #tpu.memory_space<vmem>>) target(%dma_start3A_21 : memref<128x128xf32, #tpu.memory_space<vmem_shared>>) target_semaphore(%arg12 : memref<!tpu.dma_semaphore, #tpu.memory_space<semaphore_mem>>)
    %mul3A_25 = arith.constant 632 : i32
    %mul3A_26 = arith.muli %arg1, %mul3A_25 : i32
    %add3A_27 = arith.constant 256 : i32
    %add3A_28 = arith.addi %mul3A_26, %add3A_27 : i32
    %dma_start3A_29 = arith.constant 0 : i32
    %dma_start3A_30 = arith.constant 0 : i32
    %dma_start3A_31 = tpu.memref_slice %arg9[%dma_start3A_29, %dma_start3A_30] : memref<128x128xf32, #tpu.memory_space<vmem>> -> memref<128x128xf32, #tpu.memory_space<vmem>>
    %dma_start3A_32 = arith.constant 0 : i32
    %dma_start3A_33 = tpu.memref_slice %arg11[%add3A_28, %dma_start3A_32] : memref<10112x128xf32, #tpu.memory_space<vmem_shared>> -> memref<128x128xf32, #tpu.memory_space<vmem_shared>>
    %dma_start3A_34 = arith.constant 0 : i32
    %dma_start3A_35 = tpu.memref_slice %arg11[%add3A_28, %dma_start3A_34] : memref<10112x128xf32, #tpu.memory_space<vmem_shared>> -> memref<128x128xf32, #tpu.memory_space<vmem_shared>>
    %dma_start3A_36 = arith.constant 0 : i32
    %dma_start3A_37 = arith.constant 0 : i32
    %dma_start3A_38 = tpu.memref_slice %arg9[%dma_start3A_36, %dma_start3A_37] : memref<128x128xf32, #tpu.memory_space<vmem>> -> memref<128x128xf32, #tpu.memory_space<vmem>>
    tpu.enqueue_dma source(%dma_start3A_38 : memref<128x128xf32, #tpu.memory_space<vmem>>) target(%dma_start3A_35 : memref<128x128xf32, #tpu.memory_space<vmem_shared>>) target_semaphore(%arg12 : memref<!tpu.dma_semaphore, #tpu.memory_space<semaphore_mem>>)
    %mul3A_39 = arith.constant 632 : i32
    %mul3A_40 = arith.muli %arg1, %mul3A_39 : i32
    %add3A_41 = arith.constant 384 : i32
    %add3A_42 = arith.addi %mul3A_40, %add3A_41 : i32
    %dma_start3A_43 = arith.constant 0 : i32
    %dma_start3A_44 = arith.constant 0 : i32
    %dma_start3A_45 = tpu.memref_slice %arg9[%dma_start3A_43, %dma_start3A_44] : memref<128x128xf32, #tpu.memory_space<vmem>> -> memref<128x128xf32, #tpu.memory_space<vmem>>
    %dma_start3A_46 = arith.constant 0 : i32
    %dma_start3A_47 = tpu.memref_slice %arg11[%add3A_42, %dma_start3A_46] : memref<10112x128xf32, #tpu.memory_space<vmem_shared>> -> memref<128x128xf32, #tpu.memory_space<vmem_shared>>
    %dma_start3A_48 = arith.constant 0 : i32
    %dma_start3A_49 = tpu.memref_slice %arg11[%add3A_42, %dma_start3A_48] : memref<10112x128xf32, #tpu.memory_space<vmem_shared>> -> memref<128x128xf32, #tpu.memory_space<vmem_shared>>
    %dma_start3A_50 = arith.constant 0 : i32
    %dma_start3A_51 = arith.constant 0 : i32
    %dma_start3A_52 = tpu.memref_slice %arg9[%dma_start3A_50, %dma_start3A_51] : memref<128x128xf32, #tpu.memory_space<vmem>> -> memref<128x128xf32, #tpu.memory_space<vmem>>
    tpu.enqueue_dma source(%dma_start3A_52 : memref<128x128xf32, #tpu.memory_space<vmem>>) target(%dma_start3A_49 : memref<128x128xf32, #tpu.memory_space<vmem_shared>>) target_semaphore(%arg12 : memref<!tpu.dma_semaphore, #tpu.memory_space<semaphore_mem>>)
    %mul3A_53 = arith.constant 632 : i32
    %mul3A_54 = arith.muli %arg1, %mul3A_53 : i32
    %add3A_55 = arith.constant 512 : i32
    %add3A_56 = arith.addi %mul3A_54, %add3A_55 : i32
    %dma_start3A_57 = arith.constant 0 : i32
    %dma_start3A_58 = arith.constant 0 : i32
    %dma_start3A_59 = tpu.memref_slice %arg9[%dma_start3A_57, %dma_start3A_58] : memref<128x128xf32, #tpu.memory_space<vmem>> -> memref<120x128xf32, #tpu.memory_space<vmem>>
    %dma_start3A_60 = arith.constant 0 : i32
    %dma_start3A_61 = tpu.memref_slice %arg11[%add3A_56, %dma_start3A_60] : memref<10112x128xf32, #tpu.memory_space<vmem_shared>> -> memref<120x128xf32, #tpu.memory_space<vmem_shared>>
    %dma_start3A_62 = arith.constant 0 : i32
    %dma_start3A_63 = tpu.memref_slice %arg11[%add3A_56, %dma_start3A_62] : memref<10112x128xf32, #tpu.memory_space<vmem_shared>> -> memref<120x128xf32, #tpu.memory_space<vmem_shared>>
    %dma_start3A_64 = arith.constant 0 : i32
    %dma_start3A_65 = arith.constant 0 : i32
    %dma_start3A_66 = tpu.memref_slice %arg9[%dma_start3A_64, %dma_start3A_65] : memref<128x128xf32, #tpu.memory_space<vmem>> -> memref<120x128xf32, #tpu.memory_space<vmem>>
    tpu.enqueue_dma source(%dma_start3A_66 : memref<120x128xf32, #tpu.memory_space<vmem>>) target(%dma_start3A_63 : memref<120x128xf32, #tpu.memory_space<vmem_shared>>) target_semaphore(%arg12 : memref<!tpu.dma_semaphore, #tpu.memory_space<semaphore_mem>>)
    %dma_wait3A = arith.constant 0 : i32
    %dma_wait3A_67 = arith.constant 0 : i32
    %dma_wait3A_68 = tpu.memref_slice %arg9[%dma_wait3A, %dma_wait3A_67] : memref<128x128xf32, #tpu.memory_space<vmem>> -> memref<128x128xf32, #tpu.memory_space<vmem>>
    %dma_wait3A_69 = arith.constant 0 : i32
    %dma_wait3A_70 = tpu.memref_slice %arg11[%add3A_1, %dma_wait3A_69] : memref<10112x128xf32, #tpu.memory_space<vmem_shared>> -> memref<128x128xf32, #tpu.memory_space<vmem_shared>>
    %dma_wait3A_71 = arith.constant 0 : i32
    %dma_wait3A_72 = tpu.memref_slice %arg11[%add3A_1, %dma_wait3A_71] : memref<10112x128xf32, #tpu.memory_space<vmem_shared>> -> memref<128x128xf32, #tpu.memory_space<vmem_shared>>
    %dma_wait3A_73 = arith.constant 0 : i32
    %dma_wait3A_74 = arith.constant 0 : i32
    %dma_wait3A_75 = tpu.memref_slice %arg9[%dma_wait3A_73, %dma_wait3A_74] : memref<128x128xf32, #tpu.memory_space<vmem>> -> memref<128x128xf32, #tpu.memory_space<vmem>>
    tpu.wait_dma2 semaphore(%arg12 : memref<!tpu.dma_semaphore, #tpu.memory_space<semaphore_mem>>) src(%dma_wait3A_75 : memref<128x128xf32, #tpu.memory_space<vmem>>) dst(%dma_wait3A_72 : memref<128x128xf32, #tpu.memory_space<vmem_shared>>)
    %dma_wait3A_76 = arith.constant 0 : i32
    %dma_wait3A_77 = arith.constant 0 : i32
    %dma_wait3A_78 = tpu.memref_slice %arg9[%dma_wait3A_76, %dma_wait3A_77] : memref<128x128xf32, #tpu.memory_space<vmem>> -> memref<128x128xf32, #tpu.memory_space<vmem>>
    %dma_wait3A_79 = arith.constant 0 : i32
    %dma_wait3A_80 = tpu.memref_slice %arg11[%add3A_14, %dma_wait3A_79] : memref<10112x128xf32, #tpu.memory_space<vmem_shared>> -> memref<128x128xf32, #tpu.memory_space<vmem_shared>>
    %dma_wait3A_81 = arith.constant 0 : i32
    %dma_wait3A_82 = tpu.memref_slice %arg11[%add3A_14, %dma_wait3A_81] : memref<10112x128xf32, #tpu.memory_space<vmem_shared>> -> memref<128x128xf32, #tpu.memory_space<vmem_shared>>
    %dma_wait3A_83 = arith.constant 0 : i32
    %dma_wait3A_84 = arith.constant 0 : i32
    %dma_wait3A_85 = tpu.memref_slice %arg9[%dma_wait3A_83, %dma_wait3A_84] : memref<128x128xf32, #tpu.memory_space<vmem>> -> memref<128x128xf32, #tpu.memory_space<vmem>>
    tpu.wait_dma2 semaphore(%arg12 : memref<!tpu.dma_semaphore, #tpu.memory_space<semaphore_mem>>) src(%dma_wait3A_85 : memref<128x128xf32, #tpu.memory_space<vmem>>) dst(%dma_wait3A_82 : memref<128x128xf32, #tpu.memory_space<vmem_shared>>)
    %dma_wait3A_86 = arith.constant 0 : i32
    %dma_wait3A_87 = arith.constant 0 : i32
    %dma_wait3A_88 = tpu.memref_slice %arg9[%dma_wait3A_86, %dma_wait3A_87] : memref<128x128xf32, #tpu.memory_space<vmem>> -> memref<128x128xf32, #tpu.memory_space<vmem>>
    %dma_wait3A_89 = arith.constant 0 : i32
    %dma_wait3A_90 = tpu.memref_slice %arg11[%add3A_28, %dma_wait3A_89] : memref<10112x128xf32, #tpu.memory_space<vmem_shared>> -> memref<128x128xf32, #tpu.memory_space<vmem_shared>>
    %dma_wait3A_91 = arith.constant 0 : i32
    %dma_wait3A_92 = tpu.memref_slice %arg11[%add3A_28, %dma_wait3A_91] : memref<10112x128xf32, #tpu.memory_space<vmem_shared>> -> memref<128x128xf32, #tpu.memory_space<vmem_shared>>
    %dma_wait3A_93 = arith.constant 0 : i32
    %dma_wait3A_94 = arith.constant 0 : i32
    %dma_wait3A_95 = tpu.memref_slice %arg9[%dma_wait3A_93, %dma_wait3A_94] : memref<128x128xf32, #tpu.memory_space<vmem>> -> memref<128x128xf32, #tpu.memory_space<vmem>>
    tpu.wait_dma2 semaphore(%arg12 : memref<!tpu.dma_semaphore, #tpu.memory_space<semaphore_mem>>) src(%dma_wait3A_95 : memref<128x128xf32, #tpu.memory_space<vmem>>) dst(%dma_wait3A_92 : memref<128x128xf32, #tpu.memory_space<vmem_shared>>)
    %dma_wait3A_96 = arith.constant 0 : i32
    %dma_wait3A_97 = arith.constant 0 : i32
    %dma_wait3A_98 = tpu.memref_slice %arg9[%dma_wait3A_96, %dma_wait3A_97] : memref<128x128xf32, #tpu.memory_space<vmem>> -> memref<128x128xf32, #tpu.memory_space<vmem>>
    %dma_wait3A_99 = arith.constant 0 : i32
    %dma_wait3A_100 = tpu.memref_slice %arg11[%add3A_42, %dma_wait3A_99] : memref<10112x128xf32, #tpu.memory_space<vmem_shared>> -> memref<128x128xf32, #tpu.memory_space<vmem_shared>>
    %dma_wait3A_101 = arith.constant 0 : i32
    %dma_wait3A_102 = tpu.memref_slice %arg11[%add3A_42, %dma_wait3A_101] : memref<10112x128xf32, #tpu.memory_space<vmem_shared>> -> memref<128x128xf32, #tpu.memory_space<vmem_shared>>
    %dma_wait3A_103 = arith.constant 0 : i32
    %dma_wait3A_104 = arith.constant 0 : i32
    %dma_wait3A_105 = tpu.memref_slice %arg9[%dma_wait3A_103, %dma_wait3A_104] : memref<128x128xf32, #tpu.memory_space<vmem>> -> memref<128x128xf32, #tpu.memory_space<vmem>>
    tpu.wait_dma2 semaphore(%arg12 : memref<!tpu.dma_semaphore, #tpu.memory_space<semaphore_mem>>) src(%dma_wait3A_105 : memref<128x128xf32, #tpu.memory_space<vmem>>) dst(%dma_wait3A_102 : memref<128x128xf32, #tpu.memory_space<vmem_shared>>)
    %dma_wait3A_106 = arith.constant 0 : i32
    %dma_wait3A_107 = arith.constant 0 : i32
    %dma_wait3A_108 = tpu.memref_slice %arg9[%dma_wait3A_106, %dma_wait3A_107] : memref<128x128xf32, #tpu.memory_space<vmem>> -> memref<120x128xf32, #tpu.memory_space<vmem>>
    %dma_wait3A_109 = arith.constant 0 : i32
    %dma_wait3A_110 = tpu.memref_slice %arg11[%add3A_56, %dma_wait3A_109] : memref<10112x128xf32, #tpu.memory_space<vmem_shared>> -> memref<120x128xf32, #tpu.memory_space<vmem_shared>>
    %dma_wait3A_111 = arith.constant 0 : i32
    %dma_wait3A_112 = tpu.memref_slice %arg11[%add3A_56, %dma_wait3A_111] : memref<10112x128xf32, #tpu.memory_space<vmem_shared>> -> memref<120x128xf32, #tpu.memory_space<vmem_shared>>
    %dma_wait3A_113 = arith.constant 0 : i32
    %dma_wait3A_114 = arith.constant 0 : i32
    %dma_wait3A_115 = tpu.memref_slice %arg9[%dma_wait3A_113, %dma_wait3A_114] : memref<128x128xf32, #tpu.memory_space<vmem>> -> memref<120x128xf32, #tpu.memory_space<vmem>>
    tpu.wait_dma2 semaphore(%arg12 : memref<!tpu.dma_semaphore, #tpu.memory_space<semaphore_mem>>) src(%dma_wait3A_115 : memref<120x128xf32, #tpu.memory_space<vmem>>) dst(%dma_wait3A_112 : memref<120x128xf32, #tpu.memory_space<vmem_shared>>)
    %barrier3A = arith.constant 0 : index
    tpu.barrier barrier_id(%barrier3A)
    %scan3A = arith.constant 0 : i32
    %scan3A_116 = arith.constant 0 : i32
    %scan3A_117 = arith.constant 10 : i32
    %scan3A_118 = arith.addi %scan3A_116, %scan3A_117 : i32
    %scan3A_119 = arith.constant 1 : i32
    scf.for %scan3A_282 = %scan3A_116 to %scan3A_118 step %scan3A_119  : i32 {
      "tpu.region"() ({
        %run_scoped3A_402 = tpu.sem_alloc : memref<!tpu.dma_semaphore, #tpu.memory_space<semaphore_mem>>
        %dma_start3A_403 = arith.constant 0 : i32
        %dma_start3A_404 = arith.constant 0 : i32
        %dma_start3A_405 = tpu.memref_slice %arg3[%arg0, %arg1, %scan3A_282, %dma_start3A_403, %dma_start3A_404] : memref<2x16x10x8x128xi32, #tpu.memory_space<hbm>> -> memref<1x1x1x8x128xi32, #tpu.memory_space<hbm>>
        %dma_start3A_406 = tpu.memref_squeeze %dma_start3A_405 : memref<1x1x1x8x128xi32, #tpu.memory_space<hbm>> -> memref<8x128xi32, #tpu.memory_space<hbm>>
        %dma_start3A_407 = arith.constant 0 : i32
        %dma_start3A_408 = arith.constant 0 : i32
        %dma_start3A_409 = tpu.memref_slice %arg3[%arg0, %arg1, %scan3A_282, %dma_start3A_407, %dma_start3A_408] : memref<2x16x10x8x128xi32, #tpu.memory_space<hbm>> -> memref<1x1x1x8x128xi32, #tpu.memory_space<hbm>>
        %dma_start3A_410 = tpu.memref_squeeze %dma_start3A_409 : memref<1x1x1x8x128xi32, #tpu.memory_space<hbm>> -> memref<8x128xi32, #tpu.memory_space<hbm>>
        tpu.enqueue_dma source(%dma_start3A_410 : memref<8x128xi32, #tpu.memory_space<hbm>>) target(%arg7 : memref<8x128xi32, #tpu.memory_space<vmem>>) target_semaphore(%run_scoped3A_402 : memref<!tpu.dma_semaphore, #tpu.memory_space<semaphore_mem>>)
        %dma_wait3A_411 = arith.constant 0 : i32
        %dma_wait3A_412 = arith.constant 0 : i32
        %dma_wait3A_413 = tpu.memref_slice %arg3[%arg0, %arg1, %scan3A_282, %dma_wait3A_411, %dma_wait3A_412] : memref<2x16x10x8x128xi32, #tpu.memory_space<hbm>> -> memref<1x1x1x8x128xi32, #tpu.memory_space<hbm>>
        %dma_wait3A_414 = tpu.memref_squeeze %dma_wait3A_413 : memref<1x1x1x8x128xi32, #tpu.memory_space<hbm>> -> memref<8x128xi32, #tpu.memory_space<hbm>>
        %dma_wait3A_415 = arith.constant 0 : i32
        %dma_wait3A_416 = arith.constant 0 : i32
        %dma_wait3A_417 = tpu.memref_slice %arg3[%arg0, %arg1, %scan3A_282, %dma_wait3A_415, %dma_wait3A_416] : memref<2x16x10x8x128xi32, #tpu.memory_space<hbm>> -> memref<1x1x1x8x128xi32, #tpu.memory_space<hbm>>
        %dma_wait3A_418 = tpu.memref_squeeze %dma_wait3A_417 : memref<1x1x1x8x128xi32, #tpu.memory_space<hbm>> -> memref<8x128xi32, #tpu.memory_space<hbm>>
        tpu.wait_dma2 semaphore(%run_scoped3A_402 : memref<!tpu.dma_semaphore, #tpu.memory_space<semaphore_mem>>) src(%dma_wait3A_418 : memref<8x128xi32, #tpu.memory_space<hbm>>) dst(%arg7 : memref<8x128xi32, #tpu.memory_space<vmem>>)
        tpu.yield
      }) : () -> ()
      "tpu.region"() ({
        %run_scoped3A_402 = tpu.sem_alloc : memref<!tpu.dma_semaphore, #tpu.memory_space<semaphore_mem>>
        %dma_start3A_403 = arith.constant 0 : i32
        %dma_start3A_404 = arith.constant 0 : i32
        %dma_start3A_405 = tpu.memref_slice %arg4[%arg0, %arg1, %scan3A_282, %dma_start3A_403, %dma_start3A_404] : memref<2x16x10x8x128xi32, #tpu.memory_space<hbm>> -> memref<1x1x1x8x128xi32, #tpu.memory_space<hbm>>
        %dma_start3A_406 = tpu.memref_squeeze %dma_start3A_405 : memref<1x1x1x8x128xi32, #tpu.memory_space<hbm>> -> memref<8x128xi32, #tpu.memory_space<hbm>>
        %dma_start3A_407 = arith.constant 0 : i32
        %dma_start3A_408 = arith.constant 0 : i32
        %dma_start3A_409 = tpu.memref_slice %arg4[%arg0, %arg1, %scan3A_282, %dma_start3A_407, %dma_start3A_408] : memref<2x16x10x8x128xi32, #tpu.memory_space<hbm>> -> memref<1x1x1x8x128xi32, #tpu.memory_space<hbm>>
        %dma_start3A_410 = tpu.memref_squeeze %dma_start3A_409 : memref<1x1x1x8x128xi32, #tpu.memory_space<hbm>> -> memref<8x128xi32, #tpu.memory_space<hbm>>
        tpu.enqueue_dma source(%dma_start3A_410 : memref<8x128xi32, #tpu.memory_space<hbm>>) target(%arg8 : memref<8x128xi32, #tpu.memory_space<vmem>>) target_semaphore(%run_scoped3A_402 : memref<!tpu.dma_semaphore, #tpu.memory_space<semaphore_mem>>)
        %dma_wait3A_411 = arith.constant 0 : i32
        %dma_wait3A_412 = arith.constant 0 : i32
        %dma_wait3A_413 = tpu.memref_slice %arg4[%arg0, %arg1, %scan3A_282, %dma_wait3A_411, %dma_wait3A_412] : memref<2x16x10x8x128xi32, #tpu.memory_space<hbm>> -> memref<1x1x1x8x128xi32, #tpu.memory_space<hbm>>
        %dma_wait3A_414 = tpu.memref_squeeze %dma_wait3A_413 : memref<1x1x1x8x128xi32, #tpu.memory_space<hbm>> -> memref<8x128xi32, #tpu.memory_space<hbm>>
        %dma_wait3A_415 = arith.constant 0 : i32
        %dma_wait3A_416 = arith.constant 0 : i32
        %dma_wait3A_417 = tpu.memref_slice %arg4[%arg0, %arg1, %scan3A_282, %dma_wait3A_415, %dma_wait3A_416] : memref<2x16x10x8x128xi32, #tpu.memory_space<hbm>> -> memref<1x1x1x8x128xi32, #tpu.memory_space<hbm>>
        %dma_wait3A_418 = tpu.memref_squeeze %dma_wait3A_417 : memref<1x1x1x8x128xi32, #tpu.memory_space<hbm>> -> memref<8x128xi32, #tpu.memory_space<hbm>>
        tpu.wait_dma2 semaphore(%run_scoped3A_402 : memref<!tpu.dma_semaphore, #tpu.memory_space<semaphore_mem>>) src(%dma_wait3A_418 : memref<8x128xi32, #tpu.memory_space<hbm>>) dst(%arg8 : memref<8x128xi32, #tpu.memory_space<vmem>>)
        tpu.yield
      }) : () -> ()
      %dma_start3A_283 = arith.constant 0 : i32
      %dma_start3A_284 = arith.constant 0 : i32
      %dma_start3A_285 = tpu.memref_slice %arg7[%dma_start3A_283, %dma_start3A_284] : memref<8x128xi32, #tpu.memory_space<vmem>> -> memref<1x128xi32, #tpu.memory_space<vmem>>
      %dma_start3A_286 = tpu.memref_squeeze %dma_start3A_285 : memref<1x128xi32, #tpu.memory_space<vmem>> -> memref<128xi32, #tpu.memory_space<vmem>>
      %dma_start3A_287 = arith.constant 0 : i32
      %dma_start3A_288 = arith.constant 0 : i32
      %dma_start3A_289 = tpu.memref_slice %arg2[%dma_start3A_287, %dma_start3A_288] : memref<10000x128xf32, #tpu.memory_space<hbm>> -> memref<10000x128xf32, #tpu.memory_space<hbm>>
      tpu.enqueue_indirect_dma source(%dma_start3A_289 : memref<10000x128xf32, #tpu.memory_space<hbm>>) target(%arg9 : memref<128x128xf32, #tpu.memory_space<vmem>>) offsets(%dma_start3A_286 : memref<128xi32, #tpu.memory_space<vmem>>) semaphore(%arg12 : memref<!tpu.dma_semaphore, #tpu.memory_space<semaphore_mem>>)
      %dma_start3A_290 = arith.constant 1 : i32
      %dma_start3A_291 = arith.constant 0 : i32
      %dma_start3A_292 = tpu.memref_slice %arg7[%dma_start3A_290, %dma_start3A_291] : memref<8x128xi32, #tpu.memory_space<vmem>> -> memref<1x128xi32, #tpu.memory_space<vmem>>
      %dma_start3A_293 = tpu.memref_squeeze %dma_start3A_292 : memref<1x128xi32, #tpu.memory_space<vmem>> -> memref<128xi32, #tpu.memory_space<vmem>>
      %dma_start3A_294 = arith.constant 0 : i32
      %dma_start3A_295 = arith.constant 0 : i32
      %dma_start3A_296 = tpu.memref_slice %arg2[%dma_start3A_294, %dma_start3A_295] : memref<10000x128xf32, #tpu.memory_space<hbm>> -> memref<10000x128xf32, #tpu.memory_space<hbm>>
      tpu.enqueue_indirect_dma source(%dma_start3A_296 : memref<10000x128xf32, #tpu.memory_space<hbm>>) target(%arg10 : memref<128x128xf32, #tpu.memory_space<vmem>>) offsets(%dma_start3A_293 : memref<128xi32, #tpu.memory_space<vmem>>) semaphore(%arg13 : memref<!tpu.dma_semaphore, #tpu.memory_space<semaphore_mem>>)
      %dma_wait3A_297 = arith.constant 0 : i32
      %dma_wait3A_298 = arith.constant 0 : i32
      %dma_wait3A_299 = tpu.memref_slice %arg7[%dma_wait3A_297, %dma_wait3A_298] : memref<8x128xi32, #tpu.memory_space<vmem>> -> memref<1x128xi32, #tpu.memory_space<vmem>>
      %dma_wait3A_300 = tpu.memref_squeeze %dma_wait3A_299 : memref<1x128xi32, #tpu.memory_space<vmem>> -> memref<128xi32, #tpu.memory_space<vmem>>
      %dma_wait3A_301 = arith.constant 0 : i32
      %dma_wait3A_302 = arith.constant 0 : i32
      %dma_wait3A_303 = tpu.memref_slice %arg2[%dma_wait3A_301, %dma_wait3A_302] : memref<10000x128xf32, #tpu.memory_space<hbm>> -> memref<10000x128xf32, #tpu.memory_space<hbm>>
      tpu.wait_indirect_dma semaphore(%arg12 : memref<!tpu.dma_semaphore, #tpu.memory_space<semaphore_mem>>) src(%dma_wait3A_303 : memref<10000x128xf32, #tpu.memory_space<hbm>>) dst(%arg9 : memref<128x128xf32, #tpu.memory_space<vmem>>)
      %run_scoped3A = arith.constant 0 : i32
      "tpu.region"() ({
        %run_scoped3A_402 = tpu.sem_alloc : memref<!tpu.dma_semaphore, #tpu.memory_space<semaphore_mem>>
        %dma_start3A_403 = arith.constant 0 : i32
        %dma_start3A_404 = tpu.memref_slice %arg8[%run_scoped3A, %dma_start3A_403] : memref<8x128xi32, #tpu.memory_space<vmem>> -> memref<1x128xi32, #tpu.memory_space<vmem>>
        %dma_start3A_405 = tpu.memref_squeeze %dma_start3A_404 : memref<1x128xi32, #tpu.memory_space<vmem>> -> memref<128xi32, #tpu.memory_space<vmem>>
        %dma_start3A_406 = arith.constant 0 : i32
        %dma_start3A_407 = arith.constant 0 : i32
        %dma_start3A_408 = tpu.memref_slice %arg11[%dma_start3A_406, %dma_start3A_407] : memref<10112x128xf32, #tpu.memory_space<vmem_shared>> -> memref<10112x128xf32, #tpu.memory_space<vmem_shared>>
        tpu.enqueue_indirect_dma source(%arg9 : memref<128x128xf32, #tpu.memory_space<vmem>>) target(%dma_start3A_408 : memref<10112x128xf32, #tpu.memory_space<vmem_shared>>) offsets(%dma_start3A_405 : memref<128xi32, #tpu.memory_space<vmem>>) semaphore(%run_scoped3A_402 : memref<!tpu.dma_semaphore, #tpu.memory_space<semaphore_mem>>) {add = true}
        %dma_wait3A_409 = arith.constant 0 : i32
        %dma_wait3A_410 = tpu.memref_slice %arg8[%run_scoped3A, %dma_wait3A_409] : memref<8x128xi32, #tpu.memory_space<vmem>> -> memref<1x128xi32, #tpu.memory_space<vmem>>
        %dma_wait3A_411 = tpu.memref_squeeze %dma_wait3A_410 : memref<1x128xi32, #tpu.memory_space<vmem>> -> memref<128xi32, #tpu.memory_space<vmem>>
        %dma_wait3A_412 = arith.constant 0 : i32
        %dma_wait3A_413 = arith.constant 0 : i32
        %dma_wait3A_414 = tpu.memref_slice %arg11[%dma_wait3A_412, %dma_wait3A_413] : memref<10112x128xf32, #tpu.memory_space<vmem_shared>> -> memref<10112x128xf32, #tpu.memory_space<vmem_shared>>
        tpu.wait_indirect_dma semaphore(%run_scoped3A_402 : memref<!tpu.dma_semaphore, #tpu.memory_space<semaphore_mem>>) src(%arg9 : memref<128x128xf32, #tpu.memory_space<vmem>>) dst(%dma_wait3A_414 : memref<10112x128xf32, #tpu.memory_space<vmem_shared>>)
        tpu.yield
      }) : () -> ()
      %dma_start3A_304 = arith.constant 2 : i32
      %dma_start3A_305 = arith.constant 0 : i32
      %dma_start3A_306 = tpu.memref_slice %arg7[%dma_start3A_304, %dma_start3A_305] : memref<8x128xi32, #tpu.memory_space<vmem>> -> memref<1x128xi32, #tpu.memory_space<vmem>>
      %dma_start3A_307 = tpu.memref_squeeze %dma_start3A_306 : memref<1x128xi32, #tpu.memory_space<vmem>> -> memref<128xi32, #tpu.memory_space<vmem>>
      %dma_start3A_308 = arith.constant 0 : i32
      %dma_start3A_309 = arith.constant 0 : i32
      %dma_start3A_310 = tpu.memref_slice %arg2[%dma_start3A_308, %dma_start3A_309] : memref<10000x128xf32, #tpu.memory_space<hbm>> -> memref<10000x128xf32, #tpu.memory_space<hbm>>
      tpu.enqueue_indirect_dma source(%dma_start3A_310 : memref<10000x128xf32, #tpu.memory_space<hbm>>) target(%arg9 : memref<128x128xf32, #tpu.memory_space<vmem>>) offsets(%dma_start3A_307 : memref<128xi32, #tpu.memory_space<vmem>>) semaphore(%arg12 : memref<!tpu.dma_semaphore, #tpu.memory_space<semaphore_mem>>)
      %dma_wait3A_311 = arith.constant 1 : i32
      %dma_wait3A_312 = arith.constant 0 : i32
      %dma_wait3A_313 = tpu.memref_slice %arg7[%dma_wait3A_311, %dma_wait3A_312] : memref<8x128xi32, #tpu.memory_space<vmem>> -> memref<1x128xi32, #tpu.memory_space<vmem>>
      %dma_wait3A_314 = tpu.memref_squeeze %dma_wait3A_313 : memref<1x128xi32, #tpu.memory_space<vmem>> -> memref<128xi32, #tpu.memory_space<vmem>>
      %dma_wait3A_315 = arith.constant 0 : i32
      %dma_wait3A_316 = arith.constant 0 : i32
      %dma_wait3A_317 = tpu.memref_slice %arg2[%dma_wait3A_315, %dma_wait3A_316] : memref<10000x128xf32, #tpu.memory_space<hbm>> -> memref<10000x128xf32, #tpu.memory_space<hbm>>
      tpu.wait_indirect_dma semaphore(%arg13 : memref<!tpu.dma_semaphore, #tpu.memory_space<semaphore_mem>>) src(%dma_wait3A_317 : memref<10000x128xf32, #tpu.memory_space<hbm>>) dst(%arg10 : memref<128x128xf32, #tpu.memory_space<vmem>>)
      %run_scoped3A_318 = arith.constant 1 : i32
      "tpu.region"() ({
        %run_scoped3A_402 = tpu.sem_alloc : memref<!tpu.dma_semaphore, #tpu.memory_space<semaphore_mem>>
        %dma_start3A_403 = arith.constant 0 : i32
        %dma_start3A_404 = tpu.memref_slice %arg8[%run_scoped3A_318, %dma_start3A_403] : memref<8x128xi32, #tpu.memory_space<vmem>> -> memref<1x128xi32, #tpu.memory_space<vmem>>
        %dma_start3A_405 = tpu.memref_squeeze %dma_start3A_404 : memref<1x128xi32, #tpu.memory_space<vmem>> -> memref<128xi32, #tpu.memory_space<vmem>>
        %dma_start3A_406 = arith.constant 0 : i32
        %dma_start3A_407 = arith.constant 0 : i32
        %dma_start3A_408 = tpu.memref_slice %arg11[%dma_start3A_406, %dma_start3A_407] : memref<10112x128xf32, #tpu.memory_space<vmem_shared>> -> memref<10112x128xf32, #tpu.memory_space<vmem_shared>>
        tpu.enqueue_indirect_dma source(%arg10 : memref<128x128xf32, #tpu.memory_space<vmem>>) target(%dma_start3A_408 : memref<10112x128xf32, #tpu.memory_space<vmem_shared>>) offsets(%dma_start3A_405 : memref<128xi32, #tpu.memory_space<vmem>>) semaphore(%run_scoped3A_402 : memref<!tpu.dma_semaphore, #tpu.memory_space<semaphore_mem>>) {add = true}
        %dma_wait3A_409 = arith.constant 0 : i32
        %dma_wait3A_410 = tpu.memref_slice %arg8[%run_scoped3A_318, %dma_wait3A_409] : memref<8x128xi32, #tpu.memory_space<vmem>> -> memref<1x128xi32, #tpu.memory_space<vmem>>
        %dma_wait3A_411 = tpu.memref_squeeze %dma_wait3A_410 : memref<1x128xi32, #tpu.memory_space<vmem>> -> memref<128xi32, #tpu.memory_space<vmem>>
        %dma_wait3A_412 = arith.constant 0 : i32
        %dma_wait3A_413 = arith.constant 0 : i32
        %dma_wait3A_414 = tpu.memref_slice %arg11[%dma_wait3A_412, %dma_wait3A_413] : memref<10112x128xf32, #tpu.memory_space<vmem_shared>> -> memref<10112x128xf32, #tpu.memory_space<vmem_shared>>
        tpu.wait_indirect_dma semaphore(%run_scoped3A_402 : memref<!tpu.dma_semaphore, #tpu.memory_space<semaphore_mem>>) src(%arg10 : memref<128x128xf32, #tpu.memory_space<vmem>>) dst(%dma_wait3A_414 : memref<10112x128xf32, #tpu.memory_space<vmem_shared>>)
        tpu.yield
      }) : () -> ()
      %dma_start3A_319 = arith.constant 3 : i32
      %dma_start3A_320 = arith.constant 0 : i32
      %dma_start3A_321 = tpu.memref_slice %arg7[%dma_start3A_319, %dma_start3A_320] : memref<8x128xi32, #tpu.memory_space<vmem>> -> memref<1x128xi32, #tpu.memory_space<vmem>>
      %dma_start3A_322 = tpu.memref_squeeze %dma_start3A_321 : memref<1x128xi32, #tpu.memory_space<vmem>> -> memref<128xi32, #tpu.memory_space<vmem>>
      %dma_start3A_323 = arith.constant 0 : i32
      %dma_start3A_324 = arith.constant 0 : i32
      %dma_start3A_325 = tpu.memref_slice %arg2[%dma_start3A_323, %dma_start3A_324] : memref<10000x128xf32, #tpu.memory_space<hbm>> -> memref<10000x128xf32, #tpu.memory_space<hbm>>
      tpu.enqueue_indirect_dma source(%dma_start3A_325 : memref<10000x128xf32, #tpu.memory_space<hbm>>) target(%arg10 : memref<128x128xf32, #tpu.memory_space<vmem>>) offsets(%dma_start3A_322 : memref<128xi32, #tpu.memory_space<vmem>>) semaphore(%arg13 : memref<!tpu.dma_semaphore, #tpu.memory_space<semaphore_mem>>)
      %dma_wait3A_326 = arith.constant 2 : i32
      %dma_wait3A_327 = arith.constant 0 : i32
      %dma_wait3A_328 = tpu.memref_slice %arg7[%dma_wait3A_326, %dma_wait3A_327] : memref<8x128xi32, #tpu.memory_space<vmem>> -> memref<1x128xi32, #tpu.memory_space<vmem>>
      %dma_wait3A_329 = tpu.memref_squeeze %dma_wait3A_328 : memref<1x128xi32, #tpu.memory_space<vmem>> -> memref<128xi32, #tpu.memory_space<vmem>>
      %dma_wait3A_330 = arith.constant 0 : i32
      %dma_wait3A_331 = arith.constant 0 : i32
      %dma_wait3A_332 = tpu.memref_slice %arg2[%dma_wait3A_330, %dma_wait3A_331] : memref<10000x128xf32, #tpu.memory_space<hbm>> -> memref<10000x128xf32, #tpu.memory_space<hbm>>
      tpu.wait_indirect_dma semaphore(%arg12 : memref<!tpu.dma_semaphore, #tpu.memory_space<semaphore_mem>>) src(%dma_wait3A_332 : memref<10000x128xf32, #tpu.memory_space<hbm>>) dst(%arg9 : memref<128x128xf32, #tpu.memory_space<vmem>>)
      %run_scoped3A_333 = arith.constant 2 : i32
      "tpu.region"() ({
        %run_scoped3A_402 = tpu.sem_alloc : memref<!tpu.dma_semaphore, #tpu.memory_space<semaphore_mem>>
        %dma_start3A_403 = arith.constant 0 : i32
        %dma_start3A_404 = tpu.memref_slice %arg8[%run_scoped3A_333, %dma_start3A_403] : memref<8x128xi32, #tpu.memory_space<vmem>> -> memref<1x128xi32, #tpu.memory_space<vmem>>
        %dma_start3A_405 = tpu.memref_squeeze %dma_start3A_404 : memref<1x128xi32, #tpu.memory_space<vmem>> -> memref<128xi32, #tpu.memory_space<vmem>>
        %dma_start3A_406 = arith.constant 0 : i32
        %dma_start3A_407 = arith.constant 0 : i32
        %dma_start3A_408 = tpu.memref_slice %arg11[%dma_start3A_406, %dma_start3A_407] : memref<10112x128xf32, #tpu.memory_space<vmem_shared>> -> memref<10112x128xf32, #tpu.memory_space<vmem_shared>>
        tpu.enqueue_indirect_dma source(%arg9 : memref<128x128xf32, #tpu.memory_space<vmem>>) target(%dma_start3A_408 : memref<10112x128xf32, #tpu.memory_space<vmem_shared>>) offsets(%dma_start3A_405 : memref<128xi32, #tpu.memory_space<vmem>>) semaphore(%run_scoped3A_402 : memref<!tpu.dma_semaphore, #tpu.memory_space<semaphore_mem>>) {add = true}
        %dma_wait3A_409 = arith.constant 0 : i32
        %dma_wait3A_410 = tpu.memref_slice %arg8[%run_scoped3A_333, %dma_wait3A_409] : memref<8x128xi32, #tpu.memory_space<vmem>> -> memref<1x128xi32, #tpu.memory_space<vmem>>
        %dma_wait3A_411 = tpu.memref_squeeze %dma_wait3A_410 : memref<1x128xi32, #tpu.memory_space<vmem>> -> memref<128xi32, #tpu.memory_space<vmem>>
        %dma_wait3A_412 = arith.constant 0 : i32
        %dma_wait3A_413 = arith.constant 0 : i32
        %dma_wait3A_414 = tpu.memref_slice %arg11[%dma_wait3A_412, %dma_wait3A_413] : memref<10112x128xf32, #tpu.memory_space<vmem_shared>> -> memref<10112x128xf32, #tpu.memory_space<vmem_shared>>
        tpu.wait_indirect_dma semaphore(%run_scoped3A_402 : memref<!tpu.dma_semaphore, #tpu.memory_space<semaphore_mem>>) src(%arg9 : memref<128x128xf32, #tpu.memory_space<vmem>>) dst(%dma_wait3A_414 : memref<10112x128xf32, #tpu.memory_space<vmem_shared>>)
        tpu.yield
      }) : () -> ()
      %dma_start3A_334 = arith.constant 4 : i32
      %dma_start3A_335 = arith.constant 0 : i32
      %dma_start3A_336 = tpu.memref_slice %arg7[%dma_start3A_334, %dma_start3A_335] : memref<8x128xi32, #tpu.memory_space<vmem>> -> memref<1x128xi32, #tpu.memory_space<vmem>>
      %dma_start3A_337 = tpu.memref_squeeze %dma_start3A_336 : memref<1x128xi32, #tpu.memory_space<vmem>> -> memref<128xi32, #tpu.memory_space<vmem>>
      %dma_start3A_338 = arith.constant 0 : i32
      %dma_start3A_339 = arith.constant 0 : i32
      %dma_start3A_340 = tpu.memref_slice %arg2[%dma_start3A_338, %dma_start3A_339] : memref<10000x128xf32, #tpu.memory_space<hbm>> -> memref<10000x128xf32, #tpu.memory_space<hbm>>
      tpu.enqueue_indirect_dma source(%dma_start3A_340 : memref<10000x128xf32, #tpu.memory_space<hbm>>) target(%arg9 : memref<128x128xf32, #tpu.memory_space<vmem>>) offsets(%dma_start3A_337 : memref<128xi32, #tpu.memory_space<vmem>>) semaphore(%arg12 : memref<!tpu.dma_semaphore, #tpu.memory_space<semaphore_mem>>)
      %dma_wait3A_341 = arith.constant 3 : i32
      %dma_wait3A_342 = arith.constant 0 : i32
      %dma_wait3A_343 = tpu.memref_slice %arg7[%dma_wait3A_341, %dma_wait3A_342] : memref<8x128xi32, #tpu.memory_space<vmem>> -> memref<1x128xi32, #tpu.memory_space<vmem>>
      %dma_wait3A_344 = tpu.memref_squeeze %dma_wait3A_343 : memref<1x128xi32, #tpu.memory_space<vmem>> -> memref<128xi32, #tpu.memory_space<vmem>>
      %dma_wait3A_345 = arith.constant 0 : i32
      %dma_wait3A_346 = arith.constant 0 : i32
      %dma_wait3A_347 = tpu.memref_slice %arg2[%dma_wait3A_345, %dma_wait3A_346] : memref<10000x128xf32, #tpu.memory_space<hbm>> -> memref<10000x128xf32, #tpu.memory_space<hbm>>
      tpu.wait_indirect_dma semaphore(%arg13 : memref<!tpu.dma_semaphore, #tpu.memory_space<semaphore_mem>>) src(%dma_wait3A_347 : memref<10000x128xf32, #tpu.memory_space<hbm>>) dst(%arg10 : memref<128x128xf32, #tpu.memory_space<vmem>>)
      %run_scoped3A_348 = arith.constant 3 : i32
      "tpu.region"() ({
        %run_scoped3A_402 = tpu.sem_alloc : memref<!tpu.dma_semaphore, #tpu.memory_space<semaphore_mem>>
        %dma_start3A_403 = arith.constant 0 : i32
        %dma_start3A_404 = tpu.memref_slice %arg8[%run_scoped3A_348, %dma_start3A_403] : memref<8x128xi32, #tpu.memory_space<vmem>> -> memref<1x128xi32, #tpu.memory_space<vmem>>
        %dma_start3A_405 = tpu.memref_squeeze %dma_start3A_404 : memref<1x128xi32, #tpu.memory_space<vmem>> -> memref<128xi32, #tpu.memory_space<vmem>>
        %dma_start3A_406 = arith.constant 0 : i32
        %dma_start3A_407 = arith.constant 0 : i32
        %dma_start3A_408 = tpu.memref_slice %arg11[%dma_start3A_406, %dma_start3A_407] : memref<10112x128xf32, #tpu.memory_space<vmem_shared>> -> memref<10112x128xf32, #tpu.memory_space<vmem_shared>>
        tpu.enqueue_indirect_dma source(%arg10 : memref<128x128xf32, #tpu.memory_space<vmem>>) target(%dma_start3A_408 : memref<10112x128xf32, #tpu.memory_space<vmem_shared>>) offsets(%dma_start3A_405 : memref<128xi32, #tpu.memory_space<vmem>>) semaphore(%run_scoped3A_402 : memref<!tpu.dma_semaphore, #tpu.memory_space<semaphore_mem>>) {add = true}
        %dma_wait3A_409 = arith.constant 0 : i32
        %dma_wait3A_410 = tpu.memref_slice %arg8[%run_scoped3A_348, %dma_wait3A_409] : memref<8x128xi32, #tpu.memory_space<vmem>> -> memref<1x128xi32, #tpu.memory_space<vmem>>
        %dma_wait3A_411 = tpu.memref_squeeze %dma_wait3A_410 : memref<1x128xi32, #tpu.memory_space<vmem>> -> memref<128xi32, #tpu.memory_space<vmem>>
        %dma_wait3A_412 = arith.constant 0 : i32
        %dma_wait3A_413 = arith.constant 0 : i32
        %dma_wait3A_414 = tpu.memref_slice %arg11[%dma_wait3A_412, %dma_wait3A_413] : memref<10112x128xf32, #tpu.memory_space<vmem_shared>> -> memref<10112x128xf32, #tpu.memory_space<vmem_shared>>
        tpu.wait_indirect_dma semaphore(%run_scoped3A_402 : memref<!tpu.dma_semaphore, #tpu.memory_space<semaphore_mem>>) src(%arg10 : memref<128x128xf32, #tpu.memory_space<vmem>>) dst(%dma_wait3A_414 : memref<10112x128xf32, #tpu.memory_space<vmem_shared>>)
        tpu.yield
      }) : () -> ()
      %dma_start3A_349 = arith.constant 5 : i32
      %dma_start3A_350 = arith.constant 0 : i32
      %dma_start3A_351 = tpu.memref_slice %arg7[%dma_start3A_349, %dma_start3A_350] : memref<8x128xi32, #tpu.memory_space<vmem>> -> memref<1x128xi32, #tpu.memory_space<vmem>>
      %dma_start3A_352 = tpu.memref_squeeze %dma_start3A_351 : memref<1x128xi32, #tpu.memory_space<vmem>> -> memref<128xi32, #tpu.memory_space<vmem>>
      %dma_start3A_353 = arith.constant 0 : i32
      %dma_start3A_354 = arith.constant 0 : i32
      %dma_start3A_355 = tpu.memref_slice %arg2[%dma_start3A_353, %dma_start3A_354] : memref<10000x128xf32, #tpu.memory_space<hbm>> -> memref<10000x128xf32, #tpu.memory_space<hbm>>
      tpu.enqueue_indirect_dma source(%dma_start3A_355 : memref<10000x128xf32, #tpu.memory_space<hbm>>) target(%arg10 : memref<128x128xf32, #tpu.memory_space<vmem>>) offsets(%dma_start3A_352 : memref<128xi32, #tpu.memory_space<vmem>>) semaphore(%arg13 : memref<!tpu.dma_semaphore, #tpu.memory_space<semaphore_mem>>)
      %dma_wait3A_356 = arith.constant 4 : i32
      %dma_wait3A_357 = arith.constant 0 : i32
      %dma_wait3A_358 = tpu.memref_slice %arg7[%dma_wait3A_356, %dma_wait3A_357] : memref<8x128xi32, #tpu.memory_space<vmem>> -> memref<1x128xi32, #tpu.memory_space<vmem>>
      %dma_wait3A_359 = tpu.memref_squeeze %dma_wait3A_358 : memref<1x128xi32, #tpu.memory_space<vmem>> -> memref<128xi32, #tpu.memory_space<vmem>>
      %dma_wait3A_360 = arith.constant 0 : i32
      %dma_wait3A_361 = arith.constant 0 : i32
      %dma_wait3A_362 = tpu.memref_slice %arg2[%dma_wait3A_360, %dma_wait3A_361] : memref<10000x128xf32, #tpu.memory_space<hbm>> -> memref<10000x128xf32, #tpu.memory_space<hbm>>
      tpu.wait_indirect_dma semaphore(%arg12 : memref<!tpu.dma_semaphore, #tpu.memory_space<semaphore_mem>>) src(%dma_wait3A_362 : memref<10000x128xf32, #tpu.memory_space<hbm>>) dst(%arg9 : memref<128x128xf32, #tpu.memory_space<vmem>>)
      %run_scoped3A_363 = arith.constant 4 : i32
      "tpu.region"() ({
        %run_scoped3A_402 = tpu.sem_alloc : memref<!tpu.dma_semaphore, #tpu.memory_space<semaphore_mem>>
        %dma_start3A_403 = arith.constant 0 : i32
        %dma_start3A_404 = tpu.memref_slice %arg8[%run_scoped3A_363, %dma_start3A_403] : memref<8x128xi32, #tpu.memory_space<vmem>> -> memref<1x128xi32, #tpu.memory_space<vmem>>
        %dma_start3A_405 = tpu.memref_squeeze %dma_start3A_404 : memref<1x128xi32, #tpu.memory_space<vmem>> -> memref<128xi32, #tpu.memory_space<vmem>>
        %dma_start3A_406 = arith.constant 0 : i32
        %dma_start3A_407 = arith.constant 0 : i32
        %dma_start3A_408 = tpu.memref_slice %arg11[%dma_start3A_406, %dma_start3A_407] : memref<10112x128xf32, #tpu.memory_space<vmem_shared>> -> memref<10112x128xf32, #tpu.memory_space<vmem_shared>>
        tpu.enqueue_indirect_dma source(%arg9 : memref<128x128xf32, #tpu.memory_space<vmem>>) target(%dma_start3A_408 : memref<10112x128xf32, #tpu.memory_space<vmem_shared>>) offsets(%dma_start3A_405 : memref<128xi32, #tpu.memory_space<vmem>>) semaphore(%run_scoped3A_402 : memref<!tpu.dma_semaphore, #tpu.memory_space<semaphore_mem>>) {add = true}
        %dma_wait3A_409 = arith.constant 0 : i32
        %dma_wait3A_410 = tpu.memref_slice %arg8[%run_scoped3A_363, %dma_wait3A_409] : memref<8x128xi32, #tpu.memory_space<vmem>> -> memref<1x128xi32, #tpu.memory_space<vmem>>
        %dma_wait3A_411 = tpu.memref_squeeze %dma_wait3A_410 : memref<1x128xi32, #tpu.memory_space<vmem>> -> memref<128xi32, #tpu.memory_space<vmem>>
        %dma_wait3A_412 = arith.constant 0 : i32
        %dma_wait3A_413 = arith.constant 0 : i32
        %dma_wait3A_414 = tpu.memref_slice %arg11[%dma_wait3A_412, %dma_wait3A_413] : memref<10112x128xf32, #tpu.memory_space<vmem_shared>> -> memref<10112x128xf32, #tpu.memory_space<vmem_shared>>
        tpu.wait_indirect_dma semaphore(%run_scoped3A_402 : memref<!tpu.dma_semaphore, #tpu.memory_space<semaphore_mem>>) src(%arg9 : memref<128x128xf32, #tpu.memory_space<vmem>>) dst(%dma_wait3A_414 : memref<10112x128xf32, #tpu.memory_space<vmem_shared>>)
        tpu.yield
      }) : () -> ()
      %dma_start3A_364 = arith.constant 6 : i32
      %dma_start3A_365 = arith.constant 0 : i32
      %dma_start3A_366 = tpu.memref_slice %arg7[%dma_start3A_364, %dma_start3A_365] : memref<8x128xi32, #tpu.memory_space<vmem>> -> memref<1x128xi32, #tpu.memory_space<vmem>>
      %dma_start3A_367 = tpu.memref_squeeze %dma_start3A_366 : memref<1x128xi32, #tpu.memory_space<vmem>> -> memref<128xi32, #tpu.memory_space<vmem>>
      %dma_start3A_368 = arith.constant 0 : i32
      %dma_start3A_369 = arith.constant 0 : i32
      %dma_start3A_370 = tpu.memref_slice %arg2[%dma_start3A_368, %dma_start3A_369] : memref<10000x128xf32, #tpu.memory_space<hbm>> -> memref<10000x128xf32, #tpu.memory_space<hbm>>
      tpu.enqueue_indirect_dma source(%dma_start3A_370 : memref<10000x128xf32, #tpu.memory_space<hbm>>) target(%arg9 : memref<128x128xf32, #tpu.memory_space<vmem>>) offsets(%dma_start3A_367 : memref<128xi32, #tpu.memory_space<vmem>>) semaphore(%arg12 : memref<!tpu.dma_semaphore, #tpu.memory_space<semaphore_mem>>)
      %dma_wait3A_371 = arith.constant 5 : i32
      %dma_wait3A_372 = arith.constant 0 : i32
      %dma_wait3A_373 = tpu.memref_slice %arg7[%dma_wait3A_371, %dma_wait3A_372] : memref<8x128xi32, #tpu.memory_space<vmem>> -> memref<1x128xi32, #tpu.memory_space<vmem>>
      %dma_wait3A_374 = tpu.memref_squeeze %dma_wait3A_373 : memref<1x128xi32, #tpu.memory_space<vmem>> -> memref<128xi32, #tpu.memory_space<vmem>>
      %dma_wait3A_375 = arith.constant 0 : i32
      %dma_wait3A_376 = arith.constant 0 : i32
      %dma_wait3A_377 = tpu.memref_slice %arg2[%dma_wait3A_375, %dma_wait3A_376] : memref<10000x128xf32, #tpu.memory_space<hbm>> -> memref<10000x128xf32, #tpu.memory_space<hbm>>
      tpu.wait_indirect_dma semaphore(%arg13 : memref<!tpu.dma_semaphore, #tpu.memory_space<semaphore_mem>>) src(%dma_wait3A_377 : memref<10000x128xf32, #tpu.memory_space<hbm>>) dst(%arg10 : memref<128x128xf32, #tpu.memory_space<vmem>>)
      %run_scoped3A_378 = arith.constant 5 : i32
      "tpu.region"() ({
        %run_scoped3A_402 = tpu.sem_alloc : memref<!tpu.dma_semaphore, #tpu.memory_space<semaphore_mem>>
        %dma_start3A_403 = arith.constant 0 : i32
        %dma_start3A_404 = tpu.memref_slice %arg8[%run_scoped3A_378, %dma_start3A_403] : memref<8x128xi32, #tpu.memory_space<vmem>> -> memref<1x128xi32, #tpu.memory_space<vmem>>
        %dma_start3A_405 = tpu.memref_squeeze %dma_start3A_404 : memref<1x128xi32, #tpu.memory_space<vmem>> -> memref<128xi32, #tpu.memory_space<vmem>>
        %dma_start3A_406 = arith.constant 0 : i32
        %dma_start3A_407 = arith.constant 0 : i32
        %dma_start3A_408 = tpu.memref_slice %arg11[%dma_start3A_406, %dma_start3A_407] : memref<10112x128xf32, #tpu.memory_space<vmem_shared>> -> memref<10112x128xf32, #tpu.memory_space<vmem_shared>>
        tpu.enqueue_indirect_dma source(%arg10 : memref<128x128xf32, #tpu.memory_space<vmem>>) target(%dma_start3A_408 : memref<10112x128xf32, #tpu.memory_space<vmem_shared>>) offsets(%dma_start3A_405 : memref<128xi32, #tpu.memory_space<vmem>>) semaphore(%run_scoped3A_402 : memref<!tpu.dma_semaphore, #tpu.memory_space<semaphore_mem>>) {add = true}
        %dma_wait3A_409 = arith.constant 0 : i32
        %dma_wait3A_410 = tpu.memref_slice %arg8[%run_scoped3A_378, %dma_wait3A_409] : memref<8x128xi32, #tpu.memory_space<vmem>> -> memref<1x128xi32, #tpu.memory_space<vmem>>
        %dma_wait3A_411 = tpu.memref_squeeze %dma_wait3A_410 : memref<1x128xi32, #tpu.memory_space<vmem>> -> memref<128xi32, #tpu.memory_space<vmem>>
        %dma_wait3A_412 = arith.constant 0 : i32
        %dma_wait3A_413 = arith.constant 0 : i32
        %dma_wait3A_414 = tpu.memref_slice %arg11[%dma_wait3A_412, %dma_wait3A_413] : memref<10112x128xf32, #tpu.memory_space<vmem_shared>> -> memref<10112x128xf32, #tpu.memory_space<vmem_shared>>
        tpu.wait_indirect_dma semaphore(%run_scoped3A_402 : memref<!tpu.dma_semaphore, #tpu.memory_space<semaphore_mem>>) src(%arg10 : memref<128x128xf32, #tpu.memory_space<vmem>>) dst(%dma_wait3A_414 : memref<10112x128xf32, #tpu.memory_space<vmem_shared>>)
        tpu.yield
      }) : () -> ()
      %dma_start3A_379 = arith.constant 7 : i32
      %dma_start3A_380 = arith.constant 0 : i32
      %dma_start3A_381 = tpu.memref_slice %arg7[%dma_start3A_379, %dma_start3A_380] : memref<8x128xi32, #tpu.memory_space<vmem>> -> memref<1x128xi32, #tpu.memory_space<vmem>>
      %dma_start3A_382 = tpu.memref_squeeze %dma_start3A_381 : memref<1x128xi32, #tpu.memory_space<vmem>> -> memref<128xi32, #tpu.memory_space<vmem>>
      %dma_start3A_383 = arith.constant 0 : i32
      %dma_start3A_384 = arith.constant 0 : i32
      %dma_start3A_385 = tpu.memref_slice %arg2[%dma_start3A_383, %dma_start3A_384] : memref<10000x128xf32, #tpu.memory_space<hbm>> -> memref<10000x128xf32, #tpu.memory_space<hbm>>
      tpu.enqueue_indirect_dma source(%dma_start3A_385 : memref<10000x128xf32, #tpu.memory_space<hbm>>) target(%arg10 : memref<128x128xf32, #tpu.memory_space<vmem>>) offsets(%dma_start3A_382 : memref<128xi32, #tpu.memory_space<vmem>>) semaphore(%arg13 : memref<!tpu.dma_semaphore, #tpu.memory_space<semaphore_mem>>)
      %dma_wait3A_386 = arith.constant 6 : i32
      %dma_wait3A_387 = arith.constant 0 : i32
      %dma_wait3A_388 = tpu.memref_slice %arg7[%dma_wait3A_386, %dma_wait3A_387] : memref<8x128xi32, #tpu.memory_space<vmem>> -> memref<1x128xi32, #tpu.memory_space<vmem>>
      %dma_wait3A_389 = tpu.memref_squeeze %dma_wait3A_388 : memref<1x128xi32, #tpu.memory_space<vmem>> -> memref<128xi32, #tpu.memory_space<vmem>>
      %dma_wait3A_390 = arith.constant 0 : i32
      %dma_wait3A_391 = arith.constant 0 : i32
      %dma_wait3A_392 = tpu.memref_slice %arg2[%dma_wait3A_390, %dma_wait3A_391] : memref<10000x128xf32, #tpu.memory_space<hbm>> -> memref<10000x128xf32, #tpu.memory_space<hbm>>
      tpu.wait_indirect_dma semaphore(%arg12 : memref<!tpu.dma_semaphore, #tpu.memory_space<semaphore_mem>>) src(%dma_wait3A_392 : memref<10000x128xf32, #tpu.memory_space<hbm>>) dst(%arg9 : memref<128x128xf32, #tpu.memory_space<vmem>>)
      %run_scoped3A_393 = arith.constant 6 : i32
      "tpu.region"() ({
        %run_scoped3A_402 = tpu.sem_alloc : memref<!tpu.dma_semaphore, #tpu.memory_space<semaphore_mem>>
        %dma_start3A_403 = arith.constant 0 : i32
        %dma_start3A_404 = tpu.memref_slice %arg8[%run_scoped3A_393, %dma_start3A_403] : memref<8x128xi32, #tpu.memory_space<vmem>> -> memref<1x128xi32, #tpu.memory_space<vmem>>
        %dma_start3A_405 = tpu.memref_squeeze %dma_start3A_404 : memref<1x128xi32, #tpu.memory_space<vmem>> -> memref<128xi32, #tpu.memory_space<vmem>>
        %dma_start3A_406 = arith.constant 0 : i32
        %dma_start3A_407 = arith.constant 0 : i32
        %dma_start3A_408 = tpu.memref_slice %arg11[%dma_start3A_406, %dma_start3A_407] : memref<10112x128xf32, #tpu.memory_space<vmem_shared>> -> memref<10112x128xf32, #tpu.memory_space<vmem_shared>>
        tpu.enqueue_indirect_dma source(%arg9 : memref<128x128xf32, #tpu.memory_space<vmem>>) target(%dma_start3A_408 : memref<10112x128xf32, #tpu.memory_space<vmem_shared>>) offsets(%dma_start3A_405 : memref<128xi32, #tpu.memory_space<vmem>>) semaphore(%run_scoped3A_402 : memref<!tpu.dma_semaphore, #tpu.memory_space<semaphore_mem>>) {add = true}
        %dma_wait3A_409 = arith.constant 0 : i32
        %dma_wait3A_410 = tpu.memref_slice %arg8[%run_scoped3A_393, %dma_wait3A_409] : memref<8x128xi32, #tpu.memory_space<vmem>> -> memref<1x128xi32, #tpu.memory_space<vmem>>
        %dma_wait3A_411 = tpu.memref_squeeze %dma_wait3A_410 : memref<1x128xi32, #tpu.memory_space<vmem>> -> memref<128xi32, #tpu.memory_space<vmem>>
        %dma_wait3A_412 = arith.constant 0 : i32
        %dma_wait3A_413 = arith.constant 0 : i32
        %dma_wait3A_414 = tpu.memref_slice %arg11[%dma_wait3A_412, %dma_wait3A_413] : memref<10112x128xf32, #tpu.memory_space<vmem_shared>> -> memref<10112x128xf32, #tpu.memory_space<vmem_shared>>
        tpu.wait_indirect_dma semaphore(%run_scoped3A_402 : memref<!tpu.dma_semaphore, #tpu.memory_space<semaphore_mem>>) src(%arg9 : memref<128x128xf32, #tpu.memory_space<vmem>>) dst(%dma_wait3A_414 : memref<10112x128xf32, #tpu.memory_space<vmem_shared>>)
        tpu.yield
      }) : () -> ()
      %dma_wait3A_394 = arith.constant 7 : i32
      %dma_wait3A_395 = arith.constant 0 : i32
      %dma_wait3A_396 = tpu.memref_slice %arg7[%dma_wait3A_394, %dma_wait3A_395] : memref<8x128xi32, #tpu.memory_space<vmem>> -> memref<1x128xi32, #tpu.memory_space<vmem>>
      %dma_wait3A_397 = tpu.memref_squeeze %dma_wait3A_396 : memref<1x128xi32, #tpu.memory_space<vmem>> -> memref<128xi32, #tpu.memory_space<vmem>>
      %dma_wait3A_398 = arith.constant 0 : i32
      %dma_wait3A_399 = arith.constant 0 : i32
      %dma_wait3A_400 = tpu.memref_slice %arg2[%dma_wait3A_398, %dma_wait3A_399] : memref<10000x128xf32, #tpu.memory_space<hbm>> -> memref<10000x128xf32, #tpu.memory_space<hbm>>
      tpu.wait_indirect_dma semaphore(%arg13 : memref<!tpu.dma_semaphore, #tpu.memory_space<semaphore_mem>>) src(%dma_wait3A_400 : memref<10000x128xf32, #tpu.memory_space<hbm>>) dst(%arg10 : memref<128x128xf32, #tpu.memory_space<vmem>>)
      %run_scoped3A_401 = arith.constant 7 : i32
      "tpu.region"() ({
        %run_scoped3A_402 = tpu.sem_alloc : memref<!tpu.dma_semaphore, #tpu.memory_space<semaphore_mem>>
        %dma_start3A_403 = arith.constant 0 : i32
        %dma_start3A_404 = tpu.memref_slice %arg8[%run_scoped3A_401, %dma_start3A_403] : memref<8x128xi32, #tpu.memory_space<vmem>> -> memref<1x128xi32, #tpu.memory_space<vmem>>
        %dma_start3A_405 = tpu.memref_squeeze %dma_start3A_404 : memref<1x128xi32, #tpu.memory_space<vmem>> -> memref<128xi32, #tpu.memory_space<vmem>>
        %dma_start3A_406 = arith.constant 0 : i32
        %dma_start3A_407 = arith.constant 0 : i32
        %dma_start3A_408 = tpu.memref_slice %arg11[%dma_start3A_406, %dma_start3A_407] : memref<10112x128xf32, #tpu.memory_space<vmem_shared>> -> memref<10112x128xf32, #tpu.memory_space<vmem_shared>>
        tpu.enqueue_indirect_dma source(%arg10 : memref<128x128xf32, #tpu.memory_space<vmem>>) target(%dma_start3A_408 : memref<10112x128xf32, #tpu.memory_space<vmem_shared>>) offsets(%dma_start3A_405 : memref<128xi32, #tpu.memory_space<vmem>>) semaphore(%run_scoped3A_402 : memref<!tpu.dma_semaphore, #tpu.memory_space<semaphore_mem>>) {add = true}
        %dma_wait3A_409 = arith.constant 0 : i32
        %dma_wait3A_410 = tpu.memref_slice %arg8[%run_scoped3A_401, %dma_wait3A_409] : memref<8x128xi32, #tpu.memory_space<vmem>> -> memref<1x128xi32, #tpu.memory_space<vmem>>
        %dma_wait3A_411 = tpu.memref_squeeze %dma_wait3A_410 : memref<1x128xi32, #tpu.memory_space<vmem>> -> memref<128xi32, #tpu.memory_space<vmem>>
        %dma_wait3A_412 = arith.constant 0 : i32
        %dma_wait3A_413 = arith.constant 0 : i32
        %dma_wait3A_414 = tpu.memref_slice %arg11[%dma_wait3A_412, %dma_wait3A_413] : memref<10112x128xf32, #tpu.memory_space<vmem_shared>> -> memref<10112x128xf32, #tpu.memory_space<vmem_shared>>
        tpu.wait_indirect_dma semaphore(%run_scoped3A_402 : memref<!tpu.dma_semaphore, #tpu.memory_space<semaphore_mem>>) src(%arg10 : memref<128x128xf32, #tpu.memory_space<vmem>>) dst(%dma_wait3A_414 : memref<10112x128xf32, #tpu.memory_space<vmem_shared>>)
        tpu.yield
      }) : () -> ()
    }
    %scan3A_120 = arith.constant 10 : i32
    %barrier3A_121 = arith.constant 0 : index
    tpu.barrier barrier_id(%barrier3A_121)
    %mul3A_122 = arith.constant 632 : i32
    %mul3A_123 = arith.muli %arg1, %mul3A_122 : i32
    %add3A_124 = arith.constant 0 : i32
    %add3A_125 = arith.addi %mul3A_123, %add3A_124 : i32
    "tpu.region"() ({
      %run_scoped3A = tpu.sem_alloc : memref<!tpu.dma_semaphore, #tpu.memory_space<semaphore_mem>>
      %dma_start3A_282 = arith.constant 0 : i32
      %dma_start3A_283 = arith.constant 0 : i32
      %dma_start3A_284 = tpu.memref_slice %arg9[%dma_start3A_282, %dma_start3A_283] : memref<128x128xf32, #tpu.memory_space<vmem>> -> memref<128x128xf32, #tpu.memory_space<vmem>>
      %dma_start3A_285 = arith.constant 0 : i32
      %dma_start3A_286 = tpu.memref_slice %arg11[%add3A_125, %dma_start3A_285] : memref<10112x128xf32, #tpu.memory_space<vmem_shared>> -> memref<128x128xf32, #tpu.memory_space<vmem_shared>>
      %dma_start3A_287 = arith.constant 0 : i32
      %dma_start3A_288 = arith.constant 0 : i32
      %dma_start3A_289 = tpu.memref_slice %arg9[%dma_start3A_287, %dma_start3A_288] : memref<128x128xf32, #tpu.memory_space<vmem>> -> memref<128x128xf32, #tpu.memory_space<vmem>>
      %dma_start3A_290 = arith.constant 0 : i32
      %dma_start3A_291 = tpu.memref_slice %arg11[%add3A_125, %dma_start3A_290] : memref<10112x128xf32, #tpu.memory_space<vmem_shared>> -> memref<128x128xf32, #tpu.memory_space<vmem_shared>>
      tpu.enqueue_dma source(%dma_start3A_291 : memref<128x128xf32, #tpu.memory_space<vmem_shared>>) target(%dma_start3A_289 : memref<128x128xf32, #tpu.memory_space<vmem>>) target_semaphore(%run_scoped3A : memref<!tpu.dma_semaphore, #tpu.memory_space<semaphore_mem>>)
      %dma_wait3A_292 = arith.constant 0 : i32
      %dma_wait3A_293 = arith.constant 0 : i32
      %dma_wait3A_294 = tpu.memref_slice %arg9[%dma_wait3A_292, %dma_wait3A_293] : memref<128x128xf32, #tpu.memory_space<vmem>> -> memref<128x128xf32, #tpu.memory_space<vmem>>
      %dma_wait3A_295 = arith.constant 0 : i32
      %dma_wait3A_296 = tpu.memref_slice %arg11[%add3A_125, %dma_wait3A_295] : memref<10112x128xf32, #tpu.memory_space<vmem_shared>> -> memref<128x128xf32, #tpu.memory_space<vmem_shared>>
      %dma_wait3A_297 = arith.constant 0 : i32
      %dma_wait3A_298 = arith.constant 0 : i32
      %dma_wait3A_299 = tpu.memref_slice %arg9[%dma_wait3A_297, %dma_wait3A_298] : memref<128x128xf32, #tpu.memory_space<vmem>> -> memref<128x128xf32, #tpu.memory_space<vmem>>
      %dma_wait3A_300 = arith.constant 0 : i32
      %dma_wait3A_301 = tpu.memref_slice %arg11[%add3A_125, %dma_wait3A_300] : memref<10112x128xf32, #tpu.memory_space<vmem_shared>> -> memref<128x128xf32, #tpu.memory_space<vmem_shared>>
      tpu.wait_dma2 semaphore(%run_scoped3A : memref<!tpu.dma_semaphore, #tpu.memory_space<semaphore_mem>>) src(%dma_wait3A_301 : memref<128x128xf32, #tpu.memory_space<vmem_shared>>) dst(%dma_wait3A_299 : memref<128x128xf32, #tpu.memory_space<vmem>>)
      tpu.yield
    }) : () -> ()
    %mul3A_126 = arith.constant 632 : i32
    %mul3A_127 = arith.muli %arg1, %mul3A_126 : i32
    %add3A_128 = arith.constant 0 : i32
    %add3A_129 = arith.addi %mul3A_127, %add3A_128 : i32
    %dma_start3A_130 = arith.constant 0 : i32
    %dma_start3A_131 = arith.constant 0 : i32
    %dma_start3A_132 = tpu.memref_slice %arg9[%dma_start3A_130, %dma_start3A_131] : memref<128x128xf32, #tpu.memory_space<vmem>> -> memref<128x128xf32, #tpu.memory_space<vmem>>
    %dma_start3A_133 = arith.constant 0 : i32
    %dma_start3A_134 = tpu.memref_slice %arg6[%arg0, %add3A_129, %dma_start3A_133] : memref<2x10112x128xf32, #tpu.memory_space<hbm>> -> memref<1x128x128xf32, #tpu.memory_space<hbm>>
    %dma_start3A_135 = tpu.memref_squeeze %dma_start3A_134 : memref<1x128x128xf32, #tpu.memory_space<hbm>> -> memref<128x128xf32, #tpu.memory_space<hbm>>
    %dma_start3A_136 = arith.constant 0 : i32
    %dma_start3A_137 = tpu.memref_slice %arg6[%arg0, %add3A_129, %dma_start3A_136] : memref<2x10112x128xf32, #tpu.memory_space<hbm>> -> memref<1x128x128xf32, #tpu.memory_space<hbm>>
    %dma_start3A_138 = tpu.memref_squeeze %dma_start3A_137 : memref<1x128x128xf32, #tpu.memory_space<hbm>> -> memref<128x128xf32, #tpu.memory_space<hbm>>
    %dma_start3A_139 = arith.constant 0 : i32
    %dma_start3A_140 = arith.constant 0 : i32
    %dma_start3A_141 = tpu.memref_slice %arg9[%dma_start3A_139, %dma_start3A_140] : memref<128x128xf32, #tpu.memory_space<vmem>> -> memref<128x128xf32, #tpu.memory_space<vmem>>
    tpu.enqueue_dma source(%dma_start3A_141 : memref<128x128xf32, #tpu.memory_space<vmem>>) target(%dma_start3A_138 : memref<128x128xf32, #tpu.memory_space<hbm>>) target_semaphore(%arg12 : memref<!tpu.dma_semaphore, #tpu.memory_space<semaphore_mem>>)
    %mul3A_142 = arith.constant 632 : i32
    %mul3A_143 = arith.muli %arg1, %mul3A_142 : i32
    %add3A_144 = arith.constant 128 : i32
    %add3A_145 = arith.addi %mul3A_143, %add3A_144 : i32
    "tpu.region"() ({
      %run_scoped3A = tpu.sem_alloc : memref<!tpu.dma_semaphore, #tpu.memory_space<semaphore_mem>>
      %dma_start3A_282 = arith.constant 0 : i32
      %dma_start3A_283 = arith.constant 0 : i32
      %dma_start3A_284 = tpu.memref_slice %arg10[%dma_start3A_282, %dma_start3A_283] : memref<128x128xf32, #tpu.memory_space<vmem>> -> memref<128x128xf32, #tpu.memory_space<vmem>>
      %dma_start3A_285 = arith.constant 0 : i32
      %dma_start3A_286 = tpu.memref_slice %arg11[%add3A_145, %dma_start3A_285] : memref<10112x128xf32, #tpu.memory_space<vmem_shared>> -> memref<128x128xf32, #tpu.memory_space<vmem_shared>>
      %dma_start3A_287 = arith.constant 0 : i32
      %dma_start3A_288 = arith.constant 0 : i32
      %dma_start3A_289 = tpu.memref_slice %arg10[%dma_start3A_287, %dma_start3A_288] : memref<128x128xf32, #tpu.memory_space<vmem>> -> memref<128x128xf32, #tpu.memory_space<vmem>>
      %dma_start3A_290 = arith.constant 0 : i32
      %dma_start3A_291 = tpu.memref_slice %arg11[%add3A_145, %dma_start3A_290] : memref<10112x128xf32, #tpu.memory_space<vmem_shared>> -> memref<128x128xf32, #tpu.memory_space<vmem_shared>>
      tpu.enqueue_dma source(%dma_start3A_291 : memref<128x128xf32, #tpu.memory_space<vmem_shared>>) target(%dma_start3A_289 : memref<128x128xf32, #tpu.memory_space<vmem>>) target_semaphore(%run_scoped3A : memref<!tpu.dma_semaphore, #tpu.memory_space<semaphore_mem>>)
      %dma_wait3A_292 = arith.constant 0 : i32
      %dma_wait3A_293 = arith.constant 0 : i32
      %dma_wait3A_294 = tpu.memref_slice %arg10[%dma_wait3A_292, %dma_wait3A_293] : memref<128x128xf32, #tpu.memory_space<vmem>> -> memref<128x128xf32, #tpu.memory_space<vmem>>
      %dma_wait3A_295 = arith.constant 0 : i32
      %dma_wait3A_296 = tpu.memref_slice %arg11[%add3A_145, %dma_wait3A_295] : memref<10112x128xf32, #tpu.memory_space<vmem_shared>> -> memref<128x128xf32, #tpu.memory_space<vmem_shared>>
      %dma_wait3A_297 = arith.constant 0 : i32
      %dma_wait3A_298 = arith.constant 0 : i32
      %dma_wait3A_299 = tpu.memref_slice %arg10[%dma_wait3A_297, %dma_wait3A_298] : memref<128x128xf32, #tpu.memory_space<vmem>> -> memref<128x128xf32, #tpu.memory_space<vmem>>
      %dma_wait3A_300 = arith.constant 0 : i32
      %dma_wait3A_301 = tpu.memref_slice %arg11[%add3A_145, %dma_wait3A_300] : memref<10112x128xf32, #tpu.memory_space<vmem_shared>> -> memref<128x128xf32, #tpu.memory_space<vmem_shared>>
      tpu.wait_dma2 semaphore(%run_scoped3A : memref<!tpu.dma_semaphore, #tpu.memory_space<semaphore_mem>>) src(%dma_wait3A_301 : memref<128x128xf32, #tpu.memory_space<vmem_shared>>) dst(%dma_wait3A_299 : memref<128x128xf32, #tpu.memory_space<vmem>>)
      tpu.yield
    }) : () -> ()
    %mul3A_146 = arith.constant 632 : i32
    %mul3A_147 = arith.muli %arg1, %mul3A_146 : i32
    %add3A_148 = arith.constant 128 : i32
    %add3A_149 = arith.addi %mul3A_147, %add3A_148 : i32
    %dma_start3A_150 = arith.constant 0 : i32
    %dma_start3A_151 = arith.constant 0 : i32
    %dma_start3A_152 = tpu.memref_slice %arg10[%dma_start3A_150, %dma_start3A_151] : memref<128x128xf32, #tpu.memory_space<vmem>> -> memref<128x128xf32, #tpu.memory_space<vmem>>
    %dma_start3A_153 = arith.constant 0 : i32
    %dma_start3A_154 = tpu.memref_slice %arg6[%arg0, %add3A_149, %dma_start3A_153] : memref<2x10112x128xf32, #tpu.memory_space<hbm>> -> memref<1x128x128xf32, #tpu.memory_space<hbm>>
    %dma_start3A_155 = tpu.memref_squeeze %dma_start3A_154 : memref<1x128x128xf32, #tpu.memory_space<hbm>> -> memref<128x128xf32, #tpu.memory_space<hbm>>
    %dma_start3A_156 = arith.constant 0 : i32
    %dma_start3A_157 = tpu.memref_slice %arg6[%arg0, %add3A_149, %dma_start3A_156] : memref<2x10112x128xf32, #tpu.memory_space<hbm>> -> memref<1x128x128xf32, #tpu.memory_space<hbm>>
    %dma_start3A_158 = tpu.memref_squeeze %dma_start3A_157 : memref<1x128x128xf32, #tpu.memory_space<hbm>> -> memref<128x128xf32, #tpu.memory_space<hbm>>
    %dma_start3A_159 = arith.constant 0 : i32
    %dma_start3A_160 = arith.constant 0 : i32
    %dma_start3A_161 = tpu.memref_slice %arg10[%dma_start3A_159, %dma_start3A_160] : memref<128x128xf32, #tpu.memory_space<vmem>> -> memref<128x128xf32, #tpu.memory_space<vmem>>
    tpu.enqueue_dma source(%dma_start3A_161 : memref<128x128xf32, #tpu.memory_space<vmem>>) target(%dma_start3A_158 : memref<128x128xf32, #tpu.memory_space<hbm>>) target_semaphore(%arg13 : memref<!tpu.dma_semaphore, #tpu.memory_space<semaphore_mem>>)
    %dma_wait3A_162 = arith.constant 0 : i32
    %dma_wait3A_163 = arith.constant 0 : i32
    %dma_wait3A_164 = tpu.memref_slice %arg9[%dma_wait3A_162, %dma_wait3A_163] : memref<128x128xf32, #tpu.memory_space<vmem>> -> memref<128x128xf32, #tpu.memory_space<vmem>>
    %dma_wait3A_165 = arith.constant 0 : i32
    %dma_wait3A_166 = tpu.memref_slice %arg6[%arg0, %add3A_129, %dma_wait3A_165] : memref<2x10112x128xf32, #tpu.memory_space<hbm>> -> memref<1x128x128xf32, #tpu.memory_space<hbm>>
    %dma_wait3A_167 = tpu.memref_squeeze %dma_wait3A_166 : memref<1x128x128xf32, #tpu.memory_space<hbm>> -> memref<128x128xf32, #tpu.memory_space<hbm>>
    %dma_wait3A_168 = arith.constant 0 : i32
    %dma_wait3A_169 = tpu.memref_slice %arg6[%arg0, %add3A_129, %dma_wait3A_168] : memref<2x10112x128xf32, #tpu.memory_space<hbm>> -> memref<1x128x128xf32, #tpu.memory_space<hbm>>
    %dma_wait3A_170 = tpu.memref_squeeze %dma_wait3A_169 : memref<1x128x128xf32, #tpu.memory_space<hbm>> -> memref<128x128xf32, #tpu.memory_space<hbm>>
    %dma_wait3A_171 = arith.constant 0 : i32
    %dma_wait3A_172 = arith.constant 0 : i32
    %dma_wait3A_173 = tpu.memref_slice %arg9[%dma_wait3A_171, %dma_wait3A_172] : memref<128x128xf32, #tpu.memory_space<vmem>> -> memref<128x128xf32, #tpu.memory_space<vmem>>
    tpu.wait_dma2 semaphore(%arg12 : memref<!tpu.dma_semaphore, #tpu.memory_space<semaphore_mem>>) src(%dma_wait3A_173 : memref<128x128xf32, #tpu.memory_space<vmem>>) dst(%dma_wait3A_170 : memref<128x128xf32, #tpu.memory_space<hbm>>)
    %mul3A_174 = arith.constant 632 : i32
    %mul3A_175 = arith.muli %arg1, %mul3A_174 : i32
    %add3A_176 = arith.constant 256 : i32
    %add3A_177 = arith.addi %mul3A_175, %add3A_176 : i32
    "tpu.region"() ({
      %run_scoped3A = tpu.sem_alloc : memref<!tpu.dma_semaphore, #tpu.memory_space<semaphore_mem>>
      %dma_start3A_282 = arith.constant 0 : i32
      %dma_start3A_283 = arith.constant 0 : i32
      %dma_start3A_284 = tpu.memref_slice %arg9[%dma_start3A_282, %dma_start3A_283] : memref<128x128xf32, #tpu.memory_space<vmem>> -> memref<128x128xf32, #tpu.memory_space<vmem>>
      %dma_start3A_285 = arith.constant 0 : i32
      %dma_start3A_286 = tpu.memref_slice %arg11[%add3A_177, %dma_start3A_285] : memref<10112x128xf32, #tpu.memory_space<vmem_shared>> -> memref<128x128xf32, #tpu.memory_space<vmem_shared>>
      %dma_start3A_287 = arith.constant 0 : i32
      %dma_start3A_288 = arith.constant 0 : i32
      %dma_start3A_289 = tpu.memref_slice %arg9[%dma_start3A_287, %dma_start3A_288] : memref<128x128xf32, #tpu.memory_space<vmem>> -> memref<128x128xf32, #tpu.memory_space<vmem>>
      %dma_start3A_290 = arith.constant 0 : i32
      %dma_start3A_291 = tpu.memref_slice %arg11[%add3A_177, %dma_start3A_290] : memref<10112x128xf32, #tpu.memory_space<vmem_shared>> -> memref<128x128xf32, #tpu.memory_space<vmem_shared>>
      tpu.enqueue_dma source(%dma_start3A_291 : memref<128x128xf32, #tpu.memory_space<vmem_shared>>) target(%dma_start3A_289 : memref<128x128xf32, #tpu.memory_space<vmem>>) target_semaphore(%run_scoped3A : memref<!tpu.dma_semaphore, #tpu.memory_space<semaphore_mem>>)
      %dma_wait3A_292 = arith.constant 0 : i32
      %dma_wait3A_293 = arith.constant 0 : i32
      %dma_wait3A_294 = tpu.memref_slice %arg9[%dma_wait3A_292, %dma_wait3A_293] : memref<128x128xf32, #tpu.memory_space<vmem>> -> memref<128x128xf32, #tpu.memory_space<vmem>>
      %dma_wait3A_295 = arith.constant 0 : i32
      %dma_wait3A_296 = tpu.memref_slice %arg11[%add3A_177, %dma_wait3A_295] : memref<10112x128xf32, #tpu.memory_space<vmem_shared>> -> memref<128x128xf32, #tpu.memory_space<vmem_shared>>
      %dma_wait3A_297 = arith.constant 0 : i32
      %dma_wait3A_298 = arith.constant 0 : i32
      %dma_wait3A_299 = tpu.memref_slice %arg9[%dma_wait3A_297, %dma_wait3A_298] : memref<128x128xf32, #tpu.memory_space<vmem>> -> memref<128x128xf32, #tpu.memory_space<vmem>>
      %dma_wait3A_300 = arith.constant 0 : i32
      %dma_wait3A_301 = tpu.memref_slice %arg11[%add3A_177, %dma_wait3A_300] : memref<10112x128xf32, #tpu.memory_space<vmem_shared>> -> memref<128x128xf32, #tpu.memory_space<vmem_shared>>
      tpu.wait_dma2 semaphore(%run_scoped3A : memref<!tpu.dma_semaphore, #tpu.memory_space<semaphore_mem>>) src(%dma_wait3A_301 : memref<128x128xf32, #tpu.memory_space<vmem_shared>>) dst(%dma_wait3A_299 : memref<128x128xf32, #tpu.memory_space<vmem>>)
      tpu.yield
    }) : () -> ()
    %mul3A_178 = arith.constant 632 : i32
    %mul3A_179 = arith.muli %arg1, %mul3A_178 : i32
    %add3A_180 = arith.constant 256 : i32
    %add3A_181 = arith.addi %mul3A_179, %add3A_180 : i32
    %dma_start3A_182 = arith.constant 0 : i32
    %dma_start3A_183 = arith.constant 0 : i32
    %dma_start3A_184 = tpu.memref_slice %arg9[%dma_start3A_182, %dma_start3A_183] : memref<128x128xf32, #tpu.memory_space<vmem>> -> memref<128x128xf32, #tpu.memory_space<vmem>>
    %dma_start3A_185 = arith.constant 0 : i32
    %dma_start3A_186 = tpu.memref_slice %arg6[%arg0, %add3A_181, %dma_start3A_185] : memref<2x10112x128xf32, #tpu.memory_space<hbm>> -> memref<1x128x128xf32, #tpu.memory_space<hbm>>
    %dma_start3A_187 = tpu.memref_squeeze %dma_start3A_186 : memref<1x128x128xf32, #tpu.memory_space<hbm>> -> memref<128x128xf32, #tpu.memory_space<hbm>>
    %dma_start3A_188 = arith.constant 0 : i32
    %dma_start3A_189 = tpu.memref_slice %arg6[%arg0, %add3A_181, %dma_start3A_188] : memref<2x10112x128xf32, #tpu.memory_space<hbm>> -> memref<1x128x128xf32, #tpu.memory_space<hbm>>
    %dma_start3A_190 = tpu.memref_squeeze %dma_start3A_189 : memref<1x128x128xf32, #tpu.memory_space<hbm>> -> memref<128x128xf32, #tpu.memory_space<hbm>>
    %dma_start3A_191 = arith.constant 0 : i32
    %dma_start3A_192 = arith.constant 0 : i32
    %dma_start3A_193 = tpu.memref_slice %arg9[%dma_start3A_191, %dma_start3A_192] : memref<128x128xf32, #tpu.memory_space<vmem>> -> memref<128x128xf32, #tpu.memory_space<vmem>>
    tpu.enqueue_dma source(%dma_start3A_193 : memref<128x128xf32, #tpu.memory_space<vmem>>) target(%dma_start3A_190 : memref<128x128xf32, #tpu.memory_space<hbm>>) target_semaphore(%arg12 : memref<!tpu.dma_semaphore, #tpu.memory_space<semaphore_mem>>)
    %dma_wait3A_194 = arith.constant 0 : i32
    %dma_wait3A_195 = arith.constant 0 : i32
    %dma_wait3A_196 = tpu.memref_slice %arg10[%dma_wait3A_194, %dma_wait3A_195] : memref<128x128xf32, #tpu.memory_space<vmem>> -> memref<128x128xf32, #tpu.memory_space<vmem>>
    %dma_wait3A_197 = arith.constant 0 : i32
    %dma_wait3A_198 = tpu.memref_slice %arg6[%arg0, %add3A_149, %dma_wait3A_197] : memref<2x10112x128xf32, #tpu.memory_space<hbm>> -> memref<1x128x128xf32, #tpu.memory_space<hbm>>
    %dma_wait3A_199 = tpu.memref_squeeze %dma_wait3A_198 : memref<1x128x128xf32, #tpu.memory_space<hbm>> -> memref<128x128xf32, #tpu.memory_space<hbm>>
    %dma_wait3A_200 = arith.constant 0 : i32
    %dma_wait3A_201 = tpu.memref_slice %arg6[%arg0, %add3A_149, %dma_wait3A_200] : memref<2x10112x128xf32, #tpu.memory_space<hbm>> -> memref<1x128x128xf32, #tpu.memory_space<hbm>>
    %dma_wait3A_202 = tpu.memref_squeeze %dma_wait3A_201 : memref<1x128x128xf32, #tpu.memory_space<hbm>> -> memref<128x128xf32, #tpu.memory_space<hbm>>
    %dma_wait3A_203 = arith.constant 0 : i32
    %dma_wait3A_204 = arith.constant 0 : i32
    %dma_wait3A_205 = tpu.memref_slice %arg10[%dma_wait3A_203, %dma_wait3A_204] : memref<128x128xf32, #tpu.memory_space<vmem>> -> memref<128x128xf32, #tpu.memory_space<vmem>>
    tpu.wait_dma2 semaphore(%arg13 : memref<!tpu.dma_semaphore, #tpu.memory_space<semaphore_mem>>) src(%dma_wait3A_205 : memref<128x128xf32, #tpu.memory_space<vmem>>) dst(%dma_wait3A_202 : memref<128x128xf32, #tpu.memory_space<hbm>>)
    %mul3A_206 = arith.constant 632 : i32
    %mul3A_207 = arith.muli %arg1, %mul3A_206 : i32
    %add3A_208 = arith.constant 384 : i32
    %add3A_209 = arith.addi %mul3A_207, %add3A_208 : i32
    "tpu.region"() ({
      %run_scoped3A = tpu.sem_alloc : memref<!tpu.dma_semaphore, #tpu.memory_space<semaphore_mem>>
      %dma_start3A_282 = arith.constant 0 : i32
      %dma_start3A_283 = arith.constant 0 : i32
      %dma_start3A_284 = tpu.memref_slice %arg10[%dma_start3A_282, %dma_start3A_283] : memref<128x128xf32, #tpu.memory_space<vmem>> -> memref<128x128xf32, #tpu.memory_space<vmem>>
      %dma_start3A_285 = arith.constant 0 : i32
      %dma_start3A_286 = tpu.memref_slice %arg11[%add3A_209, %dma_start3A_285] : memref<10112x128xf32, #tpu.memory_space<vmem_shared>> -> memref<128x128xf32, #tpu.memory_space<vmem_shared>>
      %dma_start3A_287 = arith.constant 0 : i32
      %dma_start3A_288 = arith.constant 0 : i32
      %dma_start3A_289 = tpu.memref_slice %arg10[%dma_start3A_287, %dma_start3A_288] : memref<128x128xf32, #tpu.memory_space<vmem>> -> memref<128x128xf32, #tpu.memory_space<vmem>>
      %dma_start3A_290 = arith.constant 0 : i32
      %dma_start3A_291 = tpu.memref_slice %arg11[%add3A_209, %dma_start3A_290] : memref<10112x128xf32, #tpu.memory_space<vmem_shared>> -> memref<128x128xf32, #tpu.memory_space<vmem_shared>>
      tpu.enqueue_dma source(%dma_start3A_291 : memref<128x128xf32, #tpu.memory_space<vmem_shared>>) target(%dma_start3A_289 : memref<128x128xf32, #tpu.memory_space<vmem>>) target_semaphore(%run_scoped3A : memref<!tpu.dma_semaphore, #tpu.memory_space<semaphore_mem>>)
      %dma_wait3A_292 = arith.constant 0 : i32
      %dma_wait3A_293 = arith.constant 0 : i32
      %dma_wait3A_294 = tpu.memref_slice %arg10[%dma_wait3A_292, %dma_wait3A_293] : memref<128x128xf32, #tpu.memory_space<vmem>> -> memref<128x128xf32, #tpu.memory_space<vmem>>
      %dma_wait3A_295 = arith.constant 0 : i32
      %dma_wait3A_296 = tpu.memref_slice %arg11[%add3A_209, %dma_wait3A_295] : memref<10112x128xf32, #tpu.memory_space<vmem_shared>> -> memref<128x128xf32, #tpu.memory_space<vmem_shared>>
      %dma_wait3A_297 = arith.constant 0 : i32
      %dma_wait3A_298 = arith.constant 0 : i32
      %dma_wait3A_299 = tpu.memref_slice %arg10[%dma_wait3A_297, %dma_wait3A_298] : memref<128x128xf32, #tpu.memory_space<vmem>> -> memref<128x128xf32, #tpu.memory_space<vmem>>
      %dma_wait3A_300 = arith.constant 0 : i32
      %dma_wait3A_301 = tpu.memref_slice %arg11[%add3A_209, %dma_wait3A_300] : memref<10112x128xf32, #tpu.memory_space<vmem_shared>> -> memref<128x128xf32, #tpu.memory_space<vmem_shared>>
      tpu.wait_dma2 semaphore(%run_scoped3A : memref<!tpu.dma_semaphore, #tpu.memory_space<semaphore_mem>>) src(%dma_wait3A_301 : memref<128x128xf32, #tpu.memory_space<vmem_shared>>) dst(%dma_wait3A_299 : memref<128x128xf32, #tpu.memory_space<vmem>>)
      tpu.yield
    }) : () -> ()
    %mul3A_210 = arith.constant 632 : i32
    %mul3A_211 = arith.muli %arg1, %mul3A_210 : i32
    %add3A_212 = arith.constant 384 : i32
    %add3A_213 = arith.addi %mul3A_211, %add3A_212 : i32
    %dma_start3A_214 = arith.constant 0 : i32
    %dma_start3A_215 = arith.constant 0 : i32
    %dma_start3A_216 = tpu.memref_slice %arg10[%dma_start3A_214, %dma_start3A_215] : memref<128x128xf32, #tpu.memory_space<vmem>> -> memref<128x128xf32, #tpu.memory_space<vmem>>
    %dma_start3A_217 = arith.constant 0 : i32
    %dma_start3A_218 = tpu.memref_slice %arg6[%arg0, %add3A_213, %dma_start3A_217] : memref<2x10112x128xf32, #tpu.memory_space<hbm>> -> memref<1x128x128xf32, #tpu.memory_space<hbm>>
    %dma_start3A_219 = tpu.memref_squeeze %dma_start3A_218 : memref<1x128x128xf32, #tpu.memory_space<hbm>> -> memref<128x128xf32, #tpu.memory_space<hbm>>
    %dma_start3A_220 = arith.constant 0 : i32
    %dma_start3A_221 = tpu.memref_slice %arg6[%arg0, %add3A_213, %dma_start3A_220] : memref<2x10112x128xf32, #tpu.memory_space<hbm>> -> memref<1x128x128xf32, #tpu.memory_space<hbm>>
    %dma_start3A_222 = tpu.memref_squeeze %dma_start3A_221 : memref<1x128x128xf32, #tpu.memory_space<hbm>> -> memref<128x128xf32, #tpu.memory_space<hbm>>
    %dma_start3A_223 = arith.constant 0 : i32
    %dma_start3A_224 = arith.constant 0 : i32
    %dma_start3A_225 = tpu.memref_slice %arg10[%dma_start3A_223, %dma_start3A_224] : memref<128x128xf32, #tpu.memory_space<vmem>> -> memref<128x128xf32, #tpu.memory_space<vmem>>
    tpu.enqueue_dma source(%dma_start3A_225 : memref<128x128xf32, #tpu.memory_space<vmem>>) target(%dma_start3A_222 : memref<128x128xf32, #tpu.memory_space<hbm>>) target_semaphore(%arg13 : memref<!tpu.dma_semaphore, #tpu.memory_space<semaphore_mem>>)
    %dma_wait3A_226 = arith.constant 0 : i32
    %dma_wait3A_227 = arith.constant 0 : i32
    %dma_wait3A_228 = tpu.memref_slice %arg9[%dma_wait3A_226, %dma_wait3A_227] : memref<128x128xf32, #tpu.memory_space<vmem>> -> memref<128x128xf32, #tpu.memory_space<vmem>>
    %dma_wait3A_229 = arith.constant 0 : i32
    %dma_wait3A_230 = tpu.memref_slice %arg6[%arg0, %add3A_181, %dma_wait3A_229] : memref<2x10112x128xf32, #tpu.memory_space<hbm>> -> memref<1x128x128xf32, #tpu.memory_space<hbm>>
    %dma_wait3A_231 = tpu.memref_squeeze %dma_wait3A_230 : memref<1x128x128xf32, #tpu.memory_space<hbm>> -> memref<128x128xf32, #tpu.memory_space<hbm>>
    %dma_wait3A_232 = arith.constant 0 : i32
    %dma_wait3A_233 = tpu.memref_slice %arg6[%arg0, %add3A_181, %dma_wait3A_232] : memref<2x10112x128xf32, #tpu.memory_space<hbm>> -> memref<1x128x128xf32, #tpu.memory_space<hbm>>
    %dma_wait3A_234 = tpu.memref_squeeze %dma_wait3A_233 : memref<1x128x128xf32, #tpu.memory_space<hbm>> -> memref<128x128xf32, #tpu.memory_space<hbm>>
    %dma_wait3A_235 = arith.constant 0 : i32
    %dma_wait3A_236 = arith.constant 0 : i32
    %dma_wait3A_237 = tpu.memref_slice %arg9[%dma_wait3A_235, %dma_wait3A_236] : memref<128x128xf32, #tpu.memory_space<vmem>> -> memref<128x128xf32, #tpu.memory_space<vmem>>
    tpu.wait_dma2 semaphore(%arg12 : memref<!tpu.dma_semaphore, #tpu.memory_space<semaphore_mem>>) src(%dma_wait3A_237 : memref<128x128xf32, #tpu.memory_space<vmem>>) dst(%dma_wait3A_234 : memref<128x128xf32, #tpu.memory_space<hbm>>)
    %mul3A_238 = arith.constant 632 : i32
    %mul3A_239 = arith.muli %arg1, %mul3A_238 : i32
    %add3A_240 = arith.constant 512 : i32
    %add3A_241 = arith.addi %mul3A_239, %add3A_240 : i32
    "tpu.region"() ({
      %run_scoped3A = tpu.sem_alloc : memref<!tpu.dma_semaphore, #tpu.memory_space<semaphore_mem>>
      %dma_start3A_282 = arith.constant 0 : i32
      %dma_start3A_283 = arith.constant 0 : i32
      %dma_start3A_284 = tpu.memref_slice %arg9[%dma_start3A_282, %dma_start3A_283] : memref<128x128xf32, #tpu.memory_space<vmem>> -> memref<120x128xf32, #tpu.memory_space<vmem>>
      %dma_start3A_285 = arith.constant 0 : i32
      %dma_start3A_286 = tpu.memref_slice %arg11[%add3A_241, %dma_start3A_285] : memref<10112x128xf32, #tpu.memory_space<vmem_shared>> -> memref<120x128xf32, #tpu.memory_space<vmem_shared>>
      %dma_start3A_287 = arith.constant 0 : i32
      %dma_start3A_288 = arith.constant 0 : i32
      %dma_start3A_289 = tpu.memref_slice %arg9[%dma_start3A_287, %dma_start3A_288] : memref<128x128xf32, #tpu.memory_space<vmem>> -> memref<120x128xf32, #tpu.memory_space<vmem>>
      %dma_start3A_290 = arith.constant 0 : i32
      %dma_start3A_291 = tpu.memref_slice %arg11[%add3A_241, %dma_start3A_290] : memref<10112x128xf32, #tpu.memory_space<vmem_shared>> -> memref<120x128xf32, #tpu.memory_space<vmem_shared>>
      tpu.enqueue_dma source(%dma_start3A_291 : memref<120x128xf32, #tpu.memory_space<vmem_shared>>) target(%dma_start3A_289 : memref<120x128xf32, #tpu.memory_space<vmem>>) target_semaphore(%run_scoped3A : memref<!tpu.dma_semaphore, #tpu.memory_space<semaphore_mem>>)
      %dma_wait3A_292 = arith.constant 0 : i32
      %dma_wait3A_293 = arith.constant 0 : i32
      %dma_wait3A_294 = tpu.memref_slice %arg9[%dma_wait3A_292, %dma_wait3A_293] : memref<128x128xf32, #tpu.memory_space<vmem>> -> memref<120x128xf32, #tpu.memory_space<vmem>>
      %dma_wait3A_295 = arith.constant 0 : i32
      %dma_wait3A_296 = tpu.memref_slice %arg11[%add3A_241, %dma_wait3A_295] : memref<10112x128xf32, #tpu.memory_space<vmem_shared>> -> memref<120x128xf32, #tpu.memory_space<vmem_shared>>
      %dma_wait3A_297 = arith.constant 0 : i32
      %dma_wait3A_298 = arith.constant 0 : i32
      %dma_wait3A_299 = tpu.memref_slice %arg9[%dma_wait3A_297, %dma_wait3A_298] : memref<128x128xf32, #tpu.memory_space<vmem>> -> memref<120x128xf32, #tpu.memory_space<vmem>>
      %dma_wait3A_300 = arith.constant 0 : i32
      %dma_wait3A_301 = tpu.memref_slice %arg11[%add3A_241, %dma_wait3A_300] : memref<10112x128xf32, #tpu.memory_space<vmem_shared>> -> memref<120x128xf32, #tpu.memory_space<vmem_shared>>
      tpu.wait_dma2 semaphore(%run_scoped3A : memref<!tpu.dma_semaphore, #tpu.memory_space<semaphore_mem>>) src(%dma_wait3A_301 : memref<120x128xf32, #tpu.memory_space<vmem_shared>>) dst(%dma_wait3A_299 : memref<120x128xf32, #tpu.memory_space<vmem>>)
      tpu.yield
    }) : () -> ()
    %mul3A_242 = arith.constant 632 : i32
    %mul3A_243 = arith.muli %arg1, %mul3A_242 : i32
    %add3A_244 = arith.constant 512 : i32
    %add3A_245 = arith.addi %mul3A_243, %add3A_244 : i32
    %dma_start3A_246 = arith.constant 0 : i32
    %dma_start3A_247 = arith.constant 0 : i32
    %dma_start3A_248 = tpu.memref_slice %arg9[%dma_start3A_246, %dma_start3A_247] : memref<128x128xf32, #tpu.memory_space<vmem>> -> memref<120x128xf32, #tpu.memory_space<vmem>>
    %dma_start3A_249 = arith.constant 0 : i32
    %dma_start3A_250 = tpu.memref_slice %arg6[%arg0, %add3A_245, %dma_start3A_249] : memref<2x10112x128xf32, #tpu.memory_space<hbm>> -> memref<1x120x128xf32, #tpu.memory_space<hbm>>
    %dma_start3A_251 = tpu.memref_squeeze %dma_start3A_250 : memref<1x120x128xf32, #tpu.memory_space<hbm>> -> memref<120x128xf32, #tpu.memory_space<hbm>>
    %dma_start3A_252 = arith.constant 0 : i32
    %dma_start3A_253 = tpu.memref_slice %arg6[%arg0, %add3A_245, %dma_start3A_252] : memref<2x10112x128xf32, #tpu.memory_space<hbm>> -> memref<1x120x128xf32, #tpu.memory_space<hbm>>
    %dma_start3A_254 = tpu.memref_squeeze %dma_start3A_253 : memref<1x120x128xf32, #tpu.memory_space<hbm>> -> memref<120x128xf32, #tpu.memory_space<hbm>>
    %dma_start3A_255 = arith.constant 0 : i32
    %dma_start3A_256 = arith.constant 0 : i32
    %dma_start3A_257 = tpu.memref_slice %arg9[%dma_start3A_255, %dma_start3A_256] : memref<128x128xf32, #tpu.memory_space<vmem>> -> memref<120x128xf32, #tpu.memory_space<vmem>>
    tpu.enqueue_dma source(%dma_start3A_257 : memref<120x128xf32, #tpu.memory_space<vmem>>) target(%dma_start3A_254 : memref<120x128xf32, #tpu.memory_space<hbm>>) target_semaphore(%arg12 : memref<!tpu.dma_semaphore, #tpu.memory_space<semaphore_mem>>)
    %dma_wait3A_258 = arith.constant 0 : i32
    %dma_wait3A_259 = arith.constant 0 : i32
    %dma_wait3A_260 = tpu.memref_slice %arg10[%dma_wait3A_258, %dma_wait3A_259] : memref<128x128xf32, #tpu.memory_space<vmem>> -> memref<128x128xf32, #tpu.memory_space<vmem>>
    %dma_wait3A_261 = arith.constant 0 : i32
    %dma_wait3A_262 = tpu.memref_slice %arg6[%arg0, %add3A_213, %dma_wait3A_261] : memref<2x10112x128xf32, #tpu.memory_space<hbm>> -> memref<1x128x128xf32, #tpu.memory_space<hbm>>
    %dma_wait3A_263 = tpu.memref_squeeze %dma_wait3A_262 : memref<1x128x128xf32, #tpu.memory_space<hbm>> -> memref<128x128xf32, #tpu.memory_space<hbm>>
    %dma_wait3A_264 = arith.constant 0 : i32
    %dma_wait3A_265 = tpu.memref_slice %arg6[%arg0, %add3A_213, %dma_wait3A_264] : memref<2x10112x128xf32, #tpu.memory_space<hbm>> -> memref<1x128x128xf32, #tpu.memory_space<hbm>>
    %dma_wait3A_266 = tpu.memref_squeeze %dma_wait3A_265 : memref<1x128x128xf32, #tpu.memory_space<hbm>> -> memref<128x128xf32, #tpu.memory_space<hbm>>
    %dma_wait3A_267 = arith.constant 0 : i32
    %dma_wait3A_268 = arith.constant 0 : i32
    %dma_wait3A_269 = tpu.memref_slice %arg10[%dma_wait3A_267, %dma_wait3A_268] : memref<128x128xf32, #tpu.memory_space<vmem>> -> memref<128x128xf32, #tpu.memory_space<vmem>>
    tpu.wait_dma2 semaphore(%arg13 : memref<!tpu.dma_semaphore, #tpu.memory_space<semaphore_mem>>) src(%dma_wait3A_269 : memref<128x128xf32, #tpu.memory_space<vmem>>) dst(%dma_wait3A_266 : memref<128x128xf32, #tpu.memory_space<hbm>>)
    %dma_wait3A_270 = arith.constant 0 : i32
    %dma_wait3A_271 = arith.constant 0 : i32
    %dma_wait3A_272 = tpu.memref_slice %arg9[%dma_wait3A_270, %dma_wait3A_271] : memref<128x128xf32, #tpu.memory_space<vmem>> -> memref<120x128xf32, #tpu.memory_space<vmem>>
    %dma_wait3A_273 = arith.constant 0 : i32
    %dma_wait3A_274 = tpu.memref_slice %arg6[%arg0, %add3A_245, %dma_wait3A_273] : memref<2x10112x128xf32, #tpu.memory_space<hbm>> -> memref<1x120x128xf32, #tpu.memory_space<hbm>>
    %dma_wait3A_275 = tpu.memref_squeeze %dma_wait3A_274 : memref<1x120x128xf32, #tpu.memory_space<hbm>> -> memref<120x128xf32, #tpu.memory_space<hbm>>
    %dma_wait3A_276 = arith.constant 0 : i32
    %dma_wait3A_277 = tpu.memref_slice %arg6[%arg0, %add3A_245, %dma_wait3A_276] : memref<2x10112x128xf32, #tpu.memory_space<hbm>> -> memref<1x120x128xf32, #tpu.memory_space<hbm>>
    %dma_wait3A_278 = tpu.memref_squeeze %dma_wait3A_277 : memref<1x120x128xf32, #tpu.memory_space<hbm>> -> memref<120x128xf32, #tpu.memory_space<hbm>>
    %dma_wait3A_279 = arith.constant 0 : i32
    %dma_wait3A_280 = arith.constant 0 : i32
    %dma_wait3A_281 = tpu.memref_slice %arg9[%dma_wait3A_279, %dma_wait3A_280] : memref<128x128xf32, #tpu.memory_space<vmem>> -> memref<120x128xf32, #tpu.memory_space<vmem>>
    tpu.wait_dma2 semaphore(%arg12 : memref<!tpu.dma_semaphore, #tpu.memory_space<semaphore_mem>>) src(%dma_wait3A_281 : memref<120x128xf32, #tpu.memory_space<vmem>>) dst(%dma_wait3A_278 : memref<120x128xf32, #tpu.memory_space<hbm>>)
    return
  }
}

#map = affine_map<(d0, d1) -> (0, 0, 0, 0, 0)>
#map1 = affine_map<(d0, d1) -> (0, 0)>
#map2 = affine_map<(d0, d1) -> (0, 0, 0)>
module attributes {stable_mosaic.version = 14 : i64} {
  func.func @cntk(%arg0: i32, %arg1: i32, %arg2: memref<2x16x10x8x128xi32, #tpu.memory_space<hbm>>, %arg3: memref<128x128xf32, #tpu.memory_space<hbm>>, %arg4: memref<128x128xf32, #tpu.memory_space<hbm>>, %arg5: memref<2x10112x128xf32, #tpu.memory_space<hbm>>, %arg6: memref<8x128xi32, #tpu.memory_space<vmem>>, %arg7: memref<128x128xf32, #tpu.memory_space<vmem>>, %arg8: memref<10112x128xf32, #tpu.memory_space<vmem_shared>>, %arg9: memref<!tpu.dma_semaphore, #tpu.memory_space<semaphore_mem>>) attributes {dimension_semantics = [#tpu.dimension_semantics<core_parallel>, #tpu.dimension_semantics<subcore_parallel>], iteration_bounds = array<i64: 2, 16>, scalar_prefetch = 0 : i64, scratch_operands = 4 : i64, tpu.core_type = #tpu.core_type<sc_vector_subcore>, window_params = [{transform_indices = #map}, {transform_indices = #map1}, {transform_indices = #map1}, {transform_indices = #map2}]} {
    "tpu.region"() ({
      %run_scoped3A = tpu.sem_alloc : memref<!tpu.dma_semaphore, #tpu.memory_space<semaphore_mem>>
      tpu.enqueue_dma source(%arg3 : memref<128x128xf32, #tpu.memory_space<hbm>>) target(%arg7 : memref<128x128xf32, #tpu.memory_space<vmem>>) target_semaphore(%run_scoped3A : memref<!tpu.dma_semaphore, #tpu.memory_space<semaphore_mem>>)
      tpu.wait_dma2 semaphore(%run_scoped3A : memref<!tpu.dma_semaphore, #tpu.memory_space<semaphore_mem>>) src(%arg3 : memref<128x128xf32, #tpu.memory_space<hbm>>) dst(%arg7 : memref<128x128xf32, #tpu.memory_space<vmem>>)
      tpu.yield
    }) : () -> ()
    %mul3A = arith.constant 632 : i32
    %mul3A_0 = arith.muli %arg1, %mul3A : i32
    %add3A = arith.constant 0 : i32
    %add3A_1 = arith.addi %mul3A_0, %add3A : i32
    %dma_start3A = arith.constant 0 : i32
    %dma_start3A_2 = arith.constant 0 : i32
    %dma_start3A_3 = tpu.memref_slice %arg7[%dma_start3A, %dma_start3A_2] : memref<128x128xf32, #tpu.memory_space<vmem>> -> memref<128x128xf32, #tpu.memory_space<vmem>>
    %dma_start3A_4 = arith.constant 0 : i32
    %dma_start3A_5 = tpu.memref_slice %arg8[%add3A_1, %dma_start3A_4] : memref<10112x128xf32, #tpu.memory_space<vmem_shared>> -> memref<128x128xf32, #tpu.memory_space<vmem_shared>>
    %dma_start3A_6 = arith.constant 0 : i32
    %dma_start3A_7 = tpu.memref_slice %arg8[%add3A_1, %dma_start3A_6] : memref<10112x128xf32, #tpu.memory_space<vmem_shared>> -> memref<128x128xf32, #tpu.memory_space<vmem_shared>>
    %dma_start3A_8 = arith.constant 0 : i32
    %dma_start3A_9 = arith.constant 0 : i32
    %dma_start3A_10 = tpu.memref_slice %arg7[%dma_start3A_8, %dma_start3A_9] : memref<128x128xf32, #tpu.memory_space<vmem>> -> memref<128x128xf32, #tpu.memory_space<vmem>>
    tpu.enqueue_dma source(%dma_start3A_10 : memref<128x128xf32, #tpu.memory_space<vmem>>) target(%dma_start3A_7 : memref<128x128xf32, #tpu.memory_space<vmem_shared>>) target_semaphore(%arg9 : memref<!tpu.dma_semaphore, #tpu.memory_space<semaphore_mem>>)
    %mul3A_11 = arith.constant 632 : i32
    %mul3A_12 = arith.muli %arg1, %mul3A_11 : i32
    %add3A_13 = arith.constant 128 : i32
    %add3A_14 = arith.addi %mul3A_12, %add3A_13 : i32
    %dma_start3A_15 = arith.constant 0 : i32
    %dma_start3A_16 = arith.constant 0 : i32
    %dma_start3A_17 = tpu.memref_slice %arg7[%dma_start3A_15, %dma_start3A_16] : memref<128x128xf32, #tpu.memory_space<vmem>> -> memref<128x128xf32, #tpu.memory_space<vmem>>
    %dma_start3A_18 = arith.constant 0 : i32
    %dma_start3A_19 = tpu.memref_slice %arg8[%add3A_14, %dma_start3A_18] : memref<10112x128xf32, #tpu.memory_space<vmem_shared>> -> memref<128x128xf32, #tpu.memory_space<vmem_shared>>
    %dma_start3A_20 = arith.constant 0 : i32
    %dma_start3A_21 = tpu.memref_slice %arg8[%add3A_14, %dma_start3A_20] : memref<10112x128xf32, #tpu.memory_space<vmem_shared>> -> memref<128x128xf32, #tpu.memory_space<vmem_shared>>
    %dma_start3A_22 = arith.constant 0 : i32
    %dma_start3A_23 = arith.constant 0 : i32
    %dma_start3A_24 = tpu.memref_slice %arg7[%dma_start3A_22, %dma_start3A_23] : memref<128x128xf32, #tpu.memory_space<vmem>> -> memref<128x128xf32, #tpu.memory_space<vmem>>
    tpu.enqueue_dma source(%dma_start3A_24 : memref<128x128xf32, #tpu.memory_space<vmem>>) target(%dma_start3A_21 : memref<128x128xf32, #tpu.memory_space<vmem_shared>>) target_semaphore(%arg9 : memref<!tpu.dma_semaphore, #tpu.memory_space<semaphore_mem>>)
    %mul3A_25 = arith.constant 632 : i32
    %mul3A_26 = arith.muli %arg1, %mul3A_25 : i32
    %add3A_27 = arith.constant 256 : i32
    %add3A_28 = arith.addi %mul3A_26, %add3A_27 : i32
    %dma_start3A_29 = arith.constant 0 : i32
    %dma_start3A_30 = arith.constant 0 : i32
    %dma_start3A_31 = tpu.memref_slice %arg7[%dma_start3A_29, %dma_start3A_30] : memref<128x128xf32, #tpu.memory_space<vmem>> -> memref<128x128xf32, #tpu.memory_space<vmem>>
    %dma_start3A_32 = arith.constant 0 : i32
    %dma_start3A_33 = tpu.memref_slice %arg8[%add3A_28, %dma_start3A_32] : memref<10112x128xf32, #tpu.memory_space<vmem_shared>> -> memref<128x128xf32, #tpu.memory_space<vmem_shared>>
    %dma_start3A_34 = arith.constant 0 : i32
    %dma_start3A_35 = tpu.memref_slice %arg8[%add3A_28, %dma_start3A_34] : memref<10112x128xf32, #tpu.memory_space<vmem_shared>> -> memref<128x128xf32, #tpu.memory_space<vmem_shared>>
    %dma_start3A_36 = arith.constant 0 : i32
    %dma_start3A_37 = arith.constant 0 : i32
    %dma_start3A_38 = tpu.memref_slice %arg7[%dma_start3A_36, %dma_start3A_37] : memref<128x128xf32, #tpu.memory_space<vmem>> -> memref<128x128xf32, #tpu.memory_space<vmem>>
    tpu.enqueue_dma source(%dma_start3A_38 : memref<128x128xf32, #tpu.memory_space<vmem>>) target(%dma_start3A_35 : memref<128x128xf32, #tpu.memory_space<vmem_shared>>) target_semaphore(%arg9 : memref<!tpu.dma_semaphore, #tpu.memory_space<semaphore_mem>>)
    %mul3A_39 = arith.constant 632 : i32
    %mul3A_40 = arith.muli %arg1, %mul3A_39 : i32
    %add3A_41 = arith.constant 384 : i32
    %add3A_42 = arith.addi %mul3A_40, %add3A_41 : i32
    %dma_start3A_43 = arith.constant 0 : i32
    %dma_start3A_44 = arith.constant 0 : i32
    %dma_start3A_45 = tpu.memref_slice %arg7[%dma_start3A_43, %dma_start3A_44] : memref<128x128xf32, #tpu.memory_space<vmem>> -> memref<128x128xf32, #tpu.memory_space<vmem>>
    %dma_start3A_46 = arith.constant 0 : i32
    %dma_start3A_47 = tpu.memref_slice %arg8[%add3A_42, %dma_start3A_46] : memref<10112x128xf32, #tpu.memory_space<vmem_shared>> -> memref<128x128xf32, #tpu.memory_space<vmem_shared>>
    %dma_start3A_48 = arith.constant 0 : i32
    %dma_start3A_49 = tpu.memref_slice %arg8[%add3A_42, %dma_start3A_48] : memref<10112x128xf32, #tpu.memory_space<vmem_shared>> -> memref<128x128xf32, #tpu.memory_space<vmem_shared>>
    %dma_start3A_50 = arith.constant 0 : i32
    %dma_start3A_51 = arith.constant 0 : i32
    %dma_start3A_52 = tpu.memref_slice %arg7[%dma_start3A_50, %dma_start3A_51] : memref<128x128xf32, #tpu.memory_space<vmem>> -> memref<128x128xf32, #tpu.memory_space<vmem>>
    tpu.enqueue_dma source(%dma_start3A_52 : memref<128x128xf32, #tpu.memory_space<vmem>>) target(%dma_start3A_49 : memref<128x128xf32, #tpu.memory_space<vmem_shared>>) target_semaphore(%arg9 : memref<!tpu.dma_semaphore, #tpu.memory_space<semaphore_mem>>)
    %mul3A_53 = arith.constant 632 : i32
    %mul3A_54 = arith.muli %arg1, %mul3A_53 : i32
    %add3A_55 = arith.constant 512 : i32
    %add3A_56 = arith.addi %mul3A_54, %add3A_55 : i32
    %dma_start3A_57 = arith.constant 0 : i32
    %dma_start3A_58 = arith.constant 0 : i32
    %dma_start3A_59 = tpu.memref_slice %arg7[%dma_start3A_57, %dma_start3A_58] : memref<128x128xf32, #tpu.memory_space<vmem>> -> memref<120x128xf32, #tpu.memory_space<vmem>>
    %dma_start3A_60 = arith.constant 0 : i32
    %dma_start3A_61 = tpu.memref_slice %arg8[%add3A_56, %dma_start3A_60] : memref<10112x128xf32, #tpu.memory_space<vmem_shared>> -> memref<120x128xf32, #tpu.memory_space<vmem_shared>>
    %dma_start3A_62 = arith.constant 0 : i32
    %dma_start3A_63 = tpu.memref_slice %arg8[%add3A_56, %dma_start3A_62] : memref<10112x128xf32, #tpu.memory_space<vmem_shared>> -> memref<120x128xf32, #tpu.memory_space<vmem_shared>>
    %dma_start3A_64 = arith.constant 0 : i32
    %dma_start3A_65 = arith.constant 0 : i32
    %dma_start3A_66 = tpu.memref_slice %arg7[%dma_start3A_64, %dma_start3A_65] : memref<128x128xf32, #tpu.memory_space<vmem>> -> memref<120x128xf32, #tpu.memory_space<vmem>>
    tpu.enqueue_dma source(%dma_start3A_66 : memref<120x128xf32, #tpu.memory_space<vmem>>) target(%dma_start3A_63 : memref<120x128xf32, #tpu.memory_space<vmem_shared>>) target_semaphore(%arg9 : memref<!tpu.dma_semaphore, #tpu.memory_space<semaphore_mem>>)
    %dma_wait3A = arith.constant 0 : i32
    %dma_wait3A_67 = arith.constant 0 : i32
    %dma_wait3A_68 = tpu.memref_slice %arg7[%dma_wait3A, %dma_wait3A_67] : memref<128x128xf32, #tpu.memory_space<vmem>> -> memref<128x128xf32, #tpu.memory_space<vmem>>
    %dma_wait3A_69 = arith.constant 0 : i32
    %dma_wait3A_70 = tpu.memref_slice %arg8[%add3A_1, %dma_wait3A_69] : memref<10112x128xf32, #tpu.memory_space<vmem_shared>> -> memref<128x128xf32, #tpu.memory_space<vmem_shared>>
    %dma_wait3A_71 = arith.constant 0 : i32
    %dma_wait3A_72 = tpu.memref_slice %arg8[%add3A_1, %dma_wait3A_71] : memref<10112x128xf32, #tpu.memory_space<vmem_shared>> -> memref<128x128xf32, #tpu.memory_space<vmem_shared>>
    %dma_wait3A_73 = arith.constant 0 : i32
    %dma_wait3A_74 = arith.constant 0 : i32
    %dma_wait3A_75 = tpu.memref_slice %arg7[%dma_wait3A_73, %dma_wait3A_74] : memref<128x128xf32, #tpu.memory_space<vmem>> -> memref<128x128xf32, #tpu.memory_space<vmem>>
    tpu.wait_dma2 semaphore(%arg9 : memref<!tpu.dma_semaphore, #tpu.memory_space<semaphore_mem>>) src(%dma_wait3A_75 : memref<128x128xf32, #tpu.memory_space<vmem>>) dst(%dma_wait3A_72 : memref<128x128xf32, #tpu.memory_space<vmem_shared>>)
    %dma_wait3A_76 = arith.constant 0 : i32
    %dma_wait3A_77 = arith.constant 0 : i32
    %dma_wait3A_78 = tpu.memref_slice %arg7[%dma_wait3A_76, %dma_wait3A_77] : memref<128x128xf32, #tpu.memory_space<vmem>> -> memref<128x128xf32, #tpu.memory_space<vmem>>
    %dma_wait3A_79 = arith.constant 0 : i32
    %dma_wait3A_80 = tpu.memref_slice %arg8[%add3A_14, %dma_wait3A_79] : memref<10112x128xf32, #tpu.memory_space<vmem_shared>> -> memref<128x128xf32, #tpu.memory_space<vmem_shared>>
    %dma_wait3A_81 = arith.constant 0 : i32
    %dma_wait3A_82 = tpu.memref_slice %arg8[%add3A_14, %dma_wait3A_81] : memref<10112x128xf32, #tpu.memory_space<vmem_shared>> -> memref<128x128xf32, #tpu.memory_space<vmem_shared>>
    %dma_wait3A_83 = arith.constant 0 : i32
    %dma_wait3A_84 = arith.constant 0 : i32
    %dma_wait3A_85 = tpu.memref_slice %arg7[%dma_wait3A_83, %dma_wait3A_84] : memref<128x128xf32, #tpu.memory_space<vmem>> -> memref<128x128xf32, #tpu.memory_space<vmem>>
    tpu.wait_dma2 semaphore(%arg9 : memref<!tpu.dma_semaphore, #tpu.memory_space<semaphore_mem>>) src(%dma_wait3A_85 : memref<128x128xf32, #tpu.memory_space<vmem>>) dst(%dma_wait3A_82 : memref<128x128xf32, #tpu.memory_space<vmem_shared>>)
    %dma_wait3A_86 = arith.constant 0 : i32
    %dma_wait3A_87 = arith.constant 0 : i32
    %dma_wait3A_88 = tpu.memref_slice %arg7[%dma_wait3A_86, %dma_wait3A_87] : memref<128x128xf32, #tpu.memory_space<vmem>> -> memref<128x128xf32, #tpu.memory_space<vmem>>
    %dma_wait3A_89 = arith.constant 0 : i32
    %dma_wait3A_90 = tpu.memref_slice %arg8[%add3A_28, %dma_wait3A_89] : memref<10112x128xf32, #tpu.memory_space<vmem_shared>> -> memref<128x128xf32, #tpu.memory_space<vmem_shared>>
    %dma_wait3A_91 = arith.constant 0 : i32
    %dma_wait3A_92 = tpu.memref_slice %arg8[%add3A_28, %dma_wait3A_91] : memref<10112x128xf32, #tpu.memory_space<vmem_shared>> -> memref<128x128xf32, #tpu.memory_space<vmem_shared>>
    %dma_wait3A_93 = arith.constant 0 : i32
    %dma_wait3A_94 = arith.constant 0 : i32
    %dma_wait3A_95 = tpu.memref_slice %arg7[%dma_wait3A_93, %dma_wait3A_94] : memref<128x128xf32, #tpu.memory_space<vmem>> -> memref<128x128xf32, #tpu.memory_space<vmem>>
    tpu.wait_dma2 semaphore(%arg9 : memref<!tpu.dma_semaphore, #tpu.memory_space<semaphore_mem>>) src(%dma_wait3A_95 : memref<128x128xf32, #tpu.memory_space<vmem>>) dst(%dma_wait3A_92 : memref<128x128xf32, #tpu.memory_space<vmem_shared>>)
    %dma_wait3A_96 = arith.constant 0 : i32
    %dma_wait3A_97 = arith.constant 0 : i32
    %dma_wait3A_98 = tpu.memref_slice %arg7[%dma_wait3A_96, %dma_wait3A_97] : memref<128x128xf32, #tpu.memory_space<vmem>> -> memref<128x128xf32, #tpu.memory_space<vmem>>
    %dma_wait3A_99 = arith.constant 0 : i32
    %dma_wait3A_100 = tpu.memref_slice %arg8[%add3A_42, %dma_wait3A_99] : memref<10112x128xf32, #tpu.memory_space<vmem_shared>> -> memref<128x128xf32, #tpu.memory_space<vmem_shared>>
    %dma_wait3A_101 = arith.constant 0 : i32
    %dma_wait3A_102 = tpu.memref_slice %arg8[%add3A_42, %dma_wait3A_101] : memref<10112x128xf32, #tpu.memory_space<vmem_shared>> -> memref<128x128xf32, #tpu.memory_space<vmem_shared>>
    %dma_wait3A_103 = arith.constant 0 : i32
    %dma_wait3A_104 = arith.constant 0 : i32
    %dma_wait3A_105 = tpu.memref_slice %arg7[%dma_wait3A_103, %dma_wait3A_104] : memref<128x128xf32, #tpu.memory_space<vmem>> -> memref<128x128xf32, #tpu.memory_space<vmem>>
    tpu.wait_dma2 semaphore(%arg9 : memref<!tpu.dma_semaphore, #tpu.memory_space<semaphore_mem>>) src(%dma_wait3A_105 : memref<128x128xf32, #tpu.memory_space<vmem>>) dst(%dma_wait3A_102 : memref<128x128xf32, #tpu.memory_space<vmem_shared>>)
    %dma_wait3A_106 = arith.constant 0 : i32
    %dma_wait3A_107 = arith.constant 0 : i32
    %dma_wait3A_108 = tpu.memref_slice %arg7[%dma_wait3A_106, %dma_wait3A_107] : memref<128x128xf32, #tpu.memory_space<vmem>> -> memref<120x128xf32, #tpu.memory_space<vmem>>
    %dma_wait3A_109 = arith.constant 0 : i32
    %dma_wait3A_110 = tpu.memref_slice %arg8[%add3A_56, %dma_wait3A_109] : memref<10112x128xf32, #tpu.memory_space<vmem_shared>> -> memref<120x128xf32, #tpu.memory_space<vmem_shared>>
    %dma_wait3A_111 = arith.constant 0 : i32
    %dma_wait3A_112 = tpu.memref_slice %arg8[%add3A_56, %dma_wait3A_111] : memref<10112x128xf32, #tpu.memory_space<vmem_shared>> -> memref<120x128xf32, #tpu.memory_space<vmem_shared>>
    %dma_wait3A_113 = arith.constant 0 : i32
    %dma_wait3A_114 = arith.constant 0 : i32
    %dma_wait3A_115 = tpu.memref_slice %arg7[%dma_wait3A_113, %dma_wait3A_114] : memref<128x128xf32, #tpu.memory_space<vmem>> -> memref<120x128xf32, #tpu.memory_space<vmem>>
    tpu.wait_dma2 semaphore(%arg9 : memref<!tpu.dma_semaphore, #tpu.memory_space<semaphore_mem>>) src(%dma_wait3A_115 : memref<120x128xf32, #tpu.memory_space<vmem>>) dst(%dma_wait3A_112 : memref<120x128xf32, #tpu.memory_space<vmem_shared>>)
    "tpu.region"() ({
      %run_scoped3A = tpu.sem_alloc : memref<!tpu.dma_semaphore, #tpu.memory_space<semaphore_mem>>
      tpu.enqueue_dma source(%arg4 : memref<128x128xf32, #tpu.memory_space<hbm>>) target(%arg7 : memref<128x128xf32, #tpu.memory_space<vmem>>) target_semaphore(%run_scoped3A : memref<!tpu.dma_semaphore, #tpu.memory_space<semaphore_mem>>)
      tpu.wait_dma2 semaphore(%run_scoped3A : memref<!tpu.dma_semaphore, #tpu.memory_space<semaphore_mem>>) src(%arg4 : memref<128x128xf32, #tpu.memory_space<hbm>>) dst(%arg7 : memref<128x128xf32, #tpu.memory_space<vmem>>)
      tpu.yield
    }) : () -> ()
    %barrier3A = arith.constant 0 : index
    tpu.barrier barrier_id(%barrier3A)
    %scan3A = arith.constant 0 : i32
    %scan3A_116 = arith.constant 0 : i32
    %scan3A_117 = arith.constant 10 : i32
    %scan3A_118 = arith.addi %scan3A_116, %scan3A_117 : i32
    %scan3A_119 = arith.constant 1 : i32
    scf.for %scan3A_162 = %scan3A_116 to %scan3A_118 step %scan3A_119  : i32 {
      "tpu.region"() ({
        %run_scoped3A = tpu.sem_alloc : memref<!tpu.dma_semaphore, #tpu.memory_space<semaphore_mem>>
        %dma_start3A_275 = arith.constant 0 : i32
        %dma_start3A_276 = arith.constant 0 : i32
        %dma_start3A_277 = tpu.memref_slice %arg2[%arg0, %arg1, %scan3A_162, %dma_start3A_275, %dma_start3A_276] : memref<2x16x10x8x128xi32, #tpu.memory_space<hbm>> -> memref<1x1x1x8x128xi32, #tpu.memory_space<hbm>>
        %dma_start3A_278 = tpu.memref_squeeze %dma_start3A_277 : memref<1x1x1x8x128xi32, #tpu.memory_space<hbm>> -> memref<8x128xi32, #tpu.memory_space<hbm>>
        %dma_start3A_279 = arith.constant 0 : i32
        %dma_start3A_280 = arith.constant 0 : i32
        %dma_start3A_281 = tpu.memref_slice %arg2[%arg0, %arg1, %scan3A_162, %dma_start3A_279, %dma_start3A_280] : memref<2x16x10x8x128xi32, #tpu.memory_space<hbm>> -> memref<1x1x1x8x128xi32, #tpu.memory_space<hbm>>
        %dma_start3A_282 = tpu.memref_squeeze %dma_start3A_281 : memref<1x1x1x8x128xi32, #tpu.memory_space<hbm>> -> memref<8x128xi32, #tpu.memory_space<hbm>>
        tpu.enqueue_dma source(%dma_start3A_282 : memref<8x128xi32, #tpu.memory_space<hbm>>) target(%arg6 : memref<8x128xi32, #tpu.memory_space<vmem>>) target_semaphore(%run_scoped3A : memref<!tpu.dma_semaphore, #tpu.memory_space<semaphore_mem>>)
        %dma_wait3A_283 = arith.constant 0 : i32
        %dma_wait3A_284 = arith.constant 0 : i32
        %dma_wait3A_285 = tpu.memref_slice %arg2[%arg0, %arg1, %scan3A_162, %dma_wait3A_283, %dma_wait3A_284] : memref<2x16x10x8x128xi32, #tpu.memory_space<hbm>> -> memref<1x1x1x8x128xi32, #tpu.memory_space<hbm>>
        %dma_wait3A_286 = tpu.memref_squeeze %dma_wait3A_285 : memref<1x1x1x8x128xi32, #tpu.memory_space<hbm>> -> memref<8x128xi32, #tpu.memory_space<hbm>>
        %dma_wait3A_287 = arith.constant 0 : i32
        %dma_wait3A_288 = arith.constant 0 : i32
        %dma_wait3A_289 = tpu.memref_slice %arg2[%arg0, %arg1, %scan3A_162, %dma_wait3A_287, %dma_wait3A_288] : memref<2x16x10x8x128xi32, #tpu.memory_space<hbm>> -> memref<1x1x1x8x128xi32, #tpu.memory_space<hbm>>
        %dma_wait3A_290 = tpu.memref_squeeze %dma_wait3A_289 : memref<1x1x1x8x128xi32, #tpu.memory_space<hbm>> -> memref<8x128xi32, #tpu.memory_space<hbm>>
        tpu.wait_dma2 semaphore(%run_scoped3A : memref<!tpu.dma_semaphore, #tpu.memory_space<semaphore_mem>>) src(%dma_wait3A_290 : memref<8x128xi32, #tpu.memory_space<hbm>>) dst(%arg6 : memref<8x128xi32, #tpu.memory_space<vmem>>)
        tpu.yield
      }) : () -> ()
      %dma_start3A_163 = arith.constant 0 : i32
      %dma_start3A_164 = arith.constant 0 : i32
      %dma_start3A_165 = tpu.memref_slice %arg6[%dma_start3A_163, %dma_start3A_164] : memref<8x128xi32, #tpu.memory_space<vmem>> -> memref<1x128xi32, #tpu.memory_space<vmem>>
      %dma_start3A_166 = tpu.memref_squeeze %dma_start3A_165 : memref<1x128xi32, #tpu.memory_space<vmem>> -> memref<128xi32, #tpu.memory_space<vmem>>
      %dma_start3A_167 = arith.constant 0 : i32
      %dma_start3A_168 = arith.constant 0 : i32
      %dma_start3A_169 = tpu.memref_slice %arg8[%dma_start3A_167, %dma_start3A_168] : memref<10112x128xf32, #tpu.memory_space<vmem_shared>> -> memref<10112x128xf32, #tpu.memory_space<vmem_shared>>
      tpu.enqueue_indirect_dma source(%arg7 : memref<128x128xf32, #tpu.memory_space<vmem>>) target(%dma_start3A_169 : memref<10112x128xf32, #tpu.memory_space<vmem_shared>>) offsets(%dma_start3A_166 : memref<128xi32, #tpu.memory_space<vmem>>) semaphore(%arg9 : memref<!tpu.dma_semaphore, #tpu.memory_space<semaphore_mem>>) {add = true}
      %dma_start3A_170 = arith.constant 1 : i32
      %dma_start3A_171 = arith.constant 0 : i32
      %dma_start3A_172 = tpu.memref_slice %arg6[%dma_start3A_170, %dma_start3A_171] : memref<8x128xi32, #tpu.memory_space<vmem>> -> memref<1x128xi32, #tpu.memory_space<vmem>>
      %dma_start3A_173 = tpu.memref_squeeze %dma_start3A_172 : memref<1x128xi32, #tpu.memory_space<vmem>> -> memref<128xi32, #tpu.memory_space<vmem>>
      %dma_start3A_174 = arith.constant 0 : i32
      %dma_start3A_175 = arith.constant 0 : i32
      %dma_start3A_176 = tpu.memref_slice %arg8[%dma_start3A_174, %dma_start3A_175] : memref<10112x128xf32, #tpu.memory_space<vmem_shared>> -> memref<10112x128xf32, #tpu.memory_space<vmem_shared>>
      tpu.enqueue_indirect_dma source(%arg7 : memref<128x128xf32, #tpu.memory_space<vmem>>) target(%dma_start3A_176 : memref<10112x128xf32, #tpu.memory_space<vmem_shared>>) offsets(%dma_start3A_173 : memref<128xi32, #tpu.memory_space<vmem>>) semaphore(%arg9 : memref<!tpu.dma_semaphore, #tpu.memory_space<semaphore_mem>>) {add = true}
      %dma_start3A_177 = arith.constant 2 : i32
      %dma_start3A_178 = arith.constant 0 : i32
      %dma_start3A_179 = tpu.memref_slice %arg6[%dma_start3A_177, %dma_start3A_178] : memref<8x128xi32, #tpu.memory_space<vmem>> -> memref<1x128xi32, #tpu.memory_space<vmem>>
      %dma_start3A_180 = tpu.memref_squeeze %dma_start3A_179 : memref<1x128xi32, #tpu.memory_space<vmem>> -> memref<128xi32, #tpu.memory_space<vmem>>
      %dma_start3A_181 = arith.constant 0 : i32
      %dma_start3A_182 = arith.constant 0 : i32
      %dma_start3A_183 = tpu.memref_slice %arg8[%dma_start3A_181, %dma_start3A_182] : memref<10112x128xf32, #tpu.memory_space<vmem_shared>> -> memref<10112x128xf32, #tpu.memory_space<vmem_shared>>
      tpu.enqueue_indirect_dma source(%arg7 : memref<128x128xf32, #tpu.memory_space<vmem>>) target(%dma_start3A_183 : memref<10112x128xf32, #tpu.memory_space<vmem_shared>>) offsets(%dma_start3A_180 : memref<128xi32, #tpu.memory_space<vmem>>) semaphore(%arg9 : memref<!tpu.dma_semaphore, #tpu.memory_space<semaphore_mem>>) {add = true}
      %dma_start3A_184 = arith.constant 3 : i32
      %dma_start3A_185 = arith.constant 0 : i32
      %dma_start3A_186 = tpu.memref_slice %arg6[%dma_start3A_184, %dma_start3A_185] : memref<8x128xi32, #tpu.memory_space<vmem>> -> memref<1x128xi32, #tpu.memory_space<vmem>>
      %dma_start3A_187 = tpu.memref_squeeze %dma_start3A_186 : memref<1x128xi32, #tpu.memory_space<vmem>> -> memref<128xi32, #tpu.memory_space<vmem>>
      %dma_start3A_188 = arith.constant 0 : i32
      %dma_start3A_189 = arith.constant 0 : i32
      %dma_start3A_190 = tpu.memref_slice %arg8[%dma_start3A_188, %dma_start3A_189] : memref<10112x128xf32, #tpu.memory_space<vmem_shared>> -> memref<10112x128xf32, #tpu.memory_space<vmem_shared>>
      tpu.enqueue_indirect_dma source(%arg7 : memref<128x128xf32, #tpu.memory_space<vmem>>) target(%dma_start3A_190 : memref<10112x128xf32, #tpu.memory_space<vmem_shared>>) offsets(%dma_start3A_187 : memref<128xi32, #tpu.memory_space<vmem>>) semaphore(%arg9 : memref<!tpu.dma_semaphore, #tpu.memory_space<semaphore_mem>>) {add = true}
      %dma_start3A_191 = arith.constant 4 : i32
      %dma_start3A_192 = arith.constant 0 : i32
      %dma_start3A_193 = tpu.memref_slice %arg6[%dma_start3A_191, %dma_start3A_192] : memref<8x128xi32, #tpu.memory_space<vmem>> -> memref<1x128xi32, #tpu.memory_space<vmem>>
      %dma_start3A_194 = tpu.memref_squeeze %dma_start3A_193 : memref<1x128xi32, #tpu.memory_space<vmem>> -> memref<128xi32, #tpu.memory_space<vmem>>
      %dma_start3A_195 = arith.constant 0 : i32
      %dma_start3A_196 = arith.constant 0 : i32
      %dma_start3A_197 = tpu.memref_slice %arg8[%dma_start3A_195, %dma_start3A_196] : memref<10112x128xf32, #tpu.memory_space<vmem_shared>> -> memref<10112x128xf32, #tpu.memory_space<vmem_shared>>
      tpu.enqueue_indirect_dma source(%arg7 : memref<128x128xf32, #tpu.memory_space<vmem>>) target(%dma_start3A_197 : memref<10112x128xf32, #tpu.memory_space<vmem_shared>>) offsets(%dma_start3A_194 : memref<128xi32, #tpu.memory_space<vmem>>) semaphore(%arg9 : memref<!tpu.dma_semaphore, #tpu.memory_space<semaphore_mem>>) {add = true}
      %dma_start3A_198 = arith.constant 5 : i32
      %dma_start3A_199 = arith.constant 0 : i32
      %dma_start3A_200 = tpu.memref_slice %arg6[%dma_start3A_198, %dma_start3A_199] : memref<8x128xi32, #tpu.memory_space<vmem>> -> memref<1x128xi32, #tpu.memory_space<vmem>>
      %dma_start3A_201 = tpu.memref_squeeze %dma_start3A_200 : memref<1x128xi32, #tpu.memory_space<vmem>> -> memref<128xi32, #tpu.memory_space<vmem>>
      %dma_start3A_202 = arith.constant 0 : i32
      %dma_start3A_203 = arith.constant 0 : i32
      %dma_start3A_204 = tpu.memref_slice %arg8[%dma_start3A_202, %dma_start3A_203] : memref<10112x128xf32, #tpu.memory_space<vmem_shared>> -> memref<10112x128xf32, #tpu.memory_space<vmem_shared>>
      tpu.enqueue_indirect_dma source(%arg7 : memref<128x128xf32, #tpu.memory_space<vmem>>) target(%dma_start3A_204 : memref<10112x128xf32, #tpu.memory_space<vmem_shared>>) offsets(%dma_start3A_201 : memref<128xi32, #tpu.memory_space<vmem>>) semaphore(%arg9 : memref<!tpu.dma_semaphore, #tpu.memory_space<semaphore_mem>>) {add = true}
      %dma_start3A_205 = arith.constant 6 : i32
      %dma_start3A_206 = arith.constant 0 : i32
      %dma_start3A_207 = tpu.memref_slice %arg6[%dma_start3A_205, %dma_start3A_206] : memref<8x128xi32, #tpu.memory_space<vmem>> -> memref<1x128xi32, #tpu.memory_space<vmem>>
      %dma_start3A_208 = tpu.memref_squeeze %dma_start3A_207 : memref<1x128xi32, #tpu.memory_space<vmem>> -> memref<128xi32, #tpu.memory_space<vmem>>
      %dma_start3A_209 = arith.constant 0 : i32
      %dma_start3A_210 = arith.constant 0 : i32
      %dma_start3A_211 = tpu.memref_slice %arg8[%dma_start3A_209, %dma_start3A_210] : memref<10112x128xf32, #tpu.memory_space<vmem_shared>> -> memref<10112x128xf32, #tpu.memory_space<vmem_shared>>
      tpu.enqueue_indirect_dma source(%arg7 : memref<128x128xf32, #tpu.memory_space<vmem>>) target(%dma_start3A_211 : memref<10112x128xf32, #tpu.memory_space<vmem_shared>>) offsets(%dma_start3A_208 : memref<128xi32, #tpu.memory_space<vmem>>) semaphore(%arg9 : memref<!tpu.dma_semaphore, #tpu.memory_space<semaphore_mem>>) {add = true}
      %dma_start3A_212 = arith.constant 7 : i32
      %dma_start3A_213 = arith.constant 0 : i32
      %dma_start3A_214 = tpu.memref_slice %arg6[%dma_start3A_212, %dma_start3A_213] : memref<8x128xi32, #tpu.memory_space<vmem>> -> memref<1x128xi32, #tpu.memory_space<vmem>>
      %dma_start3A_215 = tpu.memref_squeeze %dma_start3A_214 : memref<1x128xi32, #tpu.memory_space<vmem>> -> memref<128xi32, #tpu.memory_space<vmem>>
      %dma_start3A_216 = arith.constant 0 : i32
      %dma_start3A_217 = arith.constant 0 : i32
      %dma_start3A_218 = tpu.memref_slice %arg8[%dma_start3A_216, %dma_start3A_217] : memref<10112x128xf32, #tpu.memory_space<vmem_shared>> -> memref<10112x128xf32, #tpu.memory_space<vmem_shared>>
      tpu.enqueue_indirect_dma source(%arg7 : memref<128x128xf32, #tpu.memory_space<vmem>>) target(%dma_start3A_218 : memref<10112x128xf32, #tpu.memory_space<vmem_shared>>) offsets(%dma_start3A_215 : memref<128xi32, #tpu.memory_space<vmem>>) semaphore(%arg9 : memref<!tpu.dma_semaphore, #tpu.memory_space<semaphore_mem>>) {add = true}
      %dma_wait3A_219 = arith.constant 0 : i32
      %dma_wait3A_220 = arith.constant 0 : i32
      %dma_wait3A_221 = tpu.memref_slice %arg6[%dma_wait3A_219, %dma_wait3A_220] : memref<8x128xi32, #tpu.memory_space<vmem>> -> memref<1x128xi32, #tpu.memory_space<vmem>>
      %dma_wait3A_222 = tpu.memref_squeeze %dma_wait3A_221 : memref<1x128xi32, #tpu.memory_space<vmem>> -> memref<128xi32, #tpu.memory_space<vmem>>
      %dma_wait3A_223 = arith.constant 0 : i32
      %dma_wait3A_224 = arith.constant 0 : i32
      %dma_wait3A_225 = tpu.memref_slice %arg8[%dma_wait3A_223, %dma_wait3A_224] : memref<10112x128xf32, #tpu.memory_space<vmem_shared>> -> memref<10112x128xf32, #tpu.memory_space<vmem_shared>>
      tpu.wait_indirect_dma semaphore(%arg9 : memref<!tpu.dma_semaphore, #tpu.memory_space<semaphore_mem>>) src(%arg7 : memref<128x128xf32, #tpu.memory_space<vmem>>) dst(%dma_wait3A_225 : memref<10112x128xf32, #tpu.memory_space<vmem_shared>>)
      %dma_wait3A_226 = arith.constant 1 : i32
      %dma_wait3A_227 = arith.constant 0 : i32
      %dma_wait3A_228 = tpu.memref_slice %arg6[%dma_wait3A_226, %dma_wait3A_227] : memref<8x128xi32, #tpu.memory_space<vmem>> -> memref<1x128xi32, #tpu.memory_space<vmem>>
      %dma_wait3A_229 = tpu.memref_squeeze %dma_wait3A_228 : memref<1x128xi32, #tpu.memory_space<vmem>> -> memref<128xi32, #tpu.memory_space<vmem>>
      %dma_wait3A_230 = arith.constant 0 : i32
      %dma_wait3A_231 = arith.constant 0 : i32
      %dma_wait3A_232 = tpu.memref_slice %arg8[%dma_wait3A_230, %dma_wait3A_231] : memref<10112x128xf32, #tpu.memory_space<vmem_shared>> -> memref<10112x128xf32, #tpu.memory_space<vmem_shared>>
      tpu.wait_indirect_dma semaphore(%arg9 : memref<!tpu.dma_semaphore, #tpu.memory_space<semaphore_mem>>) src(%arg7 : memref<128x128xf32, #tpu.memory_space<vmem>>) dst(%dma_wait3A_232 : memref<10112x128xf32, #tpu.memory_space<vmem_shared>>)
      %dma_wait3A_233 = arith.constant 2 : i32
      %dma_wait3A_234 = arith.constant 0 : i32
      %dma_wait3A_235 = tpu.memref_slice %arg6[%dma_wait3A_233, %dma_wait3A_234] : memref<8x128xi32, #tpu.memory_space<vmem>> -> memref<1x128xi32, #tpu.memory_space<vmem>>
      %dma_wait3A_236 = tpu.memref_squeeze %dma_wait3A_235 : memref<1x128xi32, #tpu.memory_space<vmem>> -> memref<128xi32, #tpu.memory_space<vmem>>
      %dma_wait3A_237 = arith.constant 0 : i32
      %dma_wait3A_238 = arith.constant 0 : i32
      %dma_wait3A_239 = tpu.memref_slice %arg8[%dma_wait3A_237, %dma_wait3A_238] : memref<10112x128xf32, #tpu.memory_space<vmem_shared>> -> memref<10112x128xf32, #tpu.memory_space<vmem_shared>>
      tpu.wait_indirect_dma semaphore(%arg9 : memref<!tpu.dma_semaphore, #tpu.memory_space<semaphore_mem>>) src(%arg7 : memref<128x128xf32, #tpu.memory_space<vmem>>) dst(%dma_wait3A_239 : memref<10112x128xf32, #tpu.memory_space<vmem_shared>>)
      %dma_wait3A_240 = arith.constant 3 : i32
      %dma_wait3A_241 = arith.constant 0 : i32
      %dma_wait3A_242 = tpu.memref_slice %arg6[%dma_wait3A_240, %dma_wait3A_241] : memref<8x128xi32, #tpu.memory_space<vmem>> -> memref<1x128xi32, #tpu.memory_space<vmem>>
      %dma_wait3A_243 = tpu.memref_squeeze %dma_wait3A_242 : memref<1x128xi32, #tpu.memory_space<vmem>> -> memref<128xi32, #tpu.memory_space<vmem>>
      %dma_wait3A_244 = arith.constant 0 : i32
      %dma_wait3A_245 = arith.constant 0 : i32
      %dma_wait3A_246 = tpu.memref_slice %arg8[%dma_wait3A_244, %dma_wait3A_245] : memref<10112x128xf32, #tpu.memory_space<vmem_shared>> -> memref<10112x128xf32, #tpu.memory_space<vmem_shared>>
      tpu.wait_indirect_dma semaphore(%arg9 : memref<!tpu.dma_semaphore, #tpu.memory_space<semaphore_mem>>) src(%arg7 : memref<128x128xf32, #tpu.memory_space<vmem>>) dst(%dma_wait3A_246 : memref<10112x128xf32, #tpu.memory_space<vmem_shared>>)
      %dma_wait3A_247 = arith.constant 4 : i32
      %dma_wait3A_248 = arith.constant 0 : i32
      %dma_wait3A_249 = tpu.memref_slice %arg6[%dma_wait3A_247, %dma_wait3A_248] : memref<8x128xi32, #tpu.memory_space<vmem>> -> memref<1x128xi32, #tpu.memory_space<vmem>>
      %dma_wait3A_250 = tpu.memref_squeeze %dma_wait3A_249 : memref<1x128xi32, #tpu.memory_space<vmem>> -> memref<128xi32, #tpu.memory_space<vmem>>
      %dma_wait3A_251 = arith.constant 0 : i32
      %dma_wait3A_252 = arith.constant 0 : i32
      %dma_wait3A_253 = tpu.memref_slice %arg8[%dma_wait3A_251, %dma_wait3A_252] : memref<10112x128xf32, #tpu.memory_space<vmem_shared>> -> memref<10112x128xf32, #tpu.memory_space<vmem_shared>>
      tpu.wait_indirect_dma semaphore(%arg9 : memref<!tpu.dma_semaphore, #tpu.memory_space<semaphore_mem>>) src(%arg7 : memref<128x128xf32, #tpu.memory_space<vmem>>) dst(%dma_wait3A_253 : memref<10112x128xf32, #tpu.memory_space<vmem_shared>>)
      %dma_wait3A_254 = arith.constant 5 : i32
      %dma_wait3A_255 = arith.constant 0 : i32
      %dma_wait3A_256 = tpu.memref_slice %arg6[%dma_wait3A_254, %dma_wait3A_255] : memref<8x128xi32, #tpu.memory_space<vmem>> -> memref<1x128xi32, #tpu.memory_space<vmem>>
      %dma_wait3A_257 = tpu.memref_squeeze %dma_wait3A_256 : memref<1x128xi32, #tpu.memory_space<vmem>> -> memref<128xi32, #tpu.memory_space<vmem>>
      %dma_wait3A_258 = arith.constant 0 : i32
      %dma_wait3A_259 = arith.constant 0 : i32
      %dma_wait3A_260 = tpu.memref_slice %arg8[%dma_wait3A_258, %dma_wait3A_259] : memref<10112x128xf32, #tpu.memory_space<vmem_shared>> -> memref<10112x128xf32, #tpu.memory_space<vmem_shared>>
      tpu.wait_indirect_dma semaphore(%arg9 : memref<!tpu.dma_semaphore, #tpu.memory_space<semaphore_mem>>) src(%arg7 : memref<128x128xf32, #tpu.memory_space<vmem>>) dst(%dma_wait3A_260 : memref<10112x128xf32, #tpu.memory_space<vmem_shared>>)
      %dma_wait3A_261 = arith.constant 6 : i32
      %dma_wait3A_262 = arith.constant 0 : i32
      %dma_wait3A_263 = tpu.memref_slice %arg6[%dma_wait3A_261, %dma_wait3A_262] : memref<8x128xi32, #tpu.memory_space<vmem>> -> memref<1x128xi32, #tpu.memory_space<vmem>>
      %dma_wait3A_264 = tpu.memref_squeeze %dma_wait3A_263 : memref<1x128xi32, #tpu.memory_space<vmem>> -> memref<128xi32, #tpu.memory_space<vmem>>
      %dma_wait3A_265 = arith.constant 0 : i32
      %dma_wait3A_266 = arith.constant 0 : i32
      %dma_wait3A_267 = tpu.memref_slice %arg8[%dma_wait3A_265, %dma_wait3A_266] : memref<10112x128xf32, #tpu.memory_space<vmem_shared>> -> memref<10112x128xf32, #tpu.memory_space<vmem_shared>>
      tpu.wait_indirect_dma semaphore(%arg9 : memref<!tpu.dma_semaphore, #tpu.memory_space<semaphore_mem>>) src(%arg7 : memref<128x128xf32, #tpu.memory_space<vmem>>) dst(%dma_wait3A_267 : memref<10112x128xf32, #tpu.memory_space<vmem_shared>>)
      %dma_wait3A_268 = arith.constant 7 : i32
      %dma_wait3A_269 = arith.constant 0 : i32
      %dma_wait3A_270 = tpu.memref_slice %arg6[%dma_wait3A_268, %dma_wait3A_269] : memref<8x128xi32, #tpu.memory_space<vmem>> -> memref<1x128xi32, #tpu.memory_space<vmem>>
      %dma_wait3A_271 = tpu.memref_squeeze %dma_wait3A_270 : memref<1x128xi32, #tpu.memory_space<vmem>> -> memref<128xi32, #tpu.memory_space<vmem>>
      %dma_wait3A_272 = arith.constant 0 : i32
      %dma_wait3A_273 = arith.constant 0 : i32
      %dma_wait3A_274 = tpu.memref_slice %arg8[%dma_wait3A_272, %dma_wait3A_273] : memref<10112x128xf32, #tpu.memory_space<vmem_shared>> -> memref<10112x128xf32, #tpu.memory_space<vmem_shared>>
      tpu.wait_indirect_dma semaphore(%arg9 : memref<!tpu.dma_semaphore, #tpu.memory_space<semaphore_mem>>) src(%arg7 : memref<128x128xf32, #tpu.memory_space<vmem>>) dst(%dma_wait3A_274 : memref<10112x128xf32, #tpu.memory_space<vmem_shared>>)
    }
    %scan3A_120 = arith.constant 10 : i32
    %barrier3A_121 = arith.constant 0 : index
    tpu.barrier barrier_id(%barrier3A_121)
    %mul3A_122 = arith.constant 632 : i32
    %mul3A_123 = arith.muli %arg1, %mul3A_122 : i32
    %add3A_124 = arith.constant 0 : i32
    %add3A_125 = arith.addi %mul3A_123, %add3A_124 : i32
    "tpu.region"() ({
      %run_scoped3A = tpu.sem_alloc : memref<!tpu.dma_semaphore, #tpu.memory_space<semaphore_mem>>
      %dma_start3A_162 = arith.constant 0 : i32
      %dma_start3A_163 = arith.constant 0 : i32
      %dma_start3A_164 = tpu.memref_slice %arg7[%dma_start3A_162, %dma_start3A_163] : memref<128x128xf32, #tpu.memory_space<vmem>> -> memref<128x128xf32, #tpu.memory_space<vmem>>
      %dma_start3A_165 = arith.constant 0 : i32
      %dma_start3A_166 = tpu.memref_slice %arg8[%add3A_125, %dma_start3A_165] : memref<10112x128xf32, #tpu.memory_space<vmem_shared>> -> memref<128x128xf32, #tpu.memory_space<vmem_shared>>
      %dma_start3A_167 = arith.constant 0 : i32
      %dma_start3A_168 = arith.constant 0 : i32
      %dma_start3A_169 = tpu.memref_slice %arg7[%dma_start3A_167, %dma_start3A_168] : memref<128x128xf32, #tpu.memory_space<vmem>> -> memref<128x128xf32, #tpu.memory_space<vmem>>
      %dma_start3A_170 = arith.constant 0 : i32
      %dma_start3A_171 = tpu.memref_slice %arg8[%add3A_125, %dma_start3A_170] : memref<10112x128xf32, #tpu.memory_space<vmem_shared>> -> memref<128x128xf32, #tpu.memory_space<vmem_shared>>
      tpu.enqueue_dma source(%dma_start3A_171 : memref<128x128xf32, #tpu.memory_space<vmem_shared>>) target(%dma_start3A_169 : memref<128x128xf32, #tpu.memory_space<vmem>>) target_semaphore(%run_scoped3A : memref<!tpu.dma_semaphore, #tpu.memory_space<semaphore_mem>>)
      %dma_wait3A_172 = arith.constant 0 : i32
      %dma_wait3A_173 = arith.constant 0 : i32
      %dma_wait3A_174 = tpu.memref_slice %arg7[%dma_wait3A_172, %dma_wait3A_173] : memref<128x128xf32, #tpu.memory_space<vmem>> -> memref<128x128xf32, #tpu.memory_space<vmem>>
      %dma_wait3A_175 = arith.constant 0 : i32
      %dma_wait3A_176 = tpu.memref_slice %arg8[%add3A_125, %dma_wait3A_175] : memref<10112x128xf32, #tpu.memory_space<vmem_shared>> -> memref<128x128xf32, #tpu.memory_space<vmem_shared>>
      %dma_wait3A_177 = arith.constant 0 : i32
      %dma_wait3A_178 = arith.constant 0 : i32
      %dma_wait3A_179 = tpu.memref_slice %arg7[%dma_wait3A_177, %dma_wait3A_178] : memref<128x128xf32, #tpu.memory_space<vmem>> -> memref<128x128xf32, #tpu.memory_space<vmem>>
      %dma_wait3A_180 = arith.constant 0 : i32
      %dma_wait3A_181 = tpu.memref_slice %arg8[%add3A_125, %dma_wait3A_180] : memref<10112x128xf32, #tpu.memory_space<vmem_shared>> -> memref<128x128xf32, #tpu.memory_space<vmem_shared>>
      tpu.wait_dma2 semaphore(%run_scoped3A : memref<!tpu.dma_semaphore, #tpu.memory_space<semaphore_mem>>) src(%dma_wait3A_181 : memref<128x128xf32, #tpu.memory_space<vmem_shared>>) dst(%dma_wait3A_179 : memref<128x128xf32, #tpu.memory_space<vmem>>)
      tpu.yield
    }) : () -> ()
    %mul3A_126 = arith.constant 632 : i32
    %mul3A_127 = arith.muli %arg1, %mul3A_126 : i32
    %add3A_128 = arith.constant 0 : i32
    %add3A_129 = arith.addi %mul3A_127, %add3A_128 : i32
    "tpu.region"() ({
      %run_scoped3A = tpu.sem_alloc : memref<!tpu.dma_semaphore, #tpu.memory_space<semaphore_mem>>
      %dma_start3A_162 = arith.constant 0 : i32
      %dma_start3A_163 = arith.constant 0 : i32
      %dma_start3A_164 = tpu.memref_slice %arg7[%dma_start3A_162, %dma_start3A_163] : memref<128x128xf32, #tpu.memory_space<vmem>> -> memref<128x128xf32, #tpu.memory_space<vmem>>
      %dma_start3A_165 = arith.constant 0 : i32
      %dma_start3A_166 = tpu.memref_slice %arg5[%arg0, %add3A_129, %dma_start3A_165] : memref<2x10112x128xf32, #tpu.memory_space<hbm>> -> memref<1x128x128xf32, #tpu.memory_space<hbm>>
      %dma_start3A_167 = tpu.memref_squeeze %dma_start3A_166 : memref<1x128x128xf32, #tpu.memory_space<hbm>> -> memref<128x128xf32, #tpu.memory_space<hbm>>
      %dma_start3A_168 = arith.constant 0 : i32
      %dma_start3A_169 = tpu.memref_slice %arg5[%arg0, %add3A_129, %dma_start3A_168] : memref<2x10112x128xf32, #tpu.memory_space<hbm>> -> memref<1x128x128xf32, #tpu.memory_space<hbm>>
      %dma_start3A_170 = tpu.memref_squeeze %dma_start3A_169 : memref<1x128x128xf32, #tpu.memory_space<hbm>> -> memref<128x128xf32, #tpu.memory_space<hbm>>
      %dma_start3A_171 = arith.constant 0 : i32
      %dma_start3A_172 = arith.constant 0 : i32
      %dma_start3A_173 = tpu.memref_slice %arg7[%dma_start3A_171, %dma_start3A_172] : memref<128x128xf32, #tpu.memory_space<vmem>> -> memref<128x128xf32, #tpu.memory_space<vmem>>
      tpu.enqueue_dma source(%dma_start3A_173 : memref<128x128xf32, #tpu.memory_space<vmem>>) target(%dma_start3A_170 : memref<128x128xf32, #tpu.memory_space<hbm>>) target_semaphore(%run_scoped3A : memref<!tpu.dma_semaphore, #tpu.memory_space<semaphore_mem>>)
      %dma_wait3A_174 = arith.constant 0 : i32
      %dma_wait3A_175 = arith.constant 0 : i32
      %dma_wait3A_176 = tpu.memref_slice %arg7[%dma_wait3A_174, %dma_wait3A_175] : memref<128x128xf32, #tpu.memory_space<vmem>> -> memref<128x128xf32, #tpu.memory_space<vmem>>
      %dma_wait3A_177 = arith.constant 0 : i32
      %dma_wait3A_178 = tpu.memref_slice %arg5[%arg0, %add3A_129, %dma_wait3A_177] : memref<2x10112x128xf32, #tpu.memory_space<hbm>> -> memref<1x128x128xf32, #tpu.memory_space<hbm>>
      %dma_wait3A_179 = tpu.memref_squeeze %dma_wait3A_178 : memref<1x128x128xf32, #tpu.memory_space<hbm>> -> memref<128x128xf32, #tpu.memory_space<hbm>>
      %dma_wait3A_180 = arith.constant 0 : i32
      %dma_wait3A_181 = tpu.memref_slice %arg5[%arg0, %add3A_129, %dma_wait3A_180] : memref<2x10112x128xf32, #tpu.memory_space<hbm>> -> memref<1x128x128xf32, #tpu.memory_space<hbm>>
      %dma_wait3A_182 = tpu.memref_squeeze %dma_wait3A_181 : memref<1x128x128xf32, #tpu.memory_space<hbm>> -> memref<128x128xf32, #tpu.memory_space<hbm>>
      %dma_wait3A_183 = arith.constant 0 : i32
      %dma_wait3A_184 = arith.constant 0 : i32
      %dma_wait3A_185 = tpu.memref_slice %arg7[%dma_wait3A_183, %dma_wait3A_184] : memref<128x128xf32, #tpu.memory_space<vmem>> -> memref<128x128xf32, #tpu.memory_space<vmem>>
      tpu.wait_dma2 semaphore(%run_scoped3A : memref<!tpu.dma_semaphore, #tpu.memory_space<semaphore_mem>>) src(%dma_wait3A_185 : memref<128x128xf32, #tpu.memory_space<vmem>>) dst(%dma_wait3A_182 : memref<128x128xf32, #tpu.memory_space<hbm>>)
      tpu.yield
    }) : () -> ()
    %mul3A_130 = arith.constant 632 : i32
    %mul3A_131 = arith.muli %arg1, %mul3A_130 : i32
    %add3A_132 = arith.constant 128 : i32
    %add3A_133 = arith.addi %mul3A_131, %add3A_132 : i32
    "tpu.region"() ({
      %run_scoped3A = tpu.sem_alloc : memref<!tpu.dma_semaphore, #tpu.memory_space<semaphore_mem>>
      %dma_start3A_162 = arith.constant 0 : i32
      %dma_start3A_163 = arith.constant 0 : i32
      %dma_start3A_164 = tpu.memref_slice %arg7[%dma_start3A_162, %dma_start3A_163] : memref<128x128xf32, #tpu.memory_space<vmem>> -> memref<128x128xf32, #tpu.memory_space<vmem>>
      %dma_start3A_165 = arith.constant 0 : i32
      %dma_start3A_166 = tpu.memref_slice %arg8[%add3A_133, %dma_start3A_165] : memref<10112x128xf32, #tpu.memory_space<vmem_shared>> -> memref<128x128xf32, #tpu.memory_space<vmem_shared>>
      %dma_start3A_167 = arith.constant 0 : i32
      %dma_start3A_168 = arith.constant 0 : i32
      %dma_start3A_169 = tpu.memref_slice %arg7[%dma_start3A_167, %dma_start3A_168] : memref<128x128xf32, #tpu.memory_space<vmem>> -> memref<128x128xf32, #tpu.memory_space<vmem>>
      %dma_start3A_170 = arith.constant 0 : i32
      %dma_start3A_171 = tpu.memref_slice %arg8[%add3A_133, %dma_start3A_170] : memref<10112x128xf32, #tpu.memory_space<vmem_shared>> -> memref<128x128xf32, #tpu.memory_space<vmem_shared>>
      tpu.enqueue_dma source(%dma_start3A_171 : memref<128x128xf32, #tpu.memory_space<vmem_shared>>) target(%dma_start3A_169 : memref<128x128xf32, #tpu.memory_space<vmem>>) target_semaphore(%run_scoped3A : memref<!tpu.dma_semaphore, #tpu.memory_space<semaphore_mem>>)
      %dma_wait3A_172 = arith.constant 0 : i32
      %dma_wait3A_173 = arith.constant 0 : i32
      %dma_wait3A_174 = tpu.memref_slice %arg7[%dma_wait3A_172, %dma_wait3A_173] : memref<128x128xf32, #tpu.memory_space<vmem>> -> memref<128x128xf32, #tpu.memory_space<vmem>>
      %dma_wait3A_175 = arith.constant 0 : i32
      %dma_wait3A_176 = tpu.memref_slice %arg8[%add3A_133, %dma_wait3A_175] : memref<10112x128xf32, #tpu.memory_space<vmem_shared>> -> memref<128x128xf32, #tpu.memory_space<vmem_shared>>
      %dma_wait3A_177 = arith.constant 0 : i32
      %dma_wait3A_178 = arith.constant 0 : i32
      %dma_wait3A_179 = tpu.memref_slice %arg7[%dma_wait3A_177, %dma_wait3A_178] : memref<128x128xf32, #tpu.memory_space<vmem>> -> memref<128x128xf32, #tpu.memory_space<vmem>>
      %dma_wait3A_180 = arith.constant 0 : i32
      %dma_wait3A_181 = tpu.memref_slice %arg8[%add3A_133, %dma_wait3A_180] : memref<10112x128xf32, #tpu.memory_space<vmem_shared>> -> memref<128x128xf32, #tpu.memory_space<vmem_shared>>
      tpu.wait_dma2 semaphore(%run_scoped3A : memref<!tpu.dma_semaphore, #tpu.memory_space<semaphore_mem>>) src(%dma_wait3A_181 : memref<128x128xf32, #tpu.memory_space<vmem_shared>>) dst(%dma_wait3A_179 : memref<128x128xf32, #tpu.memory_space<vmem>>)
      tpu.yield
    }) : () -> ()
    %mul3A_134 = arith.constant 632 : i32
    %mul3A_135 = arith.muli %arg1, %mul3A_134 : i32
    %add3A_136 = arith.constant 128 : i32
    %add3A_137 = arith.addi %mul3A_135, %add3A_136 : i32
    "tpu.region"() ({
      %run_scoped3A = tpu.sem_alloc : memref<!tpu.dma_semaphore, #tpu.memory_space<semaphore_mem>>
      %dma_start3A_162 = arith.constant 0 : i32
      %dma_start3A_163 = arith.constant 0 : i32
      %dma_start3A_164 = tpu.memref_slice %arg7[%dma_start3A_162, %dma_start3A_163] : memref<128x128xf32, #tpu.memory_space<vmem>> -> memref<128x128xf32, #tpu.memory_space<vmem>>
      %dma_start3A_165 = arith.constant 0 : i32
      %dma_start3A_166 = tpu.memref_slice %arg5[%arg0, %add3A_137, %dma_start3A_165] : memref<2x10112x128xf32, #tpu.memory_space<hbm>> -> memref<1x128x128xf32, #tpu.memory_space<hbm>>
      %dma_start3A_167 = tpu.memref_squeeze %dma_start3A_166 : memref<1x128x128xf32, #tpu.memory_space<hbm>> -> memref<128x128xf32, #tpu.memory_space<hbm>>
      %dma_start3A_168 = arith.constant 0 : i32
      %dma_start3A_169 = tpu.memref_slice %arg5[%arg0, %add3A_137, %dma_start3A_168] : memref<2x10112x128xf32, #tpu.memory_space<hbm>> -> memref<1x128x128xf32, #tpu.memory_space<hbm>>
      %dma_start3A_170 = tpu.memref_squeeze %dma_start3A_169 : memref<1x128x128xf32, #tpu.memory_space<hbm>> -> memref<128x128xf32, #tpu.memory_space<hbm>>
      %dma_start3A_171 = arith.constant 0 : i32
      %dma_start3A_172 = arith.constant 0 : i32
      %dma_start3A_173 = tpu.memref_slice %arg7[%dma_start3A_171, %dma_start3A_172] : memref<128x128xf32, #tpu.memory_space<vmem>> -> memref<128x128xf32, #tpu.memory_space<vmem>>
      tpu.enqueue_dma source(%dma_start3A_173 : memref<128x128xf32, #tpu.memory_space<vmem>>) target(%dma_start3A_170 : memref<128x128xf32, #tpu.memory_space<hbm>>) target_semaphore(%run_scoped3A : memref<!tpu.dma_semaphore, #tpu.memory_space<semaphore_mem>>)
      %dma_wait3A_174 = arith.constant 0 : i32
      %dma_wait3A_175 = arith.constant 0 : i32
      %dma_wait3A_176 = tpu.memref_slice %arg7[%dma_wait3A_174, %dma_wait3A_175] : memref<128x128xf32, #tpu.memory_space<vmem>> -> memref<128x128xf32, #tpu.memory_space<vmem>>
      %dma_wait3A_177 = arith.constant 0 : i32
      %dma_wait3A_178 = tpu.memref_slice %arg5[%arg0, %add3A_137, %dma_wait3A_177] : memref<2x10112x128xf32, #tpu.memory_space<hbm>> -> memref<1x128x128xf32, #tpu.memory_space<hbm>>
      %dma_wait3A_179 = tpu.memref_squeeze %dma_wait3A_178 : memref<1x128x128xf32, #tpu.memory_space<hbm>> -> memref<128x128xf32, #tpu.memory_space<hbm>>
      %dma_wait3A_180 = arith.constant 0 : i32
      %dma_wait3A_181 = tpu.memref_slice %arg5[%arg0, %add3A_137, %dma_wait3A_180] : memref<2x10112x128xf32, #tpu.memory_space<hbm>> -> memref<1x128x128xf32, #tpu.memory_space<hbm>>
      %dma_wait3A_182 = tpu.memref_squeeze %dma_wait3A_181 : memref<1x128x128xf32, #tpu.memory_space<hbm>> -> memref<128x128xf32, #tpu.memory_space<hbm>>
      %dma_wait3A_183 = arith.constant 0 : i32
      %dma_wait3A_184 = arith.constant 0 : i32
      %dma_wait3A_185 = tpu.memref_slice %arg7[%dma_wait3A_183, %dma_wait3A_184] : memref<128x128xf32, #tpu.memory_space<vmem>> -> memref<128x128xf32, #tpu.memory_space<vmem>>
      tpu.wait_dma2 semaphore(%run_scoped3A : memref<!tpu.dma_semaphore, #tpu.memory_space<semaphore_mem>>) src(%dma_wait3A_185 : memref<128x128xf32, #tpu.memory_space<vmem>>) dst(%dma_wait3A_182 : memref<128x128xf32, #tpu.memory_space<hbm>>)
      tpu.yield
    }) : () -> ()
    %mul3A_138 = arith.constant 632 : i32
    %mul3A_139 = arith.muli %arg1, %mul3A_138 : i32
    %add3A_140 = arith.constant 256 : i32
    %add3A_141 = arith.addi %mul3A_139, %add3A_140 : i32
    "tpu.region"() ({
      %run_scoped3A = tpu.sem_alloc : memref<!tpu.dma_semaphore, #tpu.memory_space<semaphore_mem>>
      %dma_start3A_162 = arith.constant 0 : i32
      %dma_start3A_163 = arith.constant 0 : i32
      %dma_start3A_164 = tpu.memref_slice %arg7[%dma_start3A_162, %dma_start3A_163] : memref<128x128xf32, #tpu.memory_space<vmem>> -> memref<128x128xf32, #tpu.memory_space<vmem>>
      %dma_start3A_165 = arith.constant 0 : i32
      %dma_start3A_166 = tpu.memref_slice %arg8[%add3A_141, %dma_start3A_165] : memref<10112x128xf32, #tpu.memory_space<vmem_shared>> -> memref<128x128xf32, #tpu.memory_space<vmem_shared>>
      %dma_start3A_167 = arith.constant 0 : i32
      %dma_start3A_168 = arith.constant 0 : i32
      %dma_start3A_169 = tpu.memref_slice %arg7[%dma_start3A_167, %dma_start3A_168] : memref<128x128xf32, #tpu.memory_space<vmem>> -> memref<128x128xf32, #tpu.memory_space<vmem>>
      %dma_start3A_170 = arith.constant 0 : i32
      %dma_start3A_171 = tpu.memref_slice %arg8[%add3A_141, %dma_start3A_170] : memref<10112x128xf32, #tpu.memory_space<vmem_shared>> -> memref<128x128xf32, #tpu.memory_space<vmem_shared>>
      tpu.enqueue_dma source(%dma_start3A_171 : memref<128x128xf32, #tpu.memory_space<vmem_shared>>) target(%dma_start3A_169 : memref<128x128xf32, #tpu.memory_space<vmem>>) target_semaphore(%run_scoped3A : memref<!tpu.dma_semaphore, #tpu.memory_space<semaphore_mem>>)
      %dma_wait3A_172 = arith.constant 0 : i32
      %dma_wait3A_173 = arith.constant 0 : i32
      %dma_wait3A_174 = tpu.memref_slice %arg7[%dma_wait3A_172, %dma_wait3A_173] : memref<128x128xf32, #tpu.memory_space<vmem>> -> memref<128x128xf32, #tpu.memory_space<vmem>>
      %dma_wait3A_175 = arith.constant 0 : i32
      %dma_wait3A_176 = tpu.memref_slice %arg8[%add3A_141, %dma_wait3A_175] : memref<10112x128xf32, #tpu.memory_space<vmem_shared>> -> memref<128x128xf32, #tpu.memory_space<vmem_shared>>
      %dma_wait3A_177 = arith.constant 0 : i32
      %dma_wait3A_178 = arith.constant 0 : i32
      %dma_wait3A_179 = tpu.memref_slice %arg7[%dma_wait3A_177, %dma_wait3A_178] : memref<128x128xf32, #tpu.memory_space<vmem>> -> memref<128x128xf32, #tpu.memory_space<vmem>>
      %dma_wait3A_180 = arith.constant 0 : i32
      %dma_wait3A_181 = tpu.memref_slice %arg8[%add3A_141, %dma_wait3A_180] : memref<10112x128xf32, #tpu.memory_space<vmem_shared>> -> memref<128x128xf32, #tpu.memory_space<vmem_shared>>
      tpu.wait_dma2 semaphore(%run_scoped3A : memref<!tpu.dma_semaphore, #tpu.memory_space<semaphore_mem>>) src(%dma_wait3A_181 : memref<128x128xf32, #tpu.memory_space<vmem_shared>>) dst(%dma_wait3A_179 : memref<128x128xf32, #tpu.memory_space<vmem>>)
      tpu.yield
    }) : () -> ()
    %mul3A_142 = arith.constant 632 : i32
    %mul3A_143 = arith.muli %arg1, %mul3A_142 : i32
    %add3A_144 = arith.constant 256 : i32
    %add3A_145 = arith.addi %mul3A_143, %add3A_144 : i32
    "tpu.region"() ({
      %run_scoped3A = tpu.sem_alloc : memref<!tpu.dma_semaphore, #tpu.memory_space<semaphore_mem>>
      %dma_start3A_162 = arith.constant 0 : i32
      %dma_start3A_163 = arith.constant 0 : i32
      %dma_start3A_164 = tpu.memref_slice %arg7[%dma_start3A_162, %dma_start3A_163] : memref<128x128xf32, #tpu.memory_space<vmem>> -> memref<128x128xf32, #tpu.memory_space<vmem>>
      %dma_start3A_165 = arith.constant 0 : i32
      %dma_start3A_166 = tpu.memref_slice %arg5[%arg0, %add3A_145, %dma_start3A_165] : memref<2x10112x128xf32, #tpu.memory_space<hbm>> -> memref<1x128x128xf32, #tpu.memory_space<hbm>>
      %dma_start3A_167 = tpu.memref_squeeze %dma_start3A_166 : memref<1x128x128xf32, #tpu.memory_space<hbm>> -> memref<128x128xf32, #tpu.memory_space<hbm>>
      %dma_start3A_168 = arith.constant 0 : i32
      %dma_start3A_169 = tpu.memref_slice %arg5[%arg0, %add3A_145, %dma_start3A_168] : memref<2x10112x128xf32, #tpu.memory_space<hbm>> -> memref<1x128x128xf32, #tpu.memory_space<hbm>>
      %dma_start3A_170 = tpu.memref_squeeze %dma_start3A_169 : memref<1x128x128xf32, #tpu.memory_space<hbm>> -> memref<128x128xf32, #tpu.memory_space<hbm>>
      %dma_start3A_171 = arith.constant 0 : i32
      %dma_start3A_172 = arith.constant 0 : i32
      %dma_start3A_173 = tpu.memref_slice %arg7[%dma_start3A_171, %dma_start3A_172] : memref<128x128xf32, #tpu.memory_space<vmem>> -> memref<128x128xf32, #tpu.memory_space<vmem>>
      tpu.enqueue_dma source(%dma_start3A_173 : memref<128x128xf32, #tpu.memory_space<vmem>>) target(%dma_start3A_170 : memref<128x128xf32, #tpu.memory_space<hbm>>) target_semaphore(%run_scoped3A : memref<!tpu.dma_semaphore, #tpu.memory_space<semaphore_mem>>)
      %dma_wait3A_174 = arith.constant 0 : i32
      %dma_wait3A_175 = arith.constant 0 : i32
      %dma_wait3A_176 = tpu.memref_slice %arg7[%dma_wait3A_174, %dma_wait3A_175] : memref<128x128xf32, #tpu.memory_space<vmem>> -> memref<128x128xf32, #tpu.memory_space<vmem>>
      %dma_wait3A_177 = arith.constant 0 : i32
      %dma_wait3A_178 = tpu.memref_slice %arg5[%arg0, %add3A_145, %dma_wait3A_177] : memref<2x10112x128xf32, #tpu.memory_space<hbm>> -> memref<1x128x128xf32, #tpu.memory_space<hbm>>
      %dma_wait3A_179 = tpu.memref_squeeze %dma_wait3A_178 : memref<1x128x128xf32, #tpu.memory_space<hbm>> -> memref<128x128xf32, #tpu.memory_space<hbm>>
      %dma_wait3A_180 = arith.constant 0 : i32
      %dma_wait3A_181 = tpu.memref_slice %arg5[%arg0, %add3A_145, %dma_wait3A_180] : memref<2x10112x128xf32, #tpu.memory_space<hbm>> -> memref<1x128x128xf32, #tpu.memory_space<hbm>>
      %dma_wait3A_182 = tpu.memref_squeeze %dma_wait3A_181 : memref<1x128x128xf32, #tpu.memory_space<hbm>> -> memref<128x128xf32, #tpu.memory_space<hbm>>
      %dma_wait3A_183 = arith.constant 0 : i32
      %dma_wait3A_184 = arith.constant 0 : i32
      %dma_wait3A_185 = tpu.memref_slice %arg7[%dma_wait3A_183, %dma_wait3A_184] : memref<128x128xf32, #tpu.memory_space<vmem>> -> memref<128x128xf32, #tpu.memory_space<vmem>>
      tpu.wait_dma2 semaphore(%run_scoped3A : memref<!tpu.dma_semaphore, #tpu.memory_space<semaphore_mem>>) src(%dma_wait3A_185 : memref<128x128xf32, #tpu.memory_space<vmem>>) dst(%dma_wait3A_182 : memref<128x128xf32, #tpu.memory_space<hbm>>)
      tpu.yield
    }) : () -> ()
    %mul3A_146 = arith.constant 632 : i32
    %mul3A_147 = arith.muli %arg1, %mul3A_146 : i32
    %add3A_148 = arith.constant 384 : i32
    %add3A_149 = arith.addi %mul3A_147, %add3A_148 : i32
    "tpu.region"() ({
      %run_scoped3A = tpu.sem_alloc : memref<!tpu.dma_semaphore, #tpu.memory_space<semaphore_mem>>
      %dma_start3A_162 = arith.constant 0 : i32
      %dma_start3A_163 = arith.constant 0 : i32
      %dma_start3A_164 = tpu.memref_slice %arg7[%dma_start3A_162, %dma_start3A_163] : memref<128x128xf32, #tpu.memory_space<vmem>> -> memref<128x128xf32, #tpu.memory_space<vmem>>
      %dma_start3A_165 = arith.constant 0 : i32
      %dma_start3A_166 = tpu.memref_slice %arg8[%add3A_149, %dma_start3A_165] : memref<10112x128xf32, #tpu.memory_space<vmem_shared>> -> memref<128x128xf32, #tpu.memory_space<vmem_shared>>
      %dma_start3A_167 = arith.constant 0 : i32
      %dma_start3A_168 = arith.constant 0 : i32
      %dma_start3A_169 = tpu.memref_slice %arg7[%dma_start3A_167, %dma_start3A_168] : memref<128x128xf32, #tpu.memory_space<vmem>> -> memref<128x128xf32, #tpu.memory_space<vmem>>
      %dma_start3A_170 = arith.constant 0 : i32
      %dma_start3A_171 = tpu.memref_slice %arg8[%add3A_149, %dma_start3A_170] : memref<10112x128xf32, #tpu.memory_space<vmem_shared>> -> memref<128x128xf32, #tpu.memory_space<vmem_shared>>
      tpu.enqueue_dma source(%dma_start3A_171 : memref<128x128xf32, #tpu.memory_space<vmem_shared>>) target(%dma_start3A_169 : memref<128x128xf32, #tpu.memory_space<vmem>>) target_semaphore(%run_scoped3A : memref<!tpu.dma_semaphore, #tpu.memory_space<semaphore_mem>>)
      %dma_wait3A_172 = arith.constant 0 : i32
      %dma_wait3A_173 = arith.constant 0 : i32
      %dma_wait3A_174 = tpu.memref_slice %arg7[%dma_wait3A_172, %dma_wait3A_173] : memref<128x128xf32, #tpu.memory_space<vmem>> -> memref<128x128xf32, #tpu.memory_space<vmem>>
      %dma_wait3A_175 = arith.constant 0 : i32
      %dma_wait3A_176 = tpu.memref_slice %arg8[%add3A_149, %dma_wait3A_175] : memref<10112x128xf32, #tpu.memory_space<vmem_shared>> -> memref<128x128xf32, #tpu.memory_space<vmem_shared>>
      %dma_wait3A_177 = arith.constant 0 : i32
      %dma_wait3A_178 = arith.constant 0 : i32
      %dma_wait3A_179 = tpu.memref_slice %arg7[%dma_wait3A_177, %dma_wait3A_178] : memref<128x128xf32, #tpu.memory_space<vmem>> -> memref<128x128xf32, #tpu.memory_space<vmem>>
      %dma_wait3A_180 = arith.constant 0 : i32
      %dma_wait3A_181 = tpu.memref_slice %arg8[%add3A_149, %dma_wait3A_180] : memref<10112x128xf32, #tpu.memory_space<vmem_shared>> -> memref<128x128xf32, #tpu.memory_space<vmem_shared>>
      tpu.wait_dma2 semaphore(%run_scoped3A : memref<!tpu.dma_semaphore, #tpu.memory_space<semaphore_mem>>) src(%dma_wait3A_181 : memref<128x128xf32, #tpu.memory_space<vmem_shared>>) dst(%dma_wait3A_179 : memref<128x128xf32, #tpu.memory_space<vmem>>)
      tpu.yield
    }) : () -> ()
    %mul3A_150 = arith.constant 632 : i32
    %mul3A_151 = arith.muli %arg1, %mul3A_150 : i32
    %add3A_152 = arith.constant 384 : i32
    %add3A_153 = arith.addi %mul3A_151, %add3A_152 : i32
    "tpu.region"() ({
      %run_scoped3A = tpu.sem_alloc : memref<!tpu.dma_semaphore, #tpu.memory_space<semaphore_mem>>
      %dma_start3A_162 = arith.constant 0 : i32
      %dma_start3A_163 = arith.constant 0 : i32
      %dma_start3A_164 = tpu.memref_slice %arg7[%dma_start3A_162, %dma_start3A_163] : memref<128x128xf32, #tpu.memory_space<vmem>> -> memref<128x128xf32, #tpu.memory_space<vmem>>
      %dma_start3A_165 = arith.constant 0 : i32
      %dma_start3A_166 = tpu.memref_slice %arg5[%arg0, %add3A_153, %dma_start3A_165] : memref<2x10112x128xf32, #tpu.memory_space<hbm>> -> memref<1x128x128xf32, #tpu.memory_space<hbm>>
      %dma_start3A_167 = tpu.memref_squeeze %dma_start3A_166 : memref<1x128x128xf32, #tpu.memory_space<hbm>> -> memref<128x128xf32, #tpu.memory_space<hbm>>
      %dma_start3A_168 = arith.constant 0 : i32
      %dma_start3A_169 = tpu.memref_slice %arg5[%arg0, %add3A_153, %dma_start3A_168] : memref<2x10112x128xf32, #tpu.memory_space<hbm>> -> memref<1x128x128xf32, #tpu.memory_space<hbm>>
      %dma_start3A_170 = tpu.memref_squeeze %dma_start3A_169 : memref<1x128x128xf32, #tpu.memory_space<hbm>> -> memref<128x128xf32, #tpu.memory_space<hbm>>
      %dma_start3A_171 = arith.constant 0 : i32
      %dma_start3A_172 = arith.constant 0 : i32
      %dma_start3A_173 = tpu.memref_slice %arg7[%dma_start3A_171, %dma_start3A_172] : memref<128x128xf32, #tpu.memory_space<vmem>> -> memref<128x128xf32, #tpu.memory_space<vmem>>
      tpu.enqueue_dma source(%dma_start3A_173 : memref<128x128xf32, #tpu.memory_space<vmem>>) target(%dma_start3A_170 : memref<128x128xf32, #tpu.memory_space<hbm>>) target_semaphore(%run_scoped3A : memref<!tpu.dma_semaphore, #tpu.memory_space<semaphore_mem>>)
      %dma_wait3A_174 = arith.constant 0 : i32
      %dma_wait3A_175 = arith.constant 0 : i32
      %dma_wait3A_176 = tpu.memref_slice %arg7[%dma_wait3A_174, %dma_wait3A_175] : memref<128x128xf32, #tpu.memory_space<vmem>> -> memref<128x128xf32, #tpu.memory_space<vmem>>
      %dma_wait3A_177 = arith.constant 0 : i32
      %dma_wait3A_178 = tpu.memref_slice %arg5[%arg0, %add3A_153, %dma_wait3A_177] : memref<2x10112x128xf32, #tpu.memory_space<hbm>> -> memref<1x128x128xf32, #tpu.memory_space<hbm>>
      %dma_wait3A_179 = tpu.memref_squeeze %dma_wait3A_178 : memref<1x128x128xf32, #tpu.memory_space<hbm>> -> memref<128x128xf32, #tpu.memory_space<hbm>>
      %dma_wait3A_180 = arith.constant 0 : i32
      %dma_wait3A_181 = tpu.memref_slice %arg5[%arg0, %add3A_153, %dma_wait3A_180] : memref<2x10112x128xf32, #tpu.memory_space<hbm>> -> memref<1x128x128xf32, #tpu.memory_space<hbm>>
      %dma_wait3A_182 = tpu.memref_squeeze %dma_wait3A_181 : memref<1x128x128xf32, #tpu.memory_space<hbm>> -> memref<128x128xf32, #tpu.memory_space<hbm>>
      %dma_wait3A_183 = arith.constant 0 : i32
      %dma_wait3A_184 = arith.constant 0 : i32
      %dma_wait3A_185 = tpu.memref_slice %arg7[%dma_wait3A_183, %dma_wait3A_184] : memref<128x128xf32, #tpu.memory_space<vmem>> -> memref<128x128xf32, #tpu.memory_space<vmem>>
      tpu.wait_dma2 semaphore(%run_scoped3A : memref<!tpu.dma_semaphore, #tpu.memory_space<semaphore_mem>>) src(%dma_wait3A_185 : memref<128x128xf32, #tpu.memory_space<vmem>>) dst(%dma_wait3A_182 : memref<128x128xf32, #tpu.memory_space<hbm>>)
      tpu.yield
    }) : () -> ()
    %mul3A_154 = arith.constant 632 : i32
    %mul3A_155 = arith.muli %arg1, %mul3A_154 : i32
    %add3A_156 = arith.constant 512 : i32
    %add3A_157 = arith.addi %mul3A_155, %add3A_156 : i32
    "tpu.region"() ({
      %run_scoped3A = tpu.sem_alloc : memref<!tpu.dma_semaphore, #tpu.memory_space<semaphore_mem>>
      %dma_start3A_162 = arith.constant 0 : i32
      %dma_start3A_163 = arith.constant 0 : i32
      %dma_start3A_164 = tpu.memref_slice %arg7[%dma_start3A_162, %dma_start3A_163] : memref<128x128xf32, #tpu.memory_space<vmem>> -> memref<120x128xf32, #tpu.memory_space<vmem>>
      %dma_start3A_165 = arith.constant 0 : i32
      %dma_start3A_166 = tpu.memref_slice %arg8[%add3A_157, %dma_start3A_165] : memref<10112x128xf32, #tpu.memory_space<vmem_shared>> -> memref<120x128xf32, #tpu.memory_space<vmem_shared>>
      %dma_start3A_167 = arith.constant 0 : i32
      %dma_start3A_168 = arith.constant 0 : i32
      %dma_start3A_169 = tpu.memref_slice %arg7[%dma_start3A_167, %dma_start3A_168] : memref<128x128xf32, #tpu.memory_space<vmem>> -> memref<120x128xf32, #tpu.memory_space<vmem>>
      %dma_start3A_170 = arith.constant 0 : i32
      %dma_start3A_171 = tpu.memref_slice %arg8[%add3A_157, %dma_start3A_170] : memref<10112x128xf32, #tpu.memory_space<vmem_shared>> -> memref<120x128xf32, #tpu.memory_space<vmem_shared>>
      tpu.enqueue_dma source(%dma_start3A_171 : memref<120x128xf32, #tpu.memory_space<vmem_shared>>) target(%dma_start3A_169 : memref<120x128xf32, #tpu.memory_space<vmem>>) target_semaphore(%run_scoped3A : memref<!tpu.dma_semaphore, #tpu.memory_space<semaphore_mem>>)
      %dma_wait3A_172 = arith.constant 0 : i32
      %dma_wait3A_173 = arith.constant 0 : i32
      %dma_wait3A_174 = tpu.memref_slice %arg7[%dma_wait3A_172, %dma_wait3A_173] : memref<128x128xf32, #tpu.memory_space<vmem>> -> memref<120x128xf32, #tpu.memory_space<vmem>>
      %dma_wait3A_175 = arith.constant 0 : i32
      %dma_wait3A_176 = tpu.memref_slice %arg8[%add3A_157, %dma_wait3A_175] : memref<10112x128xf32, #tpu.memory_space<vmem_shared>> -> memref<120x128xf32, #tpu.memory_space<vmem_shared>>
      %dma_wait3A_177 = arith.constant 0 : i32
      %dma_wait3A_178 = arith.constant 0 : i32
      %dma_wait3A_179 = tpu.memref_slice %arg7[%dma_wait3A_177, %dma_wait3A_178] : memref<128x128xf32, #tpu.memory_space<vmem>> -> memref<120x128xf32, #tpu.memory_space<vmem>>
      %dma_wait3A_180 = arith.constant 0 : i32
      %dma_wait3A_181 = tpu.memref_slice %arg8[%add3A_157, %dma_wait3A_180] : memref<10112x128xf32, #tpu.memory_space<vmem_shared>> -> memref<120x128xf32, #tpu.memory_space<vmem_shared>>
      tpu.wait_dma2 semaphore(%run_scoped3A : memref<!tpu.dma_semaphore, #tpu.memory_space<semaphore_mem>>) src(%dma_wait3A_181 : memref<120x128xf32, #tpu.memory_space<vmem_shared>>) dst(%dma_wait3A_179 : memref<120x128xf32, #tpu.memory_space<vmem>>)
      tpu.yield
    }) : () -> ()
    %mul3A_158 = arith.constant 632 : i32
    %mul3A_159 = arith.muli %arg1, %mul3A_158 : i32
    %add3A_160 = arith.constant 512 : i32
    %add3A_161 = arith.addi %mul3A_159, %add3A_160 : i32
    "tpu.region"() ({
      %run_scoped3A = tpu.sem_alloc : memref<!tpu.dma_semaphore, #tpu.memory_space<semaphore_mem>>
      %dma_start3A_162 = arith.constant 0 : i32
      %dma_start3A_163 = arith.constant 0 : i32
      %dma_start3A_164 = tpu.memref_slice %arg7[%dma_start3A_162, %dma_start3A_163] : memref<128x128xf32, #tpu.memory_space<vmem>> -> memref<120x128xf32, #tpu.memory_space<vmem>>
      %dma_start3A_165 = arith.constant 0 : i32
      %dma_start3A_166 = tpu.memref_slice %arg5[%arg0, %add3A_161, %dma_start3A_165] : memref<2x10112x128xf32, #tpu.memory_space<hbm>> -> memref<1x120x128xf32, #tpu.memory_space<hbm>>
      %dma_start3A_167 = tpu.memref_squeeze %dma_start3A_166 : memref<1x120x128xf32, #tpu.memory_space<hbm>> -> memref<120x128xf32, #tpu.memory_space<hbm>>
      %dma_start3A_168 = arith.constant 0 : i32
      %dma_start3A_169 = tpu.memref_slice %arg5[%arg0, %add3A_161, %dma_start3A_168] : memref<2x10112x128xf32, #tpu.memory_space<hbm>> -> memref<1x120x128xf32, #tpu.memory_space<hbm>>
      %dma_start3A_170 = tpu.memref_squeeze %dma_start3A_169 : memref<1x120x128xf32, #tpu.memory_space<hbm>> -> memref<120x128xf32, #tpu.memory_space<hbm>>
      %dma_start3A_171 = arith.constant 0 : i32
      %dma_start3A_172 = arith.constant 0 : i32
      %dma_start3A_173 = tpu.memref_slice %arg7[%dma_start3A_171, %dma_start3A_172] : memref<128x128xf32, #tpu.memory_space<vmem>> -> memref<120x128xf32, #tpu.memory_space<vmem>>
      tpu.enqueue_dma source(%dma_start3A_173 : memref<120x128xf32, #tpu.memory_space<vmem>>) target(%dma_start3A_170 : memref<120x128xf32, #tpu.memory_space<hbm>>) target_semaphore(%run_scoped3A : memref<!tpu.dma_semaphore, #tpu.memory_space<semaphore_mem>>)
      %dma_wait3A_174 = arith.constant 0 : i32
      %dma_wait3A_175 = arith.constant 0 : i32
      %dma_wait3A_176 = tpu.memref_slice %arg7[%dma_wait3A_174, %dma_wait3A_175] : memref<128x128xf32, #tpu.memory_space<vmem>> -> memref<120x128xf32, #tpu.memory_space<vmem>>
      %dma_wait3A_177 = arith.constant 0 : i32
      %dma_wait3A_178 = tpu.memref_slice %arg5[%arg0, %add3A_161, %dma_wait3A_177] : memref<2x10112x128xf32, #tpu.memory_space<hbm>> -> memref<1x120x128xf32, #tpu.memory_space<hbm>>
      %dma_wait3A_179 = tpu.memref_squeeze %dma_wait3A_178 : memref<1x120x128xf32, #tpu.memory_space<hbm>> -> memref<120x128xf32, #tpu.memory_space<hbm>>
      %dma_wait3A_180 = arith.constant 0 : i32
      %dma_wait3A_181 = tpu.memref_slice %arg5[%arg0, %add3A_161, %dma_wait3A_180] : memref<2x10112x128xf32, #tpu.memory_space<hbm>> -> memref<1x120x128xf32, #tpu.memory_space<hbm>>
      %dma_wait3A_182 = tpu.memref_squeeze %dma_wait3A_181 : memref<1x120x128xf32, #tpu.memory_space<hbm>> -> memref<120x128xf32, #tpu.memory_space<hbm>>
      %dma_wait3A_183 = arith.constant 0 : i32
      %dma_wait3A_184 = arith.constant 0 : i32
      %dma_wait3A_185 = tpu.memref_slice %arg7[%dma_wait3A_183, %dma_wait3A_184] : memref<128x128xf32, #tpu.memory_space<vmem>> -> memref<120x128xf32, #tpu.memory_space<vmem>>
      tpu.wait_dma2 semaphore(%run_scoped3A : memref<!tpu.dma_semaphore, #tpu.memory_space<semaphore_mem>>) src(%dma_wait3A_185 : memref<120x128xf32, #tpu.memory_space<vmem>>) dst(%dma_wait3A_182 : memref<120x128xf32, #tpu.memory_space<hbm>>)
      tpu.yield
    }) : () -> ()
    return
  }
}

module attributes {stable_mosaic.version = 14 : i64} {
  func.func @_pre_body(%arg0: i32, %arg1: memref<400x128xf32, #tpu.memory_space<vmem>>, %arg2: memref<400x128xf32, #tpu.memory_space<vmem>>, %arg3: memref<128x128xf32, #tpu.memory_space<vmem>>, %arg4: memref<128x128xf32, #tpu.memory_space<vmem>>, %arg5: memref<1x128xf32, #tpu.memory_space<vmem>>, %arg6: memref<400x128xf32, #tpu.memory_space<vmem>>, %arg7: memref<400x128xf32, #tpu.memory_space<vmem>>) attributes {dimension_semantics = [#tpu.dimension_semantics<arbitrary>], iteration_bounds = array<i64: 50>, scalar_prefetch = 0 : i64, scratch_operands = 0 : i64, tpu.core_type = #tpu.core_type<tc>, window_params = [{transform_indices = @transform_0, window_bounds = array<i64: 400, 128>}, {transform_indices = @transform_1, window_bounds = array<i64: 400, 128>}, {pipeline_mode = #tpu.pipeline_mode<synchronous>, transform_indices = @transform_2, window_bounds = array<i64: 128, 128>}, {pipeline_mode = #tpu.pipeline_mode<synchronous>, transform_indices = @transform_3, window_bounds = array<i64: 128, 128>}, {pipeline_mode = #tpu.pipeline_mode<synchronous>, transform_indices = @transform_4, window_bounds = array<i64: 1, 128>}, {transform_indices = @transform_5, window_bounds = array<i64: 400, 128>}, {transform_indices = @transform_6, window_bounds = array<i64: 400, 128>}]} {
    %get3A = arith.constant 0 : index
    %get3A_0 = arith.constant 0 : index
    %get3A_1 = vector.load %arg1[%get3A, %get3A_0] : memref<400x128xf32, #tpu.memory_space<vmem>>, vector<400x128xf32>
    %get3A_2 = arith.constant 0 : index
    %get3A_3 = arith.constant 0 : index
    %get3A_4 = vector.load %arg2[%get3A_2, %get3A_3] : memref<400x128xf32, #tpu.memory_space<vmem>>, vector<400x128xf32>
    %mul3A = arith.mulf %get3A_4, %get3A_4 : vector<400x128xf32>
    %reduce_sum3A = arith.constant dense<0.000000e+00> : vector<400xf32>
    %reduce_sum3A_5 = vector.multi_reduction <add>, %mul3A, %reduce_sum3A [1] : vector<400x128xf32> to vector<400xf32>
    %broadcast_in_dim3A = vector.shape_cast %reduce_sum3A_5 : vector<400xf32> to vector<400x1xf32>
    %sqrt3A = math.sqrt %broadcast_in_dim3A : vector<400x1xf32>
    %sign3A = tpu.bitcast %get3A_1 : vector<400x128xf32> -> vector<400x128xi32>
    %sign3A_6 = arith.constant -2147483648 : i32
    %sign3A_7 = vector.broadcast %sign3A_6 : i32 to vector<400x128xi32>
    %sign3A_8 = arith.andi %sign3A, %sign3A_7 : vector<400x128xi32>
    %sign3A_9 = arith.constant 1065353216 : i32
    %sign3A_10 = vector.broadcast %sign3A_9 : i32 to vector<400x128xi32>
    %sign3A_11 = arith.ori %sign3A_10, %sign3A_8 : vector<400x128xi32>
    %sign3A_12 = tpu.bitcast %sign3A_11 : vector<400x128xi32> -> vector<400x128xf32>
    %sign3A_13 = math.absf %get3A_1 : vector<400x128xf32>
    %sign3A_14 = arith.constant 0.000000e+00 : f32
    %sign3A_15 = vector.broadcast %sign3A_14 : f32 to vector<400x128xf32>
    %sign3A_16 = arith.cmpf ogt, %sign3A_13, %sign3A_15 : vector<400x128xf32>
    %sign3A_17 = arith.select %sign3A_16, %sign3A_12, %get3A_1 : vector<400x128xi1>, vector<400x128xf32>
    %max3A = arith.constant 9.99999996E-13 : f32
    %max3A_18 = vector.broadcast %max3A : f32 to vector<400x1xf32>
    %max3A_19 = arith.maximumf %sqrt3A, %max3A_18 : vector<400x1xf32>
    %div3A = vector.broadcast %max3A_19 : vector<400x1xf32> to vector<400x128xf32>
    %div3A_20 = arith.divf %get3A_4, %div3A : vector<400x128xf32>
    %mul3A_21 = arith.mulf %sign3A_17, %div3A_20 : vector<400x128xf32>
    %mul3A_22 = arith.constant 3.000000e-01 : f32
    %mul3A_23 = vector.broadcast %mul3A_22 : f32 to vector<400x128xf32>
    %mul3A_24 = arith.mulf %mul3A_21, %mul3A_23 : vector<400x128xf32>
    %add3A = arith.addf %get3A_1, %mul3A_24 : vector<400x128xf32>
    %ge3A = arith.constant 25 : i32
    %ge3A_25 = arith.cmpi sge, %arg0, %ge3A : i32
    %select_n3A = arith.select %ge3A_25, %add3A, %get3A_1 : vector<400x128xf32>
    %get3A_26 = arith.constant 0 : index
    %get3A_27 = arith.constant 0 : index
    %get3A_28 = vector.load %arg3[%get3A_26, %get3A_27] : memref<128x128xf32, #tpu.memory_space<vmem>>, vector<128x128xf32>
    %dot_general3A = arith.constant dense<0.000000e+00> : vector<400x128xf32>
    %dot_general3A_29 = tpu.matmul %select_n3A, %get3A_28, %dot_general3A {dimension_numbers = #tpu.dot_dimension_numbers<[1], [0], [0], [1], [0, 0, 1, 1], [], []>, transpose_lhs_hint = false} : vector<400x128xf32>, vector<128x128xf32>, vector<400x128xf32> -> vector<400x128xf32>
    %swap3A = arith.constant 0 : index
    %swap3A_30 = arith.constant 0 : index
    %swap3A_31 = vector.load %arg6[%swap3A, %swap3A_30] : memref<400x128xf32, #tpu.memory_space<vmem>>, vector<400x128xf32>
    tpu.vector_store %arg6[%swap3A, %swap3A_30], %dot_general3A_29 {strides = array<i32>} : memref<400x128xf32, #tpu.memory_space<vmem>>, vector<400x128xf32>,
    %get3A_32 = arith.constant 0 : index
    %get3A_33 = arith.constant 0 : index
    %get3A_34 = vector.load %arg4[%get3A_32, %get3A_33] : memref<128x128xf32, #tpu.memory_space<vmem>>, vector<128x128xf32>
    %dot_general3A_35 = arith.constant dense<0.000000e+00> : vector<400x128xf32>
    %dot_general3A_36 = tpu.matmul %select_n3A, %get3A_34, %dot_general3A_35 {dimension_numbers = #tpu.dot_dimension_numbers<[1], [0], [0], [1], [0, 0, 1, 1], [], []>, transpose_lhs_hint = false} : vector<400x128xf32>, vector<128x128xf32>, vector<400x128xf32> -> vector<400x128xf32>
    %get3A_37 = arith.constant 0 : index
    %get3A_38 = arith.constant 0 : index
    %get3A_39 = vector.load %arg5[%get3A_37, %get3A_38] : memref<1x128xf32, #tpu.memory_space<vmem>>, vector<1x128xf32>
    %add3A_40 = vector.broadcast %get3A_39 : vector<1x128xf32> to vector<400x128xf32>
    %add3A_41 = arith.addf %dot_general3A_36, %add3A_40 : vector<400x128xf32>
    %swap3A_42 = arith.constant 0 : index
    %swap3A_43 = arith.constant 0 : index
    %swap3A_44 = vector.load %arg7[%swap3A_42, %swap3A_43] : memref<400x128xf32, #tpu.memory_space<vmem>>, vector<400x128xf32>
    tpu.vector_store %arg7[%swap3A_42, %swap3A_43], %add3A_41 {strides = array<i32>} : memref<400x128xf32, #tpu.memory_space<vmem>>, vector<400x128xf32>,
    return
  }
  func.func @transform_0(%arg0: i32) -> (i32, i32) {
    %jit3A = arith.constant 25 : i32
    %eq3A = arith.constant 0 : i32
    %eq3A_0 = arith.cmpi eq, %jit3A, %eq3A : i32
    %jit3A_1 = arith.constant 1 : i32
    %select_n3A = arith.select %eq3A_0, %jit3A_1, %jit3A : i32
    %rem3A = arith.remsi %arg0, %select_n3A : i32
    %ne3A = arith.constant 0 : i32
    %ne3A_2 = arith.cmpi ne, %rem3A, %ne3A : i32
    %lt3A = arith.constant 0 : i32
    %lt3A_3 = arith.cmpi slt, %rem3A, %lt3A : i32
    %lt3A_4 = arith.constant 0 : i32
    %lt3A_5 = arith.cmpi slt, %select_n3A, %lt3A_4 : i32
    %ne3A_6 = arith.xori %lt3A_3, %lt3A_5 : i1
    %and3A = arith.andi %ne3A_6, %ne3A_2 : i1
    %add3A = arith.addi %rem3A, %select_n3A : i32
    %select_n3A_7 = arith.select %and3A, %add3A, %rem3A : i32
    %c0_i32 = arith.constant 0 : i32
    %c0_i32_8 = arith.constant 0 : i32
    return %select_n3A_7, %c0_i32 : i32, i32
  }
  func.func @transform_1(%arg0: i32) -> (i32, i32) {
    %jit3A = arith.constant 25 : i32
    %eq3A = arith.constant 0 : i32
    %eq3A_0 = arith.cmpi eq, %jit3A, %eq3A : i32
    %jit3A_1 = arith.constant 1 : i32
    %select_n3A = arith.select %eq3A_0, %jit3A_1, %jit3A : i32
    %rem3A = arith.remsi %arg0, %select_n3A : i32
    %ne3A = arith.constant 0 : i32
    %ne3A_2 = arith.cmpi ne, %rem3A, %ne3A : i32
    %lt3A = arith.constant 0 : i32
    %lt3A_3 = arith.cmpi slt, %rem3A, %lt3A : i32
    %lt3A_4 = arith.constant 0 : i32
    %lt3A_5 = arith.cmpi slt, %select_n3A, %lt3A_4 : i32
    %ne3A_6 = arith.xori %lt3A_3, %lt3A_5 : i1
    %and3A = arith.andi %ne3A_6, %ne3A_2 : i1
    %add3A = arith.addi %rem3A, %select_n3A : i32
    %select_n3A_7 = arith.select %and3A, %add3A, %rem3A : i32
    %c0_i32 = arith.constant 0 : i32
    %c0_i32_8 = arith.constant 0 : i32
    return %select_n3A_7, %c0_i32 : i32, i32
  }
  func.func @transform_2(%arg0: i32) -> (i32, i32) {
    %c0_i32 = arith.constant 0 : i32
    %c0_i32_0 = arith.constant 0 : i32
    %c0_i32_1 = arith.constant 0 : i32
    return %c0_i32, %c0_i32_0 : i32, i32
  }
  func.func @transform_3(%arg0: i32) -> (i32, i32) {
    %c0_i32 = arith.constant 0 : i32
    %c0_i32_0 = arith.constant 0 : i32
    %c0_i32_1 = arith.constant 0 : i32
    return %c0_i32, %c0_i32_0 : i32, i32
  }
  func.func @transform_4(%arg0: i32) -> (i32, i32) {
    %c0_i32 = arith.constant 0 : i32
    %c0_i32_0 = arith.constant 0 : i32
    %c0_i32_1 = arith.constant 0 : i32
    return %c0_i32, %c0_i32_0 : i32, i32
  }
  func.func @transform_5(%arg0: i32) -> (i32, i32) {
    %c0_i32 = arith.constant 0 : i32
    %c0_i32_0 = arith.constant 0 : i32
    return %arg0, %c0_i32 : i32, i32
  }
  func.func @transform_6(%arg0: i32) -> (i32, i32) {
    %c0_i32 = arith.constant 0 : i32
    %c0_i32_0 = arith.constant 0 : i32
    return %arg0, %c0_i32 : i32, i32
  }
}

module attributes {stable_mosaic.version = 14 : i64} {
  func.func @_mid_body(%arg0: i32, %arg1: memref<1x400x128xf32, #tpu.memory_space<vmem>>, %arg2: memref<1x400x128xf32, #tpu.memory_space<vmem>>, %arg3: memref<1x400x128xf32, #tpu.memory_space<vmem>>, %arg4: memref<400x128xf32, #tpu.memory_space<vmem>>, %arg5: memref<128x128xf32, #tpu.memory_space<vmem>>, %arg6: memref<128x128xf32, #tpu.memory_space<vmem>>, %arg7: memref<1x128xf32, #tpu.memory_space<vmem>>, %arg8: memref<400x128xf32, #tpu.memory_space<vmem>>, %arg9: memref<400x128xf32, #tpu.memory_space<vmem>>, %arg10: memref<400x128xf32, #tpu.memory_space<vmem>>) attributes {dimension_semantics = [#tpu.dimension_semantics<arbitrary>], iteration_bounds = array<i64: 50>, scalar_prefetch = 0 : i64, scratch_operands = 0 : i64, tpu.core_type = #tpu.core_type<tc>, window_params = [{transform_indices = @transform_0, window_bounds = array<i64: 1, 400, 128>}, {transform_indices = @transform_1, window_bounds = array<i64: 1, 400, 128>}, {transform_indices = @transform_2, window_bounds = array<i64: 1, 400, 128>}, {transform_indices = @transform_3, window_bounds = array<i64: 400, 128>}, {pipeline_mode = #tpu.pipeline_mode<synchronous>, transform_indices = @transform_4, window_bounds = array<i64: 128, 128>}, {pipeline_mode = #tpu.pipeline_mode<synchronous>, transform_indices = @transform_5, window_bounds = array<i64: 128, 128>}, {pipeline_mode = #tpu.pipeline_mode<synchronous>, transform_indices = @transform_6, window_bounds = array<i64: 1, 128>}, {transform_indices = @transform_7, window_bounds = array<i64: 400, 128>}, {transform_indices = @transform_8, window_bounds = array<i64: 400, 128>}, {transform_indices = @transform_9, window_bounds = array<i64: 400, 128>}]} {
    %get3A = arith.constant 0 : index
    %get3A_0 = arith.constant 0 : index
    %get3A_1 = arith.constant 0 : index
    %get3A_2 = vector.load %arg2[%get3A, %get3A_0, %get3A_1] : memref<1x400x128xf32, #tpu.memory_space<vmem>>, vector<1x400x128xf32>
    %get3A_3 = vector.shape_cast %get3A_2 : vector<1x400x128xf32> to vector<400x128xf32>
    %slice3A = vector.extract_strided_slice %get3A_3 {offsets = [0, 0], sizes = [400, 1], strides = [1, 1]} : vector<400x128xf32> to vector<400x1xf32>
    %get3A_4 = arith.constant 0 : index
    %get3A_5 = arith.constant 0 : index
    %get3A_6 = arith.constant 0 : index
    %get3A_7 = vector.load %arg3[%get3A_4, %get3A_5, %get3A_6] : memref<1x400x128xf32, #tpu.memory_space<vmem>>, vector<1x400x128xf32>
    %get3A_8 = vector.shape_cast %get3A_7 : vector<1x400x128xf32> to vector<400x128xf32>
    %slice3A_9 = vector.extract_strided_slice %get3A_8 {offsets = [0, 0], sizes = [400, 1], strides = [1, 1]} : vector<400x128xf32> to vector<400x1xf32>
    %add3A = arith.addf %slice3A, %slice3A_9 : vector<400x1xf32>
    %max3A = arith.constant 1.000000e+00 : f32
    %max3A_10 = vector.broadcast %max3A : f32 to vector<400x1xf32>
    %max3A_11 = arith.maximumf %add3A, %max3A_10 : vector<400x1xf32>
    %div3A = arith.constant 1.000000e+00 : f32
    %div3A_12 = vector.broadcast %div3A : f32 to vector<400x1xf32>
    %div3A_13 = arith.divf %div3A_12, %max3A_11 : vector<400x1xf32>
    %get3A_14 = arith.constant 0 : index
    %get3A_15 = arith.constant 0 : index
    %get3A_16 = arith.constant 0 : index
    %get3A_17 = vector.load %arg1[%get3A_14, %get3A_15, %get3A_16] : memref<1x400x128xf32, #tpu.memory_space<vmem>>, vector<1x400x128xf32>
    %get3A_18 = vector.shape_cast %get3A_17 : vector<1x400x128xf32> to vector<400x128xf32>
    %mul3A = vector.broadcast %div3A_13 : vector<400x1xf32> to vector<400x128xf32>
    %mul3A_19 = arith.mulf %get3A_18, %mul3A : vector<400x128xf32>
    %get3A_20 = arith.constant 0 : index
    %get3A_21 = arith.constant 0 : index
    %get3A_22 = vector.load %arg4[%get3A_20, %get3A_21] : memref<400x128xf32, #tpu.memory_space<vmem>>, vector<400x128xf32>
    %add3A_23 = arith.addf %mul3A_19, %get3A_22 : vector<400x128xf32>
    %max3A_24 = arith.constant 0.000000e+00 : f32
    %max3A_25 = vector.broadcast %max3A_24 : f32 to vector<400x128xf32>
    %max3A_26 = arith.maximumf %add3A_23, %max3A_25 : vector<400x128xf32>
    %swap3A = arith.constant 0 : index
    %swap3A_27 = arith.constant 0 : index
    %swap3A_28 = vector.load %arg8[%swap3A, %swap3A_27] : memref<400x128xf32, #tpu.memory_space<vmem>>, vector<400x128xf32>
    tpu.vector_store %arg8[%swap3A, %swap3A_27], %max3A_26 {strides = array<i32>} : memref<400x128xf32, #tpu.memory_space<vmem>>, vector<400x128xf32>,
    %get3A_29 = arith.constant 0 : index
    %get3A_30 = arith.constant 0 : index
    %get3A_31 = vector.load %arg5[%get3A_29, %get3A_30] : memref<128x128xf32, #tpu.memory_space<vmem>>, vector<128x128xf32>
    %dot_general3A = arith.constant dense<0.000000e+00> : vector<400x128xf32>
    %dot_general3A_32 = tpu.matmul %max3A_26, %get3A_31, %dot_general3A {dimension_numbers = #tpu.dot_dimension_numbers<[1], [0], [0], [1], [0, 0, 1, 1], [], []>, transpose_lhs_hint = false} : vector<400x128xf32>, vector<128x128xf32>, vector<400x128xf32> -> vector<400x128xf32>
    %swap3A_33 = arith.constant 0 : index
    %swap3A_34 = arith.constant 0 : index
    %swap3A_35 = vector.load %arg9[%swap3A_33, %swap3A_34] : memref<400x128xf32, #tpu.memory_space<vmem>>, vector<400x128xf32>
    tpu.vector_store %arg9[%swap3A_33, %swap3A_34], %dot_general3A_32 {strides = array<i32>} : memref<400x128xf32, #tpu.memory_space<vmem>>, vector<400x128xf32>,
    %get3A_36 = arith.constant 0 : index
    %get3A_37 = arith.constant 0 : index
    %get3A_38 = vector.load %arg6[%get3A_36, %get3A_37] : memref<128x128xf32, #tpu.memory_space<vmem>>, vector<128x128xf32>
    %dot_general3A_39 = arith.constant dense<0.000000e+00> : vector<400x128xf32>
    %dot_general3A_40 = tpu.matmul %max3A_26, %get3A_38, %dot_general3A_39 {dimension_numbers = #tpu.dot_dimension_numbers<[1], [0], [0], [1], [0, 0, 1, 1], [], []>, transpose_lhs_hint = false} : vector<400x128xf32>, vector<128x128xf32>, vector<400x128xf32> -> vector<400x128xf32>
    %get3A_41 = arith.constant 0 : index
    %get3A_42 = arith.constant 0 : index
    %get3A_43 = vector.load %arg7[%get3A_41, %get3A_42] : memref<1x128xf32, #tpu.memory_space<vmem>>, vector<1x128xf32>
    %add3A_44 = vector.broadcast %get3A_43 : vector<1x128xf32> to vector<400x128xf32>
    %add3A_45 = arith.addf %dot_general3A_40, %add3A_44 : vector<400x128xf32>
    %swap3A_46 = arith.constant 0 : index
    %swap3A_47 = arith.constant 0 : index
    %swap3A_48 = vector.load %arg10[%swap3A_46, %swap3A_47] : memref<400x128xf32, #tpu.memory_space<vmem>>, vector<400x128xf32>
    tpu.vector_store %arg10[%swap3A_46, %swap3A_47], %add3A_45 {strides = array<i32>} : memref<400x128xf32, #tpu.memory_space<vmem>>, vector<400x128xf32>,
    return
  }
  func.func @transform_0(%arg0: i32) -> (i32, i32, i32) {
    %jit3A = arith.constant 25 : i32
    %div3A = arith.divsi %arg0, %jit3A : i32
    %sign3A = arith.constant 0 : i32
    %sign3A_0 = arith.cmpi sgt, %arg0, %sign3A : i32
    %sign3A_1 = arith.extui %sign3A_0 : i1 to i32
    %sign3A_2 = arith.constant 0 : i32
    %sign3A_3 = arith.cmpi slt, %arg0, %sign3A_2 : i32
    %sign3A_4 = arith.extui %sign3A_3 : i1 to i32
    %sign3A_5 = arith.subi %sign3A_1, %sign3A_4 : i32
    %sign3A_6 = arith.constant 0 : i32
    %sign3A_7 = arith.cmpi sgt, %jit3A, %sign3A_6 : i32
    %sign3A_8 = arith.extui %sign3A_7 : i1 to i32
    %sign3A_9 = arith.constant 0 : i32
    %sign3A_10 = arith.cmpi slt, %jit3A, %sign3A_9 : i32
    %sign3A_11 = arith.extui %sign3A_10 : i1 to i32
    %sign3A_12 = arith.subi %sign3A_8, %sign3A_11 : i32
    %ne3A = arith.cmpi ne, %sign3A_5, %sign3A_12 : i32
    %rem3A = arith.remsi %arg0, %jit3A : i32
    %ne3A_13 = arith.constant 0 : i32
    %ne3A_14 = arith.cmpi ne, %rem3A, %ne3A_13 : i32
    %and3A = arith.andi %ne3A, %ne3A_14 : i1
    %sub3A = arith.constant 1 : i32
    %sub3A_15 = arith.subi %div3A, %sub3A : i32
    %select_n3A = arith.select %and3A, %sub3A_15, %div3A : i32
    %jit3A_16 = arith.constant 25 : i32
    %eq3A = arith.constant 0 : i32
    %eq3A_17 = arith.cmpi eq, %jit3A_16, %eq3A : i32
    %jit3A_18 = arith.constant 1 : i32
    %select_n3A_19 = arith.select %eq3A_17, %jit3A_18, %jit3A_16 : i32
    %rem3A_20 = arith.remsi %arg0, %select_n3A_19 : i32
    %ne3A_21 = arith.constant 0 : i32
    %ne3A_22 = arith.cmpi ne, %rem3A_20, %ne3A_21 : i32
    %lt3A = arith.constant 0 : i32
    %lt3A_23 = arith.cmpi slt, %rem3A_20, %lt3A : i32
    %lt3A_24 = arith.constant 0 : i32
    %lt3A_25 = arith.cmpi slt, %select_n3A_19, %lt3A_24 : i32
    %ne3A_26 = arith.xori %lt3A_23, %lt3A_25 : i1
    %and3A_27 = arith.andi %ne3A_26, %ne3A_22 : i1
    %add3A = arith.addi %rem3A_20, %select_n3A_19 : i32
    %select_n3A_28 = arith.select %and3A_27, %add3A, %rem3A_20 : i32
    %c0_i32 = arith.constant 0 : i32
    %c0_i32_29 = arith.constant 0 : i32
    return %select_n3A, %select_n3A_28, %c0_i32 : i32, i32, i32
  }
  func.func @transform_1(%arg0: i32) -> (i32, i32, i32) {
    %jit3A = arith.constant 25 : i32
    %eq3A = arith.constant 0 : i32
    %eq3A_0 = arith.cmpi eq, %jit3A, %eq3A : i32
    %jit3A_1 = arith.constant 1 : i32
    %select_n3A = arith.select %eq3A_0, %jit3A_1, %jit3A : i32
    %rem3A = arith.remsi %arg0, %select_n3A : i32
    %ne3A = arith.constant 0 : i32
    %ne3A_2 = arith.cmpi ne, %rem3A, %ne3A : i32
    %lt3A = arith.constant 0 : i32
    %lt3A_3 = arith.cmpi slt, %rem3A, %lt3A : i32
    %lt3A_4 = arith.constant 0 : i32
    %lt3A_5 = arith.cmpi slt, %select_n3A, %lt3A_4 : i32
    %ne3A_6 = arith.xori %lt3A_3, %lt3A_5 : i1
    %and3A = arith.andi %ne3A_6, %ne3A_2 : i1
    %add3A = arith.addi %rem3A, %select_n3A : i32
    %select_n3A_7 = arith.select %and3A, %add3A, %rem3A : i32
    %c0_i32 = arith.constant 0 : i32
    %c0_i32_8 = arith.constant 0 : i32
    %c0_i32_9 = arith.constant 0 : i32
    return %c0_i32, %select_n3A_7, %c0_i32_8 : i32, i32, i32
  }
  func.func @transform_2(%arg0: i32) -> (i32, i32, i32) {
    %jit3A = arith.constant 25 : i32
    %eq3A = arith.constant 0 : i32
    %eq3A_0 = arith.cmpi eq, %jit3A, %eq3A : i32
    %jit3A_1 = arith.constant 1 : i32
    %select_n3A = arith.select %eq3A_0, %jit3A_1, %jit3A : i32
    %rem3A = arith.remsi %arg0, %select_n3A : i32
    %ne3A = arith.constant 0 : i32
    %ne3A_2 = arith.cmpi ne, %rem3A, %ne3A : i32
    %lt3A = arith.constant 0 : i32
    %lt3A_3 = arith.cmpi slt, %rem3A, %lt3A : i32
    %lt3A_4 = arith.constant 0 : i32
    %lt3A_5 = arith.cmpi slt, %select_n3A, %lt3A_4 : i32
    %ne3A_6 = arith.xori %lt3A_3, %lt3A_5 : i1
    %and3A = arith.andi %ne3A_6, %ne3A_2 : i1
    %add3A = arith.addi %rem3A, %select_n3A : i32
    %select_n3A_7 = arith.select %and3A, %add3A, %rem3A : i32
    %c1_i32 = arith.constant 1 : i32
    %c0_i32 = arith.constant 0 : i32
    %c0_i32_8 = arith.constant 0 : i32
    return %c1_i32, %select_n3A_7, %c0_i32 : i32, i32, i32
  }
  func.func @transform_3(%arg0: i32) -> (i32, i32) {
    %c0_i32 = arith.constant 0 : i32
    %c0_i32_0 = arith.constant 0 : i32
    return %arg0, %c0_i32 : i32, i32
  }
  func.func @transform_4(%arg0: i32) -> (i32, i32) {
    %c0_i32 = arith.constant 0 : i32
    %c0_i32_0 = arith.constant 0 : i32
    %c0_i32_1 = arith.constant 0 : i32
    return %c0_i32, %c0_i32_0 : i32, i32
  }
  func.func @transform_5(%arg0: i32) -> (i32, i32) {
    %c0_i32 = arith.constant 0 : i32
    %c0_i32_0 = arith.constant 0 : i32
    %c0_i32_1 = arith.constant 0 : i32
    return %c0_i32, %c0_i32_0 : i32, i32
  }
  func.func @transform_6(%arg0: i32) -> (i32, i32) {
    %c0_i32 = arith.constant 0 : i32
    %c0_i32_0 = arith.constant 0 : i32
    %c0_i32_1 = arith.constant 0 : i32
    return %c0_i32, %c0_i32_0 : i32, i32
  }
  func.func @transform_7(%arg0: i32) -> (i32, i32) {
    %c0_i32 = arith.constant 0 : i32
    %c0_i32_0 = arith.constant 0 : i32
    return %arg0, %c0_i32 : i32, i32
  }
  func.func @transform_8(%arg0: i32) -> (i32, i32) {
    %c0_i32 = arith.constant 0 : i32
    %c0_i32_0 = arith.constant 0 : i32
    return %arg0, %c0_i32 : i32, i32
  }
  func.func @transform_9(%arg0: i32) -> (i32, i32) {
    %c0_i32 = arith.constant 0 : i32
    %c0_i32_0 = arith.constant 0 : i32
    return %arg0, %c0_i32 : i32, i32
  }
}

module attributes {stable_mosaic.version = 14 : i64} {
  func.func @_mid2_body(%arg0: i32, %arg1: memref<2x400x128xf32, #tpu.memory_space<vmem>>, %arg2: memref<1x400x128xf32, #tpu.memory_space<vmem>>, %arg3: memref<1x400x128xf32, #tpu.memory_space<vmem>>, %arg4: memref<2x400x128xf32, #tpu.memory_space<vmem>>, %arg5: memref<128x64xf32, #tpu.memory_space<vmem>>, %arg6: memref<128x64xf32, #tpu.memory_space<vmem>>, %arg7: memref<1x64xf32, #tpu.memory_space<vmem>>, %arg8: memref<2x400x128xf32, #tpu.memory_space<vmem>>, %arg9: memref<400x128xf32, #tpu.memory_space<vmem>>, %arg10: memref<2x400x64xf32, #tpu.memory_space<vmem>>) attributes {dimension_semantics = [#tpu.dimension_semantics<arbitrary>], iteration_bounds = array<i64: 25>, scalar_prefetch = 0 : i64, scratch_operands = 0 : i64, tpu.core_type = #tpu.core_type<tc>, window_params = [{transform_indices = @transform_0, window_bounds = array<i64: 2, 400, 128>}, {transform_indices = @transform_1, window_bounds = array<i64: 1, 400, 128>}, {transform_indices = @transform_2, window_bounds = array<i64: 1, 400, 128>}, {transform_indices = @transform_3, window_bounds = array<i64: 2, 400, 128>}, {pipeline_mode = #tpu.pipeline_mode<synchronous>, transform_indices = @transform_4, window_bounds = array<i64: 128, 64>}, {pipeline_mode = #tpu.pipeline_mode<synchronous>, transform_indices = @transform_5, window_bounds = array<i64: 128, 64>}, {pipeline_mode = #tpu.pipeline_mode<synchronous>, transform_indices = @transform_6, window_bounds = array<i64: 1, 64>}, {transform_indices = @transform_7, window_bounds = array<i64: 2, 400, 128>}, {transform_indices = @transform_8, window_bounds = array<i64: 400, 128>}, {transform_indices = @transform_9, window_bounds = array<i64: 2, 400, 64>}]} {
    %get3A = arith.constant 0 : index
    %get3A_0 = arith.constant 0 : index
    %get3A_1 = arith.constant 0 : index
    %get3A_2 = vector.load %arg2[%get3A, %get3A_0, %get3A_1] : memref<1x400x128xf32, #tpu.memory_space<vmem>>, vector<1x400x128xf32>
    %get3A_3 = vector.shape_cast %get3A_2 : vector<1x400x128xf32> to vector<400x128xf32>
    %slice3A = vector.extract_strided_slice %get3A_3 {offsets = [0, 0], sizes = [400, 1], strides = [1, 1]} : vector<400x128xf32> to vector<400x1xf32>
    %get3A_4 = arith.constant 0 : index
    %get3A_5 = arith.constant 0 : index
    %get3A_6 = arith.constant 0 : index
    %get3A_7 = vector.load %arg3[%get3A_4, %get3A_5, %get3A_6] : memref<1x400x128xf32, #tpu.memory_space<vmem>>, vector<1x400x128xf32>
    %get3A_8 = vector.shape_cast %get3A_7 : vector<1x400x128xf32> to vector<400x128xf32>
    %slice3A_9 = vector.extract_strided_slice %get3A_8 {offsets = [0, 0], sizes = [400, 1], strides = [1, 1]} : vector<400x128xf32> to vector<400x1xf32>
    %add3A = arith.addf %slice3A, %slice3A_9 : vector<400x1xf32>
    %max3A = arith.constant 1.000000e+00 : f32
    %max3A_10 = vector.broadcast %max3A : f32 to vector<400x1xf32>
    %max3A_11 = arith.maximumf %add3A, %max3A_10 : vector<400x1xf32>
    %div3A = arith.constant 1.000000e+00 : f32
    %div3A_12 = vector.broadcast %div3A : f32 to vector<400x1xf32>
    %div3A_13 = arith.divf %div3A_12, %max3A_11 : vector<400x1xf32>
    %get3A_14 = arith.constant 0 : index
    %get3A_15 = arith.constant 0 : index
    %get3A_16 = arith.constant 0 : index
    %get3A_17 = vector.load %arg1[%get3A_14, %get3A_15, %get3A_16] : memref<2x400x128xf32, #tpu.memory_space<vmem>>, vector<1x400x128xf32>
    %get3A_18 = vector.shape_cast %get3A_17 : vector<1x400x128xf32> to vector<400x128xf32>
    %mul3A = vector.broadcast %div3A_13 : vector<400x1xf32> to vector<400x128xf32>
    %mul3A_19 = arith.mulf %get3A_18, %mul3A : vector<400x128xf32>
    %get3A_20 = arith.constant 0 : index
    %get3A_21 = arith.constant 0 : index
    %get3A_22 = arith.constant 0 : index
    %get3A_23 = vector.load %arg4[%get3A_20, %get3A_21, %get3A_22] : memref<2x400x128xf32, #tpu.memory_space<vmem>>, vector<1x400x128xf32>
    %get3A_24 = vector.shape_cast %get3A_23 : vector<1x400x128xf32> to vector<400x128xf32>
    %add3A_25 = arith.addf %mul3A_19, %get3A_24 : vector<400x128xf32>
    %max3A_26 = arith.constant 0.000000e+00 : f32
    %max3A_27 = vector.broadcast %max3A_26 : f32 to vector<400x128xf32>
    %max3A_28 = arith.maximumf %add3A_25, %max3A_27 : vector<400x128xf32>
    %get3A_29 = arith.constant 1 : index
    %get3A_30 = arith.constant 0 : index
    %get3A_31 = arith.constant 0 : index
    %get3A_32 = vector.load %arg1[%get3A_29, %get3A_30, %get3A_31] : memref<2x400x128xf32, #tpu.memory_space<vmem>>, vector<1x400x128xf32>
    %get3A_33 = vector.shape_cast %get3A_32 : vector<1x400x128xf32> to vector<400x128xf32>
    %mul3A_34 = vector.broadcast %div3A_13 : vector<400x1xf32> to vector<400x128xf32>
    %mul3A_35 = arith.mulf %get3A_33, %mul3A_34 : vector<400x128xf32>
    %get3A_36 = arith.constant 1 : index
    %get3A_37 = arith.constant 0 : index
    %get3A_38 = arith.constant 0 : index
    %get3A_39 = vector.load %arg4[%get3A_36, %get3A_37, %get3A_38] : memref<2x400x128xf32, #tpu.memory_space<vmem>>, vector<1x400x128xf32>
    %get3A_40 = vector.shape_cast %get3A_39 : vector<1x400x128xf32> to vector<400x128xf32>
    %add3A_41 = arith.addf %mul3A_35, %get3A_40 : vector<400x128xf32>
    %max3A_42 = arith.constant 0.000000e+00 : f32
    %max3A_43 = vector.broadcast %max3A_42 : f32 to vector<400x128xf32>
    %max3A_44 = arith.maximumf %add3A_41, %max3A_43 : vector<400x128xf32>
    %swap3A = arith.constant 0 : index
    %swap3A_45 = arith.constant 0 : index
    %swap3A_46 = arith.constant 0 : index
    %swap3A_47 = vector.load %arg8[%swap3A, %swap3A_45, %swap3A_46] : memref<2x400x128xf32, #tpu.memory_space<vmem>>, vector<1x400x128xf32>
    %swap3A_48 = vector.shape_cast %swap3A_47 : vector<1x400x128xf32> to vector<400x128xf32>
    %swap3A_49 = vector.shape_cast %max3A_28 : vector<400x128xf32> to vector<1x400x128xf32>
    tpu.vector_store %arg8[%swap3A, %swap3A_45, %swap3A_46], %swap3A_49 {strides = array<i32>} : memref<2x400x128xf32, #tpu.memory_space<vmem>>, vector<1x400x128xf32>,
    %swap3A_50 = arith.constant 1 : index
    %swap3A_51 = arith.constant 0 : index
    %swap3A_52 = arith.constant 0 : index
    %swap3A_53 = vector.load %arg8[%swap3A_50, %swap3A_51, %swap3A_52] : memref<2x400x128xf32, #tpu.memory_space<vmem>>, vector<1x400x128xf32>
    %swap3A_54 = vector.shape_cast %swap3A_53 : vector<1x400x128xf32> to vector<400x128xf32>
    %swap3A_55 = vector.shape_cast %max3A_44 : vector<400x128xf32> to vector<1x400x128xf32>
    tpu.vector_store %arg8[%swap3A_50, %swap3A_51, %swap3A_52], %swap3A_55 {strides = array<i32>} : memref<2x400x128xf32, #tpu.memory_space<vmem>>, vector<1x400x128xf32>,
    %get3A_56 = arith.constant 0 : index
    %get3A_57 = arith.constant 0 : index
    %get3A_58 = vector.load %arg5[%get3A_56, %get3A_57] : memref<128x64xf32, #tpu.memory_space<vmem>>, vector<128x64xf32>
    %dot_general3A = arith.constant dense<0.000000e+00> : vector<400x64xf32>
    %dot_general3A_59 = tpu.matmul %max3A_28, %get3A_58, %dot_general3A {dimension_numbers = #tpu.dot_dimension_numbers<[1], [0], [0], [1], [0, 0, 1, 1], [], []>, transpose_lhs_hint = false} : vector<400x128xf32>, vector<128x64xf32>, vector<400x64xf32> -> vector<400x64xf32>
    %dot_general3A_60 = arith.constant dense<0.000000e+00> : vector<400x64xf32>
    %dot_general3A_61 = tpu.matmul %max3A_44, %get3A_58, %dot_general3A_60 {dimension_numbers = #tpu.dot_dimension_numbers<[1], [0], [0], [1], [0, 0, 1, 1], [], []>, transpose_lhs_hint = false} : vector<400x128xf32>, vector<128x64xf32>, vector<400x64xf32> -> vector<400x64xf32>
    %concatenate3A = tpu.concatenate %dot_general3A_59, %dot_general3A_61 in 1 : vector<400x64xf32>, vector<400x64xf32> -> vector<400x128xf32>
    %swap3A_62 = arith.constant 0 : index
    %swap3A_63 = arith.constant 0 : index
    %swap3A_64 = vector.load %arg9[%swap3A_62, %swap3A_63] : memref<400x128xf32, #tpu.memory_space<vmem>>, vector<400x128xf32>
    tpu.vector_store %arg9[%swap3A_62, %swap3A_63], %concatenate3A {strides = array<i32>} : memref<400x128xf32, #tpu.memory_space<vmem>>, vector<400x128xf32>,
    %get3A_65 = arith.constant 0 : index
    %get3A_66 = arith.constant 0 : index
    %get3A_67 = vector.load %arg6[%get3A_65, %get3A_66] : memref<128x64xf32, #tpu.memory_space<vmem>>, vector<128x64xf32>
    %dot_general3A_68 = arith.constant dense<0.000000e+00> : vector<400x64xf32>
    %dot_general3A_69 = tpu.matmul %max3A_28, %get3A_67, %dot_general3A_68 {dimension_numbers = #tpu.dot_dimension_numbers<[1], [0], [0], [1], [0, 0, 1, 1], [], []>, transpose_lhs_hint = false} : vector<400x128xf32>, vector<128x64xf32>, vector<400x64xf32> -> vector<400x64xf32>
    %get3A_70 = arith.constant 0 : index
    %get3A_71 = arith.constant 0 : index
    %get3A_72 = vector.load %arg7[%get3A_70, %get3A_71] : memref<1x64xf32, #tpu.memory_space<vmem>>, vector<1x64xf32>
    %add3A_73 = vector.broadcast %get3A_72 : vector<1x64xf32> to vector<400x64xf32>
    %add3A_74 = arith.addf %dot_general3A_69, %add3A_73 : vector<400x64xf32>
    %swap3A_75 = arith.constant 0 : index
    %swap3A_76 = arith.constant 0 : index
    %swap3A_77 = arith.constant 0 : index
    %swap3A_78 = vector.load %arg10[%swap3A_75, %swap3A_76, %swap3A_77] : memref<2x400x64xf32, #tpu.memory_space<vmem>>, vector<1x400x64xf32>
    %swap3A_79 = vector.shape_cast %swap3A_78 : vector<1x400x64xf32> to vector<400x64xf32>
    %swap3A_80 = vector.shape_cast %add3A_74 : vector<400x64xf32> to vector<1x400x64xf32>
    tpu.vector_store %arg10[%swap3A_75, %swap3A_76, %swap3A_77], %swap3A_80 {strides = array<i32>} : memref<2x400x64xf32, #tpu.memory_space<vmem>>, vector<1x400x64xf32>,
    %dot_general3A_81 = arith.constant dense<0.000000e+00> : vector<400x64xf32>
    %dot_general3A_82 = tpu.matmul %max3A_44, %get3A_67, %dot_general3A_81 {dimension_numbers = #tpu.dot_dimension_numbers<[1], [0], [0], [1], [0, 0, 1, 1], [], []>, transpose_lhs_hint = false} : vector<400x128xf32>, vector<128x64xf32>, vector<400x64xf32> -> vector<400x64xf32>
    %get3A_83 = arith.constant 0 : index
    %get3A_84 = arith.constant 0 : index
    %get3A_85 = vector.load %arg7[%get3A_83, %get3A_84] : memref<1x64xf32, #tpu.memory_space<vmem>>, vector<1x64xf32>
    %add3A_86 = vector.broadcast %get3A_85 : vector<1x64xf32> to vector<400x64xf32>
    %add3A_87 = arith.addf %dot_general3A_82, %add3A_86 : vector<400x64xf32>
    %swap3A_88 = arith.constant 1 : index
    %swap3A_89 = arith.constant 0 : index
    %swap3A_90 = arith.constant 0 : index
    %swap3A_91 = vector.load %arg10[%swap3A_88, %swap3A_89, %swap3A_90] : memref<2x400x64xf32, #tpu.memory_space<vmem>>, vector<1x400x64xf32>
    %swap3A_92 = vector.shape_cast %swap3A_91 : vector<1x400x64xf32> to vector<400x64xf32>
    %swap3A_93 = vector.shape_cast %add3A_87 : vector<400x64xf32> to vector<1x400x64xf32>
    tpu.vector_store %arg10[%swap3A_88, %swap3A_89, %swap3A_90], %swap3A_93 {strides = array<i32>} : memref<2x400x64xf32, #tpu.memory_space<vmem>>, vector<1x400x64xf32>,
    return
  }
  func.func @transform_0(%arg0: i32) -> (i32, i32, i32) {
    %c0_i32 = arith.constant 0 : i32
    %c0_i32_0 = arith.constant 0 : i32
    %c0_i32_1 = arith.constant 0 : i32
    return %c0_i32, %arg0, %c0_i32_0 : i32, i32, i32
  }
  func.func @transform_1(%arg0: i32) -> (i32, i32, i32) {
    %c0_i32 = arith.constant 0 : i32
    %c0_i32_0 = arith.constant 0 : i32
    %c0_i32_1 = arith.constant 0 : i32
    return %c0_i32, %arg0, %c0_i32_0 : i32, i32, i32
  }
  func.func @transform_2(%arg0: i32) -> (i32, i32, i32) {
    %c1_i32 = arith.constant 1 : i32
    %c0_i32 = arith.constant 0 : i32
    %c0_i32_0 = arith.constant 0 : i32
    return %c1_i32, %arg0, %c0_i32 : i32, i32, i32
  }
  func.func @transform_3(%arg0: i32) -> (i32, i32, i32) {
    %c0_i32 = arith.constant 0 : i32
    %c0_i32_0 = arith.constant 0 : i32
    %c0_i32_1 = arith.constant 0 : i32
    return %c0_i32, %arg0, %c0_i32_0 : i32, i32, i32
  }
  func.func @transform_4(%arg0: i32) -> (i32, i32) {
    %c0_i32 = arith.constant 0 : i32
    %c0_i32_0 = arith.constant 0 : i32
    %c0_i32_1 = arith.constant 0 : i32
    return %c0_i32, %c0_i32_0 : i32, i32
  }
  func.func @transform_5(%arg0: i32) -> (i32, i32) {
    %c0_i32 = arith.constant 0 : i32
    %c0_i32_0 = arith.constant 0 : i32
    %c0_i32_1 = arith.constant 0 : i32
    return %c0_i32, %c0_i32_0 : i32, i32
  }
  func.func @transform_6(%arg0: i32) -> (i32, i32) {
    %c0_i32 = arith.constant 0 : i32
    %c0_i32_0 = arith.constant 0 : i32
    %c0_i32_1 = arith.constant 0 : i32
    return %c0_i32, %c0_i32_0 : i32, i32
  }
  func.func @transform_7(%arg0: i32) -> (i32, i32, i32) {
    %c0_i32 = arith.constant 0 : i32
    %c0_i32_0 = arith.constant 0 : i32
    %c0_i32_1 = arith.constant 0 : i32
    return %c0_i32, %arg0, %c0_i32_0 : i32, i32, i32
  }
  func.func @transform_8(%arg0: i32) -> (i32, i32) {
    %c0_i32 = arith.constant 0 : i32
    %c0_i32_0 = arith.constant 0 : i32
    return %arg0, %c0_i32 : i32, i32
  }
  func.func @transform_9(%arg0: i32) -> (i32, i32, i32) {
    %c0_i32 = arith.constant 0 : i32
    %c0_i32_0 = arith.constant 0 : i32
    %c0_i32_1 = arith.constant 0 : i32
    return %c0_i32, %arg0, %c0_i32_0 : i32, i32, i32
  }
}

module attributes {stable_mosaic.version = 14 : i64} {
  func.func @_fin_body(%arg0: i32, %arg1: memref<2x400x128xf32, #tpu.memory_space<vmem>>, %arg2: memref<1x400x128xf32, #tpu.memory_space<vmem>>, %arg3: memref<1x400x128xf32, #tpu.memory_space<vmem>>, %arg4: memref<2x400x64xf32, #tpu.memory_space<vmem>>, %arg5: memref<2x400x64xf32, #tpu.memory_space<vmem>>, %arg6: memref<2x400x64xf32, #tpu.memory_space<vmem>>) attributes {dimension_semantics = [#tpu.dimension_semantics<arbitrary>], iteration_bounds = array<i64: 25>, scalar_prefetch = 0 : i64, scratch_operands = 0 : i64, tpu.core_type = #tpu.core_type<tc>, window_params = [{transform_indices = @transform_0, window_bounds = array<i64: 2, 400, 128>}, {transform_indices = @transform_1, window_bounds = array<i64: 1, 400, 128>}, {transform_indices = @transform_2, window_bounds = array<i64: 1, 400, 128>}, {transform_indices = @transform_3, window_bounds = array<i64: 2, 400, 64>}, {transform_indices = @transform_4, window_bounds = array<i64: 2, 400, 64>}, {transform_indices = @transform_5, window_bounds = array<i64: 2, 400, 64>}]} {
    %get3A = arith.constant 0 : index
    %get3A_0 = arith.constant 0 : index
    %get3A_1 = arith.constant 0 : index
    %get3A_2 = vector.load %arg2[%get3A, %get3A_0, %get3A_1] : memref<1x400x128xf32, #tpu.memory_space<vmem>>, vector<1x400x128xf32>
    %get3A_3 = vector.shape_cast %get3A_2 : vector<1x400x128xf32> to vector<400x128xf32>
    %slice3A = vector.extract_strided_slice %get3A_3 {offsets = [0, 0], sizes = [400, 1], strides = [1, 1]} : vector<400x128xf32> to vector<400x1xf32>
    %get3A_4 = arith.constant 0 : index
    %get3A_5 = arith.constant 0 : index
    %get3A_6 = arith.constant 0 : index
    %get3A_7 = vector.load %arg3[%get3A_4, %get3A_5, %get3A_6] : memref<1x400x128xf32, #tpu.memory_space<vmem>>, vector<1x400x128xf32>
    %get3A_8 = vector.shape_cast %get3A_7 : vector<1x400x128xf32> to vector<400x128xf32>
    %slice3A_9 = vector.extract_strided_slice %get3A_8 {offsets = [0, 0], sizes = [400, 1], strides = [1, 1]} : vector<400x128xf32> to vector<400x1xf32>
    %add3A = arith.addf %slice3A, %slice3A_9 : vector<400x1xf32>
    %max3A = arith.constant 1.000000e+00 : f32
    %max3A_10 = vector.broadcast %max3A : f32 to vector<400x1xf32>
    %max3A_11 = arith.maximumf %add3A, %max3A_10 : vector<400x1xf32>
    %div3A = arith.constant 1.000000e+00 : f32
    %div3A_12 = vector.broadcast %div3A : f32 to vector<400x1xf32>
    %div3A_13 = arith.divf %div3A_12, %max3A_11 : vector<400x1xf32>
    %get3A_14 = arith.constant 0 : index
    %get3A_15 = arith.constant 0 : index
    %get3A_16 = arith.constant 0 : index
    %get3A_17 = vector.load %arg1[%get3A_14, %get3A_15, %get3A_16] : memref<2x400x128xf32, #tpu.memory_space<vmem>>, vector<1x400x128xf32>
    %get3A_18 = vector.shape_cast %get3A_17 : vector<1x400x128xf32> to vector<400x128xf32>
    %get3A_19 = arith.constant 1 : index
    %get3A_20 = arith.constant 0 : index
    %get3A_21 = arith.constant 0 : index
    %get3A_22 = vector.load %arg1[%get3A_19, %get3A_20, %get3A_21] : memref<2x400x128xf32, #tpu.memory_space<vmem>>, vector<1x400x128xf32>
    %get3A_23 = vector.shape_cast %get3A_22 : vector<1x400x128xf32> to vector<400x128xf32>
    %add3A_24 = arith.addf %get3A_18, %get3A_23 : vector<400x128xf32>
    %slice3A_25 = vector.extract_strided_slice %add3A_24 {offsets = [0, 0], sizes = [400, 64], strides = [1, 1]} : vector<400x128xf32> to vector<400x64xf32>
    %mul3A = vector.broadcast %div3A_13 : vector<400x1xf32> to vector<400x64xf32>
    %mul3A_26 = arith.mulf %slice3A_25, %mul3A : vector<400x64xf32>
    %get3A_27 = arith.constant 0 : index
    %get3A_28 = arith.constant 0 : index
    %get3A_29 = arith.constant 0 : index
    %get3A_30 = vector.load %arg4[%get3A_27, %get3A_28, %get3A_29] : memref<2x400x64xf32, #tpu.memory_space<vmem>>, vector<1x400x64xf32>
    %get3A_31 = vector.shape_cast %get3A_30 : vector<1x400x64xf32> to vector<400x64xf32>
    %add3A_32 = arith.addf %mul3A_26, %get3A_31 : vector<400x64xf32>
    %swap3A = arith.constant 0 : index
    %swap3A_33 = arith.constant 0 : index
    %swap3A_34 = arith.constant 0 : index
    %swap3A_35 = vector.load %arg5[%swap3A, %swap3A_33, %swap3A_34] : memref<2x400x64xf32, #tpu.memory_space<vmem>>, vector<1x400x64xf32>
    %swap3A_36 = vector.shape_cast %swap3A_35 : vector<1x400x64xf32> to vector<400x64xf32>
    %swap3A_37 = vector.shape_cast %add3A_32 : vector<400x64xf32> to vector<1x400x64xf32>
    tpu.vector_store %arg5[%swap3A, %swap3A_33, %swap3A_34], %swap3A_37 {strides = array<i32>} : memref<2x400x64xf32, #tpu.memory_space<vmem>>, vector<1x400x64xf32>,
    %reduce_max3A = arith.constant dense<0xFF800000> : vector<400xf32>
    %reduce_max3A_38 = vector.multi_reduction <maximumf>, %add3A_32, %reduce_max3A [1] : vector<400x64xf32> to vector<400xf32>
    %broadcast_in_dim3A = vector.shape_cast %reduce_max3A_38 : vector<400xf32> to vector<400x1xf32>
    %sub3A = vector.broadcast %broadcast_in_dim3A : vector<400x1xf32> to vector<400x64xf32>
    %sub3A_39 = arith.subf %add3A_32, %sub3A : vector<400x64xf32>
    %exp3A = math.exp %sub3A_39 : vector<400x64xf32>
    %sub3A_40 = vector.broadcast %broadcast_in_dim3A : vector<400x1xf32> to vector<400x64xf32>
    %sub3A_41 = arith.subf %add3A_32, %sub3A_40 : vector<400x64xf32>
    %reduce_sum3A = arith.constant dense<0.000000e+00> : vector<400xf32>
    %reduce_sum3A_42 = vector.multi_reduction <add>, %exp3A, %reduce_sum3A [1] : vector<400x64xf32> to vector<400xf32>
    %broadcast_in_dim3A_43 = vector.shape_cast %reduce_sum3A_42 : vector<400xf32> to vector<400x1xf32>
    %log3A = math.log %broadcast_in_dim3A_43 : vector<400x1xf32>
    %sub3A_44 = vector.broadcast %log3A : vector<400x1xf32> to vector<400x64xf32>
    %sub3A_45 = arith.subf %sub3A_41, %sub3A_44 : vector<400x64xf32>
    %swap3A_46 = arith.constant 0 : index
    %swap3A_47 = arith.constant 0 : index
    %swap3A_48 = arith.constant 0 : index
    %swap3A_49 = vector.load %arg6[%swap3A_46, %swap3A_47, %swap3A_48] : memref<2x400x64xf32, #tpu.memory_space<vmem>>, vector<1x400x64xf32>
    %swap3A_50 = vector.shape_cast %swap3A_49 : vector<1x400x64xf32> to vector<400x64xf32>
    %swap3A_51 = vector.shape_cast %sub3A_45 : vector<400x64xf32> to vector<1x400x64xf32>
    tpu.vector_store %arg6[%swap3A_46, %swap3A_47, %swap3A_48], %swap3A_51 {strides = array<i32>} : memref<2x400x64xf32, #tpu.memory_space<vmem>>, vector<1x400x64xf32>,
    %slice3A_52 = vector.extract_strided_slice %add3A_24 {offsets = [0, 64], sizes = [400, 64], strides = [1, 1]} : vector<400x128xf32> to vector<400x64xf32>
    %mul3A_53 = vector.broadcast %div3A_13 : vector<400x1xf32> to vector<400x64xf32>
    %mul3A_54 = arith.mulf %slice3A_52, %mul3A_53 : vector<400x64xf32>
    %get3A_55 = arith.constant 1 : index
    %get3A_56 = arith.constant 0 : index
    %get3A_57 = arith.constant 0 : index
    %get3A_58 = vector.load %arg4[%get3A_55, %get3A_56, %get3A_57] : memref<2x400x64xf32, #tpu.memory_space<vmem>>, vector<1x400x64xf32>
    %get3A_59 = vector.shape_cast %get3A_58 : vector<1x400x64xf32> to vector<400x64xf32>
    %add3A_60 = arith.addf %mul3A_54, %get3A_59 : vector<400x64xf32>
    %swap3A_61 = arith.constant 1 : index
    %swap3A_62 = arith.constant 0 : index
    %swap3A_63 = arith.constant 0 : index
    %swap3A_64 = vector.load %arg5[%swap3A_61, %swap3A_62, %swap3A_63] : memref<2x400x64xf32, #tpu.memory_space<vmem>>, vector<1x400x64xf32>
    %swap3A_65 = vector.shape_cast %swap3A_64 : vector<1x400x64xf32> to vector<400x64xf32>
    %swap3A_66 = vector.shape_cast %add3A_60 : vector<400x64xf32> to vector<1x400x64xf32>
    tpu.vector_store %arg5[%swap3A_61, %swap3A_62, %swap3A_63], %swap3A_66 {strides = array<i32>} : memref<2x400x64xf32, #tpu.memory_space<vmem>>, vector<1x400x64xf32>,
    %reduce_max3A_67 = arith.constant dense<0xFF800000> : vector<400xf32>
    %reduce_max3A_68 = vector.multi_reduction <maximumf>, %add3A_60, %reduce_max3A_67 [1] : vector<400x64xf32> to vector<400xf32>
    %broadcast_in_dim3A_69 = vector.shape_cast %reduce_max3A_68 : vector<400xf32> to vector<400x1xf32>
    %sub3A_70 = vector.broadcast %broadcast_in_dim3A_69 : vector<400x1xf32> to vector<400x64xf32>
    %sub3A_71 = arith.subf %add3A_60, %sub3A_70 : vector<400x64xf32>
    %exp3A_72 = math.exp %sub3A_71 : vector<400x64xf32>
    %sub3A_73 = vector.broadcast %broadcast_in_dim3A_69 : vector<400x1xf32> to vector<400x64xf32>
    %sub3A_74 = arith.subf %add3A_60, %sub3A_73 : vector<400x64xf32>
    %reduce_sum3A_75 = arith.constant dense<0.000000e+00> : vector<400xf32>
    %reduce_sum3A_76 = vector.multi_reduction <add>, %exp3A_72, %reduce_sum3A_75 [1] : vector<400x64xf32> to vector<400xf32>
    %broadcast_in_dim3A_77 = vector.shape_cast %reduce_sum3A_76 : vector<400xf32> to vector<400x1xf32>
    %log3A_78 = math.log %broadcast_in_dim3A_77 : vector<400x1xf32>
    %sub3A_79 = vector.broadcast %log3A_78 : vector<400x1xf32> to vector<400x64xf32>
    %sub3A_80 = arith.subf %sub3A_74, %sub3A_79 : vector<400x64xf32>
    %swap3A_81 = arith.constant 1 : index
    %swap3A_82 = arith.constant 0 : index
    %swap3A_83 = arith.constant 0 : index
    %swap3A_84 = vector.load %arg6[%swap3A_81, %swap3A_82, %swap3A_83] : memref<2x400x64xf32, #tpu.memory_space<vmem>>, vector<1x400x64xf32>
    %swap3A_85 = vector.shape_cast %swap3A_84 : vector<1x400x64xf32> to vector<400x64xf32>
    %swap3A_86 = vector.shape_cast %sub3A_80 : vector<400x64xf32> to vector<1x400x64xf32>
    tpu.vector_store %arg6[%swap3A_81, %swap3A_82, %swap3A_83], %swap3A_86 {strides = array<i32>} : memref<2x400x64xf32, #tpu.memory_space<vmem>>, vector<1x400x64xf32>,
    return
  }
  func.func @transform_0(%arg0: i32) -> (i32, i32, i32) {
    %c0_i32 = arith.constant 0 : i32
    %c0_i32_0 = arith.constant 0 : i32
    %c0_i32_1 = arith.constant 0 : i32
    return %c0_i32, %arg0, %c0_i32_0 : i32, i32, i32
  }
  func.func @transform_1(%arg0: i32) -> (i32, i32, i32) {
    %c0_i32 = arith.constant 0 : i32
    %c0_i32_0 = arith.constant 0 : i32
    %c0_i32_1 = arith.constant 0 : i32
    return %c0_i32, %arg0, %c0_i32_0 : i32, i32, i32
  }
  func.func @transform_2(%arg0: i32) -> (i32, i32, i32) {
    %c1_i32 = arith.constant 1 : i32
    %c0_i32 = arith.constant 0 : i32
    %c0_i32_0 = arith.constant 0 : i32
    return %c1_i32, %arg0, %c0_i32 : i32, i32, i32
  }
  func.func @transform_3(%arg0: i32) -> (i32, i32, i32) {
    %c0_i32 = arith.constant 0 : i32
    %c0_i32_0 = arith.constant 0 : i32
    %c0_i32_1 = arith.constant 0 : i32
    return %c0_i32, %arg0, %c0_i32_0 : i32, i32, i32
  }
  func.func @transform_4(%arg0: i32) -> (i32, i32, i32) {
    %c0_i32 = arith.constant 0 : i32
    %c0_i32_0 = arith.constant 0 : i32
    %c0_i32_1 = arith.constant 0 : i32
    return %c0_i32, %arg0, %c0_i32_0 : i32, i32, i32
  }
  func.func @transform_5(%arg0: i32) -> (i32, i32, i32) {
    %c0_i32 = arith.constant 0 : i32
    %c0_i32_0 = arith.constant 0 : i32
    %c0_i32_1 = arith.constant 0 : i32
    return %c0_i32, %arg0, %c0_i32_0 : i32, i32, i32
  }
}

</mosaic_0001>

<sc_bundles>
// kernel: kernel.10.cloned.1.call-start
scs
__scs_entry_jumppad:
0x0: {  	(pc) =	sbr.rel $0x88, $3  }
0x1: {  	(tag) =	ssettag $0x0;
	lr =	simm.s32 $0x1  }
0x2: {  	[smem:$0x3F95] =	sst lr;
	_ =	strace $0xD0000000  }
0x3: {  	_ = 	snop  }
0x4: {  	_ = 	snop  }
0x5: {  	_ = 	snop  }
0x6: {  	_ = 	snop  }
0x7: {  	_ = 	snop  }
__scs_overlays_trampoline_lowered:
0x8: {  	[smem:$0x3FA4] =	sst s0  }
0x9: {  	[smem:$0x3FA5] =	sst s1  }
0xa: {  	[smem:$0x3FA6] =	sst s2  }
0xb: {  	[smem:$0x3FA7] =	sst s3  }
0xc: {  	[smem:$0x3FA8] =	sst s4  }
0xd: {  	[smem:$0x3FA9] =	sst s5  }
0xe: {  	[smem:$0x3FAA] =	sst s6  }
0xf: {  	[smem:$0x3FAB] =	sst s7  }
0x10: {  	[smem:$0x3FAC] =	sst s8  }
0x11: {  	[smem:$0x3FAD] =	sst s9;
	s0 =	simm.s32 @!p0 $0x0  }
0x12: {  	s1 =	sld [smem:$0x3F93];
	s0 =	simm.s32 @p0 $0x1  }
0x13: {  	[smem:$0x3FAE] =	sst s0;
	s0 =	simm.s32 @!p1 $0x0  }
0x14: {  	s2 =	sld [smem:$0x3F92];
	s0 =	simm.s32 @p1 $0x1  }
0x15: {  	[smem:$0x3FAF] =	sst s0;
	s0 =	simm.s32 @!p2 $0x0  }
0x16: {  	s3 =	sld [smem:$0x3FDB];
	s0 =	simm.s32 @p2 $0x1  }
0x17: {  	s4 =	simm.s32 $0x1BF5;
	[smem:$0x3FB1] =	sst s0  }
0x18: {  	s0 =	sld [smem:$0x3F94];
	_ =	swait.ge [sflag:s4], $0x0  }
0x19: {  	s7 =	sld [smem:$0x3F95]  }
0x1a: {  	s8 =	sadd.s32 $0xFFFFE003, lr  }
0x1b: {  	s9 =	sadd.s32 $0xFFFFFEF7, lr;
	s5 =	simm.s32 $0xFFFFFFFF;
	p2 =	slt.u32 s8, $0xFFFFF086  }
0x1c: {  	p1 =	slt.u32 s9, $0xF7A;
	s5 =	simm.s32 @!p2 $0x0  }
0x1d: {  	s5 =	simm.s32 @p1 $0x1;
	p0 =	seq.s32 s7, s2  }
0x1e: {  	s7 =	smul.u32 @!p0 $0xF7A, s2;
	p2 =	seq.s32 @!p0 s5, $0x0  }
0x1f: {  	s9 =	smul.u32 $0xF7A, s1;
	s8 =	simm.s32 @!p0 $0x1BF5;
	p2 =	por !p2, p0  }
0x20: {  	[sflag:s8] =	ssyncset.s32 @!p0 $0xFFFFF086;
	s6 =	sadd.s32 @!p0 s3, s7;
	s7 =	simm.s32 @!p0 $0x108  }
0x21: {  	s3 =	sadd.s32 s3, s9;
	s6 =	sadd.s32 @!p0 $0x88, s6;
	s7 =	simm.s32 @p2 $0x1082  }
0x22: {  	[simem:s7], [sflag:s8] =	dma.local @!p0 [hbm:s6], $0xF7A  }
0x23: {  	s9 =	sor.u32 $0xD0000000, s2;
	s6 =	simm.s32 $0x108;
	_ =	swait.ge @!p0 [sflag:s8], $0x0  }
0x24: {  	s3 =	sadd.s32 $0x88, s3;
	s6 =	simm.s32 @!p1 $0x1082;
	[sflag:s4] =	ssyncset.s32 $0xFFFFF086  }
0x25: {  	[simem:s6], [sflag:s4] =	dma.local [hbm:s3], $0xF7A  }
0x26: {  	[smem:$0x3F95] =	sst s1;
	(tag) =	ssettag s2;
	_ =	strace s9  }
0x27: {  	s1 =	sld [smem:$0x3FA5]  }
0x28: {  	s2 =	sld [smem:$0x3FA6]  }
0x29: {  	s4 =	sld [smem:$0x3FA8]  }
0x2a: {  	p0 =	seq.s32 s5, $0x0;
	s5 =	sld [smem:$0x3FA9]  }
0x2b: {  	s6 =	sld [smem:$0x3FAA]  }
0x2c: {  	s7 =	sld [smem:$0x3FAB]  }
0x2d: {  	s3 =	simm.s32 $0x108;
	s8 =	sld [smem:$0x3FAC]  }
0x2e: {  	s3 =	simm.s32 @!p0 $0x1082;
	s9 =	sld [smem:$0x3FAD]  }
0x2f: {  	lr =	sadd.s32 s0, s3;
	s0 =	sld [smem:$0x3FA4]  }
0x30: {  	s3 =	sld [smem:$0x3FA7]  }
0x31: {  	[smem:$0x3FB0] =	sst s10  }
0x32: {  	s10 =	sld [smem:$0x3FAE];
	_ =	sdelay $0x3  }
0x33: {  	p0 =	seq.s32 s10, $0x1;
	s10 =	sld [smem:$0x3FB0];
	_ =	sdelay $0x3  }
0x34: {  	[smem:$0x3FB0] =	sst s10  }
0x35: {  	s10 =	sld [smem:$0x3FAF];
	_ =	sdelay $0x3  }
0x36: {  	p1 =	seq.s32 s10, $0x1;
	s10 =	sld [smem:$0x3FB0];
	_ =	sdelay $0x3  }
0x37: {  	[smem:$0x3FB0] =	sst s10  }
0x38: {  	s10 =	sld [smem:$0x3FB1]  }
0x39: {  	_ = 	snop;
	(pc) =	sbr.ind lr, $3  }
0x3a: {  	_ = 	snop  }
0x3b: {  	_ = 	snop  }
0x3c: {  	p2 =	seq.s32 s10, $0x1;
	s10 =	sld [smem:$0x3FB0]  }
0x3d: {  	_ =	shalt  }
0x3e: {  	_ =	shalt  }
0x3f: {  	_ =	shalt  }
0x40: {  	_ =	shalt  }
0x41: {  	_ =	shalt  }
0x42: {  	_ =	shalt  }
0x43: {  	_ =	shalt  }
0x44: {  	_ =	shalt  }
0x45: {  	_ =	shalt  }
0x46: {  	_ =	shalt  }
0x47: {  	_ =	shalt  }
0x48: {  	_ =	shalt  }
0x49: {  	_ =	shalt  }
0x4a: {  	_ =	shalt  }
0x4b: {  	_ =	shalt  }
0x4c: {  	_ =	shalt  }
0x4d: {  	_ =	shalt  }
0x4e: {  	_ =	shalt  }
0x4f: {  	_ =	shalt  }
0x50: {  	_ =	shalt  }
0x51: {  	_ =	shalt  }
0x52: {  	_ =	shalt  }
0x53: {  	_ =	shalt  }
0x54: {  	_ =	shalt  }
0x55: {  	_ =	shalt  }
0x56: {  	_ =	shalt  }
0x57: {  	_ =	shalt  }
0x58: {  	_ =	shalt  }
0x59: {  	_ =	shalt  }
0x5a: {  	_ =	shalt  }
0x5b: {  	_ =	shalt  }
0x5c: {  	_ =	shalt  }
0x5d: {  	_ =	shalt  }
0x5e: {  	_ =	shalt  }
0x5f: {  	_ =	shalt  }
0x60: {  	_ =	shalt  }
0x61: {  	_ =	shalt  }
0x62: {  	_ =	shalt  }
0x63: {  	_ =	shalt  }
0x64: {  	_ =	shalt  }
0x65: {  	_ =	shalt  }
0x66: {  	_ =	shalt  }
0x67: {  	_ =	shalt  }
0x68: {  	_ =	shalt  }
0x69: {  	_ =	shalt  }
0x6a: {  	_ =	shalt  }
0x6b: {  	_ =	shalt  }
0x6c: {  	_ =	shalt  }
0x6d: {  	_ =	shalt  }
0x6e: {  	_ =	shalt  }
0x6f: {  	_ =	shalt  }
0x70: {  	_ =	shalt  }
0x71: {  	_ =	shalt  }
0x72: {  	_ =	shalt  }
0x73: {  	_ =	shalt  }
0x74: {  	_ =	shalt  }
0x75: {  	_ =	shalt  }
0x76: {  	_ =	shalt  }
0x77: {  	_ =	shalt  }
0x78: {  	_ =	shalt  }
0x79: {  	_ =	shalt  }
0x7a: {  	_ =	shalt  }
0x7b: {  	_ =	shalt  }
0x7c: {  	_ =	shalt  }
0x7d: {  	_ =	shalt  }
0x7e: {  	_ =	shalt  }
0x7f: {  	_ =	shalt  }
0x80: {  	_ =	shalt  }
0x81: {  	_ =	shalt  }
0x82: {  	_ =	shalt  }
0x83: {  	_ =	shalt  }
0x84: {  	_ =	shalt  }
0x85: {  	_ =	shalt  }
0x86: {  	_ =	shalt  }
0x87: {  	_ =	shalt  }
.Lfunc_end0:
.L_simem_size_0:
called_computation_lowered:
.L_overlay_start_0:
0x88: {  	s2 =	sld [smem:$0x3FD9]  }
0x89: {  	s3 =	sld [smem:$0x3FFE];
	_ =	sdelay $0x1  }
0x8a: {  	s1 =	srdreg.scid  }
0x8b: {  	s0 =	sand.u32 $0x1, s1  }
0x8c: {  	s15 =	sshll.u32 s0, $0xA;
	s2 =	sadd.s32 s3, s2  }
0x8d: {  	s2 =	sadd.s32 s2, s15  }
0x8e: {  	[smem:$0x3FBC] =	sst s2  }
0x8f: {  	_ = 	snop  }
0x90: {  	s2 =	sld [smem:$0x3FD0];
	_ =	sdelay $0x2  }
0x91: {  	s5 =	simm.s32 $0xB;
	s16 =	simm.s32 $0x10  }
0x92: {  	[smem:s16], [sflag:s5] =	dma.local [hbm:s2], $0x1  }
0x93: {  	_ =	swait.eq [sflag:s5], $0x1  }
0x94: {  	s17 =	sld [smem:$0x11];
	[sflag:s5] =	ssyncset.done $0x0  }
0x95: {  	s4 =	sld [smem:$0x12];
	[sflag:s5] =	ssyncadd.s32 $0xFFFFFFFF  }
0x96: {  	s18 =	sld [smem:$0x15];
	(tm) =	ssettm $0x1  }
0x97: {  	s19 =	sld [smem:$0x3FFB];
	_ =	sdelay $0x3  }
0x98: {  	_ =	strace s19  }
0x99: {  	s2 =	sld [smem:$0x3FFC];
	_ =	sdelay $0x3  }
0x9a: {  	_ =	strace s2  }
0x9b: {  	s2 =	sld [smem:$0x3FFD];
	_ =	sdelay $0x3  }
0x9c: {  	_ =	strace s2  }
0x9d: {  	_ =	strace $0x8FFFFFFF  }
0x9e: {  	s20 =	sld [smem:$0x3FDB];
	_ =	sdelay $0x1  }
0x9f: {  	s6 =	simm.s32 $_scs_section_size  }
0xa0: {  	s7 =	simm.s32 $_size__tile_overlayer_lowered;
	s8 =	simm.s32 $_tile_overlayer_lowered  }
0xa1: {  	s9 =	simm.s32 $0x1BFF;
	s21 =	sshll.u32 s8, $0x1;
	s6 =	sadd.s32 s6, s20  }
0xa2: {  	s22 =	simm.s32 $0x0;
	s7 =	sshll.u32 s7, $0x1;
	s8 =	sadd.s32 s21, s6  }
0xa3: {  	[timem:s22], [sflag:s9] =	dma.local [hbm:s8], s7  }
0xa4: {  	_ =	swait.ge [sflag:s9], s7  }
0xa5: {  	s7 =	ssub.s32 $0x0, s7;
	[sflag:s9] =	ssyncset.done $0x0  }
0xa6: {  	[sflag:s9] =	ssyncadd.s32 s7;
	_ =	sdelay $0x1  }
0xa7: {  	s23 =	simm.s32 $0x1B8B  }
0xa8: {  	_ =	swait.ge [sflag:s23], $0x1  }
0xa9: {  	[sflag:s23] =	ssyncset.done $0x0  }
0xaa: {  	[sflag:s23] =	ssyncadd.s32 $0xFFFFFFFF  }
0xab: {  	s7 =	sld [smem:$0x0]  }
0xac: {  	s8 =	sand.u32 $0xFFFFFFFE, s1  }
0xad: {  	p0 =	sne.s32 s1, s8  }
0xae: {  	s8 =	sshll.u32 @p0 s8, $0xE  }
0xaf: {  	s8 =	sadd.s32 @p0 $0x11B8D, s8;
	s9 =	sshll.u32 @p0 s7, $0x11  }
0xb0: {  	s8 =	sor.u32 @p0 s9, s8  }
0xb1: {  	[sflag:s8] =	ssyncadd.remote.s32 @p0 $0x1;
	_ =	sdelay $0x1  }
0xb2: {  	s8 =	simm.s32 @p0 $0x1B8D  }
0xb3: {  	_ =	swait.eq @p0 [sflag:s8], $0x1  }
0xb4: {  	[sflag:s8] =	ssyncadd.s32 @p0 $0xFFFFFFFF  }
0xb5: {  	s9 =	sshll.u32 @!p0 s1, $0xE  }
0xb6: {  	s9 =	sor.u32 @!p0 $0x4000, s9;
	s8 =	simm.s32 @!p0 $0x1B8D  }
0xb7: {  	s7 =	sshll.u32 @!p0 s7, $0x11;
	s9 =	sadd.s32 @!p0 $0x11B8D, s9;
	_ =	swait.eq @!p0 [sflag:s8], $0x1  }
0xb8: {  	s7 =	sor.u32 @!p0 s7, s9;
	[sflag:s8] =	ssyncadd.s32 @!p0 $0xFFFFFFFF  }
0xb9: {  	s25 =	simm.s32 $0x1B8E;
	s24 =	sld [smem:$0x3FFE];
	[sflag:s7] =	ssyncadd.remote.s32 @!p0 $0x1  }
0xba: {  	s26 =	simm.s32 $execute0_lowered;
	[smem:$0x3FD2] =	sst s25  }
0xbb: {  	s8 =	sshll.u32 s26, $0x1;
	_ =	strace $0x80000049;
	[dreg:$0x1] =	wrdreg $0xFFFFFFFF  }
0xbc: {  	s28 =	simm.s32 $_size_execute0_lowered;
	s6 =	sadd.s32 s6, s8;
	[dreg:$0x0] =	wrdreg $0x0  }
0xbd: {  	s8 =	sshll.u32 s28, $0x1;
	[dreg:$0x2] =	wrdreg s6  }
0xbe: {  	[dreg:$0x3] =	wrdreg s8  }
0xbf: {  	[dreg:$0x4] =	wrdreg $0xC0  }
0xc0: {  	_ =	task [dreg:s22], $0x5FFFF  }
0xc1: {  	[dreg:$0x1] =	wrdreg $0xFFFFFFFF  }
0xc2: {  	[dreg:$0x0] =	wrdreg $0x60  }
0xc3: {  	[dreg:$0x2] =	wrdreg s18  }
0xc4: {  	[dreg:$0x3] =	wrdreg s4  }
0xc5: {  	[dreg:$0x4] =	wrdreg s17  }
0xc6: {  	[dreg:$0x5] =	wrdreg s24  }
0xc7: {  	[dreg:$0x6] =	wrdreg $0x44000  }
0xc8: {  	[dreg:$0x7] =	wrdreg $0x9  }
0xc9: {  	_ =	task.clear_ibuf [dreg:s22], $0x8FFFF;
	_ =	strace $0x90000049  }
0xca: {  	s29 =	simm.s32 $0x9;
	_ =	strace $0x8000004B  }
0xcb: {  	_ =	swait.ge [sflag:s29], $0x1  }
0xcc: {  	[sflag:s29] =	ssyncadd.s32 $0xFFFFFFFF  }
0xcd: {  	_ =	strace $0x9000004B  }
0xce: {  	_ =	sfence  }
0xcf: {  	s30 =	sld [smem:$0x0];
	_ =	sdelay $0x2  }
0xd0: {  	s31 =	sshll.u32 s1, $0xD;
	s1 =	sshrl.u32 s1, $0x2  }
0xd1: {  	s4 =	sand.u32 $0x4000, s31;
	s1 =	sadd.s32 s1, s30  }
0xd2: {  	s0 =	sor.u32 s4, s0;
	s1 =	sshll.u32 s1, $0x11  }
0xd3: {  	s0 =	sor.u32 s1, s0  }
0xd4: {  	s0 =	sadd.s32 $0x8F2B, s0  }
0xd5: {  	[sflag:s0] =	ssyncadd.remote.s32 $0x1  }
0xd6: {  	_ =	sfence.sel $0xFFFF  }
0xd7: {  	[dreg:$0x0] =	wrdreg $0xFFFFFFFF;
	(pc) =	sbr.abs _section_cstart, $3  }
0xd8: {  	[dreg:$0x1] =	wrdreg $0xFFFFFFFF  }
0xd9: {  	_ =	task.clear_ibuf [dreg:s22], $0x2FFFF;
	_ =	strace $0x9FFFFFFF  }
0xda: {  	(tm) =	ssettm $0x7FFFFFFF  }
0xdb: {  	_ =	shalt  }
tec
execute0_lowered:
.L_overlay_start_1:
0x0: {  	(tag) =	ssettag $0x1  }
0x1: {  	s0 =	rddreg [dreg:$0x0]  }
0x2: {  	s1 =	rddreg [dreg:$0x1]  }
0x3: {  	s3 =	rddreg [dreg:$0x2]  }
0x4: {  	s6 =	rddreg [dreg:$0x3]  }
0x5: {  	s4 =	rddreg [dreg:$0x4];
	s2 =	stileid.u32  }
0x6: {  	s5 =	simm.s32 $0x0;
	s7 =	srdreg.scid;
	s28 =	simm.s32 $0x380  }
0x7: {  	s29 =	simm.s32 $0x0;
	s8 =	smul.u32 $0x4F000, s2;
	[smem:$0x7FF] =	sst s5  }
0x8: {  	s11 =	sand.u32 $0x1, s7;
	s12 =	smul.u32 $0x13C00, s2;
	s15 =	sadd.s32 $0xEF200, s6  }
0x9: {  	_ =	strace $0x8000004A;
	s20 =	ssub.s32 $0x2, s11;
	s18 =	smul.u32 $0x13C000, s11  }
0xa: {  	s21 =	sshrl.u32 s20, $0x1;
	s8 =	sshrl.u32 s8, $0x2;
	s13 =	sadd.s32 $0x4000, s12  }
0xb: {  	s14 =	sadd.s32 $0x8000, s12;
	s17 =	sadd.s32 $0xC000, s12;
	s19 =	sadd.s32 $0x10000, s12  }
0xc: {  	s16 =	ssub.s32 s20, s21;
	s6 =	sadd.s32 s8, s4;
	s7 =	sadd.s32 s13, s4  }
0xd: {  	s8 =	sadd.s32 s14, s4;
	s9 =	sadd.s32 s17, s4;
	s20 =	smul.u32 $0x28000, s11  }
0xe: {  	s10 =	sadd.s32 s19, s4;
	s22 =	sadd.s32 s12, s18;
	s21 =	smul.u32 $0x2800, s2  }
0xf: {  	s23 =	sadd.s32 s18, s13;
	s24 =	sadd.s32 s18, s14;
	s25 =	sadd.s32 s18, s17  }
0x10: {  	s26 =	sadd.s32 s18, s19;
	s18 =	simm.s32 $0x400;
	s19 =	simm.s32 $0x2  }
0x11: {  	s11 =	sshrl.u32 s22, $0x3;
	s12 =	sshrl.u32 s23, $0x3;
	s13 =	sshrl.u32 s24, $0x3  }
0x12: {  	s14 =	sshrl.u32 s25, $0x3;
	s17 =	sshrl.u32 s26, $0x3;
	s16 =	smax.u32 s16, $0x1  }
0x13: {  	s22 =	simm.s32 $0x100;
	s23 =	simm.s32 $0x180;
	s24 =	simm.s32 $0x200  }
0x14: {  	s25 =	simm.s32 $0x280;
	s26 =	simm.s32 $0x300;
	s11 =	sadd.s32 s15, s11  }
0x15: {  	s12 =	sadd.s32 s15, s12;
	s13 =	sadd.s32 s15, s13;
	s30 =	sadd.s32 s21, s20  }
0x16: {  	s14 =	sadd.s32 s15, s14;
	s15 =	sadd.s32 s15, s17;
	s31 =	sshrl.u32 s30, $0x3  }
0x17: {  	s20 =	simm.s32 $0x1;
	s21 =	simm.s32 $0x80;
	s17 =	sadd.s32 s31, s0  }
.LBB2_1:
0x18: {  	[tilespmem:s18], [sflag:$0x2] =	stream.linear.gather [hbm4b:s1+s5], $0x4000, $0x38;
	[tilespmem:$0x18000] =	vst v63  }
0x19: {  	_ =	swait.ge [sflag:s19], $0x4000  }
0x1a: {  	[sflag:s19] =	ssyncset.done $0x0  }
0x1b: {  	[sflag:s19] =	ssyncadd.s32 $0xFFFFC000  }
0x1c: {  	[spmem:s6] =	stream.linear.scatter [tilespmem:s18], [sflag:$0x1], $0x4000, $0x38;
	[tilespmem:$0x18000] =	vst v63  }
0x1d: {  	_ = 	snop  }
0x1e: {  	[spmem:s7] =	stream.linear.scatter [tilespmem:s18], [sflag:$0x1], $0x4000, $0x38;
	[tilespmem:$0x18000] =	vst v63  }
0x1f: {  	_ = 	snop  }
0x20: {  	[spmem:s8] =	stream.linear.scatter [tilespmem:s18], [sflag:$0x1], $0x4000, $0x38;
	[tilespmem:$0x18000] =	vst v63  }
0x21: {  	_ = 	snop  }
0x22: {  	[spmem:s9] =	stream.linear.scatter [tilespmem:s18], [sflag:$0x1], $0x4000, $0x38;
	[tilespmem:$0x18000] =	vst v63  }
0x23: {  	_ = 	snop  }
0x24: {  	[spmem:s10] =	stream.linear.scatter [tilespmem:s18], [sflag:$0x1], $0x3C00, $0x38;
	[tilespmem:$0x18000] =	vst v63  }
0x25: {  	_ =	swait.ge [sflag:s20], $0x4000  }
0x26: {  	[sflag:s20] =	ssyncset.done $0x0  }
0x27: {  	[sflag:s20] =	ssyncadd.s32 $0xFFFFC000  }
0x28: {  	_ =	swait.ge [sflag:s20], $0x4000  }
0x29: {  	[sflag:s20] =	ssyncset.done $0x0  }
0x2a: {  	[sflag:s20] =	ssyncadd.s32 $0xFFFFC000  }
0x2b: {  	_ =	swait.ge [sflag:s20], $0x4000  }
0x2c: {  	[sflag:s20] =	ssyncset.done $0x0  }
0x2d: {  	[sflag:s20] =	ssyncadd.s32 $0xFFFFC000  }
0x2e: {  	_ =	swait.ge [sflag:s20], $0x4000  }
0x2f: {  	[sflag:s20] =	ssyncset.done $0x0  }
0x30: {  	[sflag:s20] =	ssyncadd.s32 $0xFFFFC000  }
0x31: {  	_ =	swait.ge [sflag:s20], $0x3C00  }
0x32: {  	[sflag:s20] =	ssyncset.done $0x0  }
0x33: {  	[sflag:s20] =	ssyncadd.s32 $0xFFFFC400  }
0x34: {  	[tilespmem:s18], [sflag:$0x2] =	stream.linear.gather [hbm4b:s3+s5], $0x4000, $0x38;
	[tilespmem:$0x18000] =	vst v63  }
0x35: {  	_ =	swait.ge [sflag:s19], $0x4000  }
0x36: {  	[sflag:s19] =	ssyncset.done $0x0  }
0x37: {  	[sflag:s19] =	ssyncadd.s32 $0xFFFFC000  }
0x38: {  	s0 =	sadd.s32 $0x0, s17;
	[bflag:$0x0] =	sbarrier.arrive $0xFFFF  }
0x39: {  	[tilespmem:s5], [sflag:$0x2] =	stream.linear.gather [hbm4b:s0+s5], $0x400, $0x38;
	[tilespmem:$0x18000] =	vst v63  }
0x3a: {  	_ =	swait.ge [sflag:s19], $0x400  }
0x3b: {  	[sflag:s19] =	ssyncset.done $0x0  }
0x3c: {  	[sflag:s19] =	ssyncadd.s32 $0xFFFFFC00  }
0x3d: {  	[spmem:s4] =	stream.indirect.scatter.add.f32 [tilespmem:s18], [sflag:$0x1], $0x80, s5, s21, $0xb8;
	[tilespmem:$0x18000] =	vst v63  }
0x3e: {  	_ = 	snop  }
0x3f: {  	[spmem:s4] =	stream.indirect.scatter.add.f32 [tilespmem:s18], [sflag:$0x1], $0x80, s21, s21, $0xb8;
	[tilespmem:$0x18000] =	vst v63  }
0x40: {  	_ = 	snop  }
0x41: {  	[spmem:s4] =	stream.indirect.scatter.add.f32 [tilespmem:s18], [sflag:$0x1], $0x80, s22, s21, $0xb8;
	[tilespmem:$0x18000] =	vst v63  }
0x42: {  	_ = 	snop  }
0x43: {  	[spmem:s4] =	stream.indirect.scatter.add.f32 [tilespmem:s18], [sflag:$0x1], $0x80, s23, s21, $0xb8;
	[tilespmem:$0x18000] =	vst v63  }
0x44: {  	_ = 	snop  }
0x45: {  	[spmem:s4] =	stream.indirect.scatter.add.f32 [tilespmem:s18], [sflag:$0x1], $0x80, s24, s21, $0xb8;
	[tilespmem:$0x18000] =	vst v63  }
0x46: {  	_ = 	snop  }
0x47: {  	[spmem:s4] =	stream.indirect.scatter.add.f32 [tilespmem:s18], [sflag:$0x1], $0x80, s25, s21, $0xb8;
	[tilespmem:$0x18000] =	vst v63  }
0x48: {  	_ = 	snop  }
0x49: {  	[spmem:s4] =	stream.indirect.scatter.add.f32 [tilespmem:s18], [sflag:$0x1], $0x80, s26, s21, $0xb8;
	[tilespmem:$0x18000] =	vst v63  }
0x4a: {  	_ = 	snop  }
0x4b: {  	[spmem:s4] =	stream.indirect.scatter.add.f32 [tilespmem:s18], [sflag:$0x1], $0x80, s28, s21, $0xb8;
	[tilespmem:$0x18000] =	vst v63  }
0x4c: {  	_ =	swait.ge [sflag:s20], $0x4000  }
0x4d: {  	[sflag:s20] =	ssyncset.done $0x0  }
0x4e: {  	[sflag:s20] =	ssyncadd.s32 $0xFFFFC000  }
0x4f: {  	_ =	swait.ge [sflag:s20], $0x4000  }
0x50: {  	[sflag:s20] =	ssyncset.done $0x0  }
0x51: {  	[sflag:s20] =	ssyncadd.s32 $0xFFFFC000  }
0x52: {  	_ =	swait.ge [sflag:s20], $0x4000  }
0x53: {  	[sflag:s20] =	ssyncset.done $0x0  }
0x54: {  	[sflag:s20] =	ssyncadd.s32 $0xFFFFC000  }
0x55: {  	_ =	swait.ge [sflag:s20], $0x4000  }
0x56: {  	[sflag:s20] =	ssyncset.done $0x0  }
0x57: {  	[sflag:s20] =	ssyncadd.s32 $0xFFFFC000  }
0x58: {  	_ =	swait.ge [sflag:s20], $0x4000  }
0x59: {  	[sflag:s20] =	ssyncset.done $0x0  }
0x5a: {  	[sflag:s20] =	ssyncadd.s32 $0xFFFFC000  }
0x5b: {  	_ =	swait.ge [sflag:s20], $0x4000  }
0x5c: {  	[sflag:s20] =	ssyncset.done $0x0  }
0x5d: {  	[sflag:s20] =	ssyncadd.s32 $0xFFFFC000  }
0x5e: {  	_ =	swait.ge [sflag:s20], $0x4000  }
0x5f: {  	[sflag:s20] =	ssyncset.done $0x0  }
0x60: {  	[sflag:s20] =	ssyncadd.s32 $0xFFFFC000  }
0x61: {  	_ =	swait.ge [sflag:s20], $0x4000  }
0x62: {  	s30 =	simm.s32 $0x80;
	s31 =	simm.s32 $0x100;
	[sflag:s20] =	ssyncset.done $0x0  }
.LBB2_2:
0x63: {  	s2 =	sadd.s32 s30, s17  }
0x64: {  	[sflag:s20] =	ssyncadd.s32 $0xFFFFC000;
	s30 =	smov.u32 s31;
	s0 =	sadd.s32 $0x80, s31  }
0x65: {  	[tilespmem:s5], [sflag:$0x2] =	stream.linear.gather [hbm4b:s2+s5], $0x400, $0x38;
	[tilespmem:$0x18000] =	vst v63  }
0x66: {  	p0 =	sne.s32 s31, $0x480;
	_ =	swait.ge [sflag:s19], $0x400  }
0x67: {  	[sflag:s19] =	ssyncset.done $0x0  }
0x68: {  	[sflag:s19] =	ssyncadd.s32 $0xFFFFFC00  }
0x69: {  	[spmem:s4] =	stream.indirect.scatter.add.f32 [tilespmem:s18], [sflag:$0x1], $0x80, s5, s21, $0xb8;
	[tilespmem:$0x18000] =	vst v63  }
0x6a: {  	_ = 	snop  }
0x6b: {  	[spmem:s4] =	stream.indirect.scatter.add.f32 [tilespmem:s18], [sflag:$0x1], $0x80, s21, s21, $0xb8;
	[tilespmem:$0x18000] =	vst v63  }
0x6c: {  	_ = 	snop  }
0x6d: {  	[spmem:s4] =	stream.indirect.scatter.add.f32 [tilespmem:s18], [sflag:$0x1], $0x80, s22, s21, $0xb8;
	[tilespmem:$0x18000] =	vst v63  }
0x6e: {  	_ = 	snop  }
0x6f: {  	[spmem:s4] =	stream.indirect.scatter.add.f32 [tilespmem:s18], [sflag:$0x1], $0x80, s23, s21, $0xb8;
	[tilespmem:$0x18000] =	vst v63  }
0x70: {  	_ = 	snop  }
0x71: {  	[spmem:s4] =	stream.indirect.scatter.add.f32 [tilespmem:s18], [sflag:$0x1], $0x80, s24, s21, $0xb8;
	[tilespmem:$0x18000] =	vst v63  }
0x72: {  	_ = 	snop  }
0x73: {  	[spmem:s4] =	stream.indirect.scatter.add.f32 [tilespmem:s18], [sflag:$0x1], $0x80, s25, s21, $0xb8;
	[tilespmem:$0x18000] =	vst v63  }
0x74: {  	_ = 	snop  }
0x75: {  	[spmem:s4] =	stream.indirect.scatter.add.f32 [tilespmem:s18], [sflag:$0x1], $0x80, s26, s21, $0xb8;
	[tilespmem:$0x18000] =	vst v63  }
0x76: {  	_ = 	snop  }
0x77: {  	[spmem:s4] =	stream.indirect.scatter.add.f32 [tilespmem:s18], [sflag:$0x1], $0x80, s28, s21, $0xb8;
	[tilespmem:$0x18000] =	vst v63  }
0x78: {  	_ =	swait.ge [sflag:s20], $0x4000  }
0x79: {  	[sflag:s20] =	ssyncset.done $0x0  }
0x7a: {  	[sflag:s20] =	ssyncadd.s32 $0xFFFFC000  }
0x7b: {  	_ =	swait.ge [sflag:s20], $0x4000  }
0x7c: {  	[sflag:s20] =	ssyncset.done $0x0  }
0x7d: {  	[sflag:s20] =	ssyncadd.s32 $0xFFFFC000  }
0x7e: {  	_ =	swait.ge [sflag:s20], $0x4000  }
0x7f: {  	[sflag:s20] =	ssyncset.done $0x0  }
0x80: {  	[sflag:s20] =	ssyncadd.s32 $0xFFFFC000  }
0x81: {  	_ =	swait.ge [sflag:s20], $0x4000  }
0x82: {  	[sflag:s20] =	ssyncset.done $0x0  }
0x83: {  	[sflag:s20] =	ssyncadd.s32 $0xFFFFC000  }
0x84: {  	_ =	swait.ge [sflag:s20], $0x4000  }
0x85: {  	[sflag:s20] =	ssyncset.done $0x0  }
0x86: {  	[sflag:s20] =	ssyncadd.s32 $0xFFFFC000  }
0x87: {  	_ =	swait.ge [sflag:s20], $0x4000  }
0x88: {  	[sflag:s20] =	ssyncset.done $0x0  }
0x89: {  	[sflag:s20] =	ssyncadd.s32 $0xFFFFC000  }
.Ltmp0:
0x8a: {  	_ =	swait.ge [sflag:s20], $0x4000;
	(pc) =	sbr.rel @p0 .LBB2_2-.Ltmp0, $4  }
0x8b: {  	[sflag:s20] =	ssyncset.done $0x0  }
0x8c: {  	[sflag:s20] =	ssyncadd.s32 $0xFFFFC000  }
0x8d: {  	_ =	swait.ge [sflag:s20], $0x4000  }
0x8e: {  	s31 =	smov.u32 s0;
	[sflag:s20] =	ssyncset.done $0x0  }
0x8f: {  	s0 =	sadd.s32 s30, s17;
	[sflag:s20] =	ssyncadd.s32 $0xFFFFC000  }
0x90: {  	[tilespmem:s5], [sflag:$0x2] =	stream.linear.gather [hbm4b:s0+s5], $0x400, $0x38;
	[tilespmem:$0x18000] =	vst v63  }
0x91: {  	_ =	swait.ge [sflag:s19], $0x400  }
0x92: {  	[sflag:s19] =	ssyncset.done $0x0  }
0x93: {  	[sflag:s19] =	ssyncadd.s32 $0xFFFFFC00  }
0x94: {  	[spmem:s4] =	stream.indirect.scatter.add.f32 [tilespmem:s18], [sflag:$0x1], $0x80, s5, s21, $0xb8;
	[tilespmem:$0x18000] =	vst v63  }
0x95: {  	_ = 	snop  }
0x96: {  	[spmem:s4] =	stream.indirect.scatter.add.f32 [tilespmem:s18], [sflag:$0x1], $0x80, s21, s21, $0xb8;
	[tilespmem:$0x18000] =	vst v63  }
0x97: {  	_ = 	snop  }
0x98: {  	[spmem:s4] =	stream.indirect.scatter.add.f32 [tilespmem:s18], [sflag:$0x1], $0x80, s22, s21, $0xb8;
	[tilespmem:$0x18000] =	vst v63  }
0x99: {  	_ = 	snop  }
0x9a: {  	[spmem:s4] =	stream.indirect.scatter.add.f32 [tilespmem:s18], [sflag:$0x1], $0x80, s23, s21, $0xb8;
	[tilespmem:$0x18000] =	vst v63  }
0x9b: {  	_ = 	snop  }
0x9c: {  	[spmem:s4] =	stream.indirect.scatter.add.f32 [tilespmem:s18], [sflag:$0x1], $0x80, s24, s21, $0xb8;
	[tilespmem:$0x18000] =	vst v63  }
0x9d: {  	_ = 	snop  }
0x9e: {  	[spmem:s4] =	stream.indirect.scatter.add.f32 [tilespmem:s18], [sflag:$0x1], $0x80, s25, s21, $0xb8;
	[tilespmem:$0x18000] =	vst v63  }
0x9f: {  	_ = 	snop  }
0xa0: {  	[spmem:s4] =	stream.indirect.scatter.add.f32 [tilespmem:s18], [sflag:$0x1], $0x80, s26, s21, $0xb8;
	[tilespmem:$0x18000] =	vst v63  }
0xa1: {  	_ = 	snop  }
0xa2: {  	[spmem:s4] =	stream.indirect.scatter.add.f32 [tilespmem:s18], [sflag:$0x1], $0x80, s28, s21, $0xb8;
	[tilespmem:$0x18000] =	vst v63  }
0xa3: {  	_ =	swait.ge [sflag:s20], $0x4000  }
0xa4: {  	[sflag:s20] =	ssyncset.done $0x0  }
0xa5: {  	[sflag:s20] =	ssyncadd.s32 $0xFFFFC000  }
0xa6: {  	_ =	swait.ge [sflag:s20], $0x4000  }
0xa7: {  	[sflag:s20] =	ssyncset.done $0x0  }
0xa8: {  	[sflag:s20] =	ssyncadd.s32 $0xFFFFC000  }
0xa9: {  	_ =	swait.ge [sflag:s20], $0x4000  }
0xaa: {  	[sflag:s20] =	ssyncset.done $0x0  }
0xab: {  	[sflag:s20] =	ssyncadd.s32 $0xFFFFC000  }
0xac: {  	_ =	swait.ge [sflag:s20], $0x4000  }
0xad: {  	[sflag:s20] =	ssyncset.done $0x0  }
0xae: {  	[sflag:s20] =	ssyncadd.s32 $0xFFFFC000  }
0xaf: {  	_ =	swait.ge [sflag:s20], $0x4000  }
0xb0: {  	[sflag:s20] =	ssyncset.done $0x0  }
0xb1: {  	[sflag:s20] =	ssyncadd.s32 $0xFFFFC000  }
0xb2: {  	_ =	swait.ge [sflag:s20], $0x4000  }
0xb3: {  	[sflag:s20] =	ssyncset.done $0x0  }
0xb4: {  	[sflag:s20] =	ssyncadd.s32 $0xFFFFC000  }
0xb5: {  	_ =	swait.ge [sflag:s20], $0x4000  }
0xb6: {  	[sflag:s20] =	ssyncset.done $0x0  }
0xb7: {  	[sflag:s20] =	ssyncadd.s32 $0xFFFFC000  }
0xb8: {  	_ =	swait.ge [sflag:s20], $0x4000  }
0xb9: {  	[sflag:s20] =	ssyncset.done $0x0  }
0xba: {  	[sflag:s20] =	ssyncadd.s32 $0xFFFFC000  }
0xbb: {  	[bflag:$0x0] =	sbarrier.arrive $0xFFFF  }
0xbc: {  	[tilespmem:s18], [sflag:$0x2] =	stream.linear.gather [spmem:s6], $0x4000, $0x38;
	[tilespmem:$0x18000] =	vst v63  }
0xbd: {  	_ =	swait.ge [sflag:s19], $0x4000  }
0xbe: {  	[sflag:s19] =	ssyncset.done $0x0  }
0xbf: {  	[sflag:s19] =	ssyncadd.s32 $0xFFFFC000  }
0xc0: {  	[hbm4b:s11+s5] =	stream.linear.scatter [tilespmem:s18], [sflag:$0x2], $0x4000, $0x38;
	[tilespmem:$0x18000] =	vst v63  }
0xc1: {  	_ =	swait.ge [sflag:s19], $0x4000  }
0xc2: {  	[sflag:s19] =	ssyncset.done $0x0  }
0xc3: {  	[sflag:s19] =	ssyncadd.s32 $0xFFFFC000  }
0xc4: {  	[tilespmem:s18], [sflag:$0x2] =	stream.linear.gather [spmem:s7], $0x4000, $0x38;
	[tilespmem:$0x18000] =	vst v63  }
0xc5: {  	_ =	swait.ge [sflag:s19], $0x4000  }
0xc6: {  	[sflag:s19] =	ssyncset.done $0x0  }
0xc7: {  	[sflag:s19] =	ssyncadd.s32 $0xFFFFC000  }
0xc8: {  	[hbm4b:s12+s5] =	stream.linear.scatter [tilespmem:s18], [sflag:$0x2], $0x4000, $0x38;
	[tilespmem:$0x18000] =	vst v63  }
0xc9: {  	_ =	swait.ge [sflag:s19], $0x4000  }
0xca: {  	[sflag:s19] =	ssyncset.done $0x0  }
0xcb: {  	[sflag:s19] =	ssyncadd.s32 $0xFFFFC000  }
0xcc: {  	[tilespmem:s18], [sflag:$0x2] =	stream.linear.gather [spmem:s8], $0x4000, $0x38;
	[tilespmem:$0x18000] =	vst v63  }
0xcd: {  	_ =	swait.ge [sflag:s19], $0x4000  }
0xce: {  	[sflag:s19] =	ssyncset.done $0x0  }
0xcf: {  	[sflag:s19] =	ssyncadd.s32 $0xFFFFC000  }
0xd0: {  	[hbm4b:s13+s5] =	stream.linear.scatter [tilespmem:s18], [sflag:$0x2], $0x4000, $0x38;
	[tilespmem:$0x18000] =	vst v63  }
0xd1: {  	_ =	swait.ge [sflag:s19], $0x4000  }
0xd2: {  	[sflag:s19] =	ssyncset.done $0x0  }
0xd3: {  	[sflag:s19] =	ssyncadd.s32 $0xFFFFC000  }
0xd4: {  	[tilespmem:s18], [sflag:$0x2] =	stream.linear.gather [spmem:s9], $0x4000, $0x38;
	[tilespmem:$0x18000] =	vst v63  }
0xd5: {  	_ =	swait.ge [sflag:s19], $0x4000  }
0xd6: {  	[sflag:s19] =	ssyncset.done $0x0  }
0xd7: {  	[sflag:s19] =	ssyncadd.s32 $0xFFFFC000  }
0xd8: {  	[hbm4b:s14+s5] =	stream.linear.scatter [tilespmem:s18], [sflag:$0x2], $0x4000, $0x38;
	[tilespmem:$0x18000] =	vst v63  }
0xd9: {  	_ =	swait.ge [sflag:s19], $0x4000  }
0xda: {  	[sflag:s19] =	ssyncset.done $0x0  }
0xdb: {  	[sflag:s19] =	ssyncadd.s32 $0xFFFFC000  }
0xdc: {  	[tilespmem:s18], [sflag:$0x2] =	stream.linear.gather [spmem:s10], $0x3C00, $0x38;
	[tilespmem:$0x18000] =	vst v63  }
0xdd: {  	s29 =	sadd.s32 $0x1, s29;
	_ =	swait.ge [sflag:s19], $0x3C00  }
0xde: {  	p0 =	sne.s32 s29, s16;
	[sflag:s19] =	ssyncset.done $0x0  }
.Ltmp1:
0xdf: {  	[sflag:s19] =	ssyncadd.s32 $0xFFFFC400;
	(pc) =	sbr.rel @p0 .LBB2_1-.Ltmp1, $4  }
0xe0: {  	[hbm4b:s15+s5] =	stream.linear.scatter [tilespmem:s18], [sflag:$0x2], $0x3C00, $0x38;
	[tilespmem:$0x18000] =	vst v63  }
0xe1: {  	_ =	swait.ge [sflag:s19], $0x3C00  }
0xe2: {  	[sflag:s19] =	ssyncset.done $0x0  }
0xe3: {  	[sflag:s19] =	ssyncadd.s32 $0xFFFFC400  }
0xe4: {  	_ =	sfence.sel $0x180000  }
0xe5: {  	[bflag:$0x0] =	sbarrier.arrive $0xFFFF  }
0xe6: {  	_ =	strace $0x9000004A  }
0xe7: {  	s0 =	stileid.u32;
	[bflag:$0x2] =	sbarrier.arrive $0xFFFF  }
0xe8: {  	p0 =	sne.s32 s0, $0x0;
	s0 =	rddreg [dreg:$0x5]  }
0xe9: {  	s0 =	sadd.s32 @!p0 $0x100000, s0  }
0xea: {  	[sflag:s0] =	ssyncadd.tile.s32 @!p0 $0x1;
	_ =	shalt  }
.Lfunc_end2:
_tile_overlayer_lowered:
.L_overlay_start_2:
0xeb: {  	(tag) =	ssettag $0x2  }
0xec: {  	s0 =	rddreg [dreg:$0x0];
	s2 =	stileid.u32  }
0xed: {  	s1 =	rddreg [dreg:$0x1];
	p0 =	sne.s32 s2, $0x0  }
0xee: {  	s3 =	rddreg [dreg:$0x2];
	[bflag:$0x3] =	sbarrier.arrive $0xFFFF;
	s2 =	simm.s32 @!p0 $0x1C02  }
0xef: {  	[timem:s3], [sflag:s2] =	dma.local @!p0 [hbm:s0], s1  }
0xf0: {  	s0 =	simm.s32 @!p0 $0x2  }
0xf1: {  	_ =	swait.ge @!p0 [sflag:s0], s1  }
0xf2: {  	s1 =	ssub.s32 @!p0 $0x0, s1;
	[sflag:s0] =	ssyncset.done @!p0 $0x0  }
0xf3: {  	[sflag:s0] =	ssyncadd.s32 @!p0 s1  }
0xf4: {  	[bflag:$0x3] =	sbarrier.arrive $0xFFFF  }
0xf5: {  	_ =	shalt  }

// kernel: kernel.13.cloned.1.call-start
scs
__scs_entry_jumppad:
0x0: {  	(pc) =	sbr.rel $0x88, $3  }
0x1: {  	(tag) =	ssettag $0x0;
	lr =	simm.s32 $0x1  }
0x2: {  	[smem:$0x3F95] =	sst lr;
	_ =	strace $0xD0000000  }
0x3: {  	_ = 	snop  }
0x4: {  	_ = 	snop  }
0x5: {  	_ = 	snop  }
0x6: {  	_ = 	snop  }
0x7: {  	_ = 	snop  }
__scs_overlays_trampoline_lowered:
0x8: {  	[smem:$0x3FA4] =	sst s0  }
0x9: {  	[smem:$0x3FA5] =	sst s1  }
0xa: {  	[smem:$0x3FA6] =	sst s2  }
0xb: {  	[smem:$0x3FA7] =	sst s3  }
0xc: {  	[smem:$0x3FA8] =	sst s4  }
0xd: {  	[smem:$0x3FA9] =	sst s5  }
0xe: {  	[smem:$0x3FAA] =	sst s6  }
0xf: {  	[smem:$0x3FAB] =	sst s7  }
0x10: {  	[smem:$0x3FAC] =	sst s8  }
0x11: {  	[smem:$0x3FAD] =	sst s9;
	s0 =	simm.s32 @!p0 $0x0  }
0x12: {  	s1 =	sld [smem:$0x3F93];
	s0 =	simm.s32 @p0 $0x1  }
0x13: {  	[smem:$0x3FAE] =	sst s0;
	s0 =	simm.s32 @!p1 $0x0  }
0x14: {  	s2 =	sld [smem:$0x3F92];
	s0 =	simm.s32 @p1 $0x1  }
0x15: {  	[smem:$0x3FAF] =	sst s0;
	s0 =	simm.s32 @!p2 $0x0  }
0x16: {  	s3 =	sld [smem:$0x3FDB];
	s0 =	simm.s32 @p2 $0x1  }
0x17: {  	s4 =	simm.s32 $0x1BF5;
	[smem:$0x3FB1] =	sst s0  }
0x18: {  	s0 =	sld [smem:$0x3F94];
	_ =	swait.ge [sflag:s4], $0x0  }
0x19: {  	s7 =	sld [smem:$0x3F95]  }
0x1a: {  	s8 =	sadd.s32 $0xFFFFE003, lr  }
0x1b: {  	s9 =	sadd.s32 $0xFFFFFEF7, lr;
	s5 =	simm.s32 $0xFFFFFFFF;
	p2 =	slt.u32 s8, $0xFFFFF086  }
0x1c: {  	p1 =	slt.u32 s9, $0xF7A;
	s5 =	simm.s32 @!p2 $0x0  }
0x1d: {  	s5 =	simm.s32 @p1 $0x1;
	p0 =	seq.s32 s7, s2  }
0x1e: {  	s7 =	smul.u32 @!p0 $0xF7A, s2;
	p2 =	seq.s32 @!p0 s5, $0x0  }
0x1f: {  	s9 =	smul.u32 $0xF7A, s1;
	s8 =	simm.s32 @!p0 $0x1BF5;
	p2 =	por !p2, p0  }
0x20: {  	[sflag:s8] =	ssyncset.s32 @!p0 $0xFFFFF086;
	s6 =	sadd.s32 @!p0 s3, s7;
	s7 =	simm.s32 @!p0 $0x108  }
0x21: {  	s3 =	sadd.s32 s3, s9;
	s6 =	sadd.s32 @!p0 $0x88, s6;
	s7 =	simm.s32 @p2 $0x1082  }
0x22: {  	[simem:s7], [sflag:s8] =	dma.local @!p0 [hbm:s6], $0xF7A  }
0x23: {  	s9 =	sor.u32 $0xD0000000, s2;
	s6 =	simm.s32 $0x108;
	_ =	swait.ge @!p0 [sflag:s8], $0x0  }
0x24: {  	s3 =	sadd.s32 $0x88, s3;
	s6 =	simm.s32 @!p1 $0x1082;
	[sflag:s4] =	ssyncset.s32 $0xFFFFF086  }
0x25: {  	[simem:s6], [sflag:s4] =	dma.local [hbm:s3], $0xF7A  }
0x26: {  	[smem:$0x3F95] =	sst s1;
	(tag) =	ssettag s2;
	_ =	strace s9  }
0x27: {  	s1 =	sld [smem:$0x3FA5]  }
0x28: {  	s2 =	sld [smem:$0x3FA6]  }
0x29: {  	s4 =	sld [smem:$0x3FA8]  }
0x2a: {  	p0 =	seq.s32 s5, $0x0;
	s5 =	sld [smem:$0x3FA9]  }
0x2b: {  	s6 =	sld [smem:$0x3FAA]  }
0x2c: {  	s7 =	sld [smem:$0x3FAB]  }
0x2d: {  	s3 =	simm.s32 $0x108;
	s8 =	sld [smem:$0x3FAC]  }
0x2e: {  	s3 =	simm.s32 @!p0 $0x1082;
	s9 =	sld [smem:$0x3FAD]  }
0x2f: {  	lr =	sadd.s32 s0, s3;
	s0 =	sld [smem:$0x3FA4]  }
0x30: {  	s3 =	sld [smem:$0x3FA7]  }
0x31: {  	[smem:$0x3FB0] =	sst s10  }
0x32: {  	s10 =	sld [smem:$0x3FAE];
	_ =	sdelay $0x3  }
0x33: {  	p0 =	seq.s32 s10, $0x1;
	s10 =	sld [smem:$0x3FB0];
	_ =	sdelay $0x3  }
0x34: {  	[smem:$0x3FB0] =	sst s10  }
0x35: {  	s10 =	sld [smem:$0x3FAF];
	_ =	sdelay $0x3  }
0x36: {  	p1 =	seq.s32 s10, $0x1;
	s10 =	sld [smem:$0x3FB0];
	_ =	sdelay $0x3  }
0x37: {  	[smem:$0x3FB0] =	sst s10  }
0x38: {  	s10 =	sld [smem:$0x3FB1]  }
0x39: {  	_ = 	snop;
	(pc) =	sbr.ind lr, $3  }
0x3a: {  	_ = 	snop  }
0x3b: {  	_ = 	snop  }
0x3c: {  	p2 =	seq.s32 s10, $0x1;
	s10 =	sld [smem:$0x3FB0]  }
0x3d: {  	_ =	shalt  }
0x3e: {  	_ =	shalt  }
0x3f: {  	_ =	shalt  }
0x40: {  	_ =	shalt  }
0x41: {  	_ =	shalt  }
0x42: {  	_ =	shalt  }
0x43: {  	_ =	shalt  }
0x44: {  	_ =	shalt  }
0x45: {  	_ =	shalt  }
0x46: {  	_ =	shalt  }
0x47: {  	_ =	shalt  }
0x48: {  	_ =	shalt  }
0x49: {  	_ =	shalt  }
0x4a: {  	_ =	shalt  }
0x4b: {  	_ =	shalt  }
0x4c: {  	_ =	shalt  }
0x4d: {  	_ =	shalt  }
0x4e: {  	_ =	shalt  }
0x4f: {  	_ =	shalt  }
0x50: {  	_ =	shalt  }
0x51: {  	_ =	shalt  }
0x52: {  	_ =	shalt  }
0x53: {  	_ =	shalt  }
0x54: {  	_ =	shalt  }
0x55: {  	_ =	shalt  }
0x56: {  	_ =	shalt  }
0x57: {  	_ =	shalt  }
0x58: {  	_ =	shalt  }
0x59: {  	_ =	shalt  }
0x5a: {  	_ =	shalt  }
0x5b: {  	_ =	shalt  }
0x5c: {  	_ =	shalt  }
0x5d: {  	_ =	shalt  }
0x5e: {  	_ =	shalt  }
0x5f: {  	_ =	shalt  }
0x60: {  	_ =	shalt  }
0x61: {  	_ =	shalt  }
0x62: {  	_ =	shalt  }
0x63: {  	_ =	shalt  }
0x64: {  	_ =	shalt  }
0x65: {  	_ =	shalt  }
0x66: {  	_ =	shalt  }
0x67: {  	_ =	shalt  }
0x68: {  	_ =	shalt  }
0x69: {  	_ =	shalt  }
0x6a: {  	_ =	shalt  }
0x6b: {  	_ =	shalt  }
0x6c: {  	_ =	shalt  }
0x6d: {  	_ =	shalt  }
0x6e: {  	_ =	shalt  }
0x6f: {  	_ =	shalt  }
0x70: {  	_ =	shalt  }
0x71: {  	_ =	shalt  }
0x72: {  	_ =	shalt  }
0x73: {  	_ =	shalt  }
0x74: {  	_ =	shalt  }
0x75: {  	_ =	shalt  }
0x76: {  	_ =	shalt  }
0x77: {  	_ =	shalt  }
0x78: {  	_ =	shalt  }
0x79: {  	_ =	shalt  }
0x7a: {  	_ =	shalt  }
0x7b: {  	_ =	shalt  }
0x7c: {  	_ =	shalt  }
0x7d: {  	_ =	shalt  }
0x7e: {  	_ =	shalt  }
0x7f: {  	_ =	shalt  }
0x80: {  	_ =	shalt  }
0x81: {  	_ =	shalt  }
0x82: {  	_ =	shalt  }
0x83: {  	_ =	shalt  }
0x84: {  	_ =	shalt  }
0x85: {  	_ =	shalt  }
0x86: {  	_ =	shalt  }
0x87: {  	_ =	shalt  }
.Lfunc_end0:
.L_simem_size_0:
called_computation.1_lowered:
.L_overlay_start_0:
0x88: {  	s2 =	sld [smem:$0x3FD9]  }
0x89: {  	s3 =	sld [smem:$0x3FFE];
	_ =	sdelay $0x1  }
0x8a: {  	s1 =	srdreg.scid  }
0x8b: {  	s0 =	sand.u32 $0x1, s1  }
0x8c: {  	s14 =	sshll.u32 s0, $0xA;
	s2 =	sadd.s32 s3, s2  }
0x8d: {  	s2 =	sadd.s32 s2, s14  }
0x8e: {  	[smem:$0x3FBC] =	sst s2  }
0x8f: {  	_ = 	snop  }
0x90: {  	s2 =	sld [smem:$0x3FD0];
	_ =	sdelay $0x2  }
0x91: {  	s15 =	simm.s32 $0xB;
	s4 =	simm.s32 $0x10  }
0x92: {  	[smem:s4], [sflag:s15] =	dma.local [hbm:s2], $0x1  }
0x93: {  	_ =	swait.eq [sflag:s15], $0x1  }
0x94: {  	s16 =	sld [smem:$0x10];
	[sflag:s15] =	ssyncset.done $0x0  }
0x95: {  	s17 =	sld [smem:$0x12];
	[sflag:s15] =	ssyncadd.s32 $0xFFFFFFFF  }
0x96: {  	s18 =	sld [smem:$0x13];
	(tm) =	ssettm $0x1  }
0x97: {  	s5 =	sld [smem:$0x3FFB];
	_ =	sdelay $0x3  }
0x98: {  	_ =	strace s5  }
0x99: {  	s5 =	sld [smem:$0x3FFC];
	_ =	sdelay $0x3  }
0x9a: {  	_ =	strace s5  }
0x9b: {  	s5 =	sld [smem:$0x3FFD];
	_ =	sdelay $0x3  }
0x9c: {  	_ =	strace s5  }
0x9d: {  	_ =	strace $0x8FFFFFFF  }
0x9e: {  	s19 =	sld [smem:$0x3FDB];
	_ =	sdelay $0x1  }
0x9f: {  	s6 =	simm.s32 $_scs_section_size  }
0xa0: {  	s7 =	simm.s32 $_size__tile_overlayer_lowered;
	s8 =	simm.s32 $_tile_overlayer_lowered  }
0xa1: {  	s22 =	simm.s32 $0x1BFF;
	s21 =	sshll.u32 s8, $0x1;
	s5 =	sadd.s32 s6, s19  }
0xa2: {  	s9 =	simm.s32 $0x0;
	s20 =	sshll.u32 s7, $0x1;
	s7 =	sadd.s32 s21, s5  }
0xa3: {  	[timem:s9], [sflag:s22] =	dma.local [hbm:s7], s20  }
0xa4: {  	_ =	swait.ge [sflag:s22], s20  }
0xa5: {  	s6 =	ssub.s32 $0x0, s20;
	[sflag:s22] =	ssyncset.done $0x0  }
0xa6: {  	[sflag:s22] =	ssyncadd.s32 s6;
	_ =	sdelay $0x1  }
0xa7: {  	s23 =	simm.s32 $0x1B8B  }
0xa8: {  	_ =	swait.ge [sflag:s23], $0x1  }
0xa9: {  	[sflag:s23] =	ssyncset.done $0x0  }
0xaa: {  	s25 =	simm.s32 $0x1B8E;
	s24 =	sld [smem:$0x3FFE];
	[sflag:s23] =	ssyncadd.s32 $0xFFFFFFFF  }
0xab: {  	s26 =	simm.s32 $execute0_lowered;
	[smem:$0x3FD2] =	sst s25  }
0xac: {  	s7 =	sshll.u32 s26, $0x1;
	_ =	strace $0x80000046;
	[dreg:$0x1] =	wrdreg $0xFFFFFFFF  }
0xad: {  	s28 =	simm.s32 $_size_execute0_lowered;
	s5 =	sadd.s32 s5, s7;
	[dreg:$0x0] =	wrdreg $0x0  }
0xae: {  	s7 =	sshll.u32 s28, $0x1;
	[dreg:$0x2] =	wrdreg s5  }
0xaf: {  	[dreg:$0x3] =	wrdreg s7  }
0xb0: {  	[dreg:$0x4] =	wrdreg $0xC0  }
0xb1: {  	_ =	task [dreg:s9], $0x5FFFF  }
0xb2: {  	[dreg:$0x1] =	wrdreg $0xFFFFFFFF  }
0xb3: {  	[dreg:$0x0] =	wrdreg $0x60  }
0xb4: {  	[dreg:$0x2] =	wrdreg s24  }
0xb5: {  	[dreg:$0x3] =	wrdreg s16  }
0xb6: {  	[dreg:$0x4] =	wrdreg s18  }
0xb7: {  	[dreg:$0x5] =	wrdreg s17  }
0xb8: {  	[dreg:$0x6] =	wrdreg $0x88000  }
0xb9: {  	[dreg:$0x7] =	wrdreg $0xA  }
0xba: {  	_ =	task.clear_ibuf [dreg:s9], $0x8FFFF;
	_ =	strace $0x90000046  }
0xbb: {  	s29 =	simm.s32 $0xA;
	_ =	strace $0x80000048  }
0xbc: {  	_ =	swait.ge [sflag:s29], $0x1  }
0xbd: {  	[sflag:s29] =	ssyncadd.s32 $0xFFFFFFFF  }
0xbe: {  	_ =	strace $0x90000048  }
0xbf: {  	_ =	sfence  }
0xc0: {  	s30 =	sld [smem:$0x0];
	_ =	sdelay $0x2  }
0xc1: {  	s31 =	sshll.u32 s1, $0xD;
	s1 =	sshrl.u32 s1, $0x2  }
0xc2: {  	s3 =	sand.u32 $0x4000, s31;
	s1 =	sadd.s32 s1, s30  }
0xc3: {  	s0 =	sor.u32 s3, s0;
	s1 =	sshll.u32 s1, $0x11  }
0xc4: {  	s0 =	sor.u32 s1, s0  }
0xc5: {  	s0 =	sadd.s32 $0x8F2B, s0  }
0xc6: {  	[sflag:s0] =	ssyncadd.remote.s32 $0x1  }
0xc7: {  	_ =	sfence.sel $0xFFFF  }
0xc8: {  	[dreg:$0x0] =	wrdreg $0xFFFFFFFF;
	(pc) =	sbr.abs _section_cstart, $3  }
0xc9: {  	[dreg:$0x1] =	wrdreg $0xFFFFFFFF  }
0xca: {  	_ =	task.clear_ibuf [dreg:s9], $0x2FFFF;
	_ =	strace $0x9FFFFFFF  }
0xcb: {  	(tm) =	ssettm $0x7FFFFFFF  }
tec
execute0_lowered:
.L_overlay_start_1:
0x0: {  	(tag) =	ssettag $0x1  }
0x1: {  	s0 =	rddreg [dreg:$0x0]  }
0x2: {  	s1 =	rddreg [dreg:$0x1]  }
0x3: {  	s2 =	rddreg [dreg:$0x2]  }
0x4: {  	s3 =	rddreg [dreg:$0x4];
	s5 =	srdreg.scid  }
0x5: {  	s4 =	simm.s32 $0x0;
	s10 =	stileid.u32;
	s28 =	simm.s32 $0x480  }
0x6: {  	s29 =	simm.s32 $0x180;
	s30 =	simm.s32 $0x500;
	s8 =	smul.u32 $0x4F000, s10  }
0x7: {  	s31 =	simm.s32 $0x200;
	s6 =	sand.u32 $0x1, s5;
	s11 =	smul.u32 $0x13C00, s10  }
0x8: {  	[smem:$0x7FF] =	sst s4;
	s5 =	sadd.s32 $0x52000, s0;
	s20 =	smul.u32 $0x5000, s10  }
0x9: {  	s0 =	sadd.s32 $0xA0200, s0;
	s7 =	ssub.s32 $0x2, s6;
	s15 =	smul.u32 $0x13C000, s6  }
0xa: {  	_ =	strace $0x80000047;
	s6 =	smul.u32 $0x50000, s6;
	s9 =	sshrl.u32 s7, $0x1  }
0xb: {  	s8 =	sshrl.u32 s8, $0x2;
	s12 =	sadd.s32 $0x4000, s11;
	s13 =	sadd.s32 $0x8000, s11  }
0xc: {  	s21 =	sadd.s32 $0xC000, s11;
	s14 =	sadd.s32 $0x10000, s11;
	s7 =	ssub.s32 s7, s9  }
0xd: {  	s9 =	sadd.s32 s8, s3;
	s17 =	sadd.s32 s12, s3;
	s18 =	sadd.s32 s13, s3  }
0xe: {  	s19 =	sadd.s32 s21, s3;
	s16 =	sadd.s32 s14, s3;
	s11 =	sadd.s32 s11, s15  }
0xf: {  	s12 =	sadd.s32 s15, s12;
	s13 =	sadd.s32 s15, s13;
	s8 =	sadd.s32 s15, s21  }
0x10: {  	s24 =	sadd.s32 s15, s14;
	s6 =	sadd.s32 s20, s6;
	s20 =	simm.s32 $0x3  }
0x11: {  	s21 =	simm.s32 $0x1;
	s14 =	simm.s32 $0x700;
	s15 =	simm.s32 $0x780  }
0x12: {  	s10 =	smov.u32 s19;
	s11 =	sshrl.u32 s11, $0x3;
	s12 =	sshrl.u32 s12, $0x3  }
0x13: {  	s23 =	sshrl.u32 s13, $0x3;
	s8 =	sshrl.u32 s8, $0x3;
	[dreg:$0x6] =	wrdreg s9  }
0x14: {  	s25 =	sshrl.u32 s6, $0x3;
	s26 =	smax.u32 s7, $0x1;
	[dreg:$0xa] =	wrdreg s16  }
0x15: {  	s7 =	smov.u32 s17;
	s6 =	simm.s32 $0x0;
	[dreg:$0x10] =	wrdreg s26  }
0x16: {  	s19 =	simm.s32 $0x800;
	s13 =	simm.s32 $0x380;
	[dreg:$0x11] =	wrdreg s6  }
0x17: {  	s11 =	sadd.s32 s0, s11;
	s22 =	sadd.s32 s0, s12;
	[dreg:$0x7] =	wrdreg s7  }
0x18: {  	s8 =	sadd.s32 s0, s8;
	s17 =	sadd.s32 s25, s2;
	[dreg:$0x9] =	wrdreg s10  }
0x19: {  	s26 =	simm.s32 $0x2;
	s2 =	simm.s32 $0x280;
	[dreg:$0xb] =	wrdreg s11  }
0x1a: {  	s12 =	simm.s32 $0x680;
	[dreg:$0xc] =	wrdreg s22;
	s11 =	sadd.s32 s0, s23  }
0x1b: {  	[dreg:$0xe] =	wrdreg s8;
	s8 =	smov.u32 s18;
	s18 =	sadd.s32 s25, s1  }
0x1c: {  	s22 =	simm.s32 $0x400;
	s23 =	simm.s32 $0x80;
	s25 =	simm.s32 $0x100  }
0x1d: {  	s1 =	simm.s32 $0x600;
	[dreg:$0xd] =	wrdreg s11;
	s11 =	sshrl.u32 s24, $0x3  }
0x1e: {  	s24 =	simm.s32 $0x4800;
	[dreg:$0x8] =	wrdreg s8;
	s0 =	sadd.s32 s0, s11  }
0x1f: {  	s11 =	simm.s32 $0x300;
	[dreg:$0xf] =	wrdreg s0;
	s0 =	simm.s32 $0x580  }
.LBB2_1:
0x20: {  	s6 =	rddreg [dreg:$0x3]  }
0x21: {  	[tilespmem:s19], [sflag:$0x3] =	stream.linear.gather [hbm4b:s6+s4], $0x4000, $0x38;
	[tilespmem:$0x1C400] =	vst v63  }
0x22: {  	_ =	swait.ge [sflag:s20], $0x4000  }
0x23: {  	[sflag:s20] =	ssyncset.done $0x0  }
0x24: {  	[sflag:s20] =	ssyncadd.s32 $0xFFFFC000  }
0x25: {  	[spmem:s9] =	stream.linear.scatter [tilespmem:s19], [sflag:$0x1], $0x4000, $0x38;
	[tilespmem:$0x1C400] =	vst v63  }
0x26: {  	_ = 	snop  }
0x27: {  	[spmem:s7] =	stream.linear.scatter [tilespmem:s19], [sflag:$0x1], $0x4000, $0x38;
	[tilespmem:$0x1C400] =	vst v63  }
0x28: {  	_ = 	snop  }
0x29: {  	[spmem:s8] =	stream.linear.scatter [tilespmem:s19], [sflag:$0x1], $0x4000, $0x38;
	[tilespmem:$0x1C400] =	vst v63  }
0x2a: {  	_ = 	snop  }
0x2b: {  	[spmem:s10] =	stream.linear.scatter [tilespmem:s19], [sflag:$0x1], $0x4000, $0x38;
	[tilespmem:$0x1C400] =	vst v63  }
0x2c: {  	_ = 	snop  }
0x2d: {  	[spmem:s16] =	stream.linear.scatter [tilespmem:s19], [sflag:$0x1], $0x3C00, $0x38;
	[tilespmem:$0x1C400] =	vst v63  }
0x2e: {  	_ =	swait.ge [sflag:s21], $0x4000  }
0x2f: {  	[sflag:s21] =	ssyncset.done $0x0  }
0x30: {  	[sflag:s21] =	ssyncadd.s32 $0xFFFFC000  }
0x31: {  	_ =	swait.ge [sflag:s21], $0x4000  }
0x32: {  	[sflag:s21] =	ssyncset.done $0x0  }
0x33: {  	[sflag:s21] =	ssyncadd.s32 $0xFFFFC000  }
0x34: {  	_ =	swait.ge [sflag:s21], $0x4000  }
0x35: {  	[sflag:s21] =	ssyncset.done $0x0  }
0x36: {  	[sflag:s21] =	ssyncadd.s32 $0xFFFFC000  }
0x37: {  	_ =	swait.ge [sflag:s21], $0x4000  }
0x38: {  	[sflag:s21] =	ssyncset.done $0x0  }
0x39: {  	[sflag:s21] =	ssyncadd.s32 $0xFFFFC000  }
0x3a: {  	_ =	swait.ge [sflag:s21], $0x3C00  }
0x3b: {  	[sflag:s21] =	ssyncset.done $0x0  }
0x3c: {  	[sflag:s21] =	ssyncadd.s32 $0xFFFFC400  }
0x3d: {  	s10 =	sadd.s32 $0x0, s18;
	[bflag:$0x0] =	sbarrier.arrive $0xFFFF  }
0x3e: {  	[tilespmem:s4], [sflag:$0x3] =	stream.linear.gather [hbm4b:s10+s4], $0x400, $0x38;
	[tilespmem:$0x1C400] =	vst v63  }
0x3f: {  	_ =	swait.ge [sflag:s20], $0x400  }
0x40: {  	[sflag:s20] =	ssyncset.done $0x0  }
0x41: {  	s16 =	sadd.s32 $0x0, s17;
	[sflag:s20] =	ssyncadd.s32 $0xFFFFFC00  }
0x42: {  	[tilespmem:s22], [sflag:$0x3] =	stream.linear.gather [hbm4b:s16+s4], $0x400, $0x38;
	[tilespmem:$0x1C400] =	vst v63  }
0x43: {  	_ =	swait.ge [sflag:s20], $0x400  }
0x44: {  	[sflag:s20] =	ssyncset.done $0x0  }
0x45: {  	[sflag:s20] =	ssyncadd.s32 $0xFFFFFC00  }
0x46: {  	[tilespmem:s19], [sflag:$0x1] =	stream.indirect.gather [hbm4b:s5+s23], $0x80, s4, s23, $0xb8;
	[tilespmem:$0x1C400] =	vst v63  }
0x47: {  	_ = 	snop  }
0x48: {  	[tilespmem:s24], [sflag:$0x2] =	stream.indirect.gather [hbm4b:s5+s23], $0x80, s23, s23, $0xb8;
	[tilespmem:$0x1C400] =	vst v63  }
0x49: {  	_ =	swait.ge [sflag:s21], $0x4000  }
0x4a: {  	[sflag:s21] =	ssyncset.done $0x0  }
0x4b: {  	[sflag:s21] =	ssyncadd.s32 $0xFFFFC000  }
0x4c: {  	[spmem:s3] =	stream.indirect.scatter.add.f32 [tilespmem:s19], [sflag:$0x3], $0x80, s22, s23, $0xb8;
	[tilespmem:$0x1C400] =	vst v63  }
0x4d: {  	_ =	swait.ge [sflag:s20], $0x4000  }
0x4e: {  	[sflag:s20] =	ssyncset.done $0x0  }
0x4f: {  	[sflag:s20] =	ssyncadd.s32 $0xFFFFC000  }
0x50: {  	[tilespmem:s19], [sflag:$0x1] =	stream.indirect.gather [hbm4b:s5+s23], $0x80, s25, s23, $0xb8;
	[tilespmem:$0x1C400] =	vst v63  }
0x51: {  	_ =	swait.ge [sflag:s26], $0x4000  }
0x52: {  	[sflag:s26] =	ssyncset.done $0x0  }
0x53: {  	[sflag:s26] =	ssyncadd.s32 $0xFFFFC000  }
0x54: {  	[spmem:s3] =	stream.indirect.scatter.add.f32 [tilespmem:s24], [sflag:$0x3], $0x80, s28, s23, $0xb8;
	[tilespmem:$0x1C400] =	vst v63  }
0x55: {  	_ =	swait.ge [sflag:s20], $0x4000  }
0x56: {  	[sflag:s20] =	ssyncset.done $0x0  }
0x57: {  	[sflag:s20] =	ssyncadd.s32 $0xFFFFC000  }
0x58: {  	[tilespmem:s24], [sflag:$0x2] =	stream.indirect.gather [hbm4b:s5+s23], $0x80, s29, s23, $0xb8;
	[tilespmem:$0x1C400] =	vst v63  }
0x59: {  	_ =	swait.ge [sflag:s21], $0x4000  }
0x5a: {  	[sflag:s21] =	ssyncset.done $0x0  }
0x5b: {  	[sflag:s21] =	ssyncadd.s32 $0xFFFFC000  }
0x5c: {  	[spmem:s3] =	stream.indirect.scatter.add.f32 [tilespmem:s19], [sflag:$0x3], $0x80, s30, s23, $0xb8;
	[tilespmem:$0x1C400] =	vst v63  }
0x5d: {  	_ =	swait.ge [sflag:s20], $0x4000  }
0x5e: {  	[sflag:s20] =	ssyncset.done $0x0  }
0x5f: {  	[sflag:s20] =	ssyncadd.s32 $0xFFFFC000  }
0x60: {  	[tilespmem:s19], [sflag:$0x1] =	stream.indirect.gather [hbm4b:s5+s23], $0x80, s31, s23, $0xb8;
	[tilespmem:$0x1C400] =	vst v63  }
0x61: {  	_ =	swait.ge [sflag:s26], $0x4000  }
0x62: {  	[sflag:s26] =	ssyncset.done $0x0  }
0x63: {  	[sflag:s26] =	ssyncadd.s32 $0xFFFFC000  }
0x64: {  	[spmem:s3] =	stream.indirect.scatter.add.f32 [tilespmem:s24], [sflag:$0x3], $0x80, s0, s23, $0xb8;
	[tilespmem:$0x1C400] =	vst v63  }
0x65: {  	_ =	swait.ge [sflag:s20], $0x4000  }
0x66: {  	[sflag:s20] =	ssyncset.done $0x0  }
0x67: {  	[sflag:s20] =	ssyncadd.s32 $0xFFFFC000  }
0x68: {  	[tilespmem:s24], [sflag:$0x2] =	stream.indirect.gather [hbm4b:s5+s23], $0x80, s2, s23, $0xb8;
	[tilespmem:$0x1C400] =	vst v63  }
0x69: {  	_ =	swait.ge [sflag:s21], $0x4000  }
0x6a: {  	[sflag:s21] =	ssyncset.done $0x0  }
0x6b: {  	[sflag:s21] =	ssyncadd.s32 $0xFFFFC000  }
0x6c: {  	[spmem:s3] =	stream.indirect.scatter.add.f32 [tilespmem:s19], [sflag:$0x3], $0x80, s1, s23, $0xb8;
	[tilespmem:$0x1C400] =	vst v63  }
0x6d: {  	_ =	swait.ge [sflag:s20], $0x4000  }
0x6e: {  	[sflag:s20] =	ssyncset.done $0x0  }
0x6f: {  	[sflag:s20] =	ssyncadd.s32 $0xFFFFC000  }
0x70: {  	[tilespmem:s19], [sflag:$0x1] =	stream.indirect.gather [hbm4b:s5+s23], $0x80, s11, s23, $0xb8;
	[tilespmem:$0x1C400] =	vst v63  }
0x71: {  	_ =	swait.ge [sflag:s26], $0x4000  }
0x72: {  	[sflag:s26] =	ssyncset.done $0x0  }
0x73: {  	[sflag:s26] =	ssyncadd.s32 $0xFFFFC000  }
0x74: {  	[spmem:s3] =	stream.indirect.scatter.add.f32 [tilespmem:s24], [sflag:$0x3], $0x80, s12, s23, $0xb8;
	[tilespmem:$0x1C400] =	vst v63  }
0x75: {  	_ =	swait.ge [sflag:s20], $0x4000  }
0x76: {  	[sflag:s20] =	ssyncset.done $0x0  }
0x77: {  	[sflag:s20] =	ssyncadd.s32 $0xFFFFC000  }
0x78: {  	[tilespmem:s24], [sflag:$0x2] =	stream.indirect.gather [hbm4b:s5+s23], $0x80, s13, s23, $0xb8;
	[tilespmem:$0x1C400] =	vst v63  }
0x79: {  	_ =	swait.ge [sflag:s21], $0x4000  }
0x7a: {  	[sflag:s21] =	ssyncset.done $0x0  }
0x7b: {  	[sflag:s21] =	ssyncadd.s32 $0xFFFFC000  }
0x7c: {  	[spmem:s3] =	stream.indirect.scatter.add.f32 [tilespmem:s19], [sflag:$0x3], $0x80, s14, s23, $0xb8;
	[tilespmem:$0x1C400] =	vst v63  }
0x7d: {  	_ =	swait.ge [sflag:s20], $0x4000  }
0x7e: {  	[sflag:s20] =	ssyncset.done $0x0  }
0x7f: {  	[sflag:s20] =	ssyncadd.s32 $0xFFFFC000  }
0x80: {  	_ =	swait.ge [sflag:s26], $0x4000  }
0x81: {  	[sflag:s26] =	ssyncset.done $0x0  }
0x82: {  	[sflag:s26] =	ssyncadd.s32 $0xFFFFC000  }
0x83: {  	[spmem:s3] =	stream.indirect.scatter.add.f32 [tilespmem:s24], [sflag:$0x3], $0x80, s15, s23, $0xb8;
	[tilespmem:$0x1C400] =	vst v63  }
0x84: {  	_ =	swait.ge [sflag:s20], $0x4000  }
0x85: {  	s6 =	simm.s32 $0x80;
	s7 =	simm.s32 $0x100;
	[sflag:s20] =	ssyncset.done $0x0  }
.LBB2_2:
0x86: {  	s9 =	sadd.s32 s6, s18  }
0x87: {  	[sflag:s20] =	ssyncadd.s32 $0xFFFFC000;
	s10 =	smov.u32 s7;
	s8 =	sadd.s32 $0x80, s7  }
0x88: {  	[tilespmem:s4], [sflag:$0x3] =	stream.linear.gather [hbm4b:s9+s4], $0x400, $0x38;
	[tilespmem:$0x1C400] =	vst v63  }
0x89: {  	p0 =	sne.s32 s7, $0x980;
	_ =	swait.ge [sflag:s20], $0x400  }
0x8a: {  	[sflag:s20] =	ssyncset.done $0x0  }
0x8b: {  	s7 =	sadd.s32 s6, s17;
	s6 =	smov.u32 s10;
	[sflag:s20] =	ssyncadd.s32 $0xFFFFFC00  }
0x8c: {  	[tilespmem:s22], [sflag:$0x3] =	stream.linear.gather [hbm4b:s7+s4], $0x400, $0x38;
	[tilespmem:$0x1C400] =	vst v63  }
0x8d: {  	_ =	swait.ge [sflag:s20], $0x400  }
0x8e: {  	[sflag:s20] =	ssyncset.done $0x0  }
0x8f: {  	[sflag:s20] =	ssyncadd.s32 $0xFFFFFC00  }
0x90: {  	[tilespmem:s19], [sflag:$0x1] =	stream.indirect.gather [hbm4b:s5+s23], $0x80, s4, s23, $0xb8;
	[tilespmem:$0x1C400] =	vst v63  }
0x91: {  	_ = 	snop  }
0x92: {  	[tilespmem:s24], [sflag:$0x2] =	stream.indirect.gather [hbm4b:s5+s23], $0x80, s23, s23, $0xb8;
	[tilespmem:$0x1C400] =	vst v63  }
0x93: {  	_ =	swait.ge [sflag:s21], $0x4000  }
0x94: {  	[sflag:s21] =	ssyncset.done $0x0  }
0x95: {  	[sflag:s21] =	ssyncadd.s32 $0xFFFFC000  }
0x96: {  	[spmem:s3] =	stream.indirect.scatter.add.f32 [tilespmem:s19], [sflag:$0x3], $0x80, s22, s23, $0xb8;
	[tilespmem:$0x1C400] =	vst v63  }
0x97: {  	_ =	swait.ge [sflag:s20], $0x4000  }
0x98: {  	[sflag:s20] =	ssyncset.done $0x0  }
0x99: {  	[sflag:s20] =	ssyncadd.s32 $0xFFFFC000  }
0x9a: {  	[tilespmem:s19], [sflag:$0x1] =	stream.indirect.gather [hbm4b:s5+s23], $0x80, s25, s23, $0xb8;
	[tilespmem:$0x1C400] =	vst v63  }
0x9b: {  	_ =	swait.ge [sflag:s26], $0x4000  }
0x9c: {  	[sflag:s26] =	ssyncset.done $0x0  }
0x9d: {  	[sflag:s26] =	ssyncadd.s32 $0xFFFFC000  }
0x9e: {  	[spmem:s3] =	stream.indirect.scatter.add.f32 [tilespmem:s24], [sflag:$0x3], $0x80, s28, s23, $0xb8;
	[tilespmem:$0x1C400] =	vst v63  }
0x9f: {  	_ =	swait.ge [sflag:s20], $0x4000  }
0xa0: {  	[sflag:s20] =	ssyncset.done $0x0  }
0xa1: {  	[sflag:s20] =	ssyncadd.s32 $0xFFFFC000  }
0xa2: {  	[tilespmem:s24], [sflag:$0x2] =	stream.indirect.gather [hbm4b:s5+s23], $0x80, s29, s23, $0xb8;
	[tilespmem:$0x1C400] =	vst v63  }
0xa3: {  	_ =	swait.ge [sflag:s21], $0x4000  }
0xa4: {  	[sflag:s21] =	ssyncset.done $0x0  }
0xa5: {  	[sflag:s21] =	ssyncadd.s32 $0xFFFFC000  }
0xa6: {  	[spmem:s3] =	stream.indirect.scatter.add.f32 [tilespmem:s19], [sflag:$0x3], $0x80, s30, s23, $0xb8;
	[tilespmem:$0x1C400] =	vst v63  }
0xa7: {  	_ =	swait.ge [sflag:s20], $0x4000  }
0xa8: {  	[sflag:s20] =	ssyncset.done $0x0  }
0xa9: {  	[sflag:s20] =	ssyncadd.s32 $0xFFFFC000  }
0xaa: {  	[tilespmem:s19], [sflag:$0x1] =	stream.indirect.gather [hbm4b:s5+s23], $0x80, s31, s23, $0xb8;
	[tilespmem:$0x1C400] =	vst v63  }
0xab: {  	_ =	swait.ge [sflag:s26], $0x4000  }
0xac: {  	[sflag:s26] =	ssyncset.done $0x0  }
0xad: {  	[sflag:s26] =	ssyncadd.s32 $0xFFFFC000  }
0xae: {  	[spmem:s3] =	stream.indirect.scatter.add.f32 [tilespmem:s24], [sflag:$0x3], $0x80, s0, s23, $0xb8;
	[tilespmem:$0x1C400] =	vst v63  }
0xaf: {  	_ =	swait.ge [sflag:s20], $0x4000  }
0xb0: {  	[sflag:s20] =	ssyncset.done $0x0  }
0xb1: {  	[sflag:s20] =	ssyncadd.s32 $0xFFFFC000  }
0xb2: {  	[tilespmem:s24], [sflag:$0x2] =	stream.indirect.gather [hbm4b:s5+s23], $0x80, s2, s23, $0xb8;
	[tilespmem:$0x1C400] =	vst v63  }
0xb3: {  	_ =	swait.ge [sflag:s21], $0x4000  }
0xb4: {  	[sflag:s21] =	ssyncset.done $0x0  }
0xb5: {  	[sflag:s21] =	ssyncadd.s32 $0xFFFFC000  }
0xb6: {  	[spmem:s3] =	stream.indirect.scatter.add.f32 [tilespmem:s19], [sflag:$0x3], $0x80, s1, s23, $0xb8;
	[tilespmem:$0x1C400] =	vst v63  }
0xb7: {  	_ =	swait.ge [sflag:s20], $0x4000  }
0xb8: {  	[sflag:s20] =	ssyncset.done $0x0  }
0xb9: {  	[sflag:s20] =	ssyncadd.s32 $0xFFFFC000  }
0xba: {  	[tilespmem:s19], [sflag:$0x1] =	stream.indirect.gather [hbm4b:s5+s23], $0x80, s11, s23, $0xb8;
	[tilespmem:$0x1C400] =	vst v63  }
0xbb: {  	_ =	swait.ge [sflag:s26], $0x4000  }
0xbc: {  	[sflag:s26] =	ssyncset.done $0x0  }
0xbd: {  	[sflag:s26] =	ssyncadd.s32 $0xFFFFC000  }
0xbe: {  	[spmem:s3] =	stream.indirect.scatter.add.f32 [tilespmem:s24], [sflag:$0x3], $0x80, s12, s23, $0xb8;
	[tilespmem:$0x1C400] =	vst v63  }
0xbf: {  	_ =	swait.ge [sflag:s20], $0x4000  }
0xc0: {  	[sflag:s20] =	ssyncset.done $0x0  }
0xc1: {  	[sflag:s20] =	ssyncadd.s32 $0xFFFFC000  }
0xc2: {  	[tilespmem:s24], [sflag:$0x2] =	stream.indirect.gather [hbm4b:s5+s23], $0x80, s13, s23, $0xb8;
	[tilespmem:$0x1C400] =	vst v63  }
0xc3: {  	_ =	swait.ge [sflag:s21], $0x4000  }
0xc4: {  	[sflag:s21] =	ssyncset.done $0x0  }
0xc5: {  	[sflag:s21] =	ssyncadd.s32 $0xFFFFC000  }
0xc6: {  	[spmem:s3] =	stream.indirect.scatter.add.f32 [tilespmem:s19], [sflag:$0x3], $0x80, s14, s23, $0xb8;
	[tilespmem:$0x1C400] =	vst v63  }
0xc7: {  	_ =	swait.ge [sflag:s20], $0x4000  }
0xc8: {  	[sflag:s20] =	ssyncset.done $0x0  }
0xc9: {  	[sflag:s20] =	ssyncadd.s32 $0xFFFFC000  }
0xca: {  	_ =	swait.ge [sflag:s26], $0x4000  }
.Ltmp0:
0xcb: {  	[sflag:s26] =	ssyncset.done $0x0;
	(pc) =	sbr.rel @p0 .LBB2_2-.Ltmp0, $4  }
0xcc: {  	[sflag:s26] =	ssyncadd.s32 $0xFFFFC000  }
0xcd: {  	[spmem:s3] =	stream.indirect.scatter.add.f32 [tilespmem:s24], [sflag:$0x3], $0x80, s15, s23, $0xb8;
	[tilespmem:$0x1C400] =	vst v63  }
0xce: {  	_ =	swait.ge [sflag:s20], $0x4000  }
0xcf: {  	s7 =	smov.u32 s8;
	[sflag:s20] =	ssyncset.done $0x0  }
0xd0: {  	s7 =	sadd.s32 s6, s18;
	[sflag:s20] =	ssyncadd.s32 $0xFFFFC000  }
0xd1: {  	[tilespmem:s4], [sflag:$0x3] =	stream.linear.gather [hbm4b:s7+s4], $0x400, $0x38;
	[tilespmem:$0x1C400] =	vst v63  }
0xd2: {  	_ =	swait.ge [sflag:s20], $0x400  }
0xd3: {  	[sflag:s20] =	ssyncset.done $0x0  }
0xd4: {  	s16 =	sadd.s32 s6, s17;
	[sflag:s20] =	ssyncadd.s32 $0xFFFFFC00  }
0xd5: {  	[tilespmem:s22], [sflag:$0x3] =	stream.linear.gather [hbm4b:s16+s4], $0x400, $0x38;
	[tilespmem:$0x1C400] =	vst v63  }
0xd6: {  	_ =	swait.ge [sflag:s20], $0x400  }
0xd7: {  	[sflag:s20] =	ssyncset.done $0x0  }
0xd8: {  	[sflag:s20] =	ssyncadd.s32 $0xFFFFFC00  }
0xd9: {  	[tilespmem:s19], [sflag:$0x1] =	stream.indirect.gather [hbm4b:s5+s23], $0x80, s4, s23, $0xb8;
	[tilespmem:$0x1C400] =	vst v63  }
0xda: {  	_ = 	snop  }
0xdb: {  	[tilespmem:s24], [sflag:$0x2] =	stream.indirect.gather [hbm4b:s5+s23], $0x80, s23, s23, $0xb8;
	[tilespmem:$0x1C400] =	vst v63  }
0xdc: {  	_ =	swait.ge [sflag:s21], $0x4000  }
0xdd: {  	[sflag:s21] =	ssyncset.done $0x0  }
0xde: {  	[sflag:s21] =	ssyncadd.s32 $0xFFFFC000  }
0xdf: {  	[spmem:s3] =	stream.indirect.scatter.add.f32 [tilespmem:s19], [sflag:$0x3], $0x80, s22, s23, $0xb8;
	[tilespmem:$0x1C400] =	vst v63  }
0xe0: {  	_ =	swait.ge [sflag:s20], $0x4000  }
0xe1: {  	[sflag:s20] =	ssyncset.done $0x0  }
0xe2: {  	[sflag:s20] =	ssyncadd.s32 $0xFFFFC000  }
0xe3: {  	[tilespmem:s19], [sflag:$0x1] =	stream.indirect.gather [hbm4b:s5+s23], $0x80, s25, s23, $0xb8;
	[tilespmem:$0x1C400] =	vst v63  }
0xe4: {  	_ =	swait.ge [sflag:s26], $0x4000  }
0xe5: {  	[sflag:s26] =	ssyncset.done $0x0  }
0xe6: {  	[sflag:s26] =	ssyncadd.s32 $0xFFFFC000  }
0xe7: {  	[spmem:s3] =	stream.indirect.scatter.add.f32 [tilespmem:s24], [sflag:$0x3], $0x80, s28, s23, $0xb8;
	[tilespmem:$0x1C400] =	vst v63  }
0xe8: {  	_ =	swait.ge [sflag:s20], $0x4000  }
0xe9: {  	[sflag:s20] =	ssyncset.done $0x0  }
0xea: {  	[sflag:s20] =	ssyncadd.s32 $0xFFFFC000  }
0xeb: {  	[tilespmem:s24], [sflag:$0x2] =	stream.indirect.gather [hbm4b:s5+s23], $0x80, s29, s23, $0xb8;
	[tilespmem:$0x1C400] =	vst v63  }
0xec: {  	_ =	swait.ge [sflag:s21], $0x4000  }
0xed: {  	[sflag:s21] =	ssyncset.done $0x0  }
0xee: {  	[sflag:s21] =	ssyncadd.s32 $0xFFFFC000  }
0xef: {  	[spmem:s3] =	stream.indirect.scatter.add.f32 [tilespmem:s19], [sflag:$0x3], $0x80, s30, s23, $0xb8;
	[tilespmem:$0x1C400] =	vst v63  }
0xf0: {  	_ =	swait.ge [sflag:s20], $0x4000  }
0xf1: {  	[sflag:s20] =	ssyncset.done $0x0  }
0xf2: {  	[sflag:s20] =	ssyncadd.s32 $0xFFFFC000  }
0xf3: {  	[tilespmem:s19], [sflag:$0x1] =	stream.indirect.gather [hbm4b:s5+s23], $0x80, s31, s23, $0xb8;
	[tilespmem:$0x1C400] =	vst v63  }
0xf4: {  	_ =	swait.ge [sflag:s26], $0x4000  }
0xf5: {  	[sflag:s26] =	ssyncset.done $0x0  }
0xf6: {  	[sflag:s26] =	ssyncadd.s32 $0xFFFFC000  }
0xf7: {  	[spmem:s3] =	stream.indirect.scatter.add.f32 [tilespmem:s24], [sflag:$0x3], $0x80, s0, s23, $0xb8;
	[tilespmem:$0x1C400] =	vst v63  }
0xf8: {  	_ =	swait.ge [sflag:s20], $0x4000  }
0xf9: {  	[sflag:s20] =	ssyncset.done $0x0  }
0xfa: {  	[sflag:s20] =	ssyncadd.s32 $0xFFFFC000  }
0xfb: {  	[tilespmem:s24], [sflag:$0x2] =	stream.indirect.gather [hbm4b:s5+s23], $0x80, s2, s23, $0xb8;
	[tilespmem:$0x1C400] =	vst v63  }
0xfc: {  	_ =	swait.ge [sflag:s21], $0x4000  }
0xfd: {  	[sflag:s21] =	ssyncset.done $0x0  }
0xfe: {  	[sflag:s21] =	ssyncadd.s32 $0xFFFFC000  }
0xff: {  	[spmem:s3] =	stream.indirect.scatter.add.f32 [tilespmem:s19], [sflag:$0x3], $0x80, s1, s23, $0xb8;
	[tilespmem:$0x1C400] =	vst v63  }
0x100: {  	_ =	swait.ge [sflag:s20], $0x4000  }
0x101: {  	[sflag:s20] =	ssyncset.done $0x0  }
0x102: {  	[sflag:s20] =	ssyncadd.s32 $0xFFFFC000  }
0x103: {  	[tilespmem:s19], [sflag:$0x1] =	stream.indirect.gather [hbm4b:s5+s23], $0x80, s11, s23, $0xb8;
	[tilespmem:$0x1C400] =	vst v63  }
0x104: {  	_ =	swait.ge [sflag:s26], $0x4000  }
0x105: {  	[sflag:s26] =	ssyncset.done $0x0  }
0x106: {  	[sflag:s26] =	ssyncadd.s32 $0xFFFFC000  }
0x107: {  	[spmem:s3] =	stream.indirect.scatter.add.f32 [tilespmem:s24], [sflag:$0x3], $0x80, s12, s23, $0xb8;
	[tilespmem:$0x1C400] =	vst v63  }
0x108: {  	_ =	swait.ge [sflag:s20], $0x4000  }
0x109: {  	[sflag:s20] =	ssyncset.done $0x0  }
0x10a: {  	[sflag:s20] =	ssyncadd.s32 $0xFFFFC000  }
0x10b: {  	[tilespmem:s24], [sflag:$0x2] =	stream.indirect.gather [hbm4b:s5+s23], $0x80, s13, s23, $0xb8;
	[tilespmem:$0x1C400] =	vst v63  }
0x10c: {  	_ =	swait.ge [sflag:s21], $0x4000  }
0x10d: {  	[sflag:s21] =	ssyncset.done $0x0  }
0x10e: {  	[sflag:s21] =	ssyncadd.s32 $0xFFFFC000  }
0x10f: {  	[spmem:s3] =	stream.indirect.scatter.add.f32 [tilespmem:s19], [sflag:$0x3], $0x80, s14, s23, $0xb8;
	[tilespmem:$0x1C400] =	vst v63  }
0x110: {  	_ =	swait.ge [sflag:s20], $0x4000  }
0x111: {  	[sflag:s20] =	ssyncset.done $0x0  }
0x112: {  	[sflag:s20] =	ssyncadd.s32 $0xFFFFC000  }
0x113: {  	_ =	swait.ge [sflag:s26], $0x4000  }
0x114: {  	[sflag:s26] =	ssyncset.done $0x0  }
0x115: {  	[sflag:s26] =	ssyncadd.s32 $0xFFFFC000  }
0x116: {  	[spmem:s3] =	stream.indirect.scatter.add.f32 [tilespmem:s24], [sflag:$0x3], $0x80, s15, s23, $0xb8;
	[tilespmem:$0x1C400] =	vst v63  }
0x117: {  	_ =	swait.ge [sflag:s20], $0x4000  }
0x118: {  	[sflag:s20] =	ssyncset.done $0x0  }
0x119: {  	[sflag:s20] =	ssyncadd.s32 $0xFFFFC000  }
0x11a: {  	[bflag:$0x0] =	sbarrier.arrive $0xFFFF  }
0x11b: {  	s7 =	rddreg [dreg:$0x6]  }
0x11c: {  	[tilespmem:s19], [sflag:$0x3] =	stream.linear.gather [spmem:s7], $0x4000, $0x38;
	[tilespmem:$0x1C400] =	vst v63  }
0x11d: {  	_ =	swait.ge [sflag:s20], $0x4000  }
0x11e: {  	[sflag:s20] =	ssyncset.done $0x0  }
0x11f: {  	s8 =	rddreg [dreg:$0xb];
	[sflag:s20] =	ssyncadd.s32 $0xFFFFC000  }
0x120: {  	[hbm4b:s8+s4] =	stream.linear.scatter [tilespmem:s19], [sflag:$0x1], $0x4000, $0x38;
	[tilespmem:$0x1C400] =	vst v63  }
0x121: {  	s7 =	rddreg [dreg:$0x7]  }
0x122: {  	[tilespmem:s24], [sflag:$0x3] =	stream.linear.gather [spmem:s7], $0x4000, $0x38;
	[tilespmem:$0x1C400] =	vst v63  }
0x123: {  	_ =	swait.ge [sflag:s20], $0x4000  }
0x124: {  	[sflag:s20] =	ssyncset.done $0x0  }
0x125: {  	s9 =	rddreg [dreg:$0xc];
	[sflag:s20] =	ssyncadd.s32 $0xFFFFC000  }
0x126: {  	[hbm4b:s9+s4] =	stream.linear.scatter [tilespmem:s24], [sflag:$0x2], $0x4000, $0x38;
	[tilespmem:$0x1C400] =	vst v63  }
0x127: {  	_ =	swait.ge [sflag:s21], $0x4000  }
0x128: {  	[sflag:s21] =	ssyncset.done $0x0  }
0x129: {  	s8 =	rddreg [dreg:$0x8];
	[sflag:s21] =	ssyncadd.s32 $0xFFFFC000  }
0x12a: {  	[tilespmem:s19], [sflag:$0x3] =	stream.linear.gather [spmem:s8], $0x4000, $0x38;
	[tilespmem:$0x1C400] =	vst v63  }
0x12b: {  	_ =	swait.ge [sflag:s20], $0x4000  }
0x12c: {  	[sflag:s20] =	ssyncset.done $0x0  }
0x12d: {  	s10 =	rddreg [dreg:$0xd];
	[sflag:s20] =	ssyncadd.s32 $0xFFFFC000  }
0x12e: {  	[hbm4b:s10+s4] =	stream.linear.scatter [tilespmem:s19], [sflag:$0x1], $0x4000, $0x38;
	[tilespmem:$0x1C400] =	vst v63  }
0x12f: {  	_ =	swait.ge [sflag:s26], $0x4000  }
0x130: {  	[sflag:s26] =	ssyncset.done $0x0  }
0x131: {  	s10 =	rddreg [dreg:$0x9];
	[sflag:s26] =	ssyncadd.s32 $0xFFFFC000  }
0x132: {  	[tilespmem:s24], [sflag:$0x3] =	stream.linear.gather [spmem:s10], $0x4000, $0x38;
	[tilespmem:$0x1C400] =	vst v63  }
0x133: {  	_ =	swait.ge [sflag:s20], $0x4000  }
0x134: {  	[sflag:s20] =	ssyncset.done $0x0  }
0x135: {  	s16 =	rddreg [dreg:$0xe];
	[sflag:s20] =	ssyncadd.s32 $0xFFFFC000  }
0x136: {  	[hbm4b:s16+s4] =	stream.linear.scatter [tilespmem:s24], [sflag:$0x2], $0x4000, $0x38;
	[tilespmem:$0x1C400] =	vst v63  }
0x137: {  	_ =	swait.ge [sflag:s21], $0x4000  }
0x138: {  	[sflag:s21] =	ssyncset.done $0x0  }
0x139: {  	s16 =	rddreg [dreg:$0xa];
	[sflag:s21] =	ssyncadd.s32 $0xFFFFC000  }
0x13a: {  	[tilespmem:s19], [sflag:$0x3] =	stream.linear.gather [spmem:s16], $0x3C00, $0x38;
	[tilespmem:$0x1C400] =	vst v63  }
0x13b: {  	_ =	swait.ge [sflag:s20], $0x3C00  }
0x13c: {  	[sflag:s20] =	ssyncset.done $0x0  }
0x13d: {  	s9 =	rddreg [dreg:$0xf];
	[sflag:s20] =	ssyncadd.s32 $0xFFFFC400  }
0x13e: {  	[hbm4b:s9+s4] =	stream.linear.scatter [tilespmem:s19], [sflag:$0x1], $0x3C00, $0x38;
	[tilespmem:$0x1C400] =	vst v63  }
0x13f: {  	_ =	swait.ge [sflag:s26], $0x4000  }
0x140: {  	[sflag:s26] =	ssyncset.done $0x0  }
0x141: {  	[sflag:s26] =	ssyncadd.s32 $0xFFFFC000  }
0x142: {  	_ =	swait.ge [sflag:s21], $0x3C00  }
0x143: {  	s9 =	rddreg [dreg:$0x11]  }
0x144: {  	s6 =	rddreg [dreg:$0x10];
	s9 =	sadd.s32 $0x1, s9  }
0x145: {  	p0 =	sne.s32 s9, s6  }
.Ltmp1:
0x146: {  	_ = 	snop;
	(pc) =	sbr.rel @p0 .LBB2_1-.Ltmp1, $3  }
0x147: {  	_ =	sdelay $0x1  }
0x148: {  	[sflag:s21] =	ssyncset.done $0x0;
	[dreg:$0x11] =	wrdreg s9  }
0x149: {  	[sflag:s21] =	ssyncadd.s32 $0xFFFFC400;
	s9 =	rddreg [dreg:$0x6]  }
0x14a: {  	_ =	sfence.sel $0x180000  }
0x14b: {  	[bflag:$0x0] =	sbarrier.arrive $0xFFFF  }
0x14c: {  	_ =	strace $0x90000047  }
0x14d: {  	s0 =	stileid.u32;
	[bflag:$0x2] =	sbarrier.arrive $0xFFFF  }
0x14e: {  	p0 =	sne.s32 s0, $0x0;
	s0 =	rddreg [dreg:$0x5]  }
0x14f: {  	s0 =	sadd.s32 @!p0 $0x100000, s0  }
0x150: {  	[sflag:s0] =	ssyncadd.tile.s32 @!p0 $0x1;
	_ =	shalt  }
.Lfunc_end2:
_tile_overlayer_lowered:
.L_overlay_start_2:
0x151: {  	(tag) =	ssettag $0x2  }
0x152: {  	s0 =	rddreg [dreg:$0x0];
	s2 =	stileid.u32  }
0x153: {  	s1 =	rddreg [dreg:$0x1];
	p0 =	sne.s32 s2, $0x0  }
0x154: {  	s3 =	rddreg [dreg:$0x2];
	[bflag:$0x3] =	sbarrier.arrive $0xFFFF;
	s2 =	simm.s32 @!p0 $0x1C03  }
0x155: {  	[timem:s3], [sflag:s2] =	dma.local @!p0 [hbm:s0], s1  }
0x156: {  	s0 =	simm.s32 @!p0 $0x3  }
0x157: {  	_ =	swait.ge @!p0 [sflag:s0], s1  }
0x158: {  	s1 =	ssub.s32 @!p0 $0x0, s1;
	[sflag:s0] =	ssyncset.done @!p0 $0x0  }
0x159: {  	[sflag:s0] =	ssyncadd.s32 @!p0 s1  }
0x15a: {  	[bflag:$0x3] =	sbarrier.arrive $0xFFFF  }
0x15b: {  	_ =	shalt  }

// kernel: kernel.16.cloned.1.call-start
scs
__scs_entry_jumppad:
0x0: {  	(pc) =	sbr.rel $0x88, $3  }
0x1: {  	(tag) =	ssettag $0x0;
	lr =	simm.s32 $0x1  }
0x2: {  	[smem:$0x3F95] =	sst lr;
	_ =	strace $0xD0000000  }
0x3: {  	_ = 	snop  }
0x4: {  	_ = 	snop  }
0x5: {  	_ = 	snop  }
0x6: {  	_ = 	snop  }
0x7: {  	_ = 	snop  }
__scs_overlays_trampoline_lowered:
0x8: {  	[smem:$0x3FA4] =	sst s0  }
0x9: {  	[smem:$0x3FA5] =	sst s1  }
0xa: {  	[smem:$0x3FA6] =	sst s2  }
0xb: {  	[smem:$0x3FA7] =	sst s3  }
0xc: {  	[smem:$0x3FA8] =	sst s4  }
0xd: {  	[smem:$0x3FA9] =	sst s5  }
0xe: {  	[smem:$0x3FAA] =	sst s6  }
0xf: {  	[smem:$0x3FAB] =	sst s7  }
0x10: {  	[smem:$0x3FAC] =	sst s8  }
0x11: {  	[smem:$0x3FAD] =	sst s9;
	s0 =	simm.s32 @!p0 $0x0  }
0x12: {  	s1 =	sld [smem:$0x3F93];
	s0 =	simm.s32 @p0 $0x1  }
0x13: {  	[smem:$0x3FAE] =	sst s0;
	s0 =	simm.s32 @!p1 $0x0  }
0x14: {  	s2 =	sld [smem:$0x3F92];
	s0 =	simm.s32 @p1 $0x1  }
0x15: {  	[smem:$0x3FAF] =	sst s0;
	s0 =	simm.s32 @!p2 $0x0  }
0x16: {  	s3 =	sld [smem:$0x3FDB];
	s0 =	simm.s32 @p2 $0x1  }
0x17: {  	s4 =	simm.s32 $0x1BF5;
	[smem:$0x3FB1] =	sst s0  }
0x18: {  	s0 =	sld [smem:$0x3F94];
	_ =	swait.ge [sflag:s4], $0x0  }
0x19: {  	s7 =	sld [smem:$0x3F95]  }
0x1a: {  	s8 =	sadd.s32 $0xFFFFE003, lr  }
0x1b: {  	s9 =	sadd.s32 $0xFFFFFEF7, lr;
	s5 =	simm.s32 $0xFFFFFFFF;
	p2 =	slt.u32 s8, $0xFFFFF086  }
0x1c: {  	p1 =	slt.u32 s9, $0xF7A;
	s5 =	simm.s32 @!p2 $0x0  }
0x1d: {  	s5 =	simm.s32 @p1 $0x1;
	p0 =	seq.s32 s7, s2  }
0x1e: {  	s7 =	smul.u32 @!p0 $0xF7A, s2;
	p2 =	seq.s32 @!p0 s5, $0x0  }
0x1f: {  	s9 =	smul.u32 $0xF7A, s1;
	s8 =	simm.s32 @!p0 $0x1BF5;
	p2 =	por !p2, p0  }
0x20: {  	[sflag:s8] =	ssyncset.s32 @!p0 $0xFFFFF086;
	s6 =	sadd.s32 @!p0 s3, s7;
	s7 =	simm.s32 @!p0 $0x108  }
0x21: {  	s3 =	sadd.s32 s3, s9;
	s6 =	sadd.s32 @!p0 $0x88, s6;
	s7 =	simm.s32 @p2 $0x1082  }
0x22: {  	[simem:s7], [sflag:s8] =	dma.local @!p0 [hbm:s6], $0xF7A  }
0x23: {  	s9 =	sor.u32 $0xD0000000, s2;
	s6 =	simm.s32 $0x108;
	_ =	swait.ge @!p0 [sflag:s8], $0x0  }
0x24: {  	s3 =	sadd.s32 $0x88, s3;
	s6 =	simm.s32 @!p1 $0x1082;
	[sflag:s4] =	ssyncset.s32 $0xFFFFF086  }
0x25: {  	[simem:s6], [sflag:s4] =	dma.local [hbm:s3], $0xF7A  }
0x26: {  	[smem:$0x3F95] =	sst s1;
	(tag) =	ssettag s2;
	_ =	strace s9  }
0x27: {  	s1 =	sld [smem:$0x3FA5]  }
0x28: {  	s2 =	sld [smem:$0x3FA6]  }
0x29: {  	s4 =	sld [smem:$0x3FA8]  }
0x2a: {  	p0 =	seq.s32 s5, $0x0;
	s5 =	sld [smem:$0x3FA9]  }
0x2b: {  	s6 =	sld [smem:$0x3FAA]  }
0x2c: {  	s7 =	sld [smem:$0x3FAB]  }
0x2d: {  	s3 =	simm.s32 $0x108;
	s8 =	sld [smem:$0x3FAC]  }
0x2e: {  	s3 =	simm.s32 @!p0 $0x1082;
	s9 =	sld [smem:$0x3FAD]  }
0x2f: {  	lr =	sadd.s32 s0, s3;
	s0 =	sld [smem:$0x3FA4]  }
0x30: {  	s3 =	sld [smem:$0x3FA7]  }
0x31: {  	[smem:$0x3FB0] =	sst s10  }
0x32: {  	s10 =	sld [smem:$0x3FAE];
	_ =	sdelay $0x3  }
0x33: {  	p0 =	seq.s32 s10, $0x1;
	s10 =	sld [smem:$0x3FB0];
	_ =	sdelay $0x3  }
0x34: {  	[smem:$0x3FB0] =	sst s10  }
0x35: {  	s10 =	sld [smem:$0x3FAF];
	_ =	sdelay $0x3  }
0x36: {  	p1 =	seq.s32 s10, $0x1;
	s10 =	sld [smem:$0x3FB0];
	_ =	sdelay $0x3  }
0x37: {  	[smem:$0x3FB0] =	sst s10  }
0x38: {  	s10 =	sld [smem:$0x3FB1]  }
0x39: {  	_ = 	snop;
	(pc) =	sbr.ind lr, $3  }
0x3a: {  	_ = 	snop  }
0x3b: {  	_ = 	snop  }
0x3c: {  	p2 =	seq.s32 s10, $0x1;
	s10 =	sld [smem:$0x3FB0]  }
0x3d: {  	_ =	shalt  }
0x3e: {  	_ =	shalt  }
0x3f: {  	_ =	shalt  }
0x40: {  	_ =	shalt  }
0x41: {  	_ =	shalt  }
0x42: {  	_ =	shalt  }
0x43: {  	_ =	shalt  }
0x44: {  	_ =	shalt  }
0x45: {  	_ =	shalt  }
0x46: {  	_ =	shalt  }
0x47: {  	_ =	shalt  }
0x48: {  	_ =	shalt  }
0x49: {  	_ =	shalt  }
0x4a: {  	_ =	shalt  }
0x4b: {  	_ =	shalt  }
0x4c: {  	_ =	shalt  }
0x4d: {  	_ =	shalt  }
0x4e: {  	_ =	shalt  }
0x4f: {  	_ =	shalt  }
0x50: {  	_ =	shalt  }
0x51: {  	_ =	shalt  }
0x52: {  	_ =	shalt  }
0x53: {  	_ =	shalt  }
0x54: {  	_ =	shalt  }
0x55: {  	_ =	shalt  }
0x56: {  	_ =	shalt  }
0x57: {  	_ =	shalt  }
0x58: {  	_ =	shalt  }
0x59: {  	_ =	shalt  }
0x5a: {  	_ =	shalt  }
0x5b: {  	_ =	shalt  }
0x5c: {  	_ =	shalt  }
0x5d: {  	_ =	shalt  }
0x5e: {  	_ =	shalt  }
0x5f: {  	_ =	shalt  }
0x60: {  	_ =	shalt  }
0x61: {  	_ =	shalt  }
0x62: {  	_ =	shalt  }
0x63: {  	_ =	shalt  }
0x64: {  	_ =	shalt  }
0x65: {  	_ =	shalt  }
0x66: {  	_ =	shalt  }
0x67: {  	_ =	shalt  }
0x68: {  	_ =	shalt  }
0x69: {  	_ =	shalt  }
0x6a: {  	_ =	shalt  }
0x6b: {  	_ =	shalt  }
0x6c: {  	_ =	shalt  }
0x6d: {  	_ =	shalt  }
0x6e: {  	_ =	shalt  }
0x6f: {  	_ =	shalt  }
0x70: {  	_ =	shalt  }
0x71: {  	_ =	shalt  }
0x72: {  	_ =	shalt  }
0x73: {  	_ =	shalt  }
0x74: {  	_ =	shalt  }
0x75: {  	_ =	shalt  }
0x76: {  	_ =	shalt  }
0x77: {  	_ =	shalt  }
0x78: {  	_ =	shalt  }
0x79: {  	_ =	shalt  }
0x7a: {  	_ =	shalt  }
0x7b: {  	_ =	shalt  }
0x7c: {  	_ =	shalt  }
0x7d: {  	_ =	shalt  }
0x7e: {  	_ =	shalt  }
0x7f: {  	_ =	shalt  }
0x80: {  	_ =	shalt  }
0x81: {  	_ =	shalt  }
0x82: {  	_ =	shalt  }
0x83: {  	_ =	shalt  }
0x84: {  	_ =	shalt  }
0x85: {  	_ =	shalt  }
0x86: {  	_ =	shalt  }
0x87: {  	_ =	shalt  }
.Lfunc_end0:
.L_simem_size_0:
called_computation.2_lowered:
.L_overlay_start_0:
0x88: {  	s2 =	sld [smem:$0x3FD9]  }
0x89: {  	s3 =	sld [smem:$0x3FFE];
	_ =	sdelay $0x1  }
0x8a: {  	s1 =	srdreg.scid  }
0x8b: {  	s0 =	sand.u32 $0x1, s1  }
0x8c: {  	s14 =	sshll.u32 s0, $0xA;
	s2 =	sadd.s32 s3, s2  }
0x8d: {  	s2 =	sadd.s32 s2, s14  }
0x8e: {  	[smem:$0x3FBC] =	sst s2  }
0x8f: {  	_ = 	snop  }
0x90: {  	s2 =	sld [smem:$0x3FD0];
	_ =	sdelay $0x2  }
0x91: {  	s15 =	simm.s32 $0xB;
	s4 =	simm.s32 $0x10  }
0x92: {  	[smem:s4], [sflag:s15] =	dma.local [hbm:s2], $0x1  }
0x93: {  	_ =	swait.eq [sflag:s15], $0x1  }
0x94: {  	s16 =	sld [smem:$0x10];
	[sflag:s15] =	ssyncset.done $0x0  }
0x95: {  	s17 =	sld [smem:$0x12];
	[sflag:s15] =	ssyncadd.s32 $0xFFFFFFFF  }
0x96: {  	s18 =	sld [smem:$0x13];
	(tm) =	ssettm $0x1  }
0x97: {  	s5 =	sld [smem:$0x3FFB];
	_ =	sdelay $0x3  }
0x98: {  	_ =	strace s5  }
0x99: {  	s5 =	sld [smem:$0x3FFC];
	_ =	sdelay $0x3  }
0x9a: {  	_ =	strace s5  }
0x9b: {  	s5 =	sld [smem:$0x3FFD];
	_ =	sdelay $0x3  }
0x9c: {  	_ =	strace s5  }
0x9d: {  	_ =	strace $0x8FFFFFFF  }
0x9e: {  	s19 =	sld [smem:$0x3FDB];
	_ =	sdelay $0x1  }
0x9f: {  	s6 =	simm.s32 $_scs_section_size  }
0xa0: {  	s7 =	simm.s32 $_size__tile_overlayer_lowered;
	s8 =	simm.s32 $_tile_overlayer_lowered  }
0xa1: {  	s22 =	simm.s32 $0x1BFF;
	s21 =	sshll.u32 s8, $0x1;
	s5 =	sadd.s32 s6, s19  }
0xa2: {  	s9 =	simm.s32 $0x0;
	s20 =	sshll.u32 s7, $0x1;
	s7 =	sadd.s32 s21, s5  }
0xa3: {  	[timem:s9], [sflag:s22] =	dma.local [hbm:s7], s20  }
0xa4: {  	_ =	swait.ge [sflag:s22], s20  }
0xa5: {  	s6 =	ssub.s32 $0x0, s20;
	[sflag:s22] =	ssyncset.done $0x0  }
0xa6: {  	[sflag:s22] =	ssyncadd.s32 s6;
	_ =	sdelay $0x1  }
0xa7: {  	s23 =	simm.s32 $0x1B8B  }
0xa8: {  	_ =	swait.ge [sflag:s23], $0x1  }
0xa9: {  	[sflag:s23] =	ssyncset.done $0x0  }
0xaa: {  	s25 =	simm.s32 $0x1B8E;
	s24 =	sld [smem:$0x3FFE];
	[sflag:s23] =	ssyncadd.s32 $0xFFFFFFFF  }
0xab: {  	s26 =	simm.s32 $execute0_lowered;
	[smem:$0x3FD2] =	sst s25  }
0xac: {  	s7 =	sshll.u32 s26, $0x1;
	_ =	strace $0x8000004C;
	[dreg:$0x1] =	wrdreg $0xFFFFFFFF  }
0xad: {  	s28 =	simm.s32 $_size_execute0_lowered;
	s5 =	sadd.s32 s5, s7;
	[dreg:$0x0] =	wrdreg $0x0  }
0xae: {  	s7 =	sshll.u32 s28, $0x1;
	[dreg:$0x2] =	wrdreg s5  }
0xaf: {  	[dreg:$0x3] =	wrdreg s7  }
0xb0: {  	[dreg:$0x4] =	wrdreg $0xC0  }
0xb1: {  	_ =	task [dreg:s9], $0x5FFFF  }
0xb2: {  	[dreg:$0x1] =	wrdreg $0xFFFFFFFF  }
0xb3: {  	[dreg:$0x0] =	wrdreg $0x60  }
0xb4: {  	[dreg:$0x2] =	wrdreg s24  }
0xb5: {  	[dreg:$0x3] =	wrdreg s16  }
0xb6: {  	[dreg:$0x4] =	wrdreg s18  }
0xb7: {  	[dreg:$0x5] =	wrdreg s17  }
0xb8: {  	[dreg:$0x6] =	wrdreg $0x88000  }
0xb9: {  	[dreg:$0x7] =	wrdreg $0x9  }
0xba: {  	_ =	task.clear_ibuf [dreg:s9], $0x8FFFF;
	_ =	strace $0x9000004C  }
0xbb: {  	s29 =	simm.s32 $0x9;
	_ =	strace $0x8000004E  }
0xbc: {  	_ =	swait.ge [sflag:s29], $0x1  }
0xbd: {  	[sflag:s29] =	ssyncadd.s32 $0xFFFFFFFF  }
0xbe: {  	_ =	strace $0x9000004E  }
0xbf: {  	_ =	sfence  }
0xc0: {  	s30 =	sld [smem:$0x0];
	_ =	sdelay $0x2  }
0xc1: {  	s31 =	sshll.u32 s1, $0xD;
	s1 =	sshrl.u32 s1, $0x2  }
0xc2: {  	s3 =	sand.u32 $0x4000, s31;
	s1 =	sadd.s32 s1, s30  }
0xc3: {  	s0 =	sor.u32 s3, s0;
	s1 =	sshll.u32 s1, $0x11  }
0xc4: {  	s0 =	sor.u32 s1, s0  }
0xc5: {  	s0 =	sadd.s32 $0x8F2B, s0  }
0xc6: {  	[sflag:s0] =	ssyncadd.remote.s32 $0x1  }
0xc7: {  	_ =	sfence.sel $0xFFFF  }
0xc8: {  	[dreg:$0x0] =	wrdreg $0xFFFFFFFF;
	(pc) =	sbr.abs _section_cstart, $3  }
0xc9: {  	[dreg:$0x1] =	wrdreg $0xFFFFFFFF  }
0xca: {  	_ =	task.clear_ibuf [dreg:s9], $0x2FFFF;
	_ =	strace $0x9FFFFFFF  }
0xcb: {  	(tm) =	ssettm $0x7FFFFFFF  }
tec
execute0_lowered:
.L_overlay_start_1:
0x0: {  	(tag) =	ssettag $0x1  }
0x1: {  	s0 =	rddreg [dreg:$0x0]  }
0x2: {  	s1 =	rddreg [dreg:$0x1]  }
0x3: {  	s2 =	rddreg [dreg:$0x2]  }
0x4: {  	s3 =	rddreg [dreg:$0x4];
	s5 =	srdreg.scid  }
0x5: {  	s4 =	simm.s32 $0x0;
	s10 =	stileid.u32;
	s28 =	simm.s32 $0x480  }
0x6: {  	s29 =	simm.s32 $0x180;
	s30 =	simm.s32 $0x500;
	s8 =	smul.u32 $0x4F000, s10  }
0x7: {  	s31 =	simm.s32 $0x200;
	s6 =	sand.u32 $0x1, s5;
	s11 =	smul.u32 $0x13C00, s10  }
0x8: {  	[smem:$0x7FF] =	sst s4;
	s5 =	sadd.s32 $0x3E00, s0;
	s20 =	smul.u32 $0x5000, s10  }
0x9: {  	s0 =	sadd.s32 $0x52000, s0;
	s7 =	ssub.s32 $0x2, s6;
	s15 =	smul.u32 $0x13C000, s6  }
0xa: {  	_ =	strace $0x8000004D;
	s6 =	smul.u32 $0x50000, s6;
	s9 =	sshrl.u32 s7, $0x1  }
0xb: {  	s8 =	sshrl.u32 s8, $0x2;
	s12 =	sadd.s32 $0x4000, s11;
	s13 =	sadd.s32 $0x8000, s11  }
0xc: {  	s21 =	sadd.s32 $0xC000, s11;
	s14 =	sadd.s32 $0x10000, s11;
	s7 =	ssub.s32 s7, s9  }
0xd: {  	s9 =	sadd.s32 s8, s3;
	s17 =	sadd.s32 s12, s3;
	s18 =	sadd.s32 s13, s3  }
0xe: {  	s19 =	sadd.s32 s21, s3;
	s16 =	sadd.s32 s14, s3;
	s11 =	sadd.s32 s11, s15  }
0xf: {  	s12 =	sadd.s32 s15, s12;
	s13 =	sadd.s32 s15, s13;
	s8 =	sadd.s32 s15, s21  }
0x10: {  	s24 =	sadd.s32 s15, s14;
	s6 =	sadd.s32 s20, s6;
	s20 =	simm.s32 $0x3  }
0x11: {  	s21 =	simm.s32 $0x1;
	s14 =	simm.s32 $0x700;
	s15 =	simm.s32 $0x780  }
0x12: {  	s10 =	smov.u32 s19;
	s11 =	sshrl.u32 s11, $0x3;
	s12 =	sshrl.u32 s12, $0x3  }
0x13: {  	s23 =	sshrl.u32 s13, $0x3;
	s8 =	sshrl.u32 s8, $0x3;
	[dreg:$0x6] =	wrdreg s9  }
0x14: {  	s25 =	sshrl.u32 s6, $0x3;
	s26 =	smax.u32 s7, $0x1;
	[dreg:$0xa] =	wrdreg s16  }
0x15: {  	s7 =	smov.u32 s17;
	s6 =	simm.s32 $0x0;
	[dreg:$0x10] =	wrdreg s26  }
0x16: {  	s19 =	simm.s32 $0x800;
	s13 =	simm.s32 $0x380;
	[dreg:$0x11] =	wrdreg s6  }
0x17: {  	s11 =	sadd.s32 s0, s11;
	s22 =	sadd.s32 s0, s12;
	[dreg:$0x7] =	wrdreg s7  }
0x18: {  	s8 =	sadd.s32 s0, s8;
	s17 =	sadd.s32 s25, s2;
	[dreg:$0x9] =	wrdreg s10  }
0x19: {  	s26 =	simm.s32 $0x2;
	s2 =	simm.s32 $0x280;
	[dreg:$0xb] =	wrdreg s11  }
0x1a: {  	s12 =	simm.s32 $0x680;
	[dreg:$0xc] =	wrdreg s22;
	s11 =	sadd.s32 s0, s23  }
0x1b: {  	[dreg:$0xe] =	wrdreg s8;
	s8 =	smov.u32 s18;
	s18 =	sadd.s32 s25, s1  }
0x1c: {  	s22 =	simm.s32 $0x400;
	s23 =	simm.s32 $0x80;
	s25 =	simm.s32 $0x100  }
0x1d: {  	s1 =	simm.s32 $0x600;
	[dreg:$0xd] =	wrdreg s11;
	s11 =	sshrl.u32 s24, $0x3  }
0x1e: {  	s24 =	simm.s32 $0x4800;
	[dreg:$0x8] =	wrdreg s8;
	s0 =	sadd.s32 s0, s11  }
0x1f: {  	s11 =	simm.s32 $0x300;
	[dreg:$0xf] =	wrdreg s0;
	s0 =	simm.s32 $0x580  }
.LBB2_1:
0x20: {  	s6 =	rddreg [dreg:$0x3]  }
0x21: {  	[tilespmem:s19], [sflag:$0x3] =	stream.linear.gather [hbm4b:s6+s4], $0x4000, $0x38;
	[tilespmem:$0x1C400] =	vst v63  }
0x22: {  	_ =	swait.ge [sflag:s20], $0x4000  }
0x23: {  	[sflag:s20] =	ssyncset.done $0x0  }
0x24: {  	[sflag:s20] =	ssyncadd.s32 $0xFFFFC000  }
0x25: {  	[spmem:s9] =	stream.linear.scatter [tilespmem:s19], [sflag:$0x1], $0x4000, $0x38;
	[tilespmem:$0x1C400] =	vst v63  }
0x26: {  	_ = 	snop  }
0x27: {  	[spmem:s7] =	stream.linear.scatter [tilespmem:s19], [sflag:$0x1], $0x4000, $0x38;
	[tilespmem:$0x1C400] =	vst v63  }
0x28: {  	_ = 	snop  }
0x29: {  	[spmem:s8] =	stream.linear.scatter [tilespmem:s19], [sflag:$0x1], $0x4000, $0x38;
	[tilespmem:$0x1C400] =	vst v63  }
0x2a: {  	_ = 	snop  }
0x2b: {  	[spmem:s10] =	stream.linear.scatter [tilespmem:s19], [sflag:$0x1], $0x4000, $0x38;
	[tilespmem:$0x1C400] =	vst v63  }
0x2c: {  	_ = 	snop  }
0x2d: {  	[spmem:s16] =	stream.linear.scatter [tilespmem:s19], [sflag:$0x1], $0x3C00, $0x38;
	[tilespmem:$0x1C400] =	vst v63  }
0x2e: {  	_ =	swait.ge [sflag:s21], $0x4000  }
0x2f: {  	[sflag:s21] =	ssyncset.done $0x0  }
0x30: {  	[sflag:s21] =	ssyncadd.s32 $0xFFFFC000  }
0x31: {  	_ =	swait.ge [sflag:s21], $0x4000  }
0x32: {  	[sflag:s21] =	ssyncset.done $0x0  }
0x33: {  	[sflag:s21] =	ssyncadd.s32 $0xFFFFC000  }
0x34: {  	_ =	swait.ge [sflag:s21], $0x4000  }
0x35: {  	[sflag:s21] =	ssyncset.done $0x0  }
0x36: {  	[sflag:s21] =	ssyncadd.s32 $0xFFFFC000  }
0x37: {  	_ =	swait.ge [sflag:s21], $0x4000  }
0x38: {  	[sflag:s21] =	ssyncset.done $0x0  }
0x39: {  	[sflag:s21] =	ssyncadd.s32 $0xFFFFC000  }
0x3a: {  	_ =	swait.ge [sflag:s21], $0x3C00  }
0x3b: {  	[sflag:s21] =	ssyncset.done $0x0  }
0x3c: {  	[sflag:s21] =	ssyncadd.s32 $0xFFFFC400  }
0x3d: {  	s10 =	sadd.s32 $0x0, s18;
	[bflag:$0x0] =	sbarrier.arrive $0xFFFF  }
0x3e: {  	[tilespmem:s4], [sflag:$0x3] =	stream.linear.gather [hbm4b:s10+s4], $0x400, $0x38;
	[tilespmem:$0x1C400] =	vst v63  }
0x3f: {  	_ =	swait.ge [sflag:s20], $0x400  }
0x40: {  	[sflag:s20] =	ssyncset.done $0x0  }
0x41: {  	s16 =	sadd.s32 $0x0, s17;
	[sflag:s20] =	ssyncadd.s32 $0xFFFFFC00  }
0x42: {  	[tilespmem:s22], [sflag:$0x3] =	stream.linear.gather [hbm4b:s16+s4], $0x400, $0x38;
	[tilespmem:$0x1C400] =	vst v63  }
0x43: {  	_ =	swait.ge [sflag:s20], $0x400  }
0x44: {  	[sflag:s20] =	ssyncset.done $0x0  }
0x45: {  	[sflag:s20] =	ssyncadd.s32 $0xFFFFFC00  }
0x46: {  	[tilespmem:s19], [sflag:$0x1] =	stream.indirect.gather [hbm4b:s5+s23], $0x80, s4, s23, $0xb8;
	[tilespmem:$0x1C400] =	vst v63  }
0x47: {  	_ = 	snop  }
0x48: {  	[tilespmem:s24], [sflag:$0x2] =	stream.indirect.gather [hbm4b:s5+s23], $0x80, s23, s23, $0xb8;
	[tilespmem:$0x1C400] =	vst v63  }
0x49: {  	_ =	swait.ge [sflag:s21], $0x4000  }
0x4a: {  	[sflag:s21] =	ssyncset.done $0x0  }
0x4b: {  	[sflag:s21] =	ssyncadd.s32 $0xFFFFC000  }
0x4c: {  	[spmem:s3] =	stream.indirect.scatter.add.f32 [tilespmem:s19], [sflag:$0x3], $0x80, s22, s23, $0xb8;
	[tilespmem:$0x1C400] =	vst v63  }
0x4d: {  	_ =	swait.ge [sflag:s20], $0x4000  }
0x4e: {  	[sflag:s20] =	ssyncset.done $0x0  }
0x4f: {  	[sflag:s20] =	ssyncadd.s32 $0xFFFFC000  }
0x50: {  	[tilespmem:s19], [sflag:$0x1] =	stream.indirect.gather [hbm4b:s5+s23], $0x80, s25, s23, $0xb8;
	[tilespmem:$0x1C400] =	vst v63  }
0x51: {  	_ =	swait.ge [sflag:s26], $0x4000  }
0x52: {  	[sflag:s26] =	ssyncset.done $0x0  }
0x53: {  	[sflag:s26] =	ssyncadd.s32 $0xFFFFC000  }
0x54: {  	[spmem:s3] =	stream.indirect.scatter.add.f32 [tilespmem:s24], [sflag:$0x3], $0x80, s28, s23, $0xb8;
	[tilespmem:$0x1C400] =	vst v63  }
0x55: {  	_ =	swait.ge [sflag:s20], $0x4000  }
0x56: {  	[sflag:s20] =	ssyncset.done $0x0  }
0x57: {  	[sflag:s20] =	ssyncadd.s32 $0xFFFFC000  }
0x58: {  	[tilespmem:s24], [sflag:$0x2] =	stream.indirect.gather [hbm4b:s5+s23], $0x80, s29, s23, $0xb8;
	[tilespmem:$0x1C400] =	vst v63  }
0x59: {  	_ =	swait.ge [sflag:s21], $0x4000  }
0x5a: {  	[sflag:s21] =	ssyncset.done $0x0  }
0x5b: {  	[sflag:s21] =	ssyncadd.s32 $0xFFFFC000  }
0x5c: {  	[spmem:s3] =	stream.indirect.scatter.add.f32 [tilespmem:s19], [sflag:$0x3], $0x80, s30, s23, $0xb8;
	[tilespmem:$0x1C400] =	vst v63  }
0x5d: {  	_ =	swait.ge [sflag:s20], $0x4000  }
0x5e: {  	[sflag:s20] =	ssyncset.done $0x0  }
0x5f: {  	[sflag:s20] =	ssyncadd.s32 $0xFFFFC000  }
0x60: {  	[tilespmem:s19], [sflag:$0x1] =	stream.indirect.gather [hbm4b:s5+s23], $0x80, s31, s23, $0xb8;
	[tilespmem:$0x1C400] =	vst v63  }
0x61: {  	_ =	swait.ge [sflag:s26], $0x4000  }
0x62: {  	[sflag:s26] =	ssyncset.done $0x0  }
0x63: {  	[sflag:s26] =	ssyncadd.s32 $0xFFFFC000  }
0x64: {  	[spmem:s3] =	stream.indirect.scatter.add.f32 [tilespmem:s24], [sflag:$0x3], $0x80, s0, s23, $0xb8;
	[tilespmem:$0x1C400] =	vst v63  }
0x65: {  	_ =	swait.ge [sflag:s20], $0x4000  }
0x66: {  	[sflag:s20] =	ssyncset.done $0x0  }
0x67: {  	[sflag:s20] =	ssyncadd.s32 $0xFFFFC000  }
0x68: {  	[tilespmem:s24], [sflag:$0x2] =	stream.indirect.gather [hbm4b:s5+s23], $0x80, s2, s23, $0xb8;
	[tilespmem:$0x1C400] =	vst v63  }
0x69: {  	_ =	swait.ge [sflag:s21], $0x4000  }
0x6a: {  	[sflag:s21] =	ssyncset.done $0x0  }
0x6b: {  	[sflag:s21] =	ssyncadd.s32 $0xFFFFC000  }
0x6c: {  	[spmem:s3] =	stream.indirect.scatter.add.f32 [tilespmem:s19], [sflag:$0x3], $0x80, s1, s23, $0xb8;
	[tilespmem:$0x1C400] =	vst v63  }
0x6d: {  	_ =	swait.ge [sflag:s20], $0x4000  }
0x6e: {  	[sflag:s20] =	ssyncset.done $0x0  }
0x6f: {  	[sflag:s20] =	ssyncadd.s32 $0xFFFFC000  }
0x70: {  	[tilespmem:s19], [sflag:$0x1] =	stream.indirect.gather [hbm4b:s5+s23], $0x80, s11, s23, $0xb8;
	[tilespmem:$0x1C400] =	vst v63  }
0x71: {  	_ =	swait.ge [sflag:s26], $0x4000  }
0x72: {  	[sflag:s26] =	ssyncset.done $0x0  }
0x73: {  	[sflag:s26] =	ssyncadd.s32 $0xFFFFC000  }
0x74: {  	[spmem:s3] =	stream.indirect.scatter.add.f32 [tilespmem:s24], [sflag:$0x3], $0x80, s12, s23, $0xb8;
	[tilespmem:$0x1C400] =	vst v63  }
0x75: {  	_ =	swait.ge [sflag:s20], $0x4000  }
0x76: {  	[sflag:s20] =	ssyncset.done $0x0  }
0x77: {  	[sflag:s20] =	ssyncadd.s32 $0xFFFFC000  }
0x78: {  	[tilespmem:s24], [sflag:$0x2] =	stream.indirect.gather [hbm4b:s5+s23], $0x80, s13, s23, $0xb8;
	[tilespmem:$0x1C400] =	vst v63  }
0x79: {  	_ =	swait.ge [sflag:s21], $0x4000  }
0x7a: {  	[sflag:s21] =	ssyncset.done $0x0  }
0x7b: {  	[sflag:s21] =	ssyncadd.s32 $0xFFFFC000  }
0x7c: {  	[spmem:s3] =	stream.indirect.scatter.add.f32 [tilespmem:s19], [sflag:$0x3], $0x80, s14, s23, $0xb8;
	[tilespmem:$0x1C400] =	vst v63  }
0x7d: {  	_ =	swait.ge [sflag:s20], $0x4000  }
0x7e: {  	[sflag:s20] =	ssyncset.done $0x0  }
0x7f: {  	[sflag:s20] =	ssyncadd.s32 $0xFFFFC000  }
0x80: {  	_ =	swait.ge [sflag:s26], $0x4000  }
0x81: {  	[sflag:s26] =	ssyncset.done $0x0  }
0x82: {  	[sflag:s26] =	ssyncadd.s32 $0xFFFFC000  }
0x83: {  	[spmem:s3] =	stream.indirect.scatter.add.f32 [tilespmem:s24], [sflag:$0x3], $0x80, s15, s23, $0xb8;
	[tilespmem:$0x1C400] =	vst v63  }
0x84: {  	_ =	swait.ge [sflag:s20], $0x4000  }
0x85: {  	s6 =	simm.s32 $0x80;
	s7 =	simm.s32 $0x100;
	[sflag:s20] =	ssyncset.done $0x0  }
.LBB2_2:
0x86: {  	s9 =	sadd.s32 s6, s18  }
0x87: {  	[sflag:s20] =	ssyncadd.s32 $0xFFFFC000;
	s10 =	smov.u32 s7;
	s8 =	sadd.s32 $0x80, s7  }
0x88: {  	[tilespmem:s4], [sflag:$0x3] =	stream.linear.gather [hbm4b:s9+s4], $0x400, $0x38;
	[tilespmem:$0x1C400] =	vst v63  }
0x89: {  	p0 =	sne.s32 s7, $0x980;
	_ =	swait.ge [sflag:s20], $0x400  }
0x8a: {  	[sflag:s20] =	ssyncset.done $0x0  }
0x8b: {  	s7 =	sadd.s32 s6, s17;
	s6 =	smov.u32 s10;
	[sflag:s20] =	ssyncadd.s32 $0xFFFFFC00  }
0x8c: {  	[tilespmem:s22], [sflag:$0x3] =	stream.linear.gather [hbm4b:s7+s4], $0x400, $0x38;
	[tilespmem:$0x1C400] =	vst v63  }
0x8d: {  	_ =	swait.ge [sflag:s20], $0x400  }
0x8e: {  	[sflag:s20] =	ssyncset.done $0x0  }
0x8f: {  	[sflag:s20] =	ssyncadd.s32 $0xFFFFFC00  }
0x90: {  	[tilespmem:s19], [sflag:$0x1] =	stream.indirect.gather [hbm4b:s5+s23], $0x80, s4, s23, $0xb8;
	[tilespmem:$0x1C400] =	vst v63  }
0x91: {  	_ = 	snop  }
0x92: {  	[tilespmem:s24], [sflag:$0x2] =	stream.indirect.gather [hbm4b:s5+s23], $0x80, s23, s23, $0xb8;
	[tilespmem:$0x1C400] =	vst v63  }
0x93: {  	_ =	swait.ge [sflag:s21], $0x4000  }
0x94: {  	[sflag:s21] =	ssyncset.done $0x0  }
0x95: {  	[sflag:s21] =	ssyncadd.s32 $0xFFFFC000  }
0x96: {  	[spmem:s3] =	stream.indirect.scatter.add.f32 [tilespmem:s19], [sflag:$0x3], $0x80, s22, s23, $0xb8;
	[tilespmem:$0x1C400] =	vst v63  }
0x97: {  	_ =	swait.ge [sflag:s20], $0x4000  }
0x98: {  	[sflag:s20] =	ssyncset.done $0x0  }
0x99: {  	[sflag:s20] =	ssyncadd.s32 $0xFFFFC000  }
0x9a: {  	[tilespmem:s19], [sflag:$0x1] =	stream.indirect.gather [hbm4b:s5+s23], $0x80, s25, s23, $0xb8;
	[tilespmem:$0x1C400] =	vst v63  }
0x9b: {  	_ =	swait.ge [sflag:s26], $0x4000  }
0x9c: {  	[sflag:s26] =	ssyncset.done $0x0  }
0x9d: {  	[sflag:s26] =	ssyncadd.s32 $0xFFFFC000  }
0x9e: {  	[spmem:s3] =	stream.indirect.scatter.add.f32 [tilespmem:s24], [sflag:$0x3], $0x80, s28, s23, $0xb8;
	[tilespmem:$0x1C400] =	vst v63  }
0x9f: {  	_ =	swait.ge [sflag:s20], $0x4000  }
0xa0: {  	[sflag:s20] =	ssyncset.done $0x0  }
0xa1: {  	[sflag:s20] =	ssyncadd.s32 $0xFFFFC000  }
0xa2: {  	[tilespmem:s24], [sflag:$0x2] =	stream.indirect.gather [hbm4b:s5+s23], $0x80, s29, s23, $0xb8;
	[tilespmem:$0x1C400] =	vst v63  }
0xa3: {  	_ =	swait.ge [sflag:s21], $0x4000  }
0xa4: {  	[sflag:s21] =	ssyncset.done $0x0  }
0xa5: {  	[sflag:s21] =	ssyncadd.s32 $0xFFFFC000  }
0xa6: {  	[spmem:s3] =	stream.indirect.scatter.add.f32 [tilespmem:s19], [sflag:$0x3], $0x80, s30, s23, $0xb8;
	[tilespmem:$0x1C400] =	vst v63  }
0xa7: {  	_ =	swait.ge [sflag:s20], $0x4000  }
0xa8: {  	[sflag:s20] =	ssyncset.done $0x0  }
0xa9: {  	[sflag:s20] =	ssyncadd.s32 $0xFFFFC000  }
0xaa: {  	[tilespmem:s19], [sflag:$0x1] =	stream.indirect.gather [hbm4b:s5+s23], $0x80, s31, s23, $0xb8;
	[tilespmem:$0x1C400] =	vst v63  }
0xab: {  	_ =	swait.ge [sflag:s26], $0x4000  }
0xac: {  	[sflag:s26] =	ssyncset.done $0x0  }
0xad: {  	[sflag:s26] =	ssyncadd.s32 $0xFFFFC000  }
0xae: {  	[spmem:s3] =	stream.indirect.scatter.add.f32 [tilespmem:s24], [sflag:$0x3], $0x80, s0, s23, $0xb8;
	[tilespmem:$0x1C400] =	vst v63  }
0xaf: {  	_ =	swait.ge [sflag:s20], $0x4000  }
0xb0: {  	[sflag:s20] =	ssyncset.done $0x0  }
0xb1: {  	[sflag:s20] =	ssyncadd.s32 $0xFFFFC000  }
0xb2: {  	[tilespmem:s24], [sflag:$0x2] =	stream.indirect.gather [hbm4b:s5+s23], $0x80, s2, s23, $0xb8;
	[tilespmem:$0x1C400] =	vst v63  }
0xb3: {  	_ =	swait.ge [sflag:s21], $0x4000  }
0xb4: {  	[sflag:s21] =	ssyncset.done $0x0  }
0xb5: {  	[sflag:s21] =	ssyncadd.s32 $0xFFFFC000  }
0xb6: {  	[spmem:s3] =	stream.indirect.scatter.add.f32 [tilespmem:s19], [sflag:$0x3], $0x80, s1, s23, $0xb8;
	[tilespmem:$0x1C400] =	vst v63  }
0xb7: {  	_ =	swait.ge [sflag:s20], $0x4000  }
0xb8: {  	[sflag:s20] =	ssyncset.done $0x0  }
0xb9: {  	[sflag:s20] =	ssyncadd.s32 $0xFFFFC000  }
0xba: {  	[tilespmem:s19], [sflag:$0x1] =	stream.indirect.gather [hbm4b:s5+s23], $0x80, s11, s23, $0xb8;
	[tilespmem:$0x1C400] =	vst v63  }
0xbb: {  	_ =	swait.ge [sflag:s26], $0x4000  }
0xbc: {  	[sflag:s26] =	ssyncset.done $0x0  }
0xbd: {  	[sflag:s26] =	ssyncadd.s32 $0xFFFFC000  }
0xbe: {  	[spmem:s3] =	stream.indirect.scatter.add.f32 [tilespmem:s24], [sflag:$0x3], $0x80, s12, s23, $0xb8;
	[tilespmem:$0x1C400] =	vst v63  }
0xbf: {  	_ =	swait.ge [sflag:s20], $0x4000  }
0xc0: {  	[sflag:s20] =	ssyncset.done $0x0  }
0xc1: {  	[sflag:s20] =	ssyncadd.s32 $0xFFFFC000  }
0xc2: {  	[tilespmem:s24], [sflag:$0x2] =	stream.indirect.gather [hbm4b:s5+s23], $0x80, s13, s23, $0xb8;
	[tilespmem:$0x1C400] =	vst v63  }
0xc3: {  	_ =	swait.ge [sflag:s21], $0x4000  }
0xc4: {  	[sflag:s21] =	ssyncset.done $0x0  }
0xc5: {  	[sflag:s21] =	ssyncadd.s32 $0xFFFFC000  }
0xc6: {  	[spmem:s3] =	stream.indirect.scatter.add.f32 [tilespmem:s19], [sflag:$0x3], $0x80, s14, s23, $0xb8;
	[tilespmem:$0x1C400] =	vst v63  }
0xc7: {  	_ =	swait.ge [sflag:s20], $0x4000  }
0xc8: {  	[sflag:s20] =	ssyncset.done $0x0  }
0xc9: {  	[sflag:s20] =	ssyncadd.s32 $0xFFFFC000  }
0xca: {  	_ =	swait.ge [sflag:s26], $0x4000  }
.Ltmp0:
0xcb: {  	[sflag:s26] =	ssyncset.done $0x0;
	(pc) =	sbr.rel @p0 .LBB2_2-.Ltmp0, $4  }
0xcc: {  	[sflag:s26] =	ssyncadd.s32 $0xFFFFC000  }
0xcd: {  	[spmem:s3] =	stream.indirect.scatter.add.f32 [tilespmem:s24], [sflag:$0x3], $0x80, s15, s23, $0xb8;
	[tilespmem:$0x1C400] =	vst v63  }
0xce: {  	_ =	swait.ge [sflag:s20], $0x4000  }
0xcf: {  	s7 =	smov.u32 s8;
	[sflag:s20] =	ssyncset.done $0x0  }
0xd0: {  	s7 =	sadd.s32 s6, s18;
	[sflag:s20] =	ssyncadd.s32 $0xFFFFC000  }
0xd1: {  	[tilespmem:s4], [sflag:$0x3] =	stream.linear.gather [hbm4b:s7+s4], $0x400, $0x38;
	[tilespmem:$0x1C400] =	vst v63  }
0xd2: {  	_ =	swait.ge [sflag:s20], $0x400  }
0xd3: {  	[sflag:s20] =	ssyncset.done $0x0  }
0xd4: {  	s16 =	sadd.s32 s6, s17;
	[sflag:s20] =	ssyncadd.s32 $0xFFFFFC00  }
0xd5: {  	[tilespmem:s22], [sflag:$0x3] =	stream.linear.gather [hbm4b:s16+s4], $0x400, $0x38;
	[tilespmem:$0x1C400] =	vst v63  }
0xd6: {  	_ =	swait.ge [sflag:s20], $0x400  }
0xd7: {  	[sflag:s20] =	ssyncset.done $0x0  }
0xd8: {  	[sflag:s20] =	ssyncadd.s32 $0xFFFFFC00  }
0xd9: {  	[tilespmem:s19], [sflag:$0x1] =	stream.indirect.gather [hbm4b:s5+s23], $0x80, s4, s23, $0xb8;
	[tilespmem:$0x1C400] =	vst v63  }
0xda: {  	_ = 	snop  }
0xdb: {  	[tilespmem:s24], [sflag:$0x2] =	stream.indirect.gather [hbm4b:s5+s23], $0x80, s23, s23, $0xb8;
	[tilespmem:$0x1C400] =	vst v63  }
0xdc: {  	_ =	swait.ge [sflag:s21], $0x4000  }
0xdd: {  	[sflag:s21] =	ssyncset.done $0x0  }
0xde: {  	[sflag:s21] =	ssyncadd.s32 $0xFFFFC000  }
0xdf: {  	[spmem:s3] =	stream.indirect.scatter.add.f32 [tilespmem:s19], [sflag:$0x3], $0x80, s22, s23, $0xb8;
	[tilespmem:$0x1C400] =	vst v63  }
0xe0: {  	_ =	swait.ge [sflag:s20], $0x4000  }
0xe1: {  	[sflag:s20] =	ssyncset.done $0x0  }
0xe2: {  	[sflag:s20] =	ssyncadd.s32 $0xFFFFC000  }
0xe3: {  	[tilespmem:s19], [sflag:$0x1] =	stream.indirect.gather [hbm4b:s5+s23], $0x80, s25, s23, $0xb8;
	[tilespmem:$0x1C400] =	vst v63  }
0xe4: {  	_ =	swait.ge [sflag:s26], $0x4000  }
0xe5: {  	[sflag:s26] =	ssyncset.done $0x0  }
0xe6: {  	[sflag:s26] =	ssyncadd.s32 $0xFFFFC000  }
0xe7: {  	[spmem:s3] =	stream.indirect.scatter.add.f32 [tilespmem:s24], [sflag:$0x3], $0x80, s28, s23, $0xb8;
	[tilespmem:$0x1C400] =	vst v63  }
0xe8: {  	_ =	swait.ge [sflag:s20], $0x4000  }
0xe9: {  	[sflag:s20] =	ssyncset.done $0x0  }
0xea: {  	[sflag:s20] =	ssyncadd.s32 $0xFFFFC000  }
0xeb: {  	[tilespmem:s24], [sflag:$0x2] =	stream.indirect.gather [hbm4b:s5+s23], $0x80, s29, s23, $0xb8;
	[tilespmem:$0x1C400] =	vst v63  }
0xec: {  	_ =	swait.ge [sflag:s21], $0x4000  }
0xed: {  	[sflag:s21] =	ssyncset.done $0x0  }
0xee: {  	[sflag:s21] =	ssyncadd.s32 $0xFFFFC000  }
0xef: {  	[spmem:s3] =	stream.indirect.scatter.add.f32 [tilespmem:s19], [sflag:$0x3], $0x80, s30, s23, $0xb8;
	[tilespmem:$0x1C400] =	vst v63  }
0xf0: {  	_ =	swait.ge [sflag:s20], $0x4000  }
0xf1: {  	[sflag:s20] =	ssyncset.done $0x0  }
0xf2: {  	[sflag:s20] =	ssyncadd.s32 $0xFFFFC000  }
0xf3: {  	[tilespmem:s19], [sflag:$0x1] =	stream.indirect.gather [hbm4b:s5+s23], $0x80, s31, s23, $0xb8;
	[tilespmem:$0x1C400] =	vst v63  }
0xf4: {  	_ =	swait.ge [sflag:s26], $0x4000  }
0xf5: {  	[sflag:s26] =	ssyncset.done $0x0  }
0xf6: {  	[sflag:s26] =	ssyncadd.s32 $0xFFFFC000  }
0xf7: {  	[spmem:s3] =	stream.indirect.scatter.add.f32 [tilespmem:s24], [sflag:$0x3], $0x80, s0, s23, $0xb8;
	[tilespmem:$0x1C400] =	vst v63  }
0xf8: {  	_ =	swait.ge [sflag:s20], $0x4000  }
0xf9: {  	[sflag:s20] =	ssyncset.done $0x0  }
0xfa: {  	[sflag:s20] =	ssyncadd.s32 $0xFFFFC000  }
0xfb: {  	[tilespmem:s24], [sflag:$0x2] =	stream.indirect.gather [hbm4b:s5+s23], $0x80, s2, s23, $0xb8;
	[tilespmem:$0x1C400] =	vst v63  }
0xfc: {  	_ =	swait.ge [sflag:s21], $0x4000  }
0xfd: {  	[sflag:s21] =	ssyncset.done $0x0  }
0xfe: {  	[sflag:s21] =	ssyncadd.s32 $0xFFFFC000  }
0xff: {  	[spmem:s3] =	stream.indirect.scatter.add.f32 [tilespmem:s19], [sflag:$0x3], $0x80, s1, s23, $0xb8;
	[tilespmem:$0x1C400] =	vst v63  }
0x100: {  	_ =	swait.ge [sflag:s20], $0x4000  }
0x101: {  	[sflag:s20] =	ssyncset.done $0x0  }
0x102: {  	[sflag:s20] =	ssyncadd.s32 $0xFFFFC000  }
0x103: {  	[tilespmem:s19], [sflag:$0x1] =	stream.indirect.gather [hbm4b:s5+s23], $0x80, s11, s23, $0xb8;
	[tilespmem:$0x1C400] =	vst v63  }
0x104: {  	_ =	swait.ge [sflag:s26], $0x4000  }
0x105: {  	[sflag:s26] =	ssyncset.done $0x0  }
0x106: {  	[sflag:s26] =	ssyncadd.s32 $0xFFFFC000  }
0x107: {  	[spmem:s3] =	stream.indirect.scatter.add.f32 [tilespmem:s24], [sflag:$0x3], $0x80, s12, s23, $0xb8;
	[tilespmem:$0x1C400] =	vst v63  }
0x108: {  	_ =	swait.ge [sflag:s20], $0x4000  }
0x109: {  	[sflag:s20] =	ssyncset.done $0x0  }
0x10a: {  	[sflag:s20] =	ssyncadd.s32 $0xFFFFC000  }
0x10b: {  	[tilespmem:s24], [sflag:$0x2] =	stream.indirect.gather [hbm4b:s5+s23], $0x80, s13, s23, $0xb8;
	[tilespmem:$0x1C400] =	vst v63  }
0x10c: {  	_ =	swait.ge [sflag:s21], $0x4000  }
0x10d: {  	[sflag:s21] =	ssyncset.done $0x0  }
0x10e: {  	[sflag:s21] =	ssyncadd.s32 $0xFFFFC000  }
0x10f: {  	[spmem:s3] =	stream.indirect.scatter.add.f32 [tilespmem:s19], [sflag:$0x3], $0x80, s14, s23, $0xb8;
	[tilespmem:$0x1C400] =	vst v63  }
0x110: {  	_ =	swait.ge [sflag:s20], $0x4000  }
0x111: {  	[sflag:s20] =	ssyncset.done $0x0  }
0x112: {  	[sflag:s20] =	ssyncadd.s32 $0xFFFFC000  }
0x113: {  	_ =	swait.ge [sflag:s26], $0x4000  }
0x114: {  	[sflag:s26] =	ssyncset.done $0x0  }
0x115: {  	[sflag:s26] =	ssyncadd.s32 $0xFFFFC000  }
0x116: {  	[spmem:s3] =	stream.indirect.scatter.add.f32 [tilespmem:s24], [sflag:$0x3], $0x80, s15, s23, $0xb8;
	[tilespmem:$0x1C400] =	vst v63  }
0x117: {  	_ =	swait.ge [sflag:s20], $0x4000  }
0x118: {  	[sflag:s20] =	ssyncset.done $0x0  }
0x119: {  	[sflag:s20] =	ssyncadd.s32 $0xFFFFC000  }
0x11a: {  	[bflag:$0x0] =	sbarrier.arrive $0xFFFF  }
0x11b: {  	s7 =	rddreg [dreg:$0x6]  }
0x11c: {  	[tilespmem:s19], [sflag:$0x3] =	stream.linear.gather [spmem:s7], $0x4000, $0x38;
	[tilespmem:$0x1C400] =	vst v63  }
0x11d: {  	_ =	swait.ge [sflag:s20], $0x4000  }
0x11e: {  	[sflag:s20] =	ssyncset.done $0x0  }
0x11f: {  	s8 =	rddreg [dreg:$0xb];
	[sflag:s20] =	ssyncadd.s32 $0xFFFFC000  }
0x120: {  	[hbm4b:s8+s4] =	stream.linear.scatter [tilespmem:s19], [sflag:$0x1], $0x4000, $0x38;
	[tilespmem:$0x1C400] =	vst v63  }
0x121: {  	s7 =	rddreg [dreg:$0x7]  }
0x122: {  	[tilespmem:s24], [sflag:$0x3] =	stream.linear.gather [spmem:s7], $0x4000, $0x38;
	[tilespmem:$0x1C400] =	vst v63  }
0x123: {  	_ =	swait.ge [sflag:s20], $0x4000  }
0x124: {  	[sflag:s20] =	ssyncset.done $0x0  }
0x125: {  	s9 =	rddreg [dreg:$0xc];
	[sflag:s20] =	ssyncadd.s32 $0xFFFFC000  }
0x126: {  	[hbm4b:s9+s4] =	stream.linear.scatter [tilespmem:s24], [sflag:$0x2], $0x4000, $0x38;
	[tilespmem:$0x1C400] =	vst v63  }
0x127: {  	_ =	swait.ge [sflag:s21], $0x4000  }
0x128: {  	[sflag:s21] =	ssyncset.done $0x0  }
0x129: {  	s8 =	rddreg [dreg:$0x8];
	[sflag:s21] =	ssyncadd.s32 $0xFFFFC000  }
0x12a: {  	[tilespmem:s19], [sflag:$0x3] =	stream.linear.gather [spmem:s8], $0x4000, $0x38;
	[tilespmem:$0x1C400] =	vst v63  }
0x12b: {  	_ =	swait.ge [sflag:s20], $0x4000  }
0x12c: {  	[sflag:s20] =	ssyncset.done $0x0  }
0x12d: {  	s10 =	rddreg [dreg:$0xd];
	[sflag:s20] =	ssyncadd.s32 $0xFFFFC000  }
0x12e: {  	[hbm4b:s10+s4] =	stream.linear.scatter [tilespmem:s19], [sflag:$0x1], $0x4000, $0x38;
	[tilespmem:$0x1C400] =	vst v63  }
0x12f: {  	_ =	swait.ge [sflag:s26], $0x4000  }
0x130: {  	[sflag:s26] =	ssyncset.done $0x0  }
0x131: {  	s10 =	rddreg [dreg:$0x9];
	[sflag:s26] =	ssyncadd.s32 $0xFFFFC000  }
0x132: {  	[tilespmem:s24], [sflag:$0x3] =	stream.linear.gather [spmem:s10], $0x4000, $0x38;
	[tilespmem:$0x1C400] =	vst v63  }
0x133: {  	_ =	swait.ge [sflag:s20], $0x4000  }
0x134: {  	[sflag:s20] =	ssyncset.done $0x0  }
0x135: {  	s16 =	rddreg [dreg:$0xe];
	[sflag:s20] =	ssyncadd.s32 $0xFFFFC000  }
0x136: {  	[hbm4b:s16+s4] =	stream.linear.scatter [tilespmem:s24], [sflag:$0x2], $0x4000, $0x38;
	[tilespmem:$0x1C400] =	vst v63  }
0x137: {  	_ =	swait.ge [sflag:s21], $0x4000  }
0x138: {  	[sflag:s21] =	ssyncset.done $0x0  }
0x139: {  	s16 =	rddreg [dreg:$0xa];
	[sflag:s21] =	ssyncadd.s32 $0xFFFFC000  }
0x13a: {  	[tilespmem:s19], [sflag:$0x3] =	stream.linear.gather [spmem:s16], $0x3C00, $0x38;
	[tilespmem:$0x1C400] =	vst v63  }
0x13b: {  	_ =	swait.ge [sflag:s20], $0x3C00  }
0x13c: {  	[sflag:s20] =	ssyncset.done $0x0  }
0x13d: {  	s9 =	rddreg [dreg:$0xf];
	[sflag:s20] =	ssyncadd.s32 $0xFFFFC400  }
0x13e: {  	[hbm4b:s9+s4] =	stream.linear.scatter [tilespmem:s19], [sflag:$0x1], $0x3C00, $0x38;
	[tilespmem:$0x1C400] =	vst v63  }
0x13f: {  	_ =	swait.ge [sflag:s26], $0x4000  }
0x140: {  	[sflag:s26] =	ssyncset.done $0x0  }
0x141: {  	[sflag:s26] =	ssyncadd.s32 $0xFFFFC000  }
0x142: {  	_ =	swait.ge [sflag:s21], $0x3C00  }
0x143: {  	s9 =	rddreg [dreg:$0x11]  }
0x144: {  	s6 =	rddreg [dreg:$0x10];
	s9 =	sadd.s32 $0x1, s9  }
0x145: {  	p0 =	sne.s32 s9, s6  }
.Ltmp1:
0x146: {  	_ = 	snop;
	(pc) =	sbr.rel @p0 .LBB2_1-.Ltmp1, $3  }
0x147: {  	_ =	sdelay $0x1  }
0x148: {  	[sflag:s21] =	ssyncset.done $0x0;
	[dreg:$0x11] =	wrdreg s9  }
0x149: {  	[sflag:s21] =	ssyncadd.s32 $0xFFFFC400;
	s9 =	rddreg [dreg:$0x6]  }
0x14a: {  	_ =	sfence.sel $0x180000  }
0x14b: {  	[bflag:$0x0] =	sbarrier.arrive $0xFFFF  }
0x14c: {  	_ =	strace $0x9000004D  }
0x14d: {  	s0 =	stileid.u32;
	[bflag:$0x2] =	sbarrier.arrive $0xFFFF  }
0x14e: {  	p0 =	sne.s32 s0, $0x0;
	s0 =	rddreg [dreg:$0x5]  }
0x14f: {  	s0 =	sadd.s32 @!p0 $0x100000, s0  }
0x150: {  	[sflag:s0] =	ssyncadd.tile.s32 @!p0 $0x1;
	_ =	shalt  }
.Lfunc_end2:
_tile_overlayer_lowered:
.L_overlay_start_2:
0x151: {  	(tag) =	ssettag $0x2  }
0x152: {  	s0 =	rddreg [dreg:$0x0];
	s2 =	stileid.u32  }
0x153: {  	s1 =	rddreg [dreg:$0x1];
	p0 =	sne.s32 s2, $0x0  }
0x154: {  	s3 =	rddreg [dreg:$0x2];
	[bflag:$0x3] =	sbarrier.arrive $0xFFFF;
	s2 =	simm.s32 @!p0 $0x1C03  }
0x155: {  	[timem:s3], [sflag:s2] =	dma.local @!p0 [hbm:s0], s1  }
0x156: {  	s0 =	simm.s32 @!p0 $0x3  }
0x157: {  	_ =	swait.ge @!p0 [sflag:s0], s1  }
0x158: {  	s1 =	ssub.s32 @!p0 $0x0, s1;
	[sflag:s0] =	ssyncset.done @!p0 $0x0  }
0x159: {  	[sflag:s0] =	ssyncadd.s32 @!p0 s1  }
0x15a: {  	[bflag:$0x3] =	sbarrier.arrive $0xFFFF  }
0x15b: {  	_ =	shalt  }

// kernel: kernel.19.cloned.1.call-start
scs
__scs_entry_jumppad:
0x0: {  	(pc) =	sbr.rel $0x88, $3  }
0x1: {  	(tag) =	ssettag $0x0;
	lr =	simm.s32 $0x1  }
0x2: {  	[smem:$0x3F95] =	sst lr;
	_ =	strace $0xD0000000  }
0x3: {  	_ = 	snop  }
0x4: {  	_ = 	snop  }
0x5: {  	_ = 	snop  }
0x6: {  	_ = 	snop  }
0x7: {  	_ = 	snop  }
__scs_overlays_trampoline_lowered:
0x8: {  	[smem:$0x3FA4] =	sst s0  }
0x9: {  	[smem:$0x3FA5] =	sst s1  }
0xa: {  	[smem:$0x3FA6] =	sst s2  }
0xb: {  	[smem:$0x3FA7] =	sst s3  }
0xc: {  	[smem:$0x3FA8] =	sst s4  }
0xd: {  	[smem:$0x3FA9] =	sst s5  }
0xe: {  	[smem:$0x3FAA] =	sst s6  }
0xf: {  	[smem:$0x3FAB] =	sst s7  }
0x10: {  	[smem:$0x3FAC] =	sst s8  }
0x11: {  	[smem:$0x3FAD] =	sst s9;
	s0 =	simm.s32 @!p0 $0x0  }
0x12: {  	s1 =	sld [smem:$0x3F93];
	s0 =	simm.s32 @p0 $0x1  }
0x13: {  	[smem:$0x3FAE] =	sst s0;
	s0 =	simm.s32 @!p1 $0x0  }
0x14: {  	s2 =	sld [smem:$0x3F92];
	s0 =	simm.s32 @p1 $0x1  }
0x15: {  	[smem:$0x3FAF] =	sst s0;
	s0 =	simm.s32 @!p2 $0x0  }
0x16: {  	s3 =	sld [smem:$0x3FDB];
	s0 =	simm.s32 @p2 $0x1  }
0x17: {  	s4 =	simm.s32 $0x1BF5;
	[smem:$0x3FB1] =	sst s0  }
0x18: {  	s0 =	sld [smem:$0x3F94];
	_ =	swait.ge [sflag:s4], $0x0  }
0x19: {  	s7 =	sld [smem:$0x3F95]  }
0x1a: {  	s8 =	sadd.s32 $0xFFFFE003, lr  }
0x1b: {  	s9 =	sadd.s32 $0xFFFFFEF7, lr;
	s5 =	simm.s32 $0xFFFFFFFF;
	p2 =	slt.u32 s8, $0xFFFFF086  }
0x1c: {  	p1 =	slt.u32 s9, $0xF7A;
	s5 =	simm.s32 @!p2 $0x0  }
0x1d: {  	s5 =	simm.s32 @p1 $0x1;
	p0 =	seq.s32 s7, s2  }
0x1e: {  	s7 =	smul.u32 @!p0 $0xF7A, s2;
	p2 =	seq.s32 @!p0 s5, $0x0  }
0x1f: {  	s9 =	smul.u32 $0xF7A, s1;
	s8 =	simm.s32 @!p0 $0x1BF5;
	p2 =	por !p2, p0  }
0x20: {  	[sflag:s8] =	ssyncset.s32 @!p0 $0xFFFFF086;
	s6 =	sadd.s32 @!p0 s3, s7;
	s7 =	simm.s32 @!p0 $0x108  }
0x21: {  	s3 =	sadd.s32 s3, s9;
	s6 =	sadd.s32 @!p0 $0x88, s6;
	s7 =	simm.s32 @p2 $0x1082  }
0x22: {  	[simem:s7], [sflag:s8] =	dma.local @!p0 [hbm:s6], $0xF7A  }
0x23: {  	s9 =	sor.u32 $0xD0000000, s2;
	s6 =	simm.s32 $0x108;
	_ =	swait.ge @!p0 [sflag:s8], $0x0  }
0x24: {  	s3 =	sadd.s32 $0x88, s3;
	s6 =	simm.s32 @!p1 $0x1082;
	[sflag:s4] =	ssyncset.s32 $0xFFFFF086  }
0x25: {  	[simem:s6], [sflag:s4] =	dma.local [hbm:s3], $0xF7A  }
0x26: {  	[smem:$0x3F95] =	sst s1;
	(tag) =	ssettag s2;
	_ =	strace s9  }
0x27: {  	s1 =	sld [smem:$0x3FA5]  }
0x28: {  	s2 =	sld [smem:$0x3FA6]  }
0x29: {  	s4 =	sld [smem:$0x3FA8]  }
0x2a: {  	p0 =	seq.s32 s5, $0x0;
	s5 =	sld [smem:$0x3FA9]  }
0x2b: {  	s6 =	sld [smem:$0x3FAA]  }
0x2c: {  	s7 =	sld [smem:$0x3FAB]  }
0x2d: {  	s3 =	simm.s32 $0x108;
	s8 =	sld [smem:$0x3FAC]  }
0x2e: {  	s3 =	simm.s32 @!p0 $0x1082;
	s9 =	sld [smem:$0x3FAD]  }
0x2f: {  	lr =	sadd.s32 s0, s3;
	s0 =	sld [smem:$0x3FA4]  }
0x30: {  	s3 =	sld [smem:$0x3FA7]  }
0x31: {  	[smem:$0x3FB0] =	sst s10  }
0x32: {  	s10 =	sld [smem:$0x3FAE];
	_ =	sdelay $0x3  }
0x33: {  	p0 =	seq.s32 s10, $0x1;
	s10 =	sld [smem:$0x3FB0];
	_ =	sdelay $0x3  }
0x34: {  	[smem:$0x3FB0] =	sst s10  }
0x35: {  	s10 =	sld [smem:$0x3FAF];
	_ =	sdelay $0x3  }
0x36: {  	p1 =	seq.s32 s10, $0x1;
	s10 =	sld [smem:$0x3FB0];
	_ =	sdelay $0x3  }
0x37: {  	[smem:$0x3FB0] =	sst s10  }
0x38: {  	s10 =	sld [smem:$0x3FB1]  }
0x39: {  	_ = 	snop;
	(pc) =	sbr.ind lr, $3  }
0x3a: {  	_ = 	snop  }
0x3b: {  	_ = 	snop  }
0x3c: {  	p2 =	seq.s32 s10, $0x1;
	s10 =	sld [smem:$0x3FB0]  }
0x3d: {  	_ =	shalt  }
0x3e: {  	_ =	shalt  }
0x3f: {  	_ =	shalt  }
0x40: {  	_ =	shalt  }
0x41: {  	_ =	shalt  }
0x42: {  	_ =	shalt  }
0x43: {  	_ =	shalt  }
0x44: {  	_ =	shalt  }
0x45: {  	_ =	shalt  }
0x46: {  	_ =	shalt  }
0x47: {  	_ =	shalt  }
0x48: {  	_ =	shalt  }
0x49: {  	_ =	shalt  }
0x4a: {  	_ =	shalt  }
0x4b: {  	_ =	shalt  }
0x4c: {  	_ =	shalt  }
0x4d: {  	_ =	shalt  }
0x4e: {  	_ =	shalt  }
0x4f: {  	_ =	shalt  }
0x50: {  	_ =	shalt  }
0x51: {  	_ =	shalt  }
0x52: {  	_ =	shalt  }
0x53: {  	_ =	shalt  }
0x54: {  	_ =	shalt  }
0x55: {  	_ =	shalt  }
0x56: {  	_ =	shalt  }
0x57: {  	_ =	shalt  }
0x58: {  	_ =	shalt  }
0x59: {  	_ =	shalt  }
0x5a: {  	_ =	shalt  }
0x5b: {  	_ =	shalt  }
0x5c: {  	_ =	shalt  }
0x5d: {  	_ =	shalt  }
0x5e: {  	_ =	shalt  }
0x5f: {  	_ =	shalt  }
0x60: {  	_ =	shalt  }
0x61: {  	_ =	shalt  }
0x62: {  	_ =	shalt  }
0x63: {  	_ =	shalt  }
0x64: {  	_ =	shalt  }
0x65: {  	_ =	shalt  }
0x66: {  	_ =	shalt  }
0x67: {  	_ =	shalt  }
0x68: {  	_ =	shalt  }
0x69: {  	_ =	shalt  }
0x6a: {  	_ =	shalt  }
0x6b: {  	_ =	shalt  }
0x6c: {  	_ =	shalt  }
0x6d: {  	_ =	shalt  }
0x6e: {  	_ =	shalt  }
0x6f: {  	_ =	shalt  }
0x70: {  	_ =	shalt  }
0x71: {  	_ =	shalt  }
0x72: {  	_ =	shalt  }
0x73: {  	_ =	shalt  }
0x74: {  	_ =	shalt  }
0x75: {  	_ =	shalt  }
0x76: {  	_ =	shalt  }
0x77: {  	_ =	shalt  }
0x78: {  	_ =	shalt  }
0x79: {  	_ =	shalt  }
0x7a: {  	_ =	shalt  }
0x7b: {  	_ =	shalt  }
0x7c: {  	_ =	shalt  }
0x7d: {  	_ =	shalt  }
0x7e: {  	_ =	shalt  }
0x7f: {  	_ =	shalt  }
0x80: {  	_ =	shalt  }
0x81: {  	_ =	shalt  }
0x82: {  	_ =	shalt  }
0x83: {  	_ =	shalt  }
0x84: {  	_ =	shalt  }
0x85: {  	_ =	shalt  }
0x86: {  	_ =	shalt  }
0x87: {  	_ =	shalt  }
.Lfunc_end0:
.L_simem_size_0:
called_computation.3_lowered:
.L_overlay_start_0:
0x88: {  	s2 =	sld [smem:$0x3FD9]  }
0x89: {  	s3 =	sld [smem:$0x3FFE];
	_ =	sdelay $0x1  }
0x8a: {  	s1 =	srdreg.scid  }
0x8b: {  	s0 =	sand.u32 $0x1, s1  }
0x8c: {  	s14 =	sshll.u32 s0, $0xA;
	s2 =	sadd.s32 s3, s2  }
0x8d: {  	s2 =	sadd.s32 s2, s14  }
0x8e: {  	[smem:$0x3FBC] =	sst s2  }
0x8f: {  	_ = 	snop  }
0x90: {  	s2 =	sld [smem:$0x3FD0];
	_ =	sdelay $0x2  }
0x91: {  	s15 =	simm.s32 $0xB;
	s4 =	simm.s32 $0x10  }
0x92: {  	[smem:s4], [sflag:s15] =	dma.local [hbm:s2], $0x1  }
0x93: {  	_ =	swait.eq [sflag:s15], $0x1  }
0x94: {  	s16 =	sld [smem:$0x12];
	[sflag:s15] =	ssyncset.done $0x0  }
0x95: {  	s17 =	sld [smem:$0x14];
	[sflag:s15] =	ssyncadd.s32 $0xFFFFFFFF  }
0x96: {  	s18 =	sld [smem:$0x15];
	(tm) =	ssettm $0x1  }
0x97: {  	s5 =	sld [smem:$0x3FFB];
	_ =	sdelay $0x3  }
0x98: {  	_ =	strace s5  }
0x99: {  	s5 =	sld [smem:$0x3FFC];
	_ =	sdelay $0x3  }
0x9a: {  	_ =	strace s5  }
0x9b: {  	s5 =	sld [smem:$0x3FFD];
	_ =	sdelay $0x3  }
0x9c: {  	_ =	strace s5  }
0x9d: {  	_ =	strace $0x8FFFFFFF  }
0x9e: {  	s19 =	sld [smem:$0x3FDB];
	_ =	sdelay $0x1  }
0x9f: {  	s6 =	simm.s32 $_scs_section_size  }
0xa0: {  	s7 =	simm.s32 $_size__tile_overlayer_lowered;
	s8 =	simm.s32 $_tile_overlayer_lowered  }
0xa1: {  	s22 =	simm.s32 $0x1BFF;
	s21 =	sshll.u32 s8, $0x1;
	s5 =	sadd.s32 s6, s19  }
0xa2: {  	s9 =	simm.s32 $0x0;
	s20 =	sshll.u32 s7, $0x1;
	s7 =	sadd.s32 s21, s5  }
0xa3: {  	[timem:s9], [sflag:s22] =	dma.local [hbm:s7], s20  }
0xa4: {  	_ =	swait.ge [sflag:s22], s20  }
0xa5: {  	s6 =	ssub.s32 $0x0, s20;
	[sflag:s22] =	ssyncset.done $0x0  }
0xa6: {  	[sflag:s22] =	ssyncadd.s32 s6;
	_ =	sdelay $0x1  }
0xa7: {  	s23 =	simm.s32 $0x1B8B  }
0xa8: {  	_ =	swait.ge [sflag:s23], $0x1  }
0xa9: {  	[sflag:s23] =	ssyncset.done $0x0  }
0xaa: {  	s25 =	simm.s32 $0x1B8E;
	s24 =	sld [smem:$0x3FFE];
	[sflag:s23] =	ssyncadd.s32 $0xFFFFFFFF  }
0xab: {  	s26 =	simm.s32 $execute0_lowered;
	[smem:$0x3FD2] =	sst s25  }
0xac: {  	s7 =	sshll.u32 s26, $0x1;
	_ =	strace $0x8000004F;
	[dreg:$0x1] =	wrdreg $0xFFFFFFFF  }
0xad: {  	s28 =	simm.s32 $_size_execute0_lowered;
	s5 =	sadd.s32 s5, s7;
	[dreg:$0x0] =	wrdreg $0x0  }
0xae: {  	s7 =	sshll.u32 s28, $0x1;
	[dreg:$0x2] =	wrdreg s5  }
0xaf: {  	[dreg:$0x3] =	wrdreg s7  }
0xb0: {  	[dreg:$0x4] =	wrdreg $0xC0  }
0xb1: {  	_ =	task [dreg:s9], $0x5FFFF  }
0xb2: {  	[dreg:$0x1] =	wrdreg $0xFFFFFFFF  }
0xb3: {  	[dreg:$0x0] =	wrdreg $0x60  }
0xb4: {  	[dreg:$0x2] =	wrdreg s24  }
0xb5: {  	[dreg:$0x3] =	wrdreg s17  }
0xb6: {  	[dreg:$0x4] =	wrdreg s18  }
0xb7: {  	[dreg:$0x5] =	wrdreg s16  }
0xb8: {  	[dreg:$0x6] =	wrdreg $0x88000  }
0xb9: {  	[dreg:$0x7] =	wrdreg $0x9  }
0xba: {  	_ =	task.clear_ibuf [dreg:s9], $0x8FFFF;
	_ =	strace $0x9000004F  }
0xbb: {  	s29 =	simm.s32 $0x9;
	_ =	strace $0x80000051  }
0xbc: {  	_ =	swait.ge [sflag:s29], $0x1  }
0xbd: {  	[sflag:s29] =	ssyncadd.s32 $0xFFFFFFFF  }
0xbe: {  	_ =	strace $0x90000051  }
0xbf: {  	_ =	sfence  }
0xc0: {  	s30 =	sld [smem:$0x0];
	_ =	sdelay $0x2  }
0xc1: {  	s31 =	sshll.u32 s1, $0xD;
	s1 =	sshrl.u32 s1, $0x2  }
0xc2: {  	s3 =	sand.u32 $0x4000, s31;
	s1 =	sadd.s32 s1, s30  }
0xc3: {  	s0 =	sor.u32 s3, s0;
	s1 =	sshll.u32 s1, $0x11  }
0xc4: {  	s0 =	sor.u32 s1, s0  }
0xc5: {  	s0 =	sadd.s32 $0x8F2B, s0  }
0xc6: {  	[sflag:s0] =	ssyncadd.remote.s32 $0x1  }
0xc7: {  	_ =	sfence.sel $0xFFFF  }
0xc8: {  	[dreg:$0x0] =	wrdreg $0xFFFFFFFF;
	(pc) =	sbr.abs _section_cstart, $3  }
0xc9: {  	[dreg:$0x1] =	wrdreg $0xFFFFFFFF  }
0xca: {  	_ =	task.clear_ibuf [dreg:s9], $0x2FFFF;
	_ =	strace $0x9FFFFFFF  }
0xcb: {  	(tm) =	ssettm $0x7FFFFFFF  }
tec
execute0_lowered:
.L_overlay_start_1:
0x0: {  	(tag) =	ssettag $0x1  }
0x1: {  	s0 =	rddreg [dreg:$0x0]  }
0x2: {  	s1 =	rddreg [dreg:$0x1]  }
0x3: {  	s2 =	rddreg [dreg:$0x2]  }
0x4: {  	s3 =	rddreg [dreg:$0x4];
	s5 =	srdreg.scid  }
0x5: {  	s4 =	simm.s32 $0x0;
	s10 =	stileid.u32;
	s28 =	simm.s32 $0x480  }
0x6: {  	s29 =	simm.s32 $0x180;
	s30 =	simm.s32 $0x500;
	s8 =	smul.u32 $0x4F000, s10  }
0x7: {  	s31 =	simm.s32 $0x200;
	s6 =	sand.u32 $0x1, s5;
	s11 =	smul.u32 $0x13C00, s10  }
0x8: {  	[smem:$0x7FF] =	sst s4;
	s5 =	sadd.s32 $0x52000, s0;
	s20 =	smul.u32 $0x2800, s10  }
0x9: {  	s0 =	sadd.s32 $0x79200, s0;
	s7 =	ssub.s32 $0x2, s6;
	s15 =	smul.u32 $0x13C000, s6  }
0xa: {  	_ =	strace $0x80000050;
	s6 =	smul.u32 $0x28000, s6;
	s9 =	sshrl.u32 s7, $0x1  }
0xb: {  	s8 =	sshrl.u32 s8, $0x2;
	s12 =	sadd.s32 $0x4000, s11;
	s13 =	sadd.s32 $0x8000, s11  }
0xc: {  	s21 =	sadd.s32 $0xC000, s11;
	s14 =	sadd.s32 $0x10000, s11;
	s7 =	ssub.s32 s7, s9  }
0xd: {  	s9 =	sadd.s32 s8, s3;
	s17 =	sadd.s32 s12, s3;
	s18 =	sadd.s32 s13, s3  }
0xe: {  	s19 =	sadd.s32 s21, s3;
	s16 =	sadd.s32 s14, s3;
	s11 =	sadd.s32 s11, s15  }
0xf: {  	s12 =	sadd.s32 s15, s12;
	s13 =	sadd.s32 s15, s13;
	s8 =	sadd.s32 s15, s21  }
0x10: {  	s24 =	sadd.s32 s15, s14;
	s6 =	sadd.s32 s20, s6;
	s20 =	simm.s32 $0x3  }
0x11: {  	s21 =	simm.s32 $0x1;
	s14 =	simm.s32 $0x700;
	s15 =	simm.s32 $0x780  }
0x12: {  	s10 =	smov.u32 s19;
	s11 =	sshrl.u32 s11, $0x3;
	s12 =	sshrl.u32 s12, $0x3  }
0x13: {  	s23 =	sshrl.u32 s13, $0x3;
	s8 =	sshrl.u32 s8, $0x3;
	[dreg:$0x6] =	wrdreg s9  }
0x14: {  	s25 =	sshrl.u32 s6, $0x3;
	s26 =	smax.u32 s7, $0x1;
	[dreg:$0xa] =	wrdreg s16  }
0x15: {  	s7 =	smov.u32 s17;
	s6 =	simm.s32 $0x0;
	[dreg:$0x10] =	wrdreg s26  }
0x16: {  	s19 =	simm.s32 $0x800;
	s13 =	simm.s32 $0x380;
	[dreg:$0x11] =	wrdreg s6  }
0x17: {  	s11 =	sadd.s32 s0, s11;
	s22 =	sadd.s32 s0, s12;
	[dreg:$0x7] =	wrdreg s7  }
0x18: {  	s8 =	sadd.s32 s0, s8;
	s17 =	sadd.s32 s25, s2;
	[dreg:$0x9] =	wrdreg s10  }
0x19: {  	s26 =	simm.s32 $0x2;
	s2 =	simm.s32 $0x280;
	[dreg:$0xb] =	wrdreg s11  }
0x1a: {  	s12 =	simm.s32 $0x680;
	[dreg:$0xc] =	wrdreg s22;
	s11 =	sadd.s32 s0, s23  }
0x1b: {  	[dreg:$0xe] =	wrdreg s8;
	s8 =	smov.u32 s18;
	s18 =	sadd.s32 s25, s1  }
0x1c: {  	s22 =	simm.s32 $0x400;
	s23 =	simm.s32 $0x80;
	s25 =	simm.s32 $0x100  }
0x1d: {  	s1 =	simm.s32 $0x600;
	[dreg:$0xd] =	wrdreg s11;
	s11 =	sshrl.u32 s24, $0x3  }
0x1e: {  	s24 =	simm.s32 $0x4800;
	[dreg:$0x8] =	wrdreg s8;
	s0 =	sadd.s32 s0, s11  }
0x1f: {  	s11 =	simm.s32 $0x300;
	[dreg:$0xf] =	wrdreg s0;
	s0 =	simm.s32 $0x580  }
.LBB2_1:
0x20: {  	s6 =	rddreg [dreg:$0x3]  }
0x21: {  	[tilespmem:s19], [sflag:$0x3] =	stream.linear.gather [hbm4b:s6+s4], $0x4000, $0x38;
	[tilespmem:$0x1C400] =	vst v63  }
0x22: {  	_ =	swait.ge [sflag:s20], $0x4000  }
0x23: {  	[sflag:s20] =	ssyncset.done $0x0  }
0x24: {  	[sflag:s20] =	ssyncadd.s32 $0xFFFFC000  }
0x25: {  	[spmem:s9] =	stream.linear.scatter [tilespmem:s19], [sflag:$0x1], $0x4000, $0x38;
	[tilespmem:$0x1C400] =	vst v63  }
0x26: {  	_ = 	snop  }
0x27: {  	[spmem:s7] =	stream.linear.scatter [tilespmem:s19], [sflag:$0x1], $0x4000, $0x38;
	[tilespmem:$0x1C400] =	vst v63  }
0x28: {  	_ = 	snop  }
0x29: {  	[spmem:s8] =	stream.linear.scatter [tilespmem:s19], [sflag:$0x1], $0x4000, $0x38;
	[tilespmem:$0x1C400] =	vst v63  }
0x2a: {  	_ = 	snop  }
0x2b: {  	[spmem:s10] =	stream.linear.scatter [tilespmem:s19], [sflag:$0x1], $0x4000, $0x38;
	[tilespmem:$0x1C400] =	vst v63  }
0x2c: {  	_ = 	snop  }
0x2d: {  	[spmem:s16] =	stream.linear.scatter [tilespmem:s19], [sflag:$0x1], $0x3C00, $0x38;
	[tilespmem:$0x1C400] =	vst v63  }
0x2e: {  	_ =	swait.ge [sflag:s21], $0x4000  }
0x2f: {  	[sflag:s21] =	ssyncset.done $0x0  }
0x30: {  	[sflag:s21] =	ssyncadd.s32 $0xFFFFC000  }
0x31: {  	_ =	swait.ge [sflag:s21], $0x4000  }
0x32: {  	[sflag:s21] =	ssyncset.done $0x0  }
0x33: {  	[sflag:s21] =	ssyncadd.s32 $0xFFFFC000  }
0x34: {  	_ =	swait.ge [sflag:s21], $0x4000  }
0x35: {  	[sflag:s21] =	ssyncset.done $0x0  }
0x36: {  	[sflag:s21] =	ssyncadd.s32 $0xFFFFC000  }
0x37: {  	_ =	swait.ge [sflag:s21], $0x4000  }
0x38: {  	[sflag:s21] =	ssyncset.done $0x0  }
0x39: {  	[sflag:s21] =	ssyncadd.s32 $0xFFFFC000  }
0x3a: {  	_ =	swait.ge [sflag:s21], $0x3C00  }
0x3b: {  	[sflag:s21] =	ssyncset.done $0x0  }
0x3c: {  	[sflag:s21] =	ssyncadd.s32 $0xFFFFC400  }
0x3d: {  	s10 =	sadd.s32 $0x0, s18;
	[bflag:$0x0] =	sbarrier.arrive $0xFFFF  }
0x3e: {  	[tilespmem:s4], [sflag:$0x3] =	stream.linear.gather [hbm4b:s10+s4], $0x400, $0x38;
	[tilespmem:$0x1C400] =	vst v63  }
0x3f: {  	_ =	swait.ge [sflag:s20], $0x400  }
0x40: {  	[sflag:s20] =	ssyncset.done $0x0  }
0x41: {  	s16 =	sadd.s32 $0x0, s17;
	[sflag:s20] =	ssyncadd.s32 $0xFFFFFC00  }
0x42: {  	[tilespmem:s22], [sflag:$0x3] =	stream.linear.gather [hbm4b:s16+s4], $0x400, $0x38;
	[tilespmem:$0x1C400] =	vst v63  }
0x43: {  	_ =	swait.ge [sflag:s20], $0x400  }
0x44: {  	[sflag:s20] =	ssyncset.done $0x0  }
0x45: {  	[sflag:s20] =	ssyncadd.s32 $0xFFFFFC00  }
0x46: {  	[tilespmem:s19], [sflag:$0x1] =	stream.indirect.gather [hbm4b:s5+s23], $0x80, s4, s23, $0xb8;
	[tilespmem:$0x1C400] =	vst v63  }
0x47: {  	_ = 	snop  }
0x48: {  	[tilespmem:s24], [sflag:$0x2] =	stream.indirect.gather [hbm4b:s5+s23], $0x80, s23, s23, $0xb8;
	[tilespmem:$0x1C400] =	vst v63  }
0x49: {  	_ =	swait.ge [sflag:s21], $0x4000  }
0x4a: {  	[sflag:s21] =	ssyncset.done $0x0  }
0x4b: {  	[sflag:s21] =	ssyncadd.s32 $0xFFFFC000  }
0x4c: {  	[spmem:s3] =	stream.indirect.scatter.add.f32 [tilespmem:s19], [sflag:$0x3], $0x80, s22, s23, $0xb8;
	[tilespmem:$0x1C400] =	vst v63  }
0x4d: {  	_ =	swait.ge [sflag:s20], $0x4000  }
0x4e: {  	[sflag:s20] =	ssyncset.done $0x0  }
0x4f: {  	[sflag:s20] =	ssyncadd.s32 $0xFFFFC000  }
0x50: {  	[tilespmem:s19], [sflag:$0x1] =	stream.indirect.gather [hbm4b:s5+s23], $0x80, s25, s23, $0xb8;
	[tilespmem:$0x1C400] =	vst v63  }
0x51: {  	_ =	swait.ge [sflag:s26], $0x4000  }
0x52: {  	[sflag:s26] =	ssyncset.done $0x0  }
0x53: {  	[sflag:s26] =	ssyncadd.s32 $0xFFFFC000  }
0x54: {  	[spmem:s3] =	stream.indirect.scatter.add.f32 [tilespmem:s24], [sflag:$0x3], $0x80, s28, s23, $0xb8;
	[tilespmem:$0x1C400] =	vst v63  }
0x55: {  	_ =	swait.ge [sflag:s20], $0x4000  }
0x56: {  	[sflag:s20] =	ssyncset.done $0x0  }
0x57: {  	[sflag:s20] =	ssyncadd.s32 $0xFFFFC000  }
0x58: {  	[tilespmem:s24], [sflag:$0x2] =	stream.indirect.gather [hbm4b:s5+s23], $0x80, s29, s23, $0xb8;
	[tilespmem:$0x1C400] =	vst v63  }
0x59: {  	_ =	swait.ge [sflag:s21], $0x4000  }
0x5a: {  	[sflag:s21] =	ssyncset.done $0x0  }
0x5b: {  	[sflag:s21] =	ssyncadd.s32 $0xFFFFC000  }
0x5c: {  	[spmem:s3] =	stream.indirect.scatter.add.f32 [tilespmem:s19], [sflag:$0x3], $0x80, s30, s23, $0xb8;
	[tilespmem:$0x1C400] =	vst v63  }
0x5d: {  	_ =	swait.ge [sflag:s20], $0x4000  }
0x5e: {  	[sflag:s20] =	ssyncset.done $0x0  }
0x5f: {  	[sflag:s20] =	ssyncadd.s32 $0xFFFFC000  }
0x60: {  	[tilespmem:s19], [sflag:$0x1] =	stream.indirect.gather [hbm4b:s5+s23], $0x80, s31, s23, $0xb8;
	[tilespmem:$0x1C400] =	vst v63  }
0x61: {  	_ =	swait.ge [sflag:s26], $0x4000  }
0x62: {  	[sflag:s26] =	ssyncset.done $0x0  }
0x63: {  	[sflag:s26] =	ssyncadd.s32 $0xFFFFC000  }
0x64: {  	[spmem:s3] =	stream.indirect.scatter.add.f32 [tilespmem:s24], [sflag:$0x3], $0x80, s0, s23, $0xb8;
	[tilespmem:$0x1C400] =	vst v63  }
0x65: {  	_ =	swait.ge [sflag:s20], $0x4000  }
0x66: {  	[sflag:s20] =	ssyncset.done $0x0  }
0x67: {  	[sflag:s20] =	ssyncadd.s32 $0xFFFFC000  }
0x68: {  	[tilespmem:s24], [sflag:$0x2] =	stream.indirect.gather [hbm4b:s5+s23], $0x80, s2, s23, $0xb8;
	[tilespmem:$0x1C400] =	vst v63  }
0x69: {  	_ =	swait.ge [sflag:s21], $0x4000  }
0x6a: {  	[sflag:s21] =	ssyncset.done $0x0  }
0x6b: {  	[sflag:s21] =	ssyncadd.s32 $0xFFFFC000  }
0x6c: {  	[spmem:s3] =	stream.indirect.scatter.add.f32 [tilespmem:s19], [sflag:$0x3], $0x80, s1, s23, $0xb8;
	[tilespmem:$0x1C400] =	vst v63  }
0x6d: {  	_ =	swait.ge [sflag:s20], $0x4000  }
0x6e: {  	[sflag:s20] =	ssyncset.done $0x0  }
0x6f: {  	[sflag:s20] =	ssyncadd.s32 $0xFFFFC000  }
0x70: {  	[tilespmem:s19], [sflag:$0x1] =	stream.indirect.gather [hbm4b:s5+s23], $0x80, s11, s23, $0xb8;
	[tilespmem:$0x1C400] =	vst v63  }
0x71: {  	_ =	swait.ge [sflag:s26], $0x4000  }
0x72: {  	[sflag:s26] =	ssyncset.done $0x0  }
0x73: {  	[sflag:s26] =	ssyncadd.s32 $0xFFFFC000  }
0x74: {  	[spmem:s3] =	stream.indirect.scatter.add.f32 [tilespmem:s24], [sflag:$0x3], $0x80, s12, s23, $0xb8;
	[tilespmem:$0x1C400] =	vst v63  }
0x75: {  	_ =	swait.ge [sflag:s20], $0x4000  }
0x76: {  	[sflag:s20] =	ssyncset.done $0x0  }
0x77: {  	[sflag:s20] =	ssyncadd.s32 $0xFFFFC000  }
0x78: {  	[tilespmem:s24], [sflag:$0x2] =	stream.indirect.gather [hbm4b:s5+s23], $0x80, s13, s23, $0xb8;
	[tilespmem:$0x1C400] =	vst v63  }
0x79: {  	_ =	swait.ge [sflag:s21], $0x4000  }
0x7a: {  	[sflag:s21] =	ssyncset.done $0x0  }
0x7b: {  	[sflag:s21] =	ssyncadd.s32 $0xFFFFC000  }
0x7c: {  	[spmem:s3] =	stream.indirect.scatter.add.f32 [tilespmem:s19], [sflag:$0x3], $0x80, s14, s23, $0xb8;
	[tilespmem:$0x1C400] =	vst v63  }
0x7d: {  	_ =	swait.ge [sflag:s20], $0x4000  }
0x7e: {  	[sflag:s20] =	ssyncset.done $0x0  }
0x7f: {  	[sflag:s20] =	ssyncadd.s32 $0xFFFFC000  }
0x80: {  	_ =	swait.ge [sflag:s26], $0x4000  }
0x81: {  	[sflag:s26] =	ssyncset.done $0x0  }
0x82: {  	[sflag:s26] =	ssyncadd.s32 $0xFFFFC000  }
0x83: {  	[spmem:s3] =	stream.indirect.scatter.add.f32 [tilespmem:s24], [sflag:$0x3], $0x80, s15, s23, $0xb8;
	[tilespmem:$0x1C400] =	vst v63  }
0x84: {  	_ =	swait.ge [sflag:s20], $0x4000  }
0x85: {  	s6 =	simm.s32 $0x80;
	s7 =	simm.s32 $0x100;
	[sflag:s20] =	ssyncset.done $0x0  }
.LBB2_2:
0x86: {  	s9 =	sadd.s32 s6, s18  }
0x87: {  	[sflag:s20] =	ssyncadd.s32 $0xFFFFC000;
	s10 =	smov.u32 s7;
	s8 =	sadd.s32 $0x80, s7  }
0x88: {  	[tilespmem:s4], [sflag:$0x3] =	stream.linear.gather [hbm4b:s9+s4], $0x400, $0x38;
	[tilespmem:$0x1C400] =	vst v63  }
0x89: {  	p0 =	sne.s32 s7, $0x480;
	_ =	swait.ge [sflag:s20], $0x400  }
0x8a: {  	[sflag:s20] =	ssyncset.done $0x0  }
0x8b: {  	s7 =	sadd.s32 s6, s17;
	s6 =	smov.u32 s10;
	[sflag:s20] =	ssyncadd.s32 $0xFFFFFC00  }
0x8c: {  	[tilespmem:s22], [sflag:$0x3] =	stream.linear.gather [hbm4b:s7+s4], $0x400, $0x38;
	[tilespmem:$0x1C400] =	vst v63  }
0x8d: {  	_ =	swait.ge [sflag:s20], $0x400  }
0x8e: {  	[sflag:s20] =	ssyncset.done $0x0  }
0x8f: {  	[sflag:s20] =	ssyncadd.s32 $0xFFFFFC00  }
0x90: {  	[tilespmem:s19], [sflag:$0x1] =	stream.indirect.gather [hbm4b:s5+s23], $0x80, s4, s23, $0xb8;
	[tilespmem:$0x1C400] =	vst v63  }
0x91: {  	_ = 	snop  }
0x92: {  	[tilespmem:s24], [sflag:$0x2] =	stream.indirect.gather [hbm4b:s5+s23], $0x80, s23, s23, $0xb8;
	[tilespmem:$0x1C400] =	vst v63  }
0x93: {  	_ =	swait.ge [sflag:s21], $0x4000  }
0x94: {  	[sflag:s21] =	ssyncset.done $0x0  }
0x95: {  	[sflag:s21] =	ssyncadd.s32 $0xFFFFC000  }
0x96: {  	[spmem:s3] =	stream.indirect.scatter.add.f32 [tilespmem:s19], [sflag:$0x3], $0x80, s22, s23, $0xb8;
	[tilespmem:$0x1C400] =	vst v63  }
0x97: {  	_ =	swait.ge [sflag:s20], $0x4000  }
0x98: {  	[sflag:s20] =	ssyncset.done $0x0  }
0x99: {  	[sflag:s20] =	ssyncadd.s32 $0xFFFFC000  }
0x9a: {  	[tilespmem:s19], [sflag:$0x1] =	stream.indirect.gather [hbm4b:s5+s23], $0x80, s25, s23, $0xb8;
	[tilespmem:$0x1C400] =	vst v63  }
0x9b: {  	_ =	swait.ge [sflag:s26], $0x4000  }
0x9c: {  	[sflag:s26] =	ssyncset.done $0x0  }
0x9d: {  	[sflag:s26] =	ssyncadd.s32 $0xFFFFC000  }
0x9e: {  	[spmem:s3] =	stream.indirect.scatter.add.f32 [tilespmem:s24], [sflag:$0x3], $0x80, s28, s23, $0xb8;
	[tilespmem:$0x1C400] =	vst v63  }
0x9f: {  	_ =	swait.ge [sflag:s20], $0x4000  }
0xa0: {  	[sflag:s20] =	ssyncset.done $0x0  }
0xa1: {  	[sflag:s20] =	ssyncadd.s32 $0xFFFFC000  }
0xa2: {  	[tilespmem:s24], [sflag:$0x2] =	stream.indirect.gather [hbm4b:s5+s23], $0x80, s29, s23, $0xb8;
	[tilespmem:$0x1C400] =	vst v63  }
0xa3: {  	_ =	swait.ge [sflag:s21], $0x4000  }
0xa4: {  	[sflag:s21] =	ssyncset.done $0x0  }
0xa5: {  	[sflag:s21] =	ssyncadd.s32 $0xFFFFC000  }
0xa6: {  	[spmem:s3] =	stream.indirect.scatter.add.f32 [tilespmem:s19], [sflag:$0x3], $0x80, s30, s23, $0xb8;
	[tilespmem:$0x1C400] =	vst v63  }
0xa7: {  	_ =	swait.ge [sflag:s20], $0x4000  }
0xa8: {  	[sflag:s20] =	ssyncset.done $0x0  }
0xa9: {  	[sflag:s20] =	ssyncadd.s32 $0xFFFFC000  }
0xaa: {  	[tilespmem:s19], [sflag:$0x1] =	stream.indirect.gather [hbm4b:s5+s23], $0x80, s31, s23, $0xb8;
	[tilespmem:$0x1C400] =	vst v63  }
0xab: {  	_ =	swait.ge [sflag:s26], $0x4000  }
0xac: {  	[sflag:s26] =	ssyncset.done $0x0  }
0xad: {  	[sflag:s26] =	ssyncadd.s32 $0xFFFFC000  }
0xae: {  	[spmem:s3] =	stream.indirect.scatter.add.f32 [tilespmem:s24], [sflag:$0x3], $0x80, s0, s23, $0xb8;
	[tilespmem:$0x1C400] =	vst v63  }
0xaf: {  	_ =	swait.ge [sflag:s20], $0x4000  }
0xb0: {  	[sflag:s20] =	ssyncset.done $0x0  }
0xb1: {  	[sflag:s20] =	ssyncadd.s32 $0xFFFFC000  }
0xb2: {  	[tilespmem:s24], [sflag:$0x2] =	stream.indirect.gather [hbm4b:s5+s23], $0x80, s2, s23, $0xb8;
	[tilespmem:$0x1C400] =	vst v63  }
0xb3: {  	_ =	swait.ge [sflag:s21], $0x4000  }
0xb4: {  	[sflag:s21] =	ssyncset.done $0x0  }
0xb5: {  	[sflag:s21] =	ssyncadd.s32 $0xFFFFC000  }
0xb6: {  	[spmem:s3] =	stream.indirect.scatter.add.f32 [tilespmem:s19], [sflag:$0x3], $0x80, s1, s23, $0xb8;
	[tilespmem:$0x1C400] =	vst v63  }
0xb7: {  	_ =	swait.ge [sflag:s20], $0x4000  }
0xb8: {  	[sflag:s20] =	ssyncset.done $0x0  }
0xb9: {  	[sflag:s20] =	ssyncadd.s32 $0xFFFFC000  }
0xba: {  	[tilespmem:s19], [sflag:$0x1] =	stream.indirect.gather [hbm4b:s5+s23], $0x80, s11, s23, $0xb8;
	[tilespmem:$0x1C400] =	vst v63  }
0xbb: {  	_ =	swait.ge [sflag:s26], $0x4000  }
0xbc: {  	[sflag:s26] =	ssyncset.done $0x0  }
0xbd: {  	[sflag:s26] =	ssyncadd.s32 $0xFFFFC000  }
0xbe: {  	[spmem:s3] =	stream.indirect.scatter.add.f32 [tilespmem:s24], [sflag:$0x3], $0x80, s12, s23, $0xb8;
	[tilespmem:$0x1C400] =	vst v63  }
0xbf: {  	_ =	swait.ge [sflag:s20], $0x4000  }
0xc0: {  	[sflag:s20] =	ssyncset.done $0x0  }
0xc1: {  	[sflag:s20] =	ssyncadd.s32 $0xFFFFC000  }
0xc2: {  	[tilespmem:s24], [sflag:$0x2] =	stream.indirect.gather [hbm4b:s5+s23], $0x80, s13, s23, $0xb8;
	[tilespmem:$0x1C400] =	vst v63  }
0xc3: {  	_ =	swait.ge [sflag:s21], $0x4000  }
0xc4: {  	[sflag:s21] =	ssyncset.done $0x0  }
0xc5: {  	[sflag:s21] =	ssyncadd.s32 $0xFFFFC000  }
0xc6: {  	[spmem:s3] =	stream.indirect.scatter.add.f32 [tilespmem:s19], [sflag:$0x3], $0x80, s14, s23, $0xb8;
	[tilespmem:$0x1C400] =	vst v63  }
0xc7: {  	_ =	swait.ge [sflag:s20], $0x4000  }
0xc8: {  	[sflag:s20] =	ssyncset.done $0x0  }
0xc9: {  	[sflag:s20] =	ssyncadd.s32 $0xFFFFC000  }
0xca: {  	_ =	swait.ge [sflag:s26], $0x4000  }
.Ltmp0:
0xcb: {  	[sflag:s26] =	ssyncset.done $0x0;
	(pc) =	sbr.rel @p0 .LBB2_2-.Ltmp0, $4  }
0xcc: {  	[sflag:s26] =	ssyncadd.s32 $0xFFFFC000  }
0xcd: {  	[spmem:s3] =	stream.indirect.scatter.add.f32 [tilespmem:s24], [sflag:$0x3], $0x80, s15, s23, $0xb8;
	[tilespmem:$0x1C400] =	vst v63  }
0xce: {  	_ =	swait.ge [sflag:s20], $0x4000  }
0xcf: {  	s7 =	smov.u32 s8;
	[sflag:s20] =	ssyncset.done $0x0  }
0xd0: {  	s7 =	sadd.s32 s6, s18;
	[sflag:s20] =	ssyncadd.s32 $0xFFFFC000  }
0xd1: {  	[tilespmem:s4], [sflag:$0x3] =	stream.linear.gather [hbm4b:s7+s4], $0x400, $0x38;
	[tilespmem:$0x1C400] =	vst v63  }
0xd2: {  	_ =	swait.ge [sflag:s20], $0x400  }
0xd3: {  	[sflag:s20] =	ssyncset.done $0x0  }
0xd4: {  	s16 =	sadd.s32 s6, s17;
	[sflag:s20] =	ssyncadd.s32 $0xFFFFFC00  }
0xd5: {  	[tilespmem:s22], [sflag:$0x3] =	stream.linear.gather [hbm4b:s16+s4], $0x400, $0x38;
	[tilespmem:$0x1C400] =	vst v63  }
0xd6: {  	_ =	swait.ge [sflag:s20], $0x400  }
0xd7: {  	[sflag:s20] =	ssyncset.done $0x0  }
0xd8: {  	[sflag:s20] =	ssyncadd.s32 $0xFFFFFC00  }
0xd9: {  	[tilespmem:s19], [sflag:$0x1] =	stream.indirect.gather [hbm4b:s5+s23], $0x80, s4, s23, $0xb8;
	[tilespmem:$0x1C400] =	vst v63  }
0xda: {  	_ = 	snop  }
0xdb: {  	[tilespmem:s24], [sflag:$0x2] =	stream.indirect.gather [hbm4b:s5+s23], $0x80, s23, s23, $0xb8;
	[tilespmem:$0x1C400] =	vst v63  }
0xdc: {  	_ =	swait.ge [sflag:s21], $0x4000  }
0xdd: {  	[sflag:s21] =	ssyncset.done $0x0  }
0xde: {  	[sflag:s21] =	ssyncadd.s32 $0xFFFFC000  }
0xdf: {  	[spmem:s3] =	stream.indirect.scatter.add.f32 [tilespmem:s19], [sflag:$0x3], $0x80, s22, s23, $0xb8;
	[tilespmem:$0x1C400] =	vst v63  }
0xe0: {  	_ =	swait.ge [sflag:s20], $0x4000  }
0xe1: {  	[sflag:s20] =	ssyncset.done $0x0  }
0xe2: {  	[sflag:s20] =	ssyncadd.s32 $0xFFFFC000  }
0xe3: {  	[tilespmem:s19], [sflag:$0x1] =	stream.indirect.gather [hbm4b:s5+s23], $0x80, s25, s23, $0xb8;
	[tilespmem:$0x1C400] =	vst v63  }
0xe4: {  	_ =	swait.ge [sflag:s26], $0x4000  }
0xe5: {  	[sflag:s26] =	ssyncset.done $0x0  }
0xe6: {  	[sflag:s26] =	ssyncadd.s32 $0xFFFFC000  }
0xe7: {  	[spmem:s3] =	stream.indirect.scatter.add.f32 [tilespmem:s24], [sflag:$0x3], $0x80, s28, s23, $0xb8;
	[tilespmem:$0x1C400] =	vst v63  }
0xe8: {  	_ =	swait.ge [sflag:s20], $0x4000  }
0xe9: {  	[sflag:s20] =	ssyncset.done $0x0  }
0xea: {  	[sflag:s20] =	ssyncadd.s32 $0xFFFFC000  }
0xeb: {  	[tilespmem:s24], [sflag:$0x2] =	stream.indirect.gather [hbm4b:s5+s23], $0x80, s29, s23, $0xb8;
	[tilespmem:$0x1C400] =	vst v63  }
0xec: {  	_ =	swait.ge [sflag:s21], $0x4000  }
0xed: {  	[sflag:s21] =	ssyncset.done $0x0  }
0xee: {  	[sflag:s21] =	ssyncadd.s32 $0xFFFFC000  }
0xef: {  	[spmem:s3] =	stream.indirect.scatter.add.f32 [tilespmem:s19], [sflag:$0x3], $0x80, s30, s23, $0xb8;
	[tilespmem:$0x1C400] =	vst v63  }
0xf0: {  	_ =	swait.ge [sflag:s20], $0x4000  }
0xf1: {  	[sflag:s20] =	ssyncset.done $0x0  }
0xf2: {  	[sflag:s20] =	ssyncadd.s32 $0xFFFFC000  }
0xf3: {  	[tilespmem:s19], [sflag:$0x1] =	stream.indirect.gather [hbm4b:s5+s23], $0x80, s31, s23, $0xb8;
	[tilespmem:$0x1C400] =	vst v63  }
0xf4: {  	_ =	swait.ge [sflag:s26], $0x4000  }
0xf5: {  	[sflag:s26] =	ssyncset.done $0x0  }
0xf6: {  	[sflag:s26] =	ssyncadd.s32 $0xFFFFC000  }
0xf7: {  	[spmem:s3] =	stream.indirect.scatter.add.f32 [tilespmem:s24], [sflag:$0x3], $0x80, s0, s23, $0xb8;
	[tilespmem:$0x1C400] =	vst v63  }
0xf8: {  	_ =	swait.ge [sflag:s20], $0x4000  }
0xf9: {  	[sflag:s20] =	ssyncset.done $0x0  }
0xfa: {  	[sflag:s20] =	ssyncadd.s32 $0xFFFFC000  }
0xfb: {  	[tilespmem:s24], [sflag:$0x2] =	stream.indirect.gather [hbm4b:s5+s23], $0x80, s2, s23, $0xb8;
	[tilespmem:$0x1C400] =	vst v63  }
0xfc: {  	_ =	swait.ge [sflag:s21], $0x4000  }
0xfd: {  	[sflag:s21] =	ssyncset.done $0x0  }
0xfe: {  	[sflag:s21] =	ssyncadd.s32 $0xFFFFC000  }
0xff: {  	[spmem:s3] =	stream.indirect.scatter.add.f32 [tilespmem:s19], [sflag:$0x3], $0x80, s1, s23, $0xb8;
	[tilespmem:$0x1C400] =	vst v63  }
0x100: {  	_ =	swait.ge [sflag:s20], $0x4000  }
0x101: {  	[sflag:s20] =	ssyncset.done $0x0  }
0x102: {  	[sflag:s20] =	ssyncadd.s32 $0xFFFFC000  }
0x103: {  	[tilespmem:s19], [sflag:$0x1] =	stream.indirect.gather [hbm4b:s5+s23], $0x80, s11, s23, $0xb8;
	[tilespmem:$0x1C400] =	vst v63  }
0x104: {  	_ =	swait.ge [sflag:s26], $0x4000  }
0x105: {  	[sflag:s26] =	ssyncset.done $0x0  }
0x106: {  	[sflag:s26] =	ssyncadd.s32 $0xFFFFC000  }
0x107: {  	[spmem:s3] =	stream.indirect.scatter.add.f32 [tilespmem:s24], [sflag:$0x3], $0x80, s12, s23, $0xb8;
	[tilespmem:$0x1C400] =	vst v63  }
0x108: {  	_ =	swait.ge [sflag:s20], $0x4000  }
0x109: {  	[sflag:s20] =	ssyncset.done $0x0  }
0x10a: {  	[sflag:s20] =	ssyncadd.s32 $0xFFFFC000  }
0x10b: {  	[tilespmem:s24], [sflag:$0x2] =	stream.indirect.gather [hbm4b:s5+s23], $0x80, s13, s23, $0xb8;
	[tilespmem:$0x1C400] =	vst v63  }
0x10c: {  	_ =	swait.ge [sflag:s21], $0x4000  }
0x10d: {  	[sflag:s21] =	ssyncset.done $0x0  }
0x10e: {  	[sflag:s21] =	ssyncadd.s32 $0xFFFFC000  }
0x10f: {  	[spmem:s3] =	stream.indirect.scatter.add.f32 [tilespmem:s19], [sflag:$0x3], $0x80, s14, s23, $0xb8;
	[tilespmem:$0x1C400] =	vst v63  }
0x110: {  	_ =	swait.ge [sflag:s20], $0x4000  }
0x111: {  	[sflag:s20] =	ssyncset.done $0x0  }
0x112: {  	[sflag:s20] =	ssyncadd.s32 $0xFFFFC000  }
0x113: {  	_ =	swait.ge [sflag:s26], $0x4000  }
0x114: {  	[sflag:s26] =	ssyncset.done $0x0  }
0x115: {  	[sflag:s26] =	ssyncadd.s32 $0xFFFFC000  }
0x116: {  	[spmem:s3] =	stream.indirect.scatter.add.f32 [tilespmem:s24], [sflag:$0x3], $0x80, s15, s23, $0xb8;
	[tilespmem:$0x1C400] =	vst v63  }
0x117: {  	_ =	swait.ge [sflag:s20], $0x4000  }
0x118: {  	[sflag:s20] =	ssyncset.done $0x0  }
0x119: {  	[sflag:s20] =	ssyncadd.s32 $0xFFFFC000  }
0x11a: {  	[bflag:$0x0] =	sbarrier.arrive $0xFFFF  }
0x11b: {  	s7 =	rddreg [dreg:$0x6]  }
0x11c: {  	[tilespmem:s19], [sflag:$0x3] =	stream.linear.gather [spmem:s7], $0x4000, $0x38;
	[tilespmem:$0x1C400] =	vst v63  }
0x11d: {  	_ =	swait.ge [sflag:s20], $0x4000  }
0x11e: {  	[sflag:s20] =	ssyncset.done $0x0  }
0x11f: {  	s8 =	rddreg [dreg:$0xb];
	[sflag:s20] =	ssyncadd.s32 $0xFFFFC000  }
0x120: {  	[hbm4b:s8+s4] =	stream.linear.scatter [tilespmem:s19], [sflag:$0x1], $0x4000, $0x38;
	[tilespmem:$0x1C400] =	vst v63  }
0x121: {  	s7 =	rddreg [dreg:$0x7]  }
0x122: {  	[tilespmem:s24], [sflag:$0x3] =	stream.linear.gather [spmem:s7], $0x4000, $0x38;
	[tilespmem:$0x1C400] =	vst v63  }
0x123: {  	_ =	swait.ge [sflag:s20], $0x4000  }
0x124: {  	[sflag:s20] =	ssyncset.done $0x0  }
0x125: {  	s9 =	rddreg [dreg:$0xc];
	[sflag:s20] =	ssyncadd.s32 $0xFFFFC000  }
0x126: {  	[hbm4b:s9+s4] =	stream.linear.scatter [tilespmem:s24], [sflag:$0x2], $0x4000, $0x38;
	[tilespmem:$0x1C400] =	vst v63  }
0x127: {  	_ =	swait.ge [sflag:s21], $0x4000  }
0x128: {  	[sflag:s21] =	ssyncset.done $0x0  }
0x129: {  	s8 =	rddreg [dreg:$0x8];
	[sflag:s21] =	ssyncadd.s32 $0xFFFFC000  }
0x12a: {  	[tilespmem:s19], [sflag:$0x3] =	stream.linear.gather [spmem:s8], $0x4000, $0x38;
	[tilespmem:$0x1C400] =	vst v63  }
0x12b: {  	_ =	swait.ge [sflag:s20], $0x4000  }
0x12c: {  	[sflag:s20] =	ssyncset.done $0x0  }
0x12d: {  	s10 =	rddreg [dreg:$0xd];
	[sflag:s20] =	ssyncadd.s32 $0xFFFFC000  }
0x12e: {  	[hbm4b:s10+s4] =	stream.linear.scatter [tilespmem:s19], [sflag:$0x1], $0x4000, $0x38;
	[tilespmem:$0x1C400] =	vst v63  }
0x12f: {  	_ =	swait.ge [sflag:s26], $0x4000  }
0x130: {  	[sflag:s26] =	ssyncset.done $0x0  }
0x131: {  	s10 =	rddreg [dreg:$0x9];
	[sflag:s26] =	ssyncadd.s32 $0xFFFFC000  }
0x132: {  	[tilespmem:s24], [sflag:$0x3] =	stream.linear.gather [spmem:s10], $0x4000, $0x38;
	[tilespmem:$0x1C400] =	vst v63  }
0x133: {  	_ =	swait.ge [sflag:s20], $0x4000  }
0x134: {  	[sflag:s20] =	ssyncset.done $0x0  }
0x135: {  	s16 =	rddreg [dreg:$0xe];
	[sflag:s20] =	ssyncadd.s32 $0xFFFFC000  }
0x136: {  	[hbm4b:s16+s4] =	stream.linear.scatter [tilespmem:s24], [sflag:$0x2], $0x4000, $0x38;
	[tilespmem:$0x1C400] =	vst v63  }
0x137: {  	_ =	swait.ge [sflag:s21], $0x4000  }
0x138: {  	[sflag:s21] =	ssyncset.done $0x0  }
0x139: {  	s16 =	rddreg [dreg:$0xa];
	[sflag:s21] =	ssyncadd.s32 $0xFFFFC000  }
0x13a: {  	[tilespmem:s19], [sflag:$0x3] =	stream.linear.gather [spmem:s16], $0x3C00, $0x38;
	[tilespmem:$0x1C400] =	vst v63  }
0x13b: {  	_ =	swait.ge [sflag:s20], $0x3C00  }
0x13c: {  	[sflag:s20] =	ssyncset.done $0x0  }
0x13d: {  	s9 =	rddreg [dreg:$0xf];
	[sflag:s20] =	ssyncadd.s32 $0xFFFFC400  }
0x13e: {  	[hbm4b:s9+s4] =	stream.linear.scatter [tilespmem:s19], [sflag:$0x1], $0x3C00, $0x38;
	[tilespmem:$0x1C400] =	vst v63  }
0x13f: {  	_ =	swait.ge [sflag:s26], $0x4000  }
0x140: {  	[sflag:s26] =	ssyncset.done $0x0  }
0x141: {  	[sflag:s26] =	ssyncadd.s32 $0xFFFFC000  }
0x142: {  	_ =	swait.ge [sflag:s21], $0x3C00  }
0x143: {  	s9 =	rddreg [dreg:$0x11]  }
0x144: {  	s6 =	rddreg [dreg:$0x10];
	s9 =	sadd.s32 $0x1, s9  }
0x145: {  	p0 =	sne.s32 s9, s6  }
.Ltmp1:
0x146: {  	_ = 	snop;
	(pc) =	sbr.rel @p0 .LBB2_1-.Ltmp1, $3  }
0x147: {  	_ =	sdelay $0x1  }
0x148: {  	[sflag:s21] =	ssyncset.done $0x0;
	[dreg:$0x11] =	wrdreg s9  }
0x149: {  	[sflag:s21] =	ssyncadd.s32 $0xFFFFC400;
	s9 =	rddreg [dreg:$0x6]  }
0x14a: {  	_ =	sfence.sel $0x180000  }
0x14b: {  	[bflag:$0x0] =	sbarrier.arrive $0xFFFF  }
0x14c: {  	_ =	strace $0x90000050  }
0x14d: {  	s0 =	stileid.u32;
	[bflag:$0x2] =	sbarrier.arrive $0xFFFF  }
0x14e: {  	p0 =	sne.s32 s0, $0x0;
	s0 =	rddreg [dreg:$0x5]  }
0x14f: {  	s0 =	sadd.s32 @!p0 $0x100000, s0  }
0x150: {  	[sflag:s0] =	ssyncadd.tile.s32 @!p0 $0x1;
	_ =	shalt  }
.Lfunc_end2:
_tile_overlayer_lowered:
.L_overlay_start_2:
0x151: {  	(tag) =	ssettag $0x2  }
0x152: {  	s0 =	rddreg [dreg:$0x0];
	s2 =	stileid.u32  }
0x153: {  	s1 =	rddreg [dreg:$0x1];
	p0 =	sne.s32 s2, $0x0  }
0x154: {  	s3 =	rddreg [dreg:$0x2];
	[bflag:$0x3] =	sbarrier.arrive $0xFFFF;
	s2 =	simm.s32 @!p0 $0x1C03  }
0x155: {  	[timem:s3], [sflag:s2] =	dma.local @!p0 [hbm:s0], s1  }
0x156: {  	s0 =	simm.s32 @!p0 $0x3  }
0x157: {  	_ =	swait.ge @!p0 [sflag:s0], s1  }
0x158: {  	s1 =	ssub.s32 @!p0 $0x0, s1;
	[sflag:s0] =	ssyncset.done @!p0 $0x0  }
0x159: {  	[sflag:s0] =	ssyncadd.s32 @!p0 s1  }
0x15a: {  	[bflag:$0x3] =	sbarrier.arrive $0xFFFF  }
0x15b: {  	_ =	shalt  }

</sc_bundles>
